<compile_context>
chip_gen: v7x
topology: tpu7x:2x2x1
jax: 0.10.2.dev20260603
libtpu: 0.0.44.dev20260713+nightly
codegen_flags: <defaults>
</compile_context>

<pallas_src>
import functools

import jax
import jax.numpy as jnp
from jax import lax
from jax.experimental import pallas as pl
from jax.experimental.pallas import tpu as pltpu
from jax.experimental.pallas import tpu_sc as plsc

B = 128
N = 32768
K = 64
L = 16
NV = N // L
NC = 2
NS = 16
NW = NC * NS
ROWS_PER_W = B // NW
CMAX = 4096
NEG = float("-inf")
BIG = 1 << 30


def _splat_f(x):
    return jnp.full((L,), x, dtype=jnp.float32)


def _splat_i(x):
    return jnp.full((L,), x, dtype=jnp.int32)


SU = 4


def _select_topk(val_load, val_kill, idx_of, ngroups, ovbuf, oibuf, lane0, iota):

    def k_body(k, _):
        def scan(jg, carry):
            lmax, lpos = carry
            for u in range(SU):
                j = jg * SU + u
                x = val_load(j)
                gt = x > lmax
                lmax = jnp.maximum(lmax, x)
                lpos = jnp.where(gt, _splat_i(j * L) + iota, lpos)
            return (lmax, lpos)

        lmax, lpos = lax.fori_loop(
            0, ngroups, scan, (_splat_f(NEG), _splat_i(0)))
        m = jnp.max(lmax)
        msp = _splat_f(m)
        cand = jnp.where(lmax == msp, lpos, BIG)
        found = jnp.min(cand)
        fsp = _splat_i(found)
        plsc.store_scatter(ovbuf, [_splat_i(k)], msp, mask=lane0)
        plsc.store_scatter(oibuf, [_splat_i(k)], idx_of(fsp), mask=lane0)
        val_kill(fsp)
        return 0

    lax.fori_loop(0, K, k_body, 0)


def _topk_body(acc_hbm, outv_hbm, outi_hbm,
               rowbuf0, rowbuf1, cval, cidx, gmaxbuf, ovbuf, oibuf,
               sem0, sem1):
    wid = lax.axis_index("s") * NC + lax.axis_index("c")
    base_row = wid * ROWS_PER_W
    sems = (sem0, sem1)
    iota = lax.broadcasted_iota(jnp.int32, (L,), 0)
    lane0 = iota == 0
    neg16 = _splat_f(NEG)

    bufs = (rowbuf0, rowbuf1)
    handles = [None, None]
    handles[0] = pltpu.async_copy(acc_hbm.at[base_row], bufs[0], sems[0])
    for r in range(ROWS_PER_W):
        cur = r % 2
        nxt = (r + 1) % 2
        if r + 1 < ROWS_PER_W:
            handles[nxt] = pltpu.async_copy(
                acc_hbm.at[base_row + (r + 1)], bufs[nxt], sems[nxt])
        handles[cur].wait()
        row = bufs[cur]

        G = 8
        NG = NV // G
        GPB = NG // 4

        accs = [neg16, neg16, neg16, neg16]
        for b in range(4):
            def p1(g, acc, b=b):
                base = (b * GPB + g) * (G * L)
                x0 = row[pl.ds(base + 0 * L, L)]
                x1 = row[pl.ds(base + 1 * L, L)]
                x2 = row[pl.ds(base + 2 * L, L)]
                x3 = row[pl.ds(base + 3 * L, L)]
                x4 = row[pl.ds(base + 4 * L, L)]
                x5 = row[pl.ds(base + 5 * L, L)]
                x6 = row[pl.ds(base + 6 * L, L)]
                x7 = row[pl.ds(base + 7 * L, L)]
                m01 = jnp.maximum(x0, x1)
                m23 = jnp.maximum(x2, x3)
                m45 = jnp.maximum(x4, x5)
                m67 = jnp.maximum(x6, x7)
                mx = jnp.maximum(jnp.maximum(m01, m23),
                                 jnp.maximum(m45, m67))
                gmaxbuf[pl.ds((b * GPB + g) * L, L)] = mx
                return jnp.maximum(acc, mx)

            accs[b] = lax.fori_loop(0, GPB, p1, accs[b])

        a0, a1, a2, a3 = accs
        thr = jnp.min(jnp.minimum(jnp.minimum(a0, a1), jnp.minimum(a2, a3)))
        thr_s = _splat_f(thr)

        lim_s = _splat_i(CMAX + L)

        def p2(g, cntv):
            base = g * (G * L)
            has = jnp.any(gmaxbuf[pl.ds(g * L, L)] >= thr_s)

            def taken(cntv):
                for k in range(G):
                    xk = row[pl.ds(base + k * L, L)]
                    msk = xk >= thr_s
                    pfx = plsc.cumsum(msk.astype(jnp.int32))
                    tgt = cntv + pfx - 1
                    ok = msk & (tgt < lim_s)
                    plsc.store_scatter(cval, [tgt], xk, mask=ok)
                    plsc.store_scatter(
                        cidx, [tgt], iota + (base + k * L), mask=ok)
                    cntv = cntv + plsc.all_reduce_population_count(msk)
                return cntv

            return lax.cond(has, taken, lambda z: z, cntv)

        cntv = lax.fori_loop(0, NG, p2, _splat_i(0))
        cnt = jnp.max(cntv)
        padbase = jnp.minimum(cnt, CMAX)
        for u in range(SU):
            cval[pl.ds(padbase + u * L, L)] = neg16

        def normal(_):
            _select_topk(
                val_load=lambda j: cval[pl.ds(j * L, L)],
                val_kill=lambda fsp: plsc.store_scatter(
                    cval, [fsp], neg16, mask=lane0),
                idx_of=lambda fsp: plsc.load_gather(cidx, [fsp]),
                ngroups=(cnt + SU * L - 1) // (SU * L),
                ovbuf=ovbuf, oibuf=oibuf, lane0=lane0, iota=iota)
            return 0

        def fallback(_):
            _select_topk(
                val_load=lambda j: row[pl.ds(j * L, L)],
                val_kill=lambda fsp: plsc.store_scatter(
                    row, [fsp], neg16, mask=lane0),
                idx_of=lambda fsp: fsp,
                ngroups=NV // SU,
                ovbuf=ovbuf, oibuf=oibuf, lane0=lane0, iota=iota)
            return 0

        lax.cond(cnt <= CMAX, normal, fallback, 0)

        pltpu.sync_copy(ovbuf, outv_hbm.at[base_row + r])
        pltpu.sync_copy(oibuf, outi_hbm.at[base_row + r])


@functools.lru_cache(maxsize=1)
def _topk_call():
    return functools.partial(
        pl.kernel,
        out_type=[
            jax.ShapeDtypeStruct((B, K), jnp.float32),
            jax.ShapeDtypeStruct((B, K), jnp.int32),
        ],
        mesh=plsc.VectorSubcoreMesh(core_axis_name="c", subcore_axis_name="s"),
        compiler_params=pltpu.CompilerParams(needs_layout_passes=False),
        scratch_types=[
            pltpu.VMEM((N,), jnp.float32),
            pltpu.VMEM((N,), jnp.float32),
            pltpu.VMEM((CMAX + SU * L,), jnp.float32),
            pltpu.VMEM((CMAX + SU * L,), jnp.int32),
            pltpu.VMEM((N // 8,), jnp.float32),
            pltpu.VMEM((K,), jnp.float32),
            pltpu.VMEM((K,), jnp.int32),
            pltpu.SemaphoreType.DMA,
            pltpu.SemaphoreType.DMA,
        ],
    )(_topk_body)


def kernel(accumulated):
    topk_vals, topk_idx = _topk_call()(accumulated)
    return (topk_vals, topk_idx, accumulated)

# --- scband reference (transcript-rebuilt; emitter-appended) ---
"""Pipeline reference for scband-trace-86732569575520 (READ-ONLY COPY).

The authoritative reference and input builder live on the scoring server;
editing this copy changes nothing except your own understanding.
"""

import jax, jax.numpy as jnp
import numpy as np

TOPK_ATOMS = 64

def setup_inputs(seed: int = 0) -> dict:
    key = jax.random.key(seed)
    accumulated = jax.random.normal(key, (128, 32768), dtype=jnp.float32)
    return {"accumulated": accumulated}

def reference(accumulated):
    # CoActivationComputer.forward with 2-D input -> _compute(A)
    B, N = accumulated.shape
    K = min(TOPK_ATOMS, N)
    topk_vals, topk_idx = jax.lax.top_k(accumulated, K)
    # CoActState fields: topk_vals, topk_idx, full_A (B, N, K are shape metadata)
    return (topk_vals, topk_idx, accumulated)

if __name__ == "__main__":
    import jax
    _d = setup_inputs()
    print(jax.jit(kernel)(*tuple(_d.values())))

</pallas_src>

<mosaic_0001>
#map = affine_map<(d0, d1) -> (0, 0)>
module attributes {stable_mosaic.version = 14 : i64} {
  func.func @_topk_body(%arg0: i32, %arg1: i32, %arg2: memref<128x32768xf32, #tpu.memory_space<hbm>>, %arg3: memref<128x64xf32, #tpu.memory_space<hbm>>, %arg4: memref<128x64xi32, #tpu.memory_space<hbm>>, %arg5: memref<32768xf32, #tpu.memory_space<vmem>>, %arg6: memref<32768xf32, #tpu.memory_space<vmem>>, %arg7: memref<4160xf32, #tpu.memory_space<vmem>>, %arg8: memref<4160xi32, #tpu.memory_space<vmem>>, %arg9: memref<4096xf32, #tpu.memory_space<vmem>>, %arg10: memref<64xf32, #tpu.memory_space<vmem>>, %arg11: memref<64xi32, #tpu.memory_space<vmem>>, %arg12: memref<!tpu.dma_semaphore, #tpu.memory_space<semaphore_mem>>, %arg13: memref<!tpu.dma_semaphore, #tpu.memory_space<semaphore_mem>>) attributes {dimension_semantics = [#tpu.dimension_semantics<core_parallel>, #tpu.dimension_semantics<subcore_parallel>], iteration_bounds = array<i64: 2, 16>, scalar_prefetch = 0 : i64, scratch_operands = 9 : i64, tpu.core_type = #tpu.core_type<sc_vector_subcore>, window_params = [{transform_indices = #map}, {transform_indices = #map}, {transform_indices = #map}]} {
    %mul3A = arith.constant 2 : i32
    %mul3A_0 = arith.muli %arg1, %mul3A : i32
    %add3A = arith.addi %mul3A_0, %arg0 : i32
    %mul3A_1 = arith.constant 4 : i32
    %mul3A_2 = arith.muli %add3A, %mul3A_1 : i32
    %iota3A = tpu.iota {dimensions = array<i32: 0>} : vector<16xi32>
    %eq3A = arith.constant 0 : i32
    %eq3A_3 = vector.broadcast %eq3A : i32 to vector<16xi32>
    %eq3A_4 = arith.cmpi eq, %iota3A, %eq3A_3 : vector<16xi32>
    %broadcast_in_dim3A = arith.constant 0xFF800000 : f32
    %broadcast_in_dim3A_5 = vector.broadcast %broadcast_in_dim3A : f32 to vector<16xf32>
    %dma_start3A = arith.constant 0 : i32
    %dma_start3A_6 = tpu.memref_slice %arg2[%mul3A_2, %dma_start3A] : memref<128x32768xf32, #tpu.memory_space<hbm>> -> memref<1x32768xf32, #tpu.memory_space<hbm>>
    %dma_start3A_7 = tpu.memref_squeeze %dma_start3A_6 : memref<1x32768xf32, #tpu.memory_space<hbm>> -> memref<32768xf32, #tpu.memory_space<hbm>>
    %dma_start3A_8 = arith.constant 0 : i32
    %dma_start3A_9 = tpu.memref_slice %arg2[%mul3A_2, %dma_start3A_8] : memref<128x32768xf32, #tpu.memory_space<hbm>> -> memref<1x32768xf32, #tpu.memory_space<hbm>>
    %dma_start3A_10 = tpu.memref_squeeze %dma_start3A_9 : memref<1x32768xf32, #tpu.memory_space<hbm>> -> memref<32768xf32, #tpu.memory_space<hbm>>
    tpu.enqueue_dma source(%dma_start3A_10 : memref<32768xf32, #tpu.memory_space<hbm>>) target(%arg5 : memref<32768xf32, #tpu.memory_space<vmem>>) target_semaphore(%arg12 : memref<!tpu.dma_semaphore, #tpu.memory_space<semaphore_mem>>)
    %add3A_11 = arith.constant 1 : i32
    %add3A_12 = arith.addi %mul3A_2, %add3A_11 : i32
    %dma_start3A_13 = arith.constant 0 : i32
    %dma_start3A_14 = tpu.memref_slice %arg2[%add3A_12, %dma_start3A_13] : memref<128x32768xf32, #tpu.memory_space<hbm>> -> memref<1x32768xf32, #tpu.memory_space<hbm>>
    %dma_start3A_15 = tpu.memref_squeeze %dma_start3A_14 : memref<1x32768xf32, #tpu.memory_space<hbm>> -> memref<32768xf32, #tpu.memory_space<hbm>>
    %dma_start3A_16 = arith.constant 0 : i32
    %dma_start3A_17 = tpu.memref_slice %arg2[%add3A_12, %dma_start3A_16] : memref<128x32768xf32, #tpu.memory_space<hbm>> -> memref<1x32768xf32, #tpu.memory_space<hbm>>
    %dma_start3A_18 = tpu.memref_squeeze %dma_start3A_17 : memref<1x32768xf32, #tpu.memory_space<hbm>> -> memref<32768xf32, #tpu.memory_space<hbm>>
    tpu.enqueue_dma source(%dma_start3A_18 : memref<32768xf32, #tpu.memory_space<hbm>>) target(%arg6 : memref<32768xf32, #tpu.memory_space<vmem>>) target_semaphore(%arg13 : memref<!tpu.dma_semaphore, #tpu.memory_space<semaphore_mem>>)
    %dma_wait3A = arith.constant 0 : i32
    %dma_wait3A_19 = tpu.memref_slice %arg2[%mul3A_2, %dma_wait3A] : memref<128x32768xf32, #tpu.memory_space<hbm>> -> memref<1x32768xf32, #tpu.memory_space<hbm>>
    %dma_wait3A_20 = tpu.memref_squeeze %dma_wait3A_19 : memref<1x32768xf32, #tpu.memory_space<hbm>> -> memref<32768xf32, #tpu.memory_space<hbm>>
    %dma_wait3A_21 = arith.constant 0 : i32
    %dma_wait3A_22 = tpu.memref_slice %arg2[%mul3A_2, %dma_wait3A_21] : memref<128x32768xf32, #tpu.memory_space<hbm>> -> memref<1x32768xf32, #tpu.memory_space<hbm>>
    %dma_wait3A_23 = tpu.memref_squeeze %dma_wait3A_22 : memref<1x32768xf32, #tpu.memory_space<hbm>> -> memref<32768xf32, #tpu.memory_space<hbm>>
    tpu.wait_dma2 semaphore(%arg12 : memref<!tpu.dma_semaphore, #tpu.memory_space<semaphore_mem>>) src(%dma_wait3A_23 : memref<32768xf32, #tpu.memory_space<hbm>>) dst(%arg5 : memref<32768xf32, #tpu.memory_space<vmem>>)
    %scan3A = arith.constant 0 : i32
    %scan3A_24 = arith.constant 64 : i32
    %scan3A_25 = arith.addi %scan3A, %scan3A_24 : i32
    %scan3A_26 = arith.constant 1 : i32
    %scan3A_27 = scf.for %scan3A_366 = %scan3A to %scan3A_25 step %scan3A_26 iter_args(%scan3A_367 = %broadcast_in_dim3A_5) -> (vector<16xf32>)  : i32 {
      %add3A_368 = arith.constant 0 : i32
      %add3A_369 = arith.addi %add3A_368, %scan3A_366 : i32
      %mul3A_370 = arith.constant 128 : i32
      %mul3A_371 = arith.muli %add3A_369, %mul3A_370 : i32
      %add3A_372 = arith.constant 0 : i32
      %add3A_373 = arith.addi %mul3A_371, %add3A_372 : i32
      %get3A = arith.index_cast %add3A_373 : i32 to index
      %get3A_374 = tpu.vector_load %arg5[%get3A] {strides = array<i32>} : memref<32768xf32, #tpu.memory_space<vmem>>, vector<16xf32>,
      %add3A_375 = arith.constant 16 : i32
      %add3A_376 = arith.addi %mul3A_371, %add3A_375 : i32
      %get3A_377 = arith.index_cast %add3A_376 : i32 to index
      %get3A_378 = tpu.vector_load %arg5[%get3A_377] {strides = array<i32>} : memref<32768xf32, #tpu.memory_space<vmem>>, vector<16xf32>,
      %add3A_379 = arith.constant 32 : i32
      %add3A_380 = arith.addi %mul3A_371, %add3A_379 : i32
      %get3A_381 = arith.index_cast %add3A_380 : i32 to index
      %get3A_382 = tpu.vector_load %arg5[%get3A_381] {strides = array<i32>} : memref<32768xf32, #tpu.memory_space<vmem>>, vector<16xf32>,
      %add3A_383 = arith.constant 48 : i32
      %add3A_384 = arith.addi %mul3A_371, %add3A_383 : i32
      %get3A_385 = arith.index_cast %add3A_384 : i32 to index
      %get3A_386 = tpu.vector_load %arg5[%get3A_385] {strides = array<i32>} : memref<32768xf32, #tpu.memory_space<vmem>>, vector<16xf32>,
      %add3A_387 = arith.constant 64 : i32
      %add3A_388 = arith.addi %mul3A_371, %add3A_387 : i32
      %get3A_389 = arith.index_cast %add3A_388 : i32 to index
      %get3A_390 = tpu.vector_load %arg5[%get3A_389] {strides = array<i32>} : memref<32768xf32, #tpu.memory_space<vmem>>, vector<16xf32>,
      %add3A_391 = arith.constant 80 : i32
      %add3A_392 = arith.addi %mul3A_371, %add3A_391 : i32
      %get3A_393 = arith.index_cast %add3A_392 : i32 to index
      %get3A_394 = tpu.vector_load %arg5[%get3A_393] {strides = array<i32>} : memref<32768xf32, #tpu.memory_space<vmem>>, vector<16xf32>,
      %add3A_395 = arith.constant 96 : i32
      %add3A_396 = arith.addi %mul3A_371, %add3A_395 : i32
      %get3A_397 = arith.index_cast %add3A_396 : i32 to index
      %get3A_398 = tpu.vector_load %arg5[%get3A_397] {strides = array<i32>} : memref<32768xf32, #tpu.memory_space<vmem>>, vector<16xf32>,
      %add3A_399 = arith.constant 112 : i32
      %add3A_400 = arith.addi %mul3A_371, %add3A_399 : i32
      %get3A_401 = arith.index_cast %add3A_400 : i32 to index
      %get3A_402 = tpu.vector_load %arg5[%get3A_401] {strides = array<i32>} : memref<32768xf32, #tpu.memory_space<vmem>>, vector<16xf32>,
      %max3A = arith.maximumf %get3A_374, %get3A_378 : vector<16xf32>
      %max3A_403 = arith.maximumf %get3A_382, %get3A_386 : vector<16xf32>
      %max3A_404 = arith.maximumf %get3A_390, %get3A_394 : vector<16xf32>
      %max3A_405 = arith.maximumf %get3A_398, %get3A_402 : vector<16xf32>
      %max3A_406 = arith.maximumf %max3A, %max3A_403 : vector<16xf32>
      %max3A_407 = arith.maximumf %max3A_404, %max3A_405 : vector<16xf32>
      %max3A_408 = arith.maximumf %max3A_406, %max3A_407 : vector<16xf32>
      %add3A_409 = arith.constant 0 : i32
      %add3A_410 = arith.addi %add3A_409, %scan3A_366 : i32
      %mul3A_411 = arith.constant 16 : i32
      %mul3A_412 = arith.muli %add3A_410, %mul3A_411 : i32
      %swap3A_413 = arith.index_cast %mul3A_412 : i32 to index
      %swap3A_414 = tpu.vector_load %arg9[%swap3A_413] {strides = array<i32>} : memref<4096xf32, #tpu.memory_space<vmem>>, vector<16xf32>,
      tpu.vector_store %arg9[%swap3A_413], %max3A_408 {strides = array<i32>} : memref<4096xf32, #tpu.memory_space<vmem>>, vector<16xf32>,
      %max3A_415 = arith.maximumf %scan3A_367, %max3A_408 : vector<16xf32>
      scf.yield %max3A_415 : vector<16xf32>
    }
    %scan3A_28 = arith.constant 64 : i32
    %scan3A_29 = arith.constant 0 : i32
    %scan3A_30 = arith.constant 64 : i32
    %scan3A_31 = arith.addi %scan3A_29, %scan3A_30 : i32
    %scan3A_32 = arith.constant 1 : i32
    %scan3A_33 = scf.for %scan3A_366 = %scan3A_29 to %scan3A_31 step %scan3A_32 iter_args(%scan3A_367 = %broadcast_in_dim3A_5) -> (vector<16xf32>)  : i32 {
      %add3A_368 = arith.constant 64 : i32
      %add3A_369 = arith.addi %add3A_368, %scan3A_366 : i32
      %mul3A_370 = arith.constant 128 : i32
      %mul3A_371 = arith.muli %add3A_369, %mul3A_370 : i32
      %add3A_372 = arith.constant 0 : i32
      %add3A_373 = arith.addi %mul3A_371, %add3A_372 : i32
      %get3A = arith.index_cast %add3A_373 : i32 to index
      %get3A_374 = tpu.vector_load %arg5[%get3A] {strides = array<i32>} : memref<32768xf32, #tpu.memory_space<vmem>>, vector<16xf32>,
      %add3A_375 = arith.constant 16 : i32
      %add3A_376 = arith.addi %mul3A_371, %add3A_375 : i32
      %get3A_377 = arith.index_cast %add3A_376 : i32 to index
      %get3A_378 = tpu.vector_load %arg5[%get3A_377] {strides = array<i32>} : memref<32768xf32, #tpu.memory_space<vmem>>, vector<16xf32>,
      %add3A_379 = arith.constant 32 : i32
      %add3A_380 = arith.addi %mul3A_371, %add3A_379 : i32
      %get3A_381 = arith.index_cast %add3A_380 : i32 to index
      %get3A_382 = tpu.vector_load %arg5[%get3A_381] {strides = array<i32>} : memref<32768xf32, #tpu.memory_space<vmem>>, vector<16xf32>,
      %add3A_383 = arith.constant 48 : i32
      %add3A_384 = arith.addi %mul3A_371, %add3A_383 : i32
      %get3A_385 = arith.index_cast %add3A_384 : i32 to index
      %get3A_386 = tpu.vector_load %arg5[%get3A_385] {strides = array<i32>} : memref<32768xf32, #tpu.memory_space<vmem>>, vector<16xf32>,
      %add3A_387 = arith.constant 64 : i32
      %add3A_388 = arith.addi %mul3A_371, %add3A_387 : i32
      %get3A_389 = arith.index_cast %add3A_388 : i32 to index
      %get3A_390 = tpu.vector_load %arg5[%get3A_389] {strides = array<i32>} : memref<32768xf32, #tpu.memory_space<vmem>>, vector<16xf32>,
      %add3A_391 = arith.constant 80 : i32
      %add3A_392 = arith.addi %mul3A_371, %add3A_391 : i32
      %get3A_393 = arith.index_cast %add3A_392 : i32 to index
      %get3A_394 = tpu.vector_load %arg5[%get3A_393] {strides = array<i32>} : memref<32768xf32, #tpu.memory_space<vmem>>, vector<16xf32>,
      %add3A_395 = arith.constant 96 : i32
      %add3A_396 = arith.addi %mul3A_371, %add3A_395 : i32
      %get3A_397 = arith.index_cast %add3A_396 : i32 to index
      %get3A_398 = tpu.vector_load %arg5[%get3A_397] {strides = array<i32>} : memref<32768xf32, #tpu.memory_space<vmem>>, vector<16xf32>,
      %add3A_399 = arith.constant 112 : i32
      %add3A_400 = arith.addi %mul3A_371, %add3A_399 : i32
      %get3A_401 = arith.index_cast %add3A_400 : i32 to index
      %get3A_402 = tpu.vector_load %arg5[%get3A_401] {strides = array<i32>} : memref<32768xf32, #tpu.memory_space<vmem>>, vector<16xf32>,
      %max3A = arith.maximumf %get3A_374, %get3A_378 : vector<16xf32>
      %max3A_403 = arith.maximumf %get3A_382, %get3A_386 : vector<16xf32>
      %max3A_404 = arith.maximumf %get3A_390, %get3A_394 : vector<16xf32>
      %max3A_405 = arith.maximumf %get3A_398, %get3A_402 : vector<16xf32>
      %max3A_406 = arith.maximumf %max3A, %max3A_403 : vector<16xf32>
      %max3A_407 = arith.maximumf %max3A_404, %max3A_405 : vector<16xf32>
      %max3A_408 = arith.maximumf %max3A_406, %max3A_407 : vector<16xf32>
      %add3A_409 = arith.constant 64 : i32
      %add3A_410 = arith.addi %add3A_409, %scan3A_366 : i32
      %mul3A_411 = arith.constant 16 : i32
      %mul3A_412 = arith.muli %add3A_410, %mul3A_411 : i32
      %swap3A_413 = arith.index_cast %mul3A_412 : i32 to index
      %swap3A_414 = tpu.vector_load %arg9[%swap3A_413] {strides = array<i32>} : memref<4096xf32, #tpu.memory_space<vmem>>, vector<16xf32>,
      tpu.vector_store %arg9[%swap3A_413], %max3A_408 {strides = array<i32>} : memref<4096xf32, #tpu.memory_space<vmem>>, vector<16xf32>,
      %max3A_415 = arith.maximumf %scan3A_367, %max3A_408 : vector<16xf32>
      scf.yield %max3A_415 : vector<16xf32>
    }
    %scan3A_34 = arith.constant 64 : i32
    %scan3A_35 = arith.constant 0 : i32
    %scan3A_36 = arith.constant 64 : i32
    %scan3A_37 = arith.addi %scan3A_35, %scan3A_36 : i32
    %scan3A_38 = arith.constant 1 : i32
    %scan3A_39 = scf.for %scan3A_366 = %scan3A_35 to %scan3A_37 step %scan3A_38 iter_args(%scan3A_367 = %broadcast_in_dim3A_5) -> (vector<16xf32>)  : i32 {
      %add3A_368 = arith.constant 128 : i32
      %add3A_369 = arith.addi %add3A_368, %scan3A_366 : i32
      %mul3A_370 = arith.constant 128 : i32
      %mul3A_371 = arith.muli %add3A_369, %mul3A_370 : i32
      %add3A_372 = arith.constant 0 : i32
      %add3A_373 = arith.addi %mul3A_371, %add3A_372 : i32
      %get3A = arith.index_cast %add3A_373 : i32 to index
      %get3A_374 = tpu.vector_load %arg5[%get3A] {strides = array<i32>} : memref<32768xf32, #tpu.memory_space<vmem>>, vector<16xf32>,
      %add3A_375 = arith.constant 16 : i32
      %add3A_376 = arith.addi %mul3A_371, %add3A_375 : i32
      %get3A_377 = arith.index_cast %add3A_376 : i32 to index
      %get3A_378 = tpu.vector_load %arg5[%get3A_377] {strides = array<i32>} : memref<32768xf32, #tpu.memory_space<vmem>>, vector<16xf32>,
      %add3A_379 = arith.constant 32 : i32
      %add3A_380 = arith.addi %mul3A_371, %add3A_379 : i32
      %get3A_381 = arith.index_cast %add3A_380 : i32 to index
      %get3A_382 = tpu.vector_load %arg5[%get3A_381] {strides = array<i32>} : memref<32768xf32, #tpu.memory_space<vmem>>, vector<16xf32>,
      %add3A_383 = arith.constant 48 : i32
      %add3A_384 = arith.addi %mul3A_371, %add3A_383 : i32
      %get3A_385 = arith.index_cast %add3A_384 : i32 to index
      %get3A_386 = tpu.vector_load %arg5[%get3A_385] {strides = array<i32>} : memref<32768xf32, #tpu.memory_space<vmem>>, vector<16xf32>,
      %add3A_387 = arith.constant 64 : i32
      %add3A_388 = arith.addi %mul3A_371, %add3A_387 : i32
      %get3A_389 = arith.index_cast %add3A_388 : i32 to index
      %get3A_390 = tpu.vector_load %arg5[%get3A_389] {strides = array<i32>} : memref<32768xf32, #tpu.memory_space<vmem>>, vector<16xf32>,
      %add3A_391 = arith.constant 80 : i32
      %add3A_392 = arith.addi %mul3A_371, %add3A_391 : i32
      %get3A_393 = arith.index_cast %add3A_392 : i32 to index
      %get3A_394 = tpu.vector_load %arg5[%get3A_393] {strides = array<i32>} : memref<32768xf32, #tpu.memory_space<vmem>>, vector<16xf32>,
      %add3A_395 = arith.constant 96 : i32
      %add3A_396 = arith.addi %mul3A_371, %add3A_395 : i32
      %get3A_397 = arith.index_cast %add3A_396 : i32 to index
      %get3A_398 = tpu.vector_load %arg5[%get3A_397] {strides = array<i32>} : memref<32768xf32, #tpu.memory_space<vmem>>, vector<16xf32>,
      %add3A_399 = arith.constant 112 : i32
      %add3A_400 = arith.addi %mul3A_371, %add3A_399 : i32
      %get3A_401 = arith.index_cast %add3A_400 : i32 to index
      %get3A_402 = tpu.vector_load %arg5[%get3A_401] {strides = array<i32>} : memref<32768xf32, #tpu.memory_space<vmem>>, vector<16xf32>,
      %max3A = arith.maximumf %get3A_374, %get3A_378 : vector<16xf32>
      %max3A_403 = arith.maximumf %get3A_382, %get3A_386 : vector<16xf32>
      %max3A_404 = arith.maximumf %get3A_390, %get3A_394 : vector<16xf32>
      %max3A_405 = arith.maximumf %get3A_398, %get3A_402 : vector<16xf32>
      %max3A_406 = arith.maximumf %max3A, %max3A_403 : vector<16xf32>
      %max3A_407 = arith.maximumf %max3A_404, %max3A_405 : vector<16xf32>
      %max3A_408 = arith.maximumf %max3A_406, %max3A_407 : vector<16xf32>
      %add3A_409 = arith.constant 128 : i32
      %add3A_410 = arith.addi %add3A_409, %scan3A_366 : i32
      %mul3A_411 = arith.constant 16 : i32
      %mul3A_412 = arith.muli %add3A_410, %mul3A_411 : i32
      %swap3A_413 = arith.index_cast %mul3A_412 : i32 to index
      %swap3A_414 = tpu.vector_load %arg9[%swap3A_413] {strides = array<i32>} : memref<4096xf32, #tpu.memory_space<vmem>>, vector<16xf32>,
      tpu.vector_store %arg9[%swap3A_413], %max3A_408 {strides = array<i32>} : memref<4096xf32, #tpu.memory_space<vmem>>, vector<16xf32>,
      %max3A_415 = arith.maximumf %scan3A_367, %max3A_408 : vector<16xf32>
      scf.yield %max3A_415 : vector<16xf32>
    }
    %scan3A_40 = arith.constant 64 : i32
    %scan3A_41 = arith.constant 0 : i32
    %scan3A_42 = arith.constant 64 : i32
    %scan3A_43 = arith.addi %scan3A_41, %scan3A_42 : i32
    %scan3A_44 = arith.constant 1 : i32
    %scan3A_45 = scf.for %scan3A_366 = %scan3A_41 to %scan3A_43 step %scan3A_44 iter_args(%scan3A_367 = %broadcast_in_dim3A_5) -> (vector<16xf32>)  : i32 {
      %add3A_368 = arith.constant 192 : i32
      %add3A_369 = arith.addi %add3A_368, %scan3A_366 : i32
      %mul3A_370 = arith.constant 128 : i32
      %mul3A_371 = arith.muli %add3A_369, %mul3A_370 : i32
      %add3A_372 = arith.constant 0 : i32
      %add3A_373 = arith.addi %mul3A_371, %add3A_372 : i32
      %get3A = arith.index_cast %add3A_373 : i32 to index
      %get3A_374 = tpu.vector_load %arg5[%get3A] {strides = array<i32>} : memref<32768xf32, #tpu.memory_space<vmem>>, vector<16xf32>,
      %add3A_375 = arith.constant 16 : i32
      %add3A_376 = arith.addi %mul3A_371, %add3A_375 : i32
      %get3A_377 = arith.index_cast %add3A_376 : i32 to index
      %get3A_378 = tpu.vector_load %arg5[%get3A_377] {strides = array<i32>} : memref<32768xf32, #tpu.memory_space<vmem>>, vector<16xf32>,
      %add3A_379 = arith.constant 32 : i32
      %add3A_380 = arith.addi %mul3A_371, %add3A_379 : i32
      %get3A_381 = arith.index_cast %add3A_380 : i32 to index
      %get3A_382 = tpu.vector_load %arg5[%get3A_381] {strides = array<i32>} : memref<32768xf32, #tpu.memory_space<vmem>>, vector<16xf32>,
      %add3A_383 = arith.constant 48 : i32
      %add3A_384 = arith.addi %mul3A_371, %add3A_383 : i32
      %get3A_385 = arith.index_cast %add3A_384 : i32 to index
      %get3A_386 = tpu.vector_load %arg5[%get3A_385] {strides = array<i32>} : memref<32768xf32, #tpu.memory_space<vmem>>, vector<16xf32>,
      %add3A_387 = arith.constant 64 : i32
      %add3A_388 = arith.addi %mul3A_371, %add3A_387 : i32
      %get3A_389 = arith.index_cast %add3A_388 : i32 to index
      %get3A_390 = tpu.vector_load %arg5[%get3A_389] {strides = array<i32>} : memref<32768xf32, #tpu.memory_space<vmem>>, vector<16xf32>,
      %add3A_391 = arith.constant 80 : i32
      %add3A_392 = arith.addi %mul3A_371, %add3A_391 : i32
      %get3A_393 = arith.index_cast %add3A_392 : i32 to index
      %get3A_394 = tpu.vector_load %arg5[%get3A_393] {strides = array<i32>} : memref<32768xf32, #tpu.memory_space<vmem>>, vector<16xf32>,
      %add3A_395 = arith.constant 96 : i32
      %add3A_396 = arith.addi %mul3A_371, %add3A_395 : i32
      %get3A_397 = arith.index_cast %add3A_396 : i32 to index
      %get3A_398 = tpu.vector_load %arg5[%get3A_397] {strides = array<i32>} : memref<32768xf32, #tpu.memory_space<vmem>>, vector<16xf32>,
      %add3A_399 = arith.constant 112 : i32
      %add3A_400 = arith.addi %mul3A_371, %add3A_399 : i32
      %get3A_401 = arith.index_cast %add3A_400 : i32 to index
      %get3A_402 = tpu.vector_load %arg5[%get3A_401] {strides = array<i32>} : memref<32768xf32, #tpu.memory_space<vmem>>, vector<16xf32>,
      %max3A = arith.maximumf %get3A_374, %get3A_378 : vector<16xf32>
      %max3A_403 = arith.maximumf %get3A_382, %get3A_386 : vector<16xf32>
      %max3A_404 = arith.maximumf %get3A_390, %get3A_394 : vector<16xf32>
      %max3A_405 = arith.maximumf %get3A_398, %get3A_402 : vector<16xf32>
      %max3A_406 = arith.maximumf %max3A, %max3A_403 : vector<16xf32>
      %max3A_407 = arith.maximumf %max3A_404, %max3A_405 : vector<16xf32>
      %max3A_408 = arith.maximumf %max3A_406, %max3A_407 : vector<16xf32>
      %add3A_409 = arith.constant 192 : i32
      %add3A_410 = arith.addi %add3A_409, %scan3A_366 : i32
      %mul3A_411 = arith.constant 16 : i32
      %mul3A_412 = arith.muli %add3A_410, %mul3A_411 : i32
      %swap3A_413 = arith.index_cast %mul3A_412 : i32 to index
      %swap3A_414 = tpu.vector_load %arg9[%swap3A_413] {strides = array<i32>} : memref<4096xf32, #tpu.memory_space<vmem>>, vector<16xf32>,
      tpu.vector_store %arg9[%swap3A_413], %max3A_408 {strides = array<i32>} : memref<4096xf32, #tpu.memory_space<vmem>>, vector<16xf32>,
      %max3A_415 = arith.maximumf %scan3A_367, %max3A_408 : vector<16xf32>
      scf.yield %max3A_415 : vector<16xf32>
    }
    %scan3A_46 = arith.constant 64 : i32
    %min3A = arith.minimumf %scan3A_27, %scan3A_33 : vector<16xf32>
    %min3A_47 = arith.minimumf %scan3A_39, %scan3A_45 : vector<16xf32>
    %min3A_48 = arith.minimumf %min3A, %min3A_47 : vector<16xf32>
    %reduce_min3A = arith.constant true
    %reduce_min3A_49 = vector.broadcast %reduce_min3A : i1 to vector<16xi1>
    %reduce_min3A_50 = tpu.scan <min>, %min3A_48 masked %reduce_min3A_49 : vector<16xf32>, vector<16xi1> -> vector<16xf32>
    %reduce_min3A_51 = vector.extract %reduce_min3A_50[15] : f32 from vector<16xf32>
    %broadcast_in_dim3A_52 = vector.broadcast %reduce_min3A_51 : f32 to vector<16xf32>
    %broadcast_in_dim3A_53 = arith.constant 4112 : i32
    %broadcast_in_dim3A_54 = vector.broadcast %broadcast_in_dim3A_53 : i32 to vector<16xi32>
    %broadcast_in_dim3A_55 = arith.constant 0 : i32
    %broadcast_in_dim3A_56 = vector.broadcast %broadcast_in_dim3A_55 : i32 to vector<16xi32>
    %scan3A_57 = arith.constant 0 : i32
    %scan3A_58 = arith.constant 256 : i32
    %scan3A_59 = arith.addi %scan3A_57, %scan3A_58 : i32
    %scan3A_60 = arith.constant 1 : i32
    %scan3A_61 = scf.for %scan3A_366 = %scan3A_57 to %scan3A_59 step %scan3A_60 iter_args(%scan3A_367 = %broadcast_in_dim3A_56) -> (vector<16xi32>)  : i32 {
      %mul3A_368 = arith.constant 128 : i32
      %mul3A_369 = arith.muli %scan3A_366, %mul3A_368 : i32
      %mul3A_370 = arith.constant 16 : i32
      %mul3A_371 = arith.muli %scan3A_366, %mul3A_370 : i32
      %get3A = arith.index_cast %mul3A_371 : i32 to index
      %get3A_372 = tpu.vector_load %arg9[%get3A] {strides = array<i32>} : memref<4096xf32, #tpu.memory_space<vmem>>, vector<16xf32>,
      %ge3A = arith.cmpf oge, %get3A_372, %broadcast_in_dim3A_52 : vector<16xf32>
      %reduce_or3A = arith.constant 1.000000e+00 : f32
      %reduce_or3A_373 = arith.constant 0.000000e+00 : f32
      %reduce_or3A_374 = vector.broadcast %reduce_or3A : f32 to vector<16xf32>
      %reduce_or3A_375 = vector.broadcast %reduce_or3A_373 : f32 to vector<16xf32>
      %reduce_or3A_376 = arith.select %ge3A, %reduce_or3A_374, %reduce_or3A_375 : vector<16xi1>, vector<16xf32>
      %reduce_or3A_377 = arith.constant true
      %reduce_or3A_378 = vector.broadcast %reduce_or3A_377 : i1 to vector<16xi1>
      %reduce_or3A_379 = tpu.scan <max>, %reduce_or3A_376 masked %reduce_or3A_378 : vector<16xf32>, vector<16xi1> -> vector<16xf32>
      %reduce_or3A_380 = vector.extract %reduce_or3A_379[15] : f32 from vector<16xf32>
      %reduce_or3A_381 = arith.constant 0.000000e+00 : f32
      %reduce_or3A_382 = arith.cmpf ogt, %reduce_or3A_380, %reduce_or3A_381 : f32
      %convert_element_type3A_383 = arith.extui %reduce_or3A_382 : i1 to i32
      %cond3A_384 = arith.constant 0 : i32
      %cond3A_385 = arith.cmpi ne, %convert_element_type3A_383, %cond3A_384 : i32
      %cond3A_386 = scf.if %cond3A_385 -> (vector<16xi32>) {
        %add3A_387 = arith.constant 0 : i32
        %add3A_388 = arith.addi %mul3A_369, %add3A_387 : i32
        %get3A_389 = arith.index_cast %add3A_388 : i32 to index
        %get3A_390 = tpu.vector_load %arg5[%get3A_389] {strides = array<i32>} : memref<32768xf32, #tpu.memory_space<vmem>>, vector<16xf32>,
        %ge3A_391 = arith.cmpf oge, %get3A_390, %broadcast_in_dim3A_52 : vector<16xf32>
        %convert_element_type3A_392 = arith.extui %ge3A_391 : vector<16xi1> to vector<16xi32>
        %broadcast_in_dim3A_393 = arith.constant true
        %broadcast_in_dim3A_394 = vector.broadcast %broadcast_in_dim3A_393 : i1 to vector<16xi1>
        %masked_cumsum3A = tpu.scan <sum>, %convert_element_type3A_392 masked %broadcast_in_dim3A_394 : vector<16xi32>, vector<16xi1> -> vector<16xi32>
        %add3A_395 = arith.addi %scan3A_367, %masked_cumsum3A : vector<16xi32>
        %sub3A = arith.constant 1 : i32
        %sub3A_396 = vector.broadcast %sub3A : i32 to vector<16xi32>
        %sub3A_397 = arith.subi %add3A_395, %sub3A_396 : vector<16xi32>
        %lt3A = arith.cmpi slt, %sub3A_397, %broadcast_in_dim3A_54 : vector<16xi32>
        %and3A = arith.andi %ge3A_391, %lt3A : vector<16xi1>
        tpu.vector_store_idx %arg7[%sub3A_397], %get3A_390 masked %and3A : memref<4160xf32, #tpu.memory_space<vmem>>[vector<16xi32>], vector<16xf32>, vector<16xi1>
        %add3A_398 = arith.constant 0 : i32
        %add3A_399 = arith.addi %mul3A_369, %add3A_398 : i32
        %add3A_400 = vector.broadcast %add3A_399 : i32 to vector<16xi32>
        %add3A_401 = arith.addi %iota3A, %add3A_400 : vector<16xi32>
        tpu.vector_store_idx %arg8[%sub3A_397], %add3A_401 masked %and3A : memref<4160xi32, #tpu.memory_space<vmem>>[vector<16xi32>], vector<16xi32>, vector<16xi1>
        %all_reduce_population_count3A = tpu.all_reduce %ge3A_391 {dim = 0 : i64, kind = #tpu.reduction_kind<sum>} : vector<16xi1> -> vector<16xi32>
        %add3A_402 = arith.addi %scan3A_367, %all_reduce_population_count3A : vector<16xi32>
        %add3A_403 = arith.constant 16 : i32
        %add3A_404 = arith.addi %mul3A_369, %add3A_403 : i32
        %get3A_405 = arith.index_cast %add3A_404 : i32 to index
        %get3A_406 = tpu.vector_load %arg5[%get3A_405] {strides = array<i32>} : memref<32768xf32, #tpu.memory_space<vmem>>, vector<16xf32>,
        %ge3A_407 = arith.cmpf oge, %get3A_406, %broadcast_in_dim3A_52 : vector<16xf32>
        %convert_element_type3A_408 = arith.extui %ge3A_407 : vector<16xi1> to vector<16xi32>
        %broadcast_in_dim3A_409 = arith.constant true
        %broadcast_in_dim3A_410 = vector.broadcast %broadcast_in_dim3A_409 : i1 to vector<16xi1>
        %masked_cumsum3A_411 = tpu.scan <sum>, %convert_element_type3A_408 masked %broadcast_in_dim3A_410 : vector<16xi32>, vector<16xi1> -> vector<16xi32>
        %add3A_412 = arith.addi %add3A_402, %masked_cumsum3A_411 : vector<16xi32>
        %sub3A_413 = arith.constant 1 : i32
        %sub3A_414 = vector.broadcast %sub3A_413 : i32 to vector<16xi32>
        %sub3A_415 = arith.subi %add3A_412, %sub3A_414 : vector<16xi32>
        %lt3A_416 = arith.cmpi slt, %sub3A_415, %broadcast_in_dim3A_54 : vector<16xi32>
        %and3A_417 = arith.andi %ge3A_407, %lt3A_416 : vector<16xi1>
        tpu.vector_store_idx %arg7[%sub3A_415], %get3A_406 masked %and3A_417 : memref<4160xf32, #tpu.memory_space<vmem>>[vector<16xi32>], vector<16xf32>, vector<16xi1>
        %add3A_418 = arith.constant 16 : i32
        %add3A_419 = arith.addi %mul3A_369, %add3A_418 : i32
        %add3A_420 = vector.broadcast %add3A_419 : i32 to vector<16xi32>
        %add3A_421 = arith.addi %iota3A, %add3A_420 : vector<16xi32>
        tpu.vector_store_idx %arg8[%sub3A_415], %add3A_421 masked %and3A_417 : memref<4160xi32, #tpu.memory_space<vmem>>[vector<16xi32>], vector<16xi32>, vector<16xi1>
        %all_reduce_population_count3A_422 = tpu.all_reduce %ge3A_407 {dim = 0 : i64, kind = #tpu.reduction_kind<sum>} : vector<16xi1> -> vector<16xi32>
        %add3A_423 = arith.addi %add3A_402, %all_reduce_population_count3A_422 : vector<16xi32>
        %add3A_424 = arith.constant 32 : i32
        %add3A_425 = arith.addi %mul3A_369, %add3A_424 : i32
        %get3A_426 = arith.index_cast %add3A_425 : i32 to index
        %get3A_427 = tpu.vector_load %arg5[%get3A_426] {strides = array<i32>} : memref<32768xf32, #tpu.memory_space<vmem>>, vector<16xf32>,
        %ge3A_428 = arith.cmpf oge, %get3A_427, %broadcast_in_dim3A_52 : vector<16xf32>
        %convert_element_type3A_429 = arith.extui %ge3A_428 : vector<16xi1> to vector<16xi32>
        %broadcast_in_dim3A_430 = arith.constant true
        %broadcast_in_dim3A_431 = vector.broadcast %broadcast_in_dim3A_430 : i1 to vector<16xi1>
        %masked_cumsum3A_432 = tpu.scan <sum>, %convert_element_type3A_429 masked %broadcast_in_dim3A_431 : vector<16xi32>, vector<16xi1> -> vector<16xi32>
        %add3A_433 = arith.addi %add3A_423, %masked_cumsum3A_432 : vector<16xi32>
        %sub3A_434 = arith.constant 1 : i32
        %sub3A_435 = vector.broadcast %sub3A_434 : i32 to vector<16xi32>
        %sub3A_436 = arith.subi %add3A_433, %sub3A_435 : vector<16xi32>
        %lt3A_437 = arith.cmpi slt, %sub3A_436, %broadcast_in_dim3A_54 : vector<16xi32>
        %and3A_438 = arith.andi %ge3A_428, %lt3A_437 : vector<16xi1>
        tpu.vector_store_idx %arg7[%sub3A_436], %get3A_427 masked %and3A_438 : memref<4160xf32, #tpu.memory_space<vmem>>[vector<16xi32>], vector<16xf32>, vector<16xi1>
        %add3A_439 = arith.constant 32 : i32
        %add3A_440 = arith.addi %mul3A_369, %add3A_439 : i32
        %add3A_441 = vector.broadcast %add3A_440 : i32 to vector<16xi32>
        %add3A_442 = arith.addi %iota3A, %add3A_441 : vector<16xi32>
        tpu.vector_store_idx %arg8[%sub3A_436], %add3A_442 masked %and3A_438 : memref<4160xi32, #tpu.memory_space<vmem>>[vector<16xi32>], vector<16xi32>, vector<16xi1>
        %all_reduce_population_count3A_443 = tpu.all_reduce %ge3A_428 {dim = 0 : i64, kind = #tpu.reduction_kind<sum>} : vector<16xi1> -> vector<16xi32>
        %add3A_444 = arith.addi %add3A_423, %all_reduce_population_count3A_443 : vector<16xi32>
        %add3A_445 = arith.constant 48 : i32
        %add3A_446 = arith.addi %mul3A_369, %add3A_445 : i32
        %get3A_447 = arith.index_cast %add3A_446 : i32 to index
        %get3A_448 = tpu.vector_load %arg5[%get3A_447] {strides = array<i32>} : memref<32768xf32, #tpu.memory_space<vmem>>, vector<16xf32>,
        %ge3A_449 = arith.cmpf oge, %get3A_448, %broadcast_in_dim3A_52 : vector<16xf32>
        %convert_element_type3A_450 = arith.extui %ge3A_449 : vector<16xi1> to vector<16xi32>
        %broadcast_in_dim3A_451 = arith.constant true
        %broadcast_in_dim3A_452 = vector.broadcast %broadcast_in_dim3A_451 : i1 to vector<16xi1>
        %masked_cumsum3A_453 = tpu.scan <sum>, %convert_element_type3A_450 masked %broadcast_in_dim3A_452 : vector<16xi32>, vector<16xi1> -> vector<16xi32>
        %add3A_454 = arith.addi %add3A_444, %masked_cumsum3A_453 : vector<16xi32>
        %sub3A_455 = arith.constant 1 : i32
        %sub3A_456 = vector.broadcast %sub3A_455 : i32 to vector<16xi32>
        %sub3A_457 = arith.subi %add3A_454, %sub3A_456 : vector<16xi32>
        %lt3A_458 = arith.cmpi slt, %sub3A_457, %broadcast_in_dim3A_54 : vector<16xi32>
        %and3A_459 = arith.andi %ge3A_449, %lt3A_458 : vector<16xi1>
        tpu.vector_store_idx %arg7[%sub3A_457], %get3A_448 masked %and3A_459 : memref<4160xf32, #tpu.memory_space<vmem>>[vector<16xi32>], vector<16xf32>, vector<16xi1>
        %add3A_460 = arith.constant 48 : i32
        %add3A_461 = arith.addi %mul3A_369, %add3A_460 : i32
        %add3A_462 = vector.broadcast %add3A_461 : i32 to vector<16xi32>
        %add3A_463 = arith.addi %iota3A, %add3A_462 : vector<16xi32>
        tpu.vector_store_idx %arg8[%sub3A_457], %add3A_463 masked %and3A_459 : memref<4160xi32, #tpu.memory_space<vmem>>[vector<16xi32>], vector<16xi32>, vector<16xi1>
        %all_reduce_population_count3A_464 = tpu.all_reduce %ge3A_449 {dim = 0 : i64, kind = #tpu.reduction_kind<sum>} : vector<16xi1> -> vector<16xi32>
        %add3A_465 = arith.addi %add3A_444, %all_reduce_population_count3A_464 : vector<16xi32>
        %add3A_466 = arith.constant 64 : i32
        %add3A_467 = arith.addi %mul3A_369, %add3A_466 : i32
        %get3A_468 = arith.index_cast %add3A_467 : i32 to index
        %get3A_469 = tpu.vector_load %arg5[%get3A_468] {strides = array<i32>} : memref<32768xf32, #tpu.memory_space<vmem>>, vector<16xf32>,
        %ge3A_470 = arith.cmpf oge, %get3A_469, %broadcast_in_dim3A_52 : vector<16xf32>
        %convert_element_type3A_471 = arith.extui %ge3A_470 : vector<16xi1> to vector<16xi32>
        %broadcast_in_dim3A_472 = arith.constant true
        %broadcast_in_dim3A_473 = vector.broadcast %broadcast_in_dim3A_472 : i1 to vector<16xi1>
        %masked_cumsum3A_474 = tpu.scan <sum>, %convert_element_type3A_471 masked %broadcast_in_dim3A_473 : vector<16xi32>, vector<16xi1> -> vector<16xi32>
        %add3A_475 = arith.addi %add3A_465, %masked_cumsum3A_474 : vector<16xi32>
        %sub3A_476 = arith.constant 1 : i32
        %sub3A_477 = vector.broadcast %sub3A_476 : i32 to vector<16xi32>
        %sub3A_478 = arith.subi %add3A_475, %sub3A_477 : vector<16xi32>
        %lt3A_479 = arith.cmpi slt, %sub3A_478, %broadcast_in_dim3A_54 : vector<16xi32>
        %and3A_480 = arith.andi %ge3A_470, %lt3A_479 : vector<16xi1>
        tpu.vector_store_idx %arg7[%sub3A_478], %get3A_469 masked %and3A_480 : memref<4160xf32, #tpu.memory_space<vmem>>[vector<16xi32>], vector<16xf32>, vector<16xi1>
        %add3A_481 = arith.constant 64 : i32
        %add3A_482 = arith.addi %mul3A_369, %add3A_481 : i32
        %add3A_483 = vector.broadcast %add3A_482 : i32 to vector<16xi32>
        %add3A_484 = arith.addi %iota3A, %add3A_483 : vector<16xi32>
        tpu.vector_store_idx %arg8[%sub3A_478], %add3A_484 masked %and3A_480 : memref<4160xi32, #tpu.memory_space<vmem>>[vector<16xi32>], vector<16xi32>, vector<16xi1>
        %all_reduce_population_count3A_485 = tpu.all_reduce %ge3A_470 {dim = 0 : i64, kind = #tpu.reduction_kind<sum>} : vector<16xi1> -> vector<16xi32>
        %add3A_486 = arith.addi %add3A_465, %all_reduce_population_count3A_485 : vector<16xi32>
        %add3A_487 = arith.constant 80 : i32
        %add3A_488 = arith.addi %mul3A_369, %add3A_487 : i32
        %get3A_489 = arith.index_cast %add3A_488 : i32 to index
        %get3A_490 = tpu.vector_load %arg5[%get3A_489] {strides = array<i32>} : memref<32768xf32, #tpu.memory_space<vmem>>, vector<16xf32>,
        %ge3A_491 = arith.cmpf oge, %get3A_490, %broadcast_in_dim3A_52 : vector<16xf32>
        %convert_element_type3A_492 = arith.extui %ge3A_491 : vector<16xi1> to vector<16xi32>
        %broadcast_in_dim3A_493 = arith.constant true
        %broadcast_in_dim3A_494 = vector.broadcast %broadcast_in_dim3A_493 : i1 to vector<16xi1>
        %masked_cumsum3A_495 = tpu.scan <sum>, %convert_element_type3A_492 masked %broadcast_in_dim3A_494 : vector<16xi32>, vector<16xi1> -> vector<16xi32>
        %add3A_496 = arith.addi %add3A_486, %masked_cumsum3A_495 : vector<16xi32>
        %sub3A_497 = arith.constant 1 : i32
        %sub3A_498 = vector.broadcast %sub3A_497 : i32 to vector<16xi32>
        %sub3A_499 = arith.subi %add3A_496, %sub3A_498 : vector<16xi32>
        %lt3A_500 = arith.cmpi slt, %sub3A_499, %broadcast_in_dim3A_54 : vector<16xi32>
        %and3A_501 = arith.andi %ge3A_491, %lt3A_500 : vector<16xi1>
        tpu.vector_store_idx %arg7[%sub3A_499], %get3A_490 masked %and3A_501 : memref<4160xf32, #tpu.memory_space<vmem>>[vector<16xi32>], vector<16xf32>, vector<16xi1>
        %add3A_502 = arith.constant 80 : i32
        %add3A_503 = arith.addi %mul3A_369, %add3A_502 : i32
        %add3A_504 = vector.broadcast %add3A_503 : i32 to vector<16xi32>
        %add3A_505 = arith.addi %iota3A, %add3A_504 : vector<16xi32>
        tpu.vector_store_idx %arg8[%sub3A_499], %add3A_505 masked %and3A_501 : memref<4160xi32, #tpu.memory_space<vmem>>[vector<16xi32>], vector<16xi32>, vector<16xi1>
        %all_reduce_population_count3A_506 = tpu.all_reduce %ge3A_491 {dim = 0 : i64, kind = #tpu.reduction_kind<sum>} : vector<16xi1> -> vector<16xi32>
        %add3A_507 = arith.addi %add3A_486, %all_reduce_population_count3A_506 : vector<16xi32>
        %add3A_508 = arith.constant 96 : i32
        %add3A_509 = arith.addi %mul3A_369, %add3A_508 : i32
        %get3A_510 = arith.index_cast %add3A_509 : i32 to index
        %get3A_511 = tpu.vector_load %arg5[%get3A_510] {strides = array<i32>} : memref<32768xf32, #tpu.memory_space<vmem>>, vector<16xf32>,
        %ge3A_512 = arith.cmpf oge, %get3A_511, %broadcast_in_dim3A_52 : vector<16xf32>
        %convert_element_type3A_513 = arith.extui %ge3A_512 : vector<16xi1> to vector<16xi32>
        %broadcast_in_dim3A_514 = arith.constant true
        %broadcast_in_dim3A_515 = vector.broadcast %broadcast_in_dim3A_514 : i1 to vector<16xi1>
        %masked_cumsum3A_516 = tpu.scan <sum>, %convert_element_type3A_513 masked %broadcast_in_dim3A_515 : vector<16xi32>, vector<16xi1> -> vector<16xi32>
        %add3A_517 = arith.addi %add3A_507, %masked_cumsum3A_516 : vector<16xi32>
        %sub3A_518 = arith.constant 1 : i32
        %sub3A_519 = vector.broadcast %sub3A_518 : i32 to vector<16xi32>
        %sub3A_520 = arith.subi %add3A_517, %sub3A_519 : vector<16xi32>
        %lt3A_521 = arith.cmpi slt, %sub3A_520, %broadcast_in_dim3A_54 : vector<16xi32>
        %and3A_522 = arith.andi %ge3A_512, %lt3A_521 : vector<16xi1>
        tpu.vector_store_idx %arg7[%sub3A_520], %get3A_511 masked %and3A_522 : memref<4160xf32, #tpu.memory_space<vmem>>[vector<16xi32>], vector<16xf32>, vector<16xi1>
        %add3A_523 = arith.constant 96 : i32
        %add3A_524 = arith.addi %mul3A_369, %add3A_523 : i32
        %add3A_525 = vector.broadcast %add3A_524 : i32 to vector<16xi32>
        %add3A_526 = arith.addi %iota3A, %add3A_525 : vector<16xi32>
        tpu.vector_store_idx %arg8[%sub3A_520], %add3A_526 masked %and3A_522 : memref<4160xi32, #tpu.memory_space<vmem>>[vector<16xi32>], vector<16xi32>, vector<16xi1>
        %all_reduce_population_count3A_527 = tpu.all_reduce %ge3A_512 {dim = 0 : i64, kind = #tpu.reduction_kind<sum>} : vector<16xi1> -> vector<16xi32>
        %add3A_528 = arith.addi %add3A_507, %all_reduce_population_count3A_527 : vector<16xi32>
        %add3A_529 = arith.constant 112 : i32
        %add3A_530 = arith.addi %mul3A_369, %add3A_529 : i32
        %get3A_531 = arith.index_cast %add3A_530 : i32 to index
        %get3A_532 = tpu.vector_load %arg5[%get3A_531] {strides = array<i32>} : memref<32768xf32, #tpu.memory_space<vmem>>, vector<16xf32>,
        %ge3A_533 = arith.cmpf oge, %get3A_532, %broadcast_in_dim3A_52 : vector<16xf32>
        %convert_element_type3A_534 = arith.extui %ge3A_533 : vector<16xi1> to vector<16xi32>
        %broadcast_in_dim3A_535 = arith.constant true
        %broadcast_in_dim3A_536 = vector.broadcast %broadcast_in_dim3A_535 : i1 to vector<16xi1>
        %masked_cumsum3A_537 = tpu.scan <sum>, %convert_element_type3A_534 masked %broadcast_in_dim3A_536 : vector<16xi32>, vector<16xi1> -> vector<16xi32>
        %add3A_538 = arith.addi %add3A_528, %masked_cumsum3A_537 : vector<16xi32>
        %sub3A_539 = arith.constant 1 : i32
        %sub3A_540 = vector.broadcast %sub3A_539 : i32 to vector<16xi32>
        %sub3A_541 = arith.subi %add3A_538, %sub3A_540 : vector<16xi32>
        %lt3A_542 = arith.cmpi slt, %sub3A_541, %broadcast_in_dim3A_54 : vector<16xi32>
        %and3A_543 = arith.andi %ge3A_533, %lt3A_542 : vector<16xi1>
        tpu.vector_store_idx %arg7[%sub3A_541], %get3A_532 masked %and3A_543 : memref<4160xf32, #tpu.memory_space<vmem>>[vector<16xi32>], vector<16xf32>, vector<16xi1>
        %add3A_544 = arith.constant 112 : i32
        %add3A_545 = arith.addi %mul3A_369, %add3A_544 : i32
        %add3A_546 = vector.broadcast %add3A_545 : i32 to vector<16xi32>
        %add3A_547 = arith.addi %iota3A, %add3A_546 : vector<16xi32>
        tpu.vector_store_idx %arg8[%sub3A_541], %add3A_547 masked %and3A_543 : memref<4160xi32, #tpu.memory_space<vmem>>[vector<16xi32>], vector<16xi32>, vector<16xi1>
        %all_reduce_population_count3A_548 = tpu.all_reduce %ge3A_533 {dim = 0 : i64, kind = #tpu.reduction_kind<sum>} : vector<16xi1> -> vector<16xi32>
        %add3A_549 = arith.addi %add3A_528, %all_reduce_population_count3A_548 : vector<16xi32>
        scf.yield %add3A_549 : vector<16xi32>
      } else {
        scf.yield %scan3A_367 : vector<16xi32>
      }
      scf.yield %cond3A_386 : vector<16xi32>
    }
    %scan3A_62 = arith.constant 256 : i32
    %reduce_max3A = arith.constant true
    %reduce_max3A_63 = vector.broadcast %reduce_max3A : i1 to vector<16xi1>
    %reduce_max3A_64 = arith.constant -2147483648 : i32
    %reduce_max3A_65 = vector.broadcast %reduce_max3A_64 : i32 to vector<16xi32>
    %reduce_max3A_66 = arith.xori %scan3A_61, %reduce_max3A_65 : vector<16xi32>
    %reduce_max3A_67 = tpu.scan <max>, %reduce_max3A_66 masked %reduce_max3A_63 : vector<16xi32>, vector<16xi1> -> vector<16xi32>
    %reduce_max3A_68 = arith.xori %reduce_max3A_67, %reduce_max3A_65 : vector<16xi32>
    %reduce_max3A_69 = vector.extract %reduce_max3A_68[15] : i32 from vector<16xi32>
    %min3A_70 = arith.constant 4096 : i32
    %min3A_71 = arith.minsi %reduce_max3A_69, %min3A_70 : i32
    %add3A_72 = arith.constant 0 : i32
    %add3A_73 = arith.addi %min3A_71, %add3A_72 : i32
    %swap3A = arith.index_cast %add3A_73 : i32 to index
    %swap3A_74 = tpu.vector_load %arg7[%swap3A] {strides = array<i32>} : memref<4160xf32, #tpu.memory_space<vmem>>, vector<16xf32>,
    tpu.vector_store %arg7[%swap3A], %broadcast_in_dim3A_5 {strides = array<i32>} : memref<4160xf32, #tpu.memory_space<vmem>>, vector<16xf32>,
    %add3A_75 = arith.constant 16 : i32
    %add3A_76 = arith.addi %min3A_71, %add3A_75 : i32
    %swap3A_77 = arith.index_cast %add3A_76 : i32 to index
    %swap3A_78 = tpu.vector_load %arg7[%swap3A_77] {strides = array<i32>} : memref<4160xf32, #tpu.memory_space<vmem>>, vector<16xf32>,
    tpu.vector_store %arg7[%swap3A_77], %broadcast_in_dim3A_5 {strides = array<i32>} : memref<4160xf32, #tpu.memory_space<vmem>>, vector<16xf32>,
    %add3A_79 = arith.constant 32 : i32
    %add3A_80 = arith.addi %min3A_71, %add3A_79 : i32
    %swap3A_81 = arith.index_cast %add3A_80 : i32 to index
    %swap3A_82 = tpu.vector_load %arg7[%swap3A_81] {strides = array<i32>} : memref<4160xf32, #tpu.memory_space<vmem>>, vector<16xf32>,
    tpu.vector_store %arg7[%swap3A_81], %broadcast_in_dim3A_5 {strides = array<i32>} : memref<4160xf32, #tpu.memory_space<vmem>>, vector<16xf32>,
    %add3A_83 = arith.constant 48 : i32
    %add3A_84 = arith.addi %min3A_71, %add3A_83 : i32
    %swap3A_85 = arith.index_cast %add3A_84 : i32 to index
    %swap3A_86 = tpu.vector_load %arg7[%swap3A_85] {strides = array<i32>} : memref<4160xf32, #tpu.memory_space<vmem>>, vector<16xf32>,
    tpu.vector_store %arg7[%swap3A_85], %broadcast_in_dim3A_5 {strides = array<i32>} : memref<4160xf32, #tpu.memory_space<vmem>>, vector<16xf32>,
    %le3A = arith.constant 4096 : i32
    %le3A_87 = arith.cmpi sle, %reduce_max3A_69, %le3A : i32
    %convert_element_type3A = arith.extui %le3A_87 : i1 to i32
    %cond3A = arith.constant 0 : i32
    %cond3A_88 = arith.constant 0 : i32
    %cond3A_89 = arith.cmpi ne, %convert_element_type3A, %cond3A_88 : i32
    %cond3A_90 = scf.if %cond3A_89 -> (i32) {
      %add3A_366 = arith.constant 64 : i32
      %add3A_367 = arith.addi %reduce_max3A_69, %add3A_366 : i32
      %sub3A = arith.constant 1 : i32
      %sub3A_368 = arith.subi %add3A_367, %sub3A : i32
      %jit3A = arith.constant 64 : i32
      %div3A = arith.divsi %sub3A_368, %jit3A : i32
      %sign3A = arith.constant 0 : i32
      %sign3A_369 = arith.cmpi sgt, %sub3A_368, %sign3A : i32
      %sign3A_370 = arith.extui %sign3A_369 : i1 to i32
      %sign3A_371 = arith.constant 0 : i32
      %sign3A_372 = arith.cmpi slt, %sub3A_368, %sign3A_371 : i32
      %sign3A_373 = arith.extui %sign3A_372 : i1 to i32
      %sign3A_374 = arith.subi %sign3A_370, %sign3A_373 : i32
      %sign3A_375 = arith.constant 0 : i32
      %sign3A_376 = arith.cmpi sgt, %jit3A, %sign3A_375 : i32
      %sign3A_377 = arith.extui %sign3A_376 : i1 to i32
      %sign3A_378 = arith.constant 0 : i32
      %sign3A_379 = arith.cmpi slt, %jit3A, %sign3A_378 : i32
      %sign3A_380 = arith.extui %sign3A_379 : i1 to i32
      %sign3A_381 = arith.subi %sign3A_377, %sign3A_380 : i32
      %ne3A = arith.cmpi ne, %sign3A_374, %sign3A_381 : i32
      %rem3A = arith.remsi %sub3A_368, %jit3A : i32
      %ne3A_382 = arith.constant 0 : i32
      %ne3A_383 = arith.cmpi ne, %rem3A, %ne3A_382 : i32
      %and3A = arith.andi %ne3A, %ne3A_383 : i1
      %sub3A_384 = arith.constant 1 : i32
      %sub3A_385 = arith.subi %div3A, %sub3A_384 : i32
      %select_n3A = arith.select %and3A, %sub3A_385, %div3A : i32
      %scan3A_386 = arith.constant 0 : i32
      %scan3A_387 = arith.constant 0 : i32
      %scan3A_388 = arith.constant 64 : i32
      %scan3A_389 = arith.addi %scan3A_387, %scan3A_388 : i32
      %scan3A_390 = arith.constant 1 : i32
      %scan3A_391 = scf.for %scan3A_394 = %scan3A_387 to %scan3A_389 step %scan3A_390 iter_args(%scan3A_395 = %scan3A_386) -> (i32)  : i32 {
        %broadcast_in_dim3A_396 = arith.constant 0xFF800000 : f32
        %broadcast_in_dim3A_397 = vector.broadcast %broadcast_in_dim3A_396 : f32 to vector<16xf32>
        %broadcast_in_dim3A_398 = arith.constant 0 : i32
        %broadcast_in_dim3A_399 = vector.broadcast %broadcast_in_dim3A_398 : i32 to vector<16xi32>
        %while3A = arith.constant 0 : i32
        %while3A_400 = arith.subi %select_n3A, %while3A : i32
        %while3A_401 = arith.addi %while3A, %while3A_400 : i32
        %while3A_402 = arith.constant 1 : i32
        %while3A_403 = arith.divsi %while3A_400, %while3A_402 : i32
        %while3A_404 = arith.muli %while3A_403, %while3A_402 : i32
        %while3A_405 = arith.addi %while3A, %while3A_404 : i32
        %while3A_406 = arith.constant 1 : i32
        %while3A_407:2 = scf.for %while3A_431 = %while3A to %while3A_405 step %while3A_406 iter_args(%while3A_432 = %broadcast_in_dim3A_397, %while3A_433 = %broadcast_in_dim3A_399) -> (vector<16xf32>, vector<16xi32>)  : i32 {
          %mul3A_434 = arith.constant 4 : i32
          %mul3A_435 = arith.muli %while3A_431, %mul3A_434 : i32
          %add3A_436 = arith.constant 0 : i32
          %add3A_437 = arith.addi %mul3A_435, %add3A_436 : i32
          %mul3A_438 = arith.constant 16 : i32
          %mul3A_439 = arith.muli %add3A_437, %mul3A_438 : i32
          %get3A = arith.index_cast %mul3A_439 : i32 to index
          %get3A_440 = tpu.vector_load %arg7[%get3A] {strides = array<i32>} : memref<4160xf32, #tpu.memory_space<vmem>>, vector<16xf32>,
          %gt3A = arith.cmpf ogt, %get3A_440, %while3A_432 : vector<16xf32>
          %max3A = arith.maximumf %while3A_432, %get3A_440 : vector<16xf32>
          %mul3A_441 = arith.constant 16 : i32
          %mul3A_442 = arith.muli %add3A_437, %mul3A_441 : i32
          %broadcast_in_dim3A_443 = vector.broadcast %mul3A_442 : i32 to vector<16xi32>
          %add3A_444 = arith.addi %broadcast_in_dim3A_443, %iota3A : vector<16xi32>
          %select_n3A_445 = arith.select %gt3A, %add3A_444, %while3A_433 : vector<16xi1>, vector<16xi32>
          %mul3A_446 = arith.constant 4 : i32
          %mul3A_447 = arith.muli %while3A_431, %mul3A_446 : i32
          %add3A_448 = arith.constant 1 : i32
          %add3A_449 = arith.addi %mul3A_447, %add3A_448 : i32
          %mul3A_450 = arith.constant 16 : i32
          %mul3A_451 = arith.muli %add3A_449, %mul3A_450 : i32
          %get3A_452 = arith.index_cast %mul3A_451 : i32 to index
          %get3A_453 = tpu.vector_load %arg7[%get3A_452] {strides = array<i32>} : memref<4160xf32, #tpu.memory_space<vmem>>, vector<16xf32>,
          %gt3A_454 = arith.cmpf ogt, %get3A_453, %max3A : vector<16xf32>
          %max3A_455 = arith.maximumf %max3A, %get3A_453 : vector<16xf32>
          %mul3A_456 = arith.constant 16 : i32
          %mul3A_457 = arith.muli %add3A_449, %mul3A_456 : i32
          %broadcast_in_dim3A_458 = vector.broadcast %mul3A_457 : i32 to vector<16xi32>
          %add3A_459 = arith.addi %broadcast_in_dim3A_458, %iota3A : vector<16xi32>
          %select_n3A_460 = arith.select %gt3A_454, %add3A_459, %select_n3A_445 : vector<16xi1>, vector<16xi32>
          %mul3A_461 = arith.constant 4 : i32
          %mul3A_462 = arith.muli %while3A_431, %mul3A_461 : i32
          %add3A_463 = arith.constant 2 : i32
          %add3A_464 = arith.addi %mul3A_462, %add3A_463 : i32
          %mul3A_465 = arith.constant 16 : i32
          %mul3A_466 = arith.muli %add3A_464, %mul3A_465 : i32
          %get3A_467 = arith.index_cast %mul3A_466 : i32 to index
          %get3A_468 = tpu.vector_load %arg7[%get3A_467] {strides = array<i32>} : memref<4160xf32, #tpu.memory_space<vmem>>, vector<16xf32>,
          %gt3A_469 = arith.cmpf ogt, %get3A_468, %max3A_455 : vector<16xf32>
          %max3A_470 = arith.maximumf %max3A_455, %get3A_468 : vector<16xf32>
          %mul3A_471 = arith.constant 16 : i32
          %mul3A_472 = arith.muli %add3A_464, %mul3A_471 : i32
          %broadcast_in_dim3A_473 = vector.broadcast %mul3A_472 : i32 to vector<16xi32>
          %add3A_474 = arith.addi %broadcast_in_dim3A_473, %iota3A : vector<16xi32>
          %select_n3A_475 = arith.select %gt3A_469, %add3A_474, %select_n3A_460 : vector<16xi1>, vector<16xi32>
          %mul3A_476 = arith.constant 4 : i32
          %mul3A_477 = arith.muli %while3A_431, %mul3A_476 : i32
          %add3A_478 = arith.constant 3 : i32
          %add3A_479 = arith.addi %mul3A_477, %add3A_478 : i32
          %mul3A_480 = arith.constant 16 : i32
          %mul3A_481 = arith.muli %add3A_479, %mul3A_480 : i32
          %get3A_482 = arith.index_cast %mul3A_481 : i32 to index
          %get3A_483 = tpu.vector_load %arg7[%get3A_482] {strides = array<i32>} : memref<4160xf32, #tpu.memory_space<vmem>>, vector<16xf32>,
          %gt3A_484 = arith.cmpf ogt, %get3A_483, %max3A_470 : vector<16xf32>
          %max3A_485 = arith.maximumf %max3A_470, %get3A_483 : vector<16xf32>
          %mul3A_486 = arith.constant 16 : i32
          %mul3A_487 = arith.muli %add3A_479, %mul3A_486 : i32
          %broadcast_in_dim3A_488 = vector.broadcast %mul3A_487 : i32 to vector<16xi32>
          %add3A_489 = arith.addi %broadcast_in_dim3A_488, %iota3A : vector<16xi32>
          %select_n3A_490 = arith.select %gt3A_484, %add3A_489, %select_n3A_475 : vector<16xi1>, vector<16xi32>
          scf.yield %max3A_485, %select_n3A_490 : vector<16xf32>, vector<16xi32>
        }
        %while3A_408 = arith.constant 1 : i32
        %while3A_409:2 = scf.for %while3A_431 = %while3A_405 to %while3A_401 step %while3A_408 iter_args(%while3A_432 = %while3A_407#0, %while3A_433 = %while3A_407#1) -> (vector<16xf32>, vector<16xi32>)  : i32 {
          %mul3A_434 = arith.constant 4 : i32
          %mul3A_435 = arith.muli %while3A_431, %mul3A_434 : i32
          %add3A_436 = arith.constant 0 : i32
          %add3A_437 = arith.addi %mul3A_435, %add3A_436 : i32
          %mul3A_438 = arith.constant 16 : i32
          %mul3A_439 = arith.muli %add3A_437, %mul3A_438 : i32
          %get3A = arith.index_cast %mul3A_439 : i32 to index
          %get3A_440 = tpu.vector_load %arg7[%get3A] {strides = array<i32>} : memref<4160xf32, #tpu.memory_space<vmem>>, vector<16xf32>,
          %gt3A = arith.cmpf ogt, %get3A_440, %while3A_432 : vector<16xf32>
          %max3A = arith.maximumf %while3A_432, %get3A_440 : vector<16xf32>
          %mul3A_441 = arith.constant 16 : i32
          %mul3A_442 = arith.muli %add3A_437, %mul3A_441 : i32
          %broadcast_in_dim3A_443 = vector.broadcast %mul3A_442 : i32 to vector<16xi32>
          %add3A_444 = arith.addi %broadcast_in_dim3A_443, %iota3A : vector<16xi32>
          %select_n3A_445 = arith.select %gt3A, %add3A_444, %while3A_433 : vector<16xi1>, vector<16xi32>
          %mul3A_446 = arith.constant 4 : i32
          %mul3A_447 = arith.muli %while3A_431, %mul3A_446 : i32
          %add3A_448 = arith.constant 1 : i32
          %add3A_449 = arith.addi %mul3A_447, %add3A_448 : i32
          %mul3A_450 = arith.constant 16 : i32
          %mul3A_451 = arith.muli %add3A_449, %mul3A_450 : i32
          %get3A_452 = arith.index_cast %mul3A_451 : i32 to index
          %get3A_453 = tpu.vector_load %arg7[%get3A_452] {strides = array<i32>} : memref<4160xf32, #tpu.memory_space<vmem>>, vector<16xf32>,
          %gt3A_454 = arith.cmpf ogt, %get3A_453, %max3A : vector<16xf32>
          %max3A_455 = arith.maximumf %max3A, %get3A_453 : vector<16xf32>
          %mul3A_456 = arith.constant 16 : i32
          %mul3A_457 = arith.muli %add3A_449, %mul3A_456 : i32
          %broadcast_in_dim3A_458 = vector.broadcast %mul3A_457 : i32 to vector<16xi32>
          %add3A_459 = arith.addi %broadcast_in_dim3A_458, %iota3A : vector<16xi32>
          %select_n3A_460 = arith.select %gt3A_454, %add3A_459, %select_n3A_445 : vector<16xi1>, vector<16xi32>
          %mul3A_461 = arith.constant 4 : i32
          %mul3A_462 = arith.muli %while3A_431, %mul3A_461 : i32
          %add3A_463 = arith.constant 2 : i32
          %add3A_464 = arith.addi %mul3A_462, %add3A_463 : i32
          %mul3A_465 = arith.constant 16 : i32
          %mul3A_466 = arith.muli %add3A_464, %mul3A_465 : i32
          %get3A_467 = arith.index_cast %mul3A_466 : i32 to index
          %get3A_468 = tpu.vector_load %arg7[%get3A_467] {strides = array<i32>} : memref<4160xf32, #tpu.memory_space<vmem>>, vector<16xf32>,
          %gt3A_469 = arith.cmpf ogt, %get3A_468, %max3A_455 : vector<16xf32>
          %max3A_470 = arith.maximumf %max3A_455, %get3A_468 : vector<16xf32>
          %mul3A_471 = arith.constant 16 : i32
          %mul3A_472 = arith.muli %add3A_464, %mul3A_471 : i32
          %broadcast_in_dim3A_473 = vector.broadcast %mul3A_472 : i32 to vector<16xi32>
          %add3A_474 = arith.addi %broadcast_in_dim3A_473, %iota3A : vector<16xi32>
          %select_n3A_475 = arith.select %gt3A_469, %add3A_474, %select_n3A_460 : vector<16xi1>, vector<16xi32>
          %mul3A_476 = arith.constant 4 : i32
          %mul3A_477 = arith.muli %while3A_431, %mul3A_476 : i32
          %add3A_478 = arith.constant 3 : i32
          %add3A_479 = arith.addi %mul3A_477, %add3A_478 : i32
          %mul3A_480 = arith.constant 16 : i32
          %mul3A_481 = arith.muli %add3A_479, %mul3A_480 : i32
          %get3A_482 = arith.index_cast %mul3A_481 : i32 to index
          %get3A_483 = tpu.vector_load %arg7[%get3A_482] {strides = array<i32>} : memref<4160xf32, #tpu.memory_space<vmem>>, vector<16xf32>,
          %gt3A_484 = arith.cmpf ogt, %get3A_483, %max3A_470 : vector<16xf32>
          %max3A_485 = arith.maximumf %max3A_470, %get3A_483 : vector<16xf32>
          %mul3A_486 = arith.constant 16 : i32
          %mul3A_487 = arith.muli %add3A_479, %mul3A_486 : i32
          %broadcast_in_dim3A_488 = vector.broadcast %mul3A_487 : i32 to vector<16xi32>
          %add3A_489 = arith.addi %broadcast_in_dim3A_488, %iota3A : vector<16xi32>
          %select_n3A_490 = arith.select %gt3A_484, %add3A_489, %select_n3A_475 : vector<16xi1>, vector<16xi32>
          scf.yield %max3A_485, %select_n3A_490 : vector<16xf32>, vector<16xi32>
        }
        %reduce_max3A_410 = arith.constant true
        %reduce_max3A_411 = vector.broadcast %reduce_max3A_410 : i1 to vector<16xi1>
        %reduce_max3A_412 = tpu.scan <max>, %while3A_409#0 masked %reduce_max3A_411 : vector<16xf32>, vector<16xi1> -> vector<16xf32>
        %reduce_max3A_413 = vector.extract %reduce_max3A_412[15] : f32 from vector<16xf32>
        %broadcast_in_dim3A_414 = vector.broadcast %reduce_max3A_413 : f32 to vector<16xf32>
        %eq3A_415 = arith.cmpf oeq, %while3A_409#0, %broadcast_in_dim3A_414 : vector<16xf32>
        %jit3A_416 = arith.constant 1073741824 : i32
        %broadcast_in_dim3A_417 = vector.broadcast %jit3A_416 : i32 to vector<16xi32>
        %select_n3A_418 = arith.select %eq3A_415, %while3A_409#1, %broadcast_in_dim3A_417 : vector<16xi1>, vector<16xi32>
        %reduce_min3A_419 = arith.constant true
        %reduce_min3A_420 = vector.broadcast %reduce_min3A_419 : i1 to vector<16xi1>
        %reduce_min3A_421 = arith.constant -2147483648 : i32
        %reduce_min3A_422 = vector.broadcast %reduce_min3A_421 : i32 to vector<16xi32>
        %reduce_min3A_423 = arith.xori %select_n3A_418, %reduce_min3A_422 : vector<16xi32>
        %reduce_min3A_424 = tpu.scan <min>, %reduce_min3A_423 masked %reduce_min3A_420 : vector<16xi32>, vector<16xi1> -> vector<16xi32>
        %reduce_min3A_425 = arith.xori %reduce_min3A_424, %reduce_min3A_422 : vector<16xi32>
        %reduce_min3A_426 = vector.extract %reduce_min3A_425[15] : i32 from vector<16xi32>
        %broadcast_in_dim3A_427 = vector.broadcast %reduce_min3A_426 : i32 to vector<16xi32>
        %broadcast_in_dim3A_428 = vector.broadcast %scan3A_394 : i32 to vector<16xi32>
        tpu.vector_store_idx %arg10[%broadcast_in_dim3A_428], %broadcast_in_dim3A_414 masked %eq3A_4 : memref<64xf32, #tpu.memory_space<vmem>>[vector<16xi32>], vector<16xf32>, vector<16xi1>
        %broadcast_in_dim3A_429 = vector.broadcast %scan3A_394 : i32 to vector<16xi32>
        %gather3A = tpu.vector_load_idx %arg8[%broadcast_in_dim3A_427] : memref<4160xi32, #tpu.memory_space<vmem>>[vector<16xi32>], vector<16xi32>,
        tpu.vector_store_idx %arg11[%broadcast_in_dim3A_429], %gather3A masked %eq3A_4 : memref<64xi32, #tpu.memory_space<vmem>>[vector<16xi32>], vector<16xi32>, vector<16xi1>
        tpu.vector_store_idx %arg7[%broadcast_in_dim3A_427], %broadcast_in_dim3A_5 masked %eq3A_4 : memref<4160xf32, #tpu.memory_space<vmem>>[vector<16xi32>], vector<16xf32>, vector<16xi1>
        %scan3A_430 = arith.constant 0 : i32
        scf.yield %scan3A_430 : i32
      }
      %scan3A_392 = arith.constant 64 : i32
      %cond3A_393 = arith.constant 0 : i32
      scf.yield %cond3A_393 : i32
    } else {
      %scan3A_366 = arith.constant 0 : i32
      %scan3A_367 = arith.constant 0 : i32
      %scan3A_368 = arith.constant 64 : i32
      %scan3A_369 = arith.addi %scan3A_367, %scan3A_368 : i32
      %scan3A_370 = arith.constant 1 : i32
      %scan3A_371 = scf.for %scan3A_374 = %scan3A_367 to %scan3A_369 step %scan3A_370 iter_args(%scan3A_375 = %scan3A_366) -> (i32)  : i32 {
        %broadcast_in_dim3A_376 = arith.constant 0xFF800000 : f32
        %broadcast_in_dim3A_377 = vector.broadcast %broadcast_in_dim3A_376 : f32 to vector<16xf32>
        %broadcast_in_dim3A_378 = arith.constant 0 : i32
        %broadcast_in_dim3A_379 = vector.broadcast %broadcast_in_dim3A_378 : i32 to vector<16xi32>
        %scan3A_380 = arith.constant 0 : i32
        %scan3A_381 = arith.constant 512 : i32
        %scan3A_382 = arith.addi %scan3A_380, %scan3A_381 : i32
        %scan3A_383 = arith.constant 1 : i32
        %scan3A_384:2 = scf.for %scan3A_405 = %scan3A_380 to %scan3A_382 step %scan3A_383 iter_args(%scan3A_406 = %broadcast_in_dim3A_377, %scan3A_407 = %broadcast_in_dim3A_379) -> (vector<16xf32>, vector<16xi32>)  : i32 {
          %mul3A_408 = arith.constant 4 : i32
          %mul3A_409 = arith.muli %scan3A_405, %mul3A_408 : i32
          %add3A_410 = arith.constant 0 : i32
          %add3A_411 = arith.addi %mul3A_409, %add3A_410 : i32
          %mul3A_412 = arith.constant 16 : i32
          %mul3A_413 = arith.muli %add3A_411, %mul3A_412 : i32
          %get3A = arith.index_cast %mul3A_413 : i32 to index
          %get3A_414 = tpu.vector_load %arg5[%get3A] {strides = array<i32>} : memref<32768xf32, #tpu.memory_space<vmem>>, vector<16xf32>,
          %gt3A = arith.cmpf ogt, %get3A_414, %scan3A_406 : vector<16xf32>
          %max3A = arith.maximumf %scan3A_406, %get3A_414 : vector<16xf32>
          %mul3A_415 = arith.constant 16 : i32
          %mul3A_416 = arith.muli %add3A_411, %mul3A_415 : i32
          %broadcast_in_dim3A_417 = vector.broadcast %mul3A_416 : i32 to vector<16xi32>
          %add3A_418 = arith.addi %broadcast_in_dim3A_417, %iota3A : vector<16xi32>
          %select_n3A_419 = arith.select %gt3A, %add3A_418, %scan3A_407 : vector<16xi1>, vector<16xi32>
          %mul3A_420 = arith.constant 4 : i32
          %mul3A_421 = arith.muli %scan3A_405, %mul3A_420 : i32
          %add3A_422 = arith.constant 1 : i32
          %add3A_423 = arith.addi %mul3A_421, %add3A_422 : i32
          %mul3A_424 = arith.constant 16 : i32
          %mul3A_425 = arith.muli %add3A_423, %mul3A_424 : i32
          %get3A_426 = arith.index_cast %mul3A_425 : i32 to index
          %get3A_427 = tpu.vector_load %arg5[%get3A_426] {strides = array<i32>} : memref<32768xf32, #tpu.memory_space<vmem>>, vector<16xf32>,
          %gt3A_428 = arith.cmpf ogt, %get3A_427, %max3A : vector<16xf32>
          %max3A_429 = arith.maximumf %max3A, %get3A_427 : vector<16xf32>
          %mul3A_430 = arith.constant 16 : i32
          %mul3A_431 = arith.muli %add3A_423, %mul3A_430 : i32
          %broadcast_in_dim3A_432 = vector.broadcast %mul3A_431 : i32 to vector<16xi32>
          %add3A_433 = arith.addi %broadcast_in_dim3A_432, %iota3A : vector<16xi32>
          %select_n3A_434 = arith.select %gt3A_428, %add3A_433, %select_n3A_419 : vector<16xi1>, vector<16xi32>
          %mul3A_435 = arith.constant 4 : i32
          %mul3A_436 = arith.muli %scan3A_405, %mul3A_435 : i32
          %add3A_437 = arith.constant 2 : i32
          %add3A_438 = arith.addi %mul3A_436, %add3A_437 : i32
          %mul3A_439 = arith.constant 16 : i32
          %mul3A_440 = arith.muli %add3A_438, %mul3A_439 : i32
          %get3A_441 = arith.index_cast %mul3A_440 : i32 to index
          %get3A_442 = tpu.vector_load %arg5[%get3A_441] {strides = array<i32>} : memref<32768xf32, #tpu.memory_space<vmem>>, vector<16xf32>,
          %gt3A_443 = arith.cmpf ogt, %get3A_442, %max3A_429 : vector<16xf32>
          %max3A_444 = arith.maximumf %max3A_429, %get3A_442 : vector<16xf32>
          %mul3A_445 = arith.constant 16 : i32
          %mul3A_446 = arith.muli %add3A_438, %mul3A_445 : i32
          %broadcast_in_dim3A_447 = vector.broadcast %mul3A_446 : i32 to vector<16xi32>
          %add3A_448 = arith.addi %broadcast_in_dim3A_447, %iota3A : vector<16xi32>
          %select_n3A_449 = arith.select %gt3A_443, %add3A_448, %select_n3A_434 : vector<16xi1>, vector<16xi32>
          %mul3A_450 = arith.constant 4 : i32
          %mul3A_451 = arith.muli %scan3A_405, %mul3A_450 : i32
          %add3A_452 = arith.constant 3 : i32
          %add3A_453 = arith.addi %mul3A_451, %add3A_452 : i32
          %mul3A_454 = arith.constant 16 : i32
          %mul3A_455 = arith.muli %add3A_453, %mul3A_454 : i32
          %get3A_456 = arith.index_cast %mul3A_455 : i32 to index
          %get3A_457 = tpu.vector_load %arg5[%get3A_456] {strides = array<i32>} : memref<32768xf32, #tpu.memory_space<vmem>>, vector<16xf32>,
          %gt3A_458 = arith.cmpf ogt, %get3A_457, %max3A_444 : vector<16xf32>
          %max3A_459 = arith.maximumf %max3A_444, %get3A_457 : vector<16xf32>
          %mul3A_460 = arith.constant 16 : i32
          %mul3A_461 = arith.muli %add3A_453, %mul3A_460 : i32
          %broadcast_in_dim3A_462 = vector.broadcast %mul3A_461 : i32 to vector<16xi32>
          %add3A_463 = arith.addi %broadcast_in_dim3A_462, %iota3A : vector<16xi32>
          %select_n3A_464 = arith.select %gt3A_458, %add3A_463, %select_n3A_449 : vector<16xi1>, vector<16xi32>
          scf.yield %max3A_459, %select_n3A_464 : vector<16xf32>, vector<16xi32>
        }
        %scan3A_385 = arith.constant 512 : i32
        %reduce_max3A_386 = arith.constant true
        %reduce_max3A_387 = vector.broadcast %reduce_max3A_386 : i1 to vector<16xi1>
        %reduce_max3A_388 = tpu.scan <max>, %scan3A_384#0 masked %reduce_max3A_387 : vector<16xf32>, vector<16xi1> -> vector<16xf32>
        %reduce_max3A_389 = vector.extract %reduce_max3A_388[15] : f32 from vector<16xf32>
        %broadcast_in_dim3A_390 = vector.broadcast %reduce_max3A_389 : f32 to vector<16xf32>
        %eq3A_391 = arith.cmpf oeq, %scan3A_384#0, %broadcast_in_dim3A_390 : vector<16xf32>
        %jit3A = arith.constant 1073741824 : i32
        %broadcast_in_dim3A_392 = vector.broadcast %jit3A : i32 to vector<16xi32>
        %select_n3A = arith.select %eq3A_391, %scan3A_384#1, %broadcast_in_dim3A_392 : vector<16xi1>, vector<16xi32>
        %reduce_min3A_393 = arith.constant true
        %reduce_min3A_394 = vector.broadcast %reduce_min3A_393 : i1 to vector<16xi1>
        %reduce_min3A_395 = arith.constant -2147483648 : i32
        %reduce_min3A_396 = vector.broadcast %reduce_min3A_395 : i32 to vector<16xi32>
        %reduce_min3A_397 = arith.xori %select_n3A, %reduce_min3A_396 : vector<16xi32>
        %reduce_min3A_398 = tpu.scan <min>, %reduce_min3A_397 masked %reduce_min3A_394 : vector<16xi32>, vector<16xi1> -> vector<16xi32>
        %reduce_min3A_399 = arith.xori %reduce_min3A_398, %reduce_min3A_396 : vector<16xi32>
        %reduce_min3A_400 = vector.extract %reduce_min3A_399[15] : i32 from vector<16xi32>
        %broadcast_in_dim3A_401 = vector.broadcast %reduce_min3A_400 : i32 to vector<16xi32>
        %broadcast_in_dim3A_402 = vector.broadcast %scan3A_374 : i32 to vector<16xi32>
        tpu.vector_store_idx %arg10[%broadcast_in_dim3A_402], %broadcast_in_dim3A_390 masked %eq3A_4 : memref<64xf32, #tpu.memory_space<vmem>>[vector<16xi32>], vector<16xf32>, vector<16xi1>
        %broadcast_in_dim3A_403 = vector.broadcast %scan3A_374 : i32 to vector<16xi32>
        tpu.vector_store_idx %arg11[%broadcast_in_dim3A_403], %broadcast_in_dim3A_401 masked %eq3A_4 : memref<64xi32, #tpu.memory_space<vmem>>[vector<16xi32>], vector<16xi32>, vector<16xi1>
        tpu.vector_store_idx %arg5[%broadcast_in_dim3A_401], %broadcast_in_dim3A_5 masked %eq3A_4 : memref<32768xf32, #tpu.memory_space<vmem>>[vector<16xi32>], vector<16xf32>, vector<16xi1>
        %scan3A_404 = arith.constant 0 : i32
        scf.yield %scan3A_404 : i32
      }
      %scan3A_372 = arith.constant 64 : i32
      %cond3A_373 = arith.constant 0 : i32
      scf.yield %cond3A_373 : i32
    }
    %add3A_91 = arith.constant 0 : i32
    %add3A_92 = arith.addi %mul3A_2, %add3A_91 : i32
    "tpu.region"() ({
      %run_scoped3A = tpu.sem_alloc : memref<!tpu.dma_semaphore, #tpu.memory_space<semaphore_mem>>
      %dma_start3A_366 = arith.constant 0 : i32
      %dma_start3A_367 = tpu.memref_slice %arg3[%add3A_92, %dma_start3A_366] : memref<128x64xf32, #tpu.memory_space<hbm>> -> memref<1x64xf32, #tpu.memory_space<hbm>>
      %dma_start3A_368 = tpu.memref_squeeze %dma_start3A_367 : memref<1x64xf32, #tpu.memory_space<hbm>> -> memref<64xf32, #tpu.memory_space<hbm>>
      %dma_start3A_369 = arith.constant 0 : i32
      %dma_start3A_370 = tpu.memref_slice %arg3[%add3A_92, %dma_start3A_369] : memref<128x64xf32, #tpu.memory_space<hbm>> -> memref<1x64xf32, #tpu.memory_space<hbm>>
      %dma_start3A_371 = tpu.memref_squeeze %dma_start3A_370 : memref<1x64xf32, #tpu.memory_space<hbm>> -> memref<64xf32, #tpu.memory_space<hbm>>
      tpu.enqueue_dma source(%arg10 : memref<64xf32, #tpu.memory_space<vmem>>) target(%dma_start3A_371 : memref<64xf32, #tpu.memory_space<hbm>>) target_semaphore(%run_scoped3A : memref<!tpu.dma_semaphore, #tpu.memory_space<semaphore_mem>>)
      %dma_wait3A_372 = arith.constant 0 : i32
      %dma_wait3A_373 = tpu.memref_slice %arg3[%add3A_92, %dma_wait3A_372] : memref<128x64xf32, #tpu.memory_space<hbm>> -> memref<1x64xf32, #tpu.memory_space<hbm>>
      %dma_wait3A_374 = tpu.memref_squeeze %dma_wait3A_373 : memref<1x64xf32, #tpu.memory_space<hbm>> -> memref<64xf32, #tpu.memory_space<hbm>>
      %dma_wait3A_375 = arith.constant 0 : i32
      %dma_wait3A_376 = tpu.memref_slice %arg3[%add3A_92, %dma_wait3A_375] : memref<128x64xf32, #tpu.memory_space<hbm>> -> memref<1x64xf32, #tpu.memory_space<hbm>>
      %dma_wait3A_377 = tpu.memref_squeeze %dma_wait3A_376 : memref<1x64xf32, #tpu.memory_space<hbm>> -> memref<64xf32, #tpu.memory_space<hbm>>
      tpu.wait_dma2 semaphore(%run_scoped3A : memref<!tpu.dma_semaphore, #tpu.memory_space<semaphore_mem>>) src(%arg10 : memref<64xf32, #tpu.memory_space<vmem>>) dst(%dma_wait3A_377 : memref<64xf32, #tpu.memory_space<hbm>>)
      tpu.yield
    }) : () -> ()
    %add3A_93 = arith.constant 0 : i32
    %add3A_94 = arith.addi %mul3A_2, %add3A_93 : i32
    "tpu.region"() ({
      %run_scoped3A = tpu.sem_alloc : memref<!tpu.dma_semaphore, #tpu.memory_space<semaphore_mem>>
      %dma_start3A_366 = arith.constant 0 : i32
      %dma_start3A_367 = tpu.memref_slice %arg4[%add3A_94, %dma_start3A_366] : memref<128x64xi32, #tpu.memory_space<hbm>> -> memref<1x64xi32, #tpu.memory_space<hbm>>
      %dma_start3A_368 = tpu.memref_squeeze %dma_start3A_367 : memref<1x64xi32, #tpu.memory_space<hbm>> -> memref<64xi32, #tpu.memory_space<hbm>>
      %dma_start3A_369 = arith.constant 0 : i32
      %dma_start3A_370 = tpu.memref_slice %arg4[%add3A_94, %dma_start3A_369] : memref<128x64xi32, #tpu.memory_space<hbm>> -> memref<1x64xi32, #tpu.memory_space<hbm>>
      %dma_start3A_371 = tpu.memref_squeeze %dma_start3A_370 : memref<1x64xi32, #tpu.memory_space<hbm>> -> memref<64xi32, #tpu.memory_space<hbm>>
      tpu.enqueue_dma source(%arg11 : memref<64xi32, #tpu.memory_space<vmem>>) target(%dma_start3A_371 : memref<64xi32, #tpu.memory_space<hbm>>) target_semaphore(%run_scoped3A : memref<!tpu.dma_semaphore, #tpu.memory_space<semaphore_mem>>)
      %dma_wait3A_372 = arith.constant 0 : i32
      %dma_wait3A_373 = tpu.memref_slice %arg4[%add3A_94, %dma_wait3A_372] : memref<128x64xi32, #tpu.memory_space<hbm>> -> memref<1x64xi32, #tpu.memory_space<hbm>>
      %dma_wait3A_374 = tpu.memref_squeeze %dma_wait3A_373 : memref<1x64xi32, #tpu.memory_space<hbm>> -> memref<64xi32, #tpu.memory_space<hbm>>
      %dma_wait3A_375 = arith.constant 0 : i32
      %dma_wait3A_376 = tpu.memref_slice %arg4[%add3A_94, %dma_wait3A_375] : memref<128x64xi32, #tpu.memory_space<hbm>> -> memref<1x64xi32, #tpu.memory_space<hbm>>
      %dma_wait3A_377 = tpu.memref_squeeze %dma_wait3A_376 : memref<1x64xi32, #tpu.memory_space<hbm>> -> memref<64xi32, #tpu.memory_space<hbm>>
      tpu.wait_dma2 semaphore(%run_scoped3A : memref<!tpu.dma_semaphore, #tpu.memory_space<semaphore_mem>>) src(%arg11 : memref<64xi32, #tpu.memory_space<vmem>>) dst(%dma_wait3A_377 : memref<64xi32, #tpu.memory_space<hbm>>)
      tpu.yield
    }) : () -> ()
    %add3A_95 = arith.constant 2 : i32
    %add3A_96 = arith.addi %mul3A_2, %add3A_95 : i32
    %dma_start3A_97 = arith.constant 0 : i32
    %dma_start3A_98 = tpu.memref_slice %arg2[%add3A_96, %dma_start3A_97] : memref<128x32768xf32, #tpu.memory_space<hbm>> -> memref<1x32768xf32, #tpu.memory_space<hbm>>
    %dma_start3A_99 = tpu.memref_squeeze %dma_start3A_98 : memref<1x32768xf32, #tpu.memory_space<hbm>> -> memref<32768xf32, #tpu.memory_space<hbm>>
    %dma_start3A_100 = arith.constant 0 : i32
    %dma_start3A_101 = tpu.memref_slice %arg2[%add3A_96, %dma_start3A_100] : memref<128x32768xf32, #tpu.memory_space<hbm>> -> memref<1x32768xf32, #tpu.memory_space<hbm>>
    %dma_start3A_102 = tpu.memref_squeeze %dma_start3A_101 : memref<1x32768xf32, #tpu.memory_space<hbm>> -> memref<32768xf32, #tpu.memory_space<hbm>>
    tpu.enqueue_dma source(%dma_start3A_102 : memref<32768xf32, #tpu.memory_space<hbm>>) target(%arg5 : memref<32768xf32, #tpu.memory_space<vmem>>) target_semaphore(%arg12 : memref<!tpu.dma_semaphore, #tpu.memory_space<semaphore_mem>>)
    %dma_wait3A_103 = arith.constant 0 : i32
    %dma_wait3A_104 = tpu.memref_slice %arg2[%add3A_12, %dma_wait3A_103] : memref<128x32768xf32, #tpu.memory_space<hbm>> -> memref<1x32768xf32, #tpu.memory_space<hbm>>
    %dma_wait3A_105 = tpu.memref_squeeze %dma_wait3A_104 : memref<1x32768xf32, #tpu.memory_space<hbm>> -> memref<32768xf32, #tpu.memory_space<hbm>>
    %dma_wait3A_106 = arith.constant 0 : i32
    %dma_wait3A_107 = tpu.memref_slice %arg2[%add3A_12, %dma_wait3A_106] : memref<128x32768xf32, #tpu.memory_space<hbm>> -> memref<1x32768xf32, #tpu.memory_space<hbm>>
    %dma_wait3A_108 = tpu.memref_squeeze %dma_wait3A_107 : memref<1x32768xf32, #tpu.memory_space<hbm>> -> memref<32768xf32, #tpu.memory_space<hbm>>
    tpu.wait_dma2 semaphore(%arg13 : memref<!tpu.dma_semaphore, #tpu.memory_space<semaphore_mem>>) src(%dma_wait3A_108 : memref<32768xf32, #tpu.memory_space<hbm>>) dst(%arg6 : memref<32768xf32, #tpu.memory_space<vmem>>)
    %scan3A_109 = arith.constant 0 : i32
    %scan3A_110 = arith.constant 64 : i32
    %scan3A_111 = arith.addi %scan3A_109, %scan3A_110 : i32
    %scan3A_112 = arith.constant 1 : i32
    %scan3A_113 = scf.for %scan3A_366 = %scan3A_109 to %scan3A_111 step %scan3A_112 iter_args(%scan3A_367 = %broadcast_in_dim3A_5) -> (vector<16xf32>)  : i32 {
      %add3A_368 = arith.constant 0 : i32
      %add3A_369 = arith.addi %add3A_368, %scan3A_366 : i32
      %mul3A_370 = arith.constant 128 : i32
      %mul3A_371 = arith.muli %add3A_369, %mul3A_370 : i32
      %add3A_372 = arith.constant 0 : i32
      %add3A_373 = arith.addi %mul3A_371, %add3A_372 : i32
      %get3A = arith.index_cast %add3A_373 : i32 to index
      %get3A_374 = tpu.vector_load %arg6[%get3A] {strides = array<i32>} : memref<32768xf32, #tpu.memory_space<vmem>>, vector<16xf32>,
      %add3A_375 = arith.constant 16 : i32
      %add3A_376 = arith.addi %mul3A_371, %add3A_375 : i32
      %get3A_377 = arith.index_cast %add3A_376 : i32 to index
      %get3A_378 = tpu.vector_load %arg6[%get3A_377] {strides = array<i32>} : memref<32768xf32, #tpu.memory_space<vmem>>, vector<16xf32>,
      %add3A_379 = arith.constant 32 : i32
      %add3A_380 = arith.addi %mul3A_371, %add3A_379 : i32
      %get3A_381 = arith.index_cast %add3A_380 : i32 to index
      %get3A_382 = tpu.vector_load %arg6[%get3A_381] {strides = array<i32>} : memref<32768xf32, #tpu.memory_space<vmem>>, vector<16xf32>,
      %add3A_383 = arith.constant 48 : i32
      %add3A_384 = arith.addi %mul3A_371, %add3A_383 : i32
      %get3A_385 = arith.index_cast %add3A_384 : i32 to index
      %get3A_386 = tpu.vector_load %arg6[%get3A_385] {strides = array<i32>} : memref<32768xf32, #tpu.memory_space<vmem>>, vector<16xf32>,
      %add3A_387 = arith.constant 64 : i32
      %add3A_388 = arith.addi %mul3A_371, %add3A_387 : i32
      %get3A_389 = arith.index_cast %add3A_388 : i32 to index
      %get3A_390 = tpu.vector_load %arg6[%get3A_389] {strides = array<i32>} : memref<32768xf32, #tpu.memory_space<vmem>>, vector<16xf32>,
      %add3A_391 = arith.constant 80 : i32
      %add3A_392 = arith.addi %mul3A_371, %add3A_391 : i32
      %get3A_393 = arith.index_cast %add3A_392 : i32 to index
      %get3A_394 = tpu.vector_load %arg6[%get3A_393] {strides = array<i32>} : memref<32768xf32, #tpu.memory_space<vmem>>, vector<16xf32>,
      %add3A_395 = arith.constant 96 : i32
      %add3A_396 = arith.addi %mul3A_371, %add3A_395 : i32
      %get3A_397 = arith.index_cast %add3A_396 : i32 to index
      %get3A_398 = tpu.vector_load %arg6[%get3A_397] {strides = array<i32>} : memref<32768xf32, #tpu.memory_space<vmem>>, vector<16xf32>,
      %add3A_399 = arith.constant 112 : i32
      %add3A_400 = arith.addi %mul3A_371, %add3A_399 : i32
      %get3A_401 = arith.index_cast %add3A_400 : i32 to index
      %get3A_402 = tpu.vector_load %arg6[%get3A_401] {strides = array<i32>} : memref<32768xf32, #tpu.memory_space<vmem>>, vector<16xf32>,
      %max3A = arith.maximumf %get3A_374, %get3A_378 : vector<16xf32>
      %max3A_403 = arith.maximumf %get3A_382, %get3A_386 : vector<16xf32>
      %max3A_404 = arith.maximumf %get3A_390, %get3A_394 : vector<16xf32>
      %max3A_405 = arith.maximumf %get3A_398, %get3A_402 : vector<16xf32>
      %max3A_406 = arith.maximumf %max3A, %max3A_403 : vector<16xf32>
      %max3A_407 = arith.maximumf %max3A_404, %max3A_405 : vector<16xf32>
      %max3A_408 = arith.maximumf %max3A_406, %max3A_407 : vector<16xf32>
      %add3A_409 = arith.constant 0 : i32
      %add3A_410 = arith.addi %add3A_409, %scan3A_366 : i32
      %mul3A_411 = arith.constant 16 : i32
      %mul3A_412 = arith.muli %add3A_410, %mul3A_411 : i32
      %swap3A_413 = arith.index_cast %mul3A_412 : i32 to index
      %swap3A_414 = tpu.vector_load %arg9[%swap3A_413] {strides = array<i32>} : memref<4096xf32, #tpu.memory_space<vmem>>, vector<16xf32>,
      tpu.vector_store %arg9[%swap3A_413], %max3A_408 {strides = array<i32>} : memref<4096xf32, #tpu.memory_space<vmem>>, vector<16xf32>,
      %max3A_415 = arith.maximumf %scan3A_367, %max3A_408 : vector<16xf32>
      scf.yield %max3A_415 : vector<16xf32>
    }
    %scan3A_114 = arith.constant 64 : i32
    %scan3A_115 = arith.constant 0 : i32
    %scan3A_116 = arith.constant 64 : i32
    %scan3A_117 = arith.addi %scan3A_115, %scan3A_116 : i32
    %scan3A_118 = arith.constant 1 : i32
    %scan3A_119 = scf.for %scan3A_366 = %scan3A_115 to %scan3A_117 step %scan3A_118 iter_args(%scan3A_367 = %broadcast_in_dim3A_5) -> (vector<16xf32>)  : i32 {
      %add3A_368 = arith.constant 64 : i32
      %add3A_369 = arith.addi %add3A_368, %scan3A_366 : i32
      %mul3A_370 = arith.constant 128 : i32
      %mul3A_371 = arith.muli %add3A_369, %mul3A_370 : i32
      %add3A_372 = arith.constant 0 : i32
      %add3A_373 = arith.addi %mul3A_371, %add3A_372 : i32
      %get3A = arith.index_cast %add3A_373 : i32 to index
      %get3A_374 = tpu.vector_load %arg6[%get3A] {strides = array<i32>} : memref<32768xf32, #tpu.memory_space<vmem>>, vector<16xf32>,
      %add3A_375 = arith.constant 16 : i32
      %add3A_376 = arith.addi %mul3A_371, %add3A_375 : i32
      %get3A_377 = arith.index_cast %add3A_376 : i32 to index
      %get3A_378 = tpu.vector_load %arg6[%get3A_377] {strides = array<i32>} : memref<32768xf32, #tpu.memory_space<vmem>>, vector<16xf32>,
      %add3A_379 = arith.constant 32 : i32
      %add3A_380 = arith.addi %mul3A_371, %add3A_379 : i32
      %get3A_381 = arith.index_cast %add3A_380 : i32 to index
      %get3A_382 = tpu.vector_load %arg6[%get3A_381] {strides = array<i32>} : memref<32768xf32, #tpu.memory_space<vmem>>, vector<16xf32>,
      %add3A_383 = arith.constant 48 : i32
      %add3A_384 = arith.addi %mul3A_371, %add3A_383 : i32
      %get3A_385 = arith.index_cast %add3A_384 : i32 to index
      %get3A_386 = tpu.vector_load %arg6[%get3A_385] {strides = array<i32>} : memref<32768xf32, #tpu.memory_space<vmem>>, vector<16xf32>,
      %add3A_387 = arith.constant 64 : i32
      %add3A_388 = arith.addi %mul3A_371, %add3A_387 : i32
      %get3A_389 = arith.index_cast %add3A_388 : i32 to index
      %get3A_390 = tpu.vector_load %arg6[%get3A_389] {strides = array<i32>} : memref<32768xf32, #tpu.memory_space<vmem>>, vector<16xf32>,
      %add3A_391 = arith.constant 80 : i32
      %add3A_392 = arith.addi %mul3A_371, %add3A_391 : i32
      %get3A_393 = arith.index_cast %add3A_392 : i32 to index
      %get3A_394 = tpu.vector_load %arg6[%get3A_393] {strides = array<i32>} : memref<32768xf32, #tpu.memory_space<vmem>>, vector<16xf32>,
      %add3A_395 = arith.constant 96 : i32
      %add3A_396 = arith.addi %mul3A_371, %add3A_395 : i32
      %get3A_397 = arith.index_cast %add3A_396 : i32 to index
      %get3A_398 = tpu.vector_load %arg6[%get3A_397] {strides = array<i32>} : memref<32768xf32, #tpu.memory_space<vmem>>, vector<16xf32>,
      %add3A_399 = arith.constant 112 : i32
      %add3A_400 = arith.addi %mul3A_371, %add3A_399 : i32
      %get3A_401 = arith.index_cast %add3A_400 : i32 to index
      %get3A_402 = tpu.vector_load %arg6[%get3A_401] {strides = array<i32>} : memref<32768xf32, #tpu.memory_space<vmem>>, vector<16xf32>,
      %max3A = arith.maximumf %get3A_374, %get3A_378 : vector<16xf32>
      %max3A_403 = arith.maximumf %get3A_382, %get3A_386 : vector<16xf32>
      %max3A_404 = arith.maximumf %get3A_390, %get3A_394 : vector<16xf32>
      %max3A_405 = arith.maximumf %get3A_398, %get3A_402 : vector<16xf32>
      %max3A_406 = arith.maximumf %max3A, %max3A_403 : vector<16xf32>
      %max3A_407 = arith.maximumf %max3A_404, %max3A_405 : vector<16xf32>
      %max3A_408 = arith.maximumf %max3A_406, %max3A_407 : vector<16xf32>
      %add3A_409 = arith.constant 64 : i32
      %add3A_410 = arith.addi %add3A_409, %scan3A_366 : i32
      %mul3A_411 = arith.constant 16 : i32
      %mul3A_412 = arith.muli %add3A_410, %mul3A_411 : i32
      %swap3A_413 = arith.index_cast %mul3A_412 : i32 to index
      %swap3A_414 = tpu.vector_load %arg9[%swap3A_413] {strides = array<i32>} : memref<4096xf32, #tpu.memory_space<vmem>>, vector<16xf32>,
      tpu.vector_store %arg9[%swap3A_413], %max3A_408 {strides = array<i32>} : memref<4096xf32, #tpu.memory_space<vmem>>, vector<16xf32>,
      %max3A_415 = arith.maximumf %scan3A_367, %max3A_408 : vector<16xf32>
      scf.yield %max3A_415 : vector<16xf32>
    }
    %scan3A_120 = arith.constant 64 : i32
    %scan3A_121 = arith.constant 0 : i32
    %scan3A_122 = arith.constant 64 : i32
    %scan3A_123 = arith.addi %scan3A_121, %scan3A_122 : i32
    %scan3A_124 = arith.constant 1 : i32
    %scan3A_125 = scf.for %scan3A_366 = %scan3A_121 to %scan3A_123 step %scan3A_124 iter_args(%scan3A_367 = %broadcast_in_dim3A_5) -> (vector<16xf32>)  : i32 {
      %add3A_368 = arith.constant 128 : i32
      %add3A_369 = arith.addi %add3A_368, %scan3A_366 : i32
      %mul3A_370 = arith.constant 128 : i32
      %mul3A_371 = arith.muli %add3A_369, %mul3A_370 : i32
      %add3A_372 = arith.constant 0 : i32
      %add3A_373 = arith.addi %mul3A_371, %add3A_372 : i32
      %get3A = arith.index_cast %add3A_373 : i32 to index
      %get3A_374 = tpu.vector_load %arg6[%get3A] {strides = array<i32>} : memref<32768xf32, #tpu.memory_space<vmem>>, vector<16xf32>,
      %add3A_375 = arith.constant 16 : i32
      %add3A_376 = arith.addi %mul3A_371, %add3A_375 : i32
      %get3A_377 = arith.index_cast %add3A_376 : i32 to index
      %get3A_378 = tpu.vector_load %arg6[%get3A_377] {strides = array<i32>} : memref<32768xf32, #tpu.memory_space<vmem>>, vector<16xf32>,
      %add3A_379 = arith.constant 32 : i32
      %add3A_380 = arith.addi %mul3A_371, %add3A_379 : i32
      %get3A_381 = arith.index_cast %add3A_380 : i32 to index
      %get3A_382 = tpu.vector_load %arg6[%get3A_381] {strides = array<i32>} : memref<32768xf32, #tpu.memory_space<vmem>>, vector<16xf32>,
      %add3A_383 = arith.constant 48 : i32
      %add3A_384 = arith.addi %mul3A_371, %add3A_383 : i32
      %get3A_385 = arith.index_cast %add3A_384 : i32 to index
      %get3A_386 = tpu.vector_load %arg6[%get3A_385] {strides = array<i32>} : memref<32768xf32, #tpu.memory_space<vmem>>, vector<16xf32>,
      %add3A_387 = arith.constant 64 : i32
      %add3A_388 = arith.addi %mul3A_371, %add3A_387 : i32
      %get3A_389 = arith.index_cast %add3A_388 : i32 to index
      %get3A_390 = tpu.vector_load %arg6[%get3A_389] {strides = array<i32>} : memref<32768xf32, #tpu.memory_space<vmem>>, vector<16xf32>,
      %add3A_391 = arith.constant 80 : i32
      %add3A_392 = arith.addi %mul3A_371, %add3A_391 : i32
      %get3A_393 = arith.index_cast %add3A_392 : i32 to index
      %get3A_394 = tpu.vector_load %arg6[%get3A_393] {strides = array<i32>} : memref<32768xf32, #tpu.memory_space<vmem>>, vector<16xf32>,
      %add3A_395 = arith.constant 96 : i32
      %add3A_396 = arith.addi %mul3A_371, %add3A_395 : i32
      %get3A_397 = arith.index_cast %add3A_396 : i32 to index
      %get3A_398 = tpu.vector_load %arg6[%get3A_397] {strides = array<i32>} : memref<32768xf32, #tpu.memory_space<vmem>>, vector<16xf32>,
      %add3A_399 = arith.constant 112 : i32
      %add3A_400 = arith.addi %mul3A_371, %add3A_399 : i32
      %get3A_401 = arith.index_cast %add3A_400 : i32 to index
      %get3A_402 = tpu.vector_load %arg6[%get3A_401] {strides = array<i32>} : memref<32768xf32, #tpu.memory_space<vmem>>, vector<16xf32>,
      %max3A = arith.maximumf %get3A_374, %get3A_378 : vector<16xf32>
      %max3A_403 = arith.maximumf %get3A_382, %get3A_386 : vector<16xf32>
      %max3A_404 = arith.maximumf %get3A_390, %get3A_394 : vector<16xf32>
      %max3A_405 = arith.maximumf %get3A_398, %get3A_402 : vector<16xf32>
      %max3A_406 = arith.maximumf %max3A, %max3A_403 : vector<16xf32>
      %max3A_407 = arith.maximumf %max3A_404, %max3A_405 : vector<16xf32>
      %max3A_408 = arith.maximumf %max3A_406, %max3A_407 : vector<16xf32>
      %add3A_409 = arith.constant 128 : i32
      %add3A_410 = arith.addi %add3A_409, %scan3A_366 : i32
      %mul3A_411 = arith.constant 16 : i32
      %mul3A_412 = arith.muli %add3A_410, %mul3A_411 : i32
      %swap3A_413 = arith.index_cast %mul3A_412 : i32 to index
      %swap3A_414 = tpu.vector_load %arg9[%swap3A_413] {strides = array<i32>} : memref<4096xf32, #tpu.memory_space<vmem>>, vector<16xf32>,
      tpu.vector_store %arg9[%swap3A_413], %max3A_408 {strides = array<i32>} : memref<4096xf32, #tpu.memory_space<vmem>>, vector<16xf32>,
      %max3A_415 = arith.maximumf %scan3A_367, %max3A_408 : vector<16xf32>
      scf.yield %max3A_415 : vector<16xf32>
    }
    %scan3A_126 = arith.constant 64 : i32
    %scan3A_127 = arith.constant 0 : i32
    %scan3A_128 = arith.constant 64 : i32
    %scan3A_129 = arith.addi %scan3A_127, %scan3A_128 : i32
    %scan3A_130 = arith.constant 1 : i32
    %scan3A_131 = scf.for %scan3A_366 = %scan3A_127 to %scan3A_129 step %scan3A_130 iter_args(%scan3A_367 = %broadcast_in_dim3A_5) -> (vector<16xf32>)  : i32 {
      %add3A_368 = arith.constant 192 : i32
      %add3A_369 = arith.addi %add3A_368, %scan3A_366 : i32
      %mul3A_370 = arith.constant 128 : i32
      %mul3A_371 = arith.muli %add3A_369, %mul3A_370 : i32
      %add3A_372 = arith.constant 0 : i32
      %add3A_373 = arith.addi %mul3A_371, %add3A_372 : i32
      %get3A = arith.index_cast %add3A_373 : i32 to index
      %get3A_374 = tpu.vector_load %arg6[%get3A] {strides = array<i32>} : memref<32768xf32, #tpu.memory_space<vmem>>, vector<16xf32>,
      %add3A_375 = arith.constant 16 : i32
      %add3A_376 = arith.addi %mul3A_371, %add3A_375 : i32
      %get3A_377 = arith.index_cast %add3A_376 : i32 to index
      %get3A_378 = tpu.vector_load %arg6[%get3A_377] {strides = array<i32>} : memref<32768xf32, #tpu.memory_space<vmem>>, vector<16xf32>,
      %add3A_379 = arith.constant 32 : i32
      %add3A_380 = arith.addi %mul3A_371, %add3A_379 : i32
      %get3A_381 = arith.index_cast %add3A_380 : i32 to index
      %get3A_382 = tpu.vector_load %arg6[%get3A_381] {strides = array<i32>} : memref<32768xf32, #tpu.memory_space<vmem>>, vector<16xf32>,
      %add3A_383 = arith.constant 48 : i32
      %add3A_384 = arith.addi %mul3A_371, %add3A_383 : i32
      %get3A_385 = arith.index_cast %add3A_384 : i32 to index
      %get3A_386 = tpu.vector_load %arg6[%get3A_385] {strides = array<i32>} : memref<32768xf32, #tpu.memory_space<vmem>>, vector<16xf32>,
      %add3A_387 = arith.constant 64 : i32
      %add3A_388 = arith.addi %mul3A_371, %add3A_387 : i32
      %get3A_389 = arith.index_cast %add3A_388 : i32 to index
      %get3A_390 = tpu.vector_load %arg6[%get3A_389] {strides = array<i32>} : memref<32768xf32, #tpu.memory_space<vmem>>, vector<16xf32>,
      %add3A_391 = arith.constant 80 : i32
      %add3A_392 = arith.addi %mul3A_371, %add3A_391 : i32
      %get3A_393 = arith.index_cast %add3A_392 : i32 to index
      %get3A_394 = tpu.vector_load %arg6[%get3A_393] {strides = array<i32>} : memref<32768xf32, #tpu.memory_space<vmem>>, vector<16xf32>,
      %add3A_395 = arith.constant 96 : i32
      %add3A_396 = arith.addi %mul3A_371, %add3A_395 : i32
      %get3A_397 = arith.index_cast %add3A_396 : i32 to index
      %get3A_398 = tpu.vector_load %arg6[%get3A_397] {strides = array<i32>} : memref<32768xf32, #tpu.memory_space<vmem>>, vector<16xf32>,
      %add3A_399 = arith.constant 112 : i32
      %add3A_400 = arith.addi %mul3A_371, %add3A_399 : i32
      %get3A_401 = arith.index_cast %add3A_400 : i32 to index
      %get3A_402 = tpu.vector_load %arg6[%get3A_401] {strides = array<i32>} : memref<32768xf32, #tpu.memory_space<vmem>>, vector<16xf32>,
      %max3A = arith.maximumf %get3A_374, %get3A_378 : vector<16xf32>
      %max3A_403 = arith.maximumf %get3A_382, %get3A_386 : vector<16xf32>
      %max3A_404 = arith.maximumf %get3A_390, %get3A_394 : vector<16xf32>
      %max3A_405 = arith.maximumf %get3A_398, %get3A_402 : vector<16xf32>
      %max3A_406 = arith.maximumf %max3A, %max3A_403 : vector<16xf32>
      %max3A_407 = arith.maximumf %max3A_404, %max3A_405 : vector<16xf32>
      %max3A_408 = arith.maximumf %max3A_406, %max3A_407 : vector<16xf32>
      %add3A_409 = arith.constant 192 : i32
      %add3A_410 = arith.addi %add3A_409, %scan3A_366 : i32
      %mul3A_411 = arith.constant 16 : i32
      %mul3A_412 = arith.muli %add3A_410, %mul3A_411 : i32
      %swap3A_413 = arith.index_cast %mul3A_412 : i32 to index
      %swap3A_414 = tpu.vector_load %arg9[%swap3A_413] {strides = array<i32>} : memref<4096xf32, #tpu.memory_space<vmem>>, vector<16xf32>,
      tpu.vector_store %arg9[%swap3A_413], %max3A_408 {strides = array<i32>} : memref<4096xf32, #tpu.memory_space<vmem>>, vector<16xf32>,
      %max3A_415 = arith.maximumf %scan3A_367, %max3A_408 : vector<16xf32>
      scf.yield %max3A_415 : vector<16xf32>
    }
    %scan3A_132 = arith.constant 64 : i32
    %min3A_133 = arith.minimumf %scan3A_113, %scan3A_119 : vector<16xf32>
    %min3A_134 = arith.minimumf %scan3A_125, %scan3A_131 : vector<16xf32>
    %min3A_135 = arith.minimumf %min3A_133, %min3A_134 : vector<16xf32>
    %reduce_min3A_136 = arith.constant true
    %reduce_min3A_137 = vector.broadcast %reduce_min3A_136 : i1 to vector<16xi1>
    %reduce_min3A_138 = tpu.scan <min>, %min3A_135 masked %reduce_min3A_137 : vector<16xf32>, vector<16xi1> -> vector<16xf32>
    %reduce_min3A_139 = vector.extract %reduce_min3A_138[15] : f32 from vector<16xf32>
    %broadcast_in_dim3A_140 = vector.broadcast %reduce_min3A_139 : f32 to vector<16xf32>
    %broadcast_in_dim3A_141 = arith.constant 4112 : i32
    %broadcast_in_dim3A_142 = vector.broadcast %broadcast_in_dim3A_141 : i32 to vector<16xi32>
    %broadcast_in_dim3A_143 = arith.constant 0 : i32
    %broadcast_in_dim3A_144 = vector.broadcast %broadcast_in_dim3A_143 : i32 to vector<16xi32>
    %scan3A_145 = arith.constant 0 : i32
    %scan3A_146 = arith.constant 256 : i32
    %scan3A_147 = arith.addi %scan3A_145, %scan3A_146 : i32
    %scan3A_148 = arith.constant 1 : i32
    %scan3A_149 = scf.for %scan3A_366 = %scan3A_145 to %scan3A_147 step %scan3A_148 iter_args(%scan3A_367 = %broadcast_in_dim3A_144) -> (vector<16xi32>)  : i32 {
      %mul3A_368 = arith.constant 128 : i32
      %mul3A_369 = arith.muli %scan3A_366, %mul3A_368 : i32
      %mul3A_370 = arith.constant 16 : i32
      %mul3A_371 = arith.muli %scan3A_366, %mul3A_370 : i32
      %get3A = arith.index_cast %mul3A_371 : i32 to index
      %get3A_372 = tpu.vector_load %arg9[%get3A] {strides = array<i32>} : memref<4096xf32, #tpu.memory_space<vmem>>, vector<16xf32>,
      %ge3A = arith.cmpf oge, %get3A_372, %broadcast_in_dim3A_140 : vector<16xf32>
      %reduce_or3A = arith.constant 1.000000e+00 : f32
      %reduce_or3A_373 = arith.constant 0.000000e+00 : f32
      %reduce_or3A_374 = vector.broadcast %reduce_or3A : f32 to vector<16xf32>
      %reduce_or3A_375 = vector.broadcast %reduce_or3A_373 : f32 to vector<16xf32>
      %reduce_or3A_376 = arith.select %ge3A, %reduce_or3A_374, %reduce_or3A_375 : vector<16xi1>, vector<16xf32>
      %reduce_or3A_377 = arith.constant true
      %reduce_or3A_378 = vector.broadcast %reduce_or3A_377 : i1 to vector<16xi1>
      %reduce_or3A_379 = tpu.scan <max>, %reduce_or3A_376 masked %reduce_or3A_378 : vector<16xf32>, vector<16xi1> -> vector<16xf32>
      %reduce_or3A_380 = vector.extract %reduce_or3A_379[15] : f32 from vector<16xf32>
      %reduce_or3A_381 = arith.constant 0.000000e+00 : f32
      %reduce_or3A_382 = arith.cmpf ogt, %reduce_or3A_380, %reduce_or3A_381 : f32
      %convert_element_type3A_383 = arith.extui %reduce_or3A_382 : i1 to i32
      %cond3A_384 = arith.constant 0 : i32
      %cond3A_385 = arith.cmpi ne, %convert_element_type3A_383, %cond3A_384 : i32
      %cond3A_386 = scf.if %cond3A_385 -> (vector<16xi32>) {
        %add3A_387 = arith.constant 0 : i32
        %add3A_388 = arith.addi %mul3A_369, %add3A_387 : i32
        %get3A_389 = arith.index_cast %add3A_388 : i32 to index
        %get3A_390 = tpu.vector_load %arg6[%get3A_389] {strides = array<i32>} : memref<32768xf32, #tpu.memory_space<vmem>>, vector<16xf32>,
        %ge3A_391 = arith.cmpf oge, %get3A_390, %broadcast_in_dim3A_140 : vector<16xf32>
        %convert_element_type3A_392 = arith.extui %ge3A_391 : vector<16xi1> to vector<16xi32>
        %broadcast_in_dim3A_393 = arith.constant true
        %broadcast_in_dim3A_394 = vector.broadcast %broadcast_in_dim3A_393 : i1 to vector<16xi1>
        %masked_cumsum3A = tpu.scan <sum>, %convert_element_type3A_392 masked %broadcast_in_dim3A_394 : vector<16xi32>, vector<16xi1> -> vector<16xi32>
        %add3A_395 = arith.addi %scan3A_367, %masked_cumsum3A : vector<16xi32>
        %sub3A = arith.constant 1 : i32
        %sub3A_396 = vector.broadcast %sub3A : i32 to vector<16xi32>
        %sub3A_397 = arith.subi %add3A_395, %sub3A_396 : vector<16xi32>
        %lt3A = arith.cmpi slt, %sub3A_397, %broadcast_in_dim3A_142 : vector<16xi32>
        %and3A = arith.andi %ge3A_391, %lt3A : vector<16xi1>
        tpu.vector_store_idx %arg7[%sub3A_397], %get3A_390 masked %and3A : memref<4160xf32, #tpu.memory_space<vmem>>[vector<16xi32>], vector<16xf32>, vector<16xi1>
        %add3A_398 = arith.constant 0 : i32
        %add3A_399 = arith.addi %mul3A_369, %add3A_398 : i32
        %add3A_400 = vector.broadcast %add3A_399 : i32 to vector<16xi32>
        %add3A_401 = arith.addi %iota3A, %add3A_400 : vector<16xi32>
        tpu.vector_store_idx %arg8[%sub3A_397], %add3A_401 masked %and3A : memref<4160xi32, #tpu.memory_space<vmem>>[vector<16xi32>], vector<16xi32>, vector<16xi1>
        %all_reduce_population_count3A = tpu.all_reduce %ge3A_391 {dim = 0 : i64, kind = #tpu.reduction_kind<sum>} : vector<16xi1> -> vector<16xi32>
        %add3A_402 = arith.addi %scan3A_367, %all_reduce_population_count3A : vector<16xi32>
        %add3A_403 = arith.constant 16 : i32
        %add3A_404 = arith.addi %mul3A_369, %add3A_403 : i32
        %get3A_405 = arith.index_cast %add3A_404 : i32 to index
        %get3A_406 = tpu.vector_load %arg6[%get3A_405] {strides = array<i32>} : memref<32768xf32, #tpu.memory_space<vmem>>, vector<16xf32>,
        %ge3A_407 = arith.cmpf oge, %get3A_406, %broadcast_in_dim3A_140 : vector<16xf32>
        %convert_element_type3A_408 = arith.extui %ge3A_407 : vector<16xi1> to vector<16xi32>
        %broadcast_in_dim3A_409 = arith.constant true
        %broadcast_in_dim3A_410 = vector.broadcast %broadcast_in_dim3A_409 : i1 to vector<16xi1>
        %masked_cumsum3A_411 = tpu.scan <sum>, %convert_element_type3A_408 masked %broadcast_in_dim3A_410 : vector<16xi32>, vector<16xi1> -> vector<16xi32>
        %add3A_412 = arith.addi %add3A_402, %masked_cumsum3A_411 : vector<16xi32>
        %sub3A_413 = arith.constant 1 : i32
        %sub3A_414 = vector.broadcast %sub3A_413 : i32 to vector<16xi32>
        %sub3A_415 = arith.subi %add3A_412, %sub3A_414 : vector<16xi32>
        %lt3A_416 = arith.cmpi slt, %sub3A_415, %broadcast_in_dim3A_142 : vector<16xi32>
        %and3A_417 = arith.andi %ge3A_407, %lt3A_416 : vector<16xi1>
        tpu.vector_store_idx %arg7[%sub3A_415], %get3A_406 masked %and3A_417 : memref<4160xf32, #tpu.memory_space<vmem>>[vector<16xi32>], vector<16xf32>, vector<16xi1>
        %add3A_418 = arith.constant 16 : i32
        %add3A_419 = arith.addi %mul3A_369, %add3A_418 : i32
        %add3A_420 = vector.broadcast %add3A_419 : i32 to vector<16xi32>
        %add3A_421 = arith.addi %iota3A, %add3A_420 : vector<16xi32>
        tpu.vector_store_idx %arg8[%sub3A_415], %add3A_421 masked %and3A_417 : memref<4160xi32, #tpu.memory_space<vmem>>[vector<16xi32>], vector<16xi32>, vector<16xi1>
        %all_reduce_population_count3A_422 = tpu.all_reduce %ge3A_407 {dim = 0 : i64, kind = #tpu.reduction_kind<sum>} : vector<16xi1> -> vector<16xi32>
        %add3A_423 = arith.addi %add3A_402, %all_reduce_population_count3A_422 : vector<16xi32>
        %add3A_424 = arith.constant 32 : i32
        %add3A_425 = arith.addi %mul3A_369, %add3A_424 : i32
        %get3A_426 = arith.index_cast %add3A_425 : i32 to index
        %get3A_427 = tpu.vector_load %arg6[%get3A_426] {strides = array<i32>} : memref<32768xf32, #tpu.memory_space<vmem>>, vector<16xf32>,
        %ge3A_428 = arith.cmpf oge, %get3A_427, %broadcast_in_dim3A_140 : vector<16xf32>
        %convert_element_type3A_429 = arith.extui %ge3A_428 : vector<16xi1> to vector<16xi32>
        %broadcast_in_dim3A_430 = arith.constant true
        %broadcast_in_dim3A_431 = vector.broadcast %broadcast_in_dim3A_430 : i1 to vector<16xi1>
        %masked_cumsum3A_432 = tpu.scan <sum>, %convert_element_type3A_429 masked %broadcast_in_dim3A_431 : vector<16xi32>, vector<16xi1> -> vector<16xi32>
        %add3A_433 = arith.addi %add3A_423, %masked_cumsum3A_432 : vector<16xi32>
        %sub3A_434 = arith.constant 1 : i32
        %sub3A_435 = vector.broadcast %sub3A_434 : i32 to vector<16xi32>
        %sub3A_436 = arith.subi %add3A_433, %sub3A_435 : vector<16xi32>
        %lt3A_437 = arith.cmpi slt, %sub3A_436, %broadcast_in_dim3A_142 : vector<16xi32>
        %and3A_438 = arith.andi %ge3A_428, %lt3A_437 : vector<16xi1>
        tpu.vector_store_idx %arg7[%sub3A_436], %get3A_427 masked %and3A_438 : memref<4160xf32, #tpu.memory_space<vmem>>[vector<16xi32>], vector<16xf32>, vector<16xi1>
        %add3A_439 = arith.constant 32 : i32
        %add3A_440 = arith.addi %mul3A_369, %add3A_439 : i32
        %add3A_441 = vector.broadcast %add3A_440 : i32 to vector<16xi32>
        %add3A_442 = arith.addi %iota3A, %add3A_441 : vector<16xi32>
        tpu.vector_store_idx %arg8[%sub3A_436], %add3A_442 masked %and3A_438 : memref<4160xi32, #tpu.memory_space<vmem>>[vector<16xi32>], vector<16xi32>, vector<16xi1>
        %all_reduce_population_count3A_443 = tpu.all_reduce %ge3A_428 {dim = 0 : i64, kind = #tpu.reduction_kind<sum>} : vector<16xi1> -> vector<16xi32>
        %add3A_444 = arith.addi %add3A_423, %all_reduce_population_count3A_443 : vector<16xi32>
        %add3A_445 = arith.constant 48 : i32
        %add3A_446 = arith.addi %mul3A_369, %add3A_445 : i32
        %get3A_447 = arith.index_cast %add3A_446 : i32 to index
        %get3A_448 = tpu.vector_load %arg6[%get3A_447] {strides = array<i32>} : memref<32768xf32, #tpu.memory_space<vmem>>, vector<16xf32>,
        %ge3A_449 = arith.cmpf oge, %get3A_448, %broadcast_in_dim3A_140 : vector<16xf32>
        %convert_element_type3A_450 = arith.extui %ge3A_449 : vector<16xi1> to vector<16xi32>
        %broadcast_in_dim3A_451 = arith.constant true
        %broadcast_in_dim3A_452 = vector.broadcast %broadcast_in_dim3A_451 : i1 to vector<16xi1>
        %masked_cumsum3A_453 = tpu.scan <sum>, %convert_element_type3A_450 masked %broadcast_in_dim3A_452 : vector<16xi32>, vector<16xi1> -> vector<16xi32>
        %add3A_454 = arith.addi %add3A_444, %masked_cumsum3A_453 : vector<16xi32>
        %sub3A_455 = arith.constant 1 : i32
        %sub3A_456 = vector.broadcast %sub3A_455 : i32 to vector<16xi32>
        %sub3A_457 = arith.subi %add3A_454, %sub3A_456 : vector<16xi32>
        %lt3A_458 = arith.cmpi slt, %sub3A_457, %broadcast_in_dim3A_142 : vector<16xi32>
        %and3A_459 = arith.andi %ge3A_449, %lt3A_458 : vector<16xi1>
        tpu.vector_store_idx %arg7[%sub3A_457], %get3A_448 masked %and3A_459 : memref<4160xf32, #tpu.memory_space<vmem>>[vector<16xi32>], vector<16xf32>, vector<16xi1>
        %add3A_460 = arith.constant 48 : i32
        %add3A_461 = arith.addi %mul3A_369, %add3A_460 : i32
        %add3A_462 = vector.broadcast %add3A_461 : i32 to vector<16xi32>
        %add3A_463 = arith.addi %iota3A, %add3A_462 : vector<16xi32>
        tpu.vector_store_idx %arg8[%sub3A_457], %add3A_463 masked %and3A_459 : memref<4160xi32, #tpu.memory_space<vmem>>[vector<16xi32>], vector<16xi32>, vector<16xi1>
        %all_reduce_population_count3A_464 = tpu.all_reduce %ge3A_449 {dim = 0 : i64, kind = #tpu.reduction_kind<sum>} : vector<16xi1> -> vector<16xi32>
        %add3A_465 = arith.addi %add3A_444, %all_reduce_population_count3A_464 : vector<16xi32>
        %add3A_466 = arith.constant 64 : i32
        %add3A_467 = arith.addi %mul3A_369, %add3A_466 : i32
        %get3A_468 = arith.index_cast %add3A_467 : i32 to index
        %get3A_469 = tpu.vector_load %arg6[%get3A_468] {strides = array<i32>} : memref<32768xf32, #tpu.memory_space<vmem>>, vector<16xf32>,
        %ge3A_470 = arith.cmpf oge, %get3A_469, %broadcast_in_dim3A_140 : vector<16xf32>
        %convert_element_type3A_471 = arith.extui %ge3A_470 : vector<16xi1> to vector<16xi32>
        %broadcast_in_dim3A_472 = arith.constant true
        %broadcast_in_dim3A_473 = vector.broadcast %broadcast_in_dim3A_472 : i1 to vector<16xi1>
        %masked_cumsum3A_474 = tpu.scan <sum>, %convert_element_type3A_471 masked %broadcast_in_dim3A_473 : vector<16xi32>, vector<16xi1> -> vector<16xi32>
        %add3A_475 = arith.addi %add3A_465, %masked_cumsum3A_474 : vector<16xi32>
        %sub3A_476 = arith.constant 1 : i32
        %sub3A_477 = vector.broadcast %sub3A_476 : i32 to vector<16xi32>
        %sub3A_478 = arith.subi %add3A_475, %sub3A_477 : vector<16xi32>
        %lt3A_479 = arith.cmpi slt, %sub3A_478, %broadcast_in_dim3A_142 : vector<16xi32>
        %and3A_480 = arith.andi %ge3A_470, %lt3A_479 : vector<16xi1>
        tpu.vector_store_idx %arg7[%sub3A_478], %get3A_469 masked %and3A_480 : memref<4160xf32, #tpu.memory_space<vmem>>[vector<16xi32>], vector<16xf32>, vector<16xi1>
        %add3A_481 = arith.constant 64 : i32
        %add3A_482 = arith.addi %mul3A_369, %add3A_481 : i32
        %add3A_483 = vector.broadcast %add3A_482 : i32 to vector<16xi32>
        %add3A_484 = arith.addi %iota3A, %add3A_483 : vector<16xi32>
        tpu.vector_store_idx %arg8[%sub3A_478], %add3A_484 masked %and3A_480 : memref<4160xi32, #tpu.memory_space<vmem>>[vector<16xi32>], vector<16xi32>, vector<16xi1>
        %all_reduce_population_count3A_485 = tpu.all_reduce %ge3A_470 {dim = 0 : i64, kind = #tpu.reduction_kind<sum>} : vector<16xi1> -> vector<16xi32>
        %add3A_486 = arith.addi %add3A_465, %all_reduce_population_count3A_485 : vector<16xi32>
        %add3A_487 = arith.constant 80 : i32
        %add3A_488 = arith.addi %mul3A_369, %add3A_487 : i32
        %get3A_489 = arith.index_cast %add3A_488 : i32 to index
        %get3A_490 = tpu.vector_load %arg6[%get3A_489] {strides = array<i32>} : memref<32768xf32, #tpu.memory_space<vmem>>, vector<16xf32>,
        %ge3A_491 = arith.cmpf oge, %get3A_490, %broadcast_in_dim3A_140 : vector<16xf32>
        %convert_element_type3A_492 = arith.extui %ge3A_491 : vector<16xi1> to vector<16xi32>
        %broadcast_in_dim3A_493 = arith.constant true
        %broadcast_in_dim3A_494 = vector.broadcast %broadcast_in_dim3A_493 : i1 to vector<16xi1>
        %masked_cumsum3A_495 = tpu.scan <sum>, %convert_element_type3A_492 masked %broadcast_in_dim3A_494 : vector<16xi32>, vector<16xi1> -> vector<16xi32>
        %add3A_496 = arith.addi %add3A_486, %masked_cumsum3A_495 : vector<16xi32>
        %sub3A_497 = arith.constant 1 : i32
        %sub3A_498 = vector.broadcast %sub3A_497 : i32 to vector<16xi32>
        %sub3A_499 = arith.subi %add3A_496, %sub3A_498 : vector<16xi32>
        %lt3A_500 = arith.cmpi slt, %sub3A_499, %broadcast_in_dim3A_142 : vector<16xi32>
        %and3A_501 = arith.andi %ge3A_491, %lt3A_500 : vector<16xi1>
        tpu.vector_store_idx %arg7[%sub3A_499], %get3A_490 masked %and3A_501 : memref<4160xf32, #tpu.memory_space<vmem>>[vector<16xi32>], vector<16xf32>, vector<16xi1>
        %add3A_502 = arith.constant 80 : i32
        %add3A_503 = arith.addi %mul3A_369, %add3A_502 : i32
        %add3A_504 = vector.broadcast %add3A_503 : i32 to vector<16xi32>
        %add3A_505 = arith.addi %iota3A, %add3A_504 : vector<16xi32>
        tpu.vector_store_idx %arg8[%sub3A_499], %add3A_505 masked %and3A_501 : memref<4160xi32, #tpu.memory_space<vmem>>[vector<16xi32>], vector<16xi32>, vector<16xi1>
        %all_reduce_population_count3A_506 = tpu.all_reduce %ge3A_491 {dim = 0 : i64, kind = #tpu.reduction_kind<sum>} : vector<16xi1> -> vector<16xi32>
        %add3A_507 = arith.addi %add3A_486, %all_reduce_population_count3A_506 : vector<16xi32>
        %add3A_508 = arith.constant 96 : i32
        %add3A_509 = arith.addi %mul3A_369, %add3A_508 : i32
        %get3A_510 = arith.index_cast %add3A_509 : i32 to index
        %get3A_511 = tpu.vector_load %arg6[%get3A_510] {strides = array<i32>} : memref<32768xf32, #tpu.memory_space<vmem>>, vector<16xf32>,
        %ge3A_512 = arith.cmpf oge, %get3A_511, %broadcast_in_dim3A_140 : vector<16xf32>
        %convert_element_type3A_513 = arith.extui %ge3A_512 : vector<16xi1> to vector<16xi32>
        %broadcast_in_dim3A_514 = arith.constant true
        %broadcast_in_dim3A_515 = vector.broadcast %broadcast_in_dim3A_514 : i1 to vector<16xi1>
        %masked_cumsum3A_516 = tpu.scan <sum>, %convert_element_type3A_513 masked %broadcast_in_dim3A_515 : vector<16xi32>, vector<16xi1> -> vector<16xi32>
        %add3A_517 = arith.addi %add3A_507, %masked_cumsum3A_516 : vector<16xi32>
        %sub3A_518 = arith.constant 1 : i32
        %sub3A_519 = vector.broadcast %sub3A_518 : i32 to vector<16xi32>
        %sub3A_520 = arith.subi %add3A_517, %sub3A_519 : vector<16xi32>
        %lt3A_521 = arith.cmpi slt, %sub3A_520, %broadcast_in_dim3A_142 : vector<16xi32>
        %and3A_522 = arith.andi %ge3A_512, %lt3A_521 : vector<16xi1>
        tpu.vector_store_idx %arg7[%sub3A_520], %get3A_511 masked %and3A_522 : memref<4160xf32, #tpu.memory_space<vmem>>[vector<16xi32>], vector<16xf32>, vector<16xi1>
        %add3A_523 = arith.constant 96 : i32
        %add3A_524 = arith.addi %mul3A_369, %add3A_523 : i32
        %add3A_525 = vector.broadcast %add3A_524 : i32 to vector<16xi32>
        %add3A_526 = arith.addi %iota3A, %add3A_525 : vector<16xi32>
        tpu.vector_store_idx %arg8[%sub3A_520], %add3A_526 masked %and3A_522 : memref<4160xi32, #tpu.memory_space<vmem>>[vector<16xi32>], vector<16xi32>, vector<16xi1>
        %all_reduce_population_count3A_527 = tpu.all_reduce %ge3A_512 {dim = 0 : i64, kind = #tpu.reduction_kind<sum>} : vector<16xi1> -> vector<16xi32>
        %add3A_528 = arith.addi %add3A_507, %all_reduce_population_count3A_527 : vector<16xi32>
        %add3A_529 = arith.constant 112 : i32
        %add3A_530 = arith.addi %mul3A_369, %add3A_529 : i32
        %get3A_531 = arith.index_cast %add3A_530 : i32 to index
        %get3A_532 = tpu.vector_load %arg6[%get3A_531] {strides = array<i32>} : memref<32768xf32, #tpu.memory_space<vmem>>, vector<16xf32>,
        %ge3A_533 = arith.cmpf oge, %get3A_532, %broadcast_in_dim3A_140 : vector<16xf32>
        %convert_element_type3A_534 = arith.extui %ge3A_533 : vector<16xi1> to vector<16xi32>
        %broadcast_in_dim3A_535 = arith.constant true
        %broadcast_in_dim3A_536 = vector.broadcast %broadcast_in_dim3A_535 : i1 to vector<16xi1>
        %masked_cumsum3A_537 = tpu.scan <sum>, %convert_element_type3A_534 masked %broadcast_in_dim3A_536 : vector<16xi32>, vector<16xi1> -> vector<16xi32>
        %add3A_538 = arith.addi %add3A_528, %masked_cumsum3A_537 : vector<16xi32>
        %sub3A_539 = arith.constant 1 : i32
        %sub3A_540 = vector.broadcast %sub3A_539 : i32 to vector<16xi32>
        %sub3A_541 = arith.subi %add3A_538, %sub3A_540 : vector<16xi32>
        %lt3A_542 = arith.cmpi slt, %sub3A_541, %broadcast_in_dim3A_142 : vector<16xi32>
        %and3A_543 = arith.andi %ge3A_533, %lt3A_542 : vector<16xi1>
        tpu.vector_store_idx %arg7[%sub3A_541], %get3A_532 masked %and3A_543 : memref<4160xf32, #tpu.memory_space<vmem>>[vector<16xi32>], vector<16xf32>, vector<16xi1>
        %add3A_544 = arith.constant 112 : i32
        %add3A_545 = arith.addi %mul3A_369, %add3A_544 : i32
        %add3A_546 = vector.broadcast %add3A_545 : i32 to vector<16xi32>
        %add3A_547 = arith.addi %iota3A, %add3A_546 : vector<16xi32>
        tpu.vector_store_idx %arg8[%sub3A_541], %add3A_547 masked %and3A_543 : memref<4160xi32, #tpu.memory_space<vmem>>[vector<16xi32>], vector<16xi32>, vector<16xi1>
        %all_reduce_population_count3A_548 = tpu.all_reduce %ge3A_533 {dim = 0 : i64, kind = #tpu.reduction_kind<sum>} : vector<16xi1> -> vector<16xi32>
        %add3A_549 = arith.addi %add3A_528, %all_reduce_population_count3A_548 : vector<16xi32>
        scf.yield %add3A_549 : vector<16xi32>
      } else {
        scf.yield %scan3A_367 : vector<16xi32>
      }
      scf.yield %cond3A_386 : vector<16xi32>
    }
    %scan3A_150 = arith.constant 256 : i32
    %reduce_max3A_151 = arith.constant true
    %reduce_max3A_152 = vector.broadcast %reduce_max3A_151 : i1 to vector<16xi1>
    %reduce_max3A_153 = arith.constant -2147483648 : i32
    %reduce_max3A_154 = vector.broadcast %reduce_max3A_153 : i32 to vector<16xi32>
    %reduce_max3A_155 = arith.xori %scan3A_149, %reduce_max3A_154 : vector<16xi32>
    %reduce_max3A_156 = tpu.scan <max>, %reduce_max3A_155 masked %reduce_max3A_152 : vector<16xi32>, vector<16xi1> -> vector<16xi32>
    %reduce_max3A_157 = arith.xori %reduce_max3A_156, %reduce_max3A_154 : vector<16xi32>
    %reduce_max3A_158 = vector.extract %reduce_max3A_157[15] : i32 from vector<16xi32>
    %min3A_159 = arith.constant 4096 : i32
    %min3A_160 = arith.minsi %reduce_max3A_158, %min3A_159 : i32
    %add3A_161 = arith.constant 0 : i32
    %add3A_162 = arith.addi %min3A_160, %add3A_161 : i32
    %swap3A_163 = arith.index_cast %add3A_162 : i32 to index
    %swap3A_164 = tpu.vector_load %arg7[%swap3A_163] {strides = array<i32>} : memref<4160xf32, #tpu.memory_space<vmem>>, vector<16xf32>,
    tpu.vector_store %arg7[%swap3A_163], %broadcast_in_dim3A_5 {strides = array<i32>} : memref<4160xf32, #tpu.memory_space<vmem>>, vector<16xf32>,
    %add3A_165 = arith.constant 16 : i32
    %add3A_166 = arith.addi %min3A_160, %add3A_165 : i32
    %swap3A_167 = arith.index_cast %add3A_166 : i32 to index
    %swap3A_168 = tpu.vector_load %arg7[%swap3A_167] {strides = array<i32>} : memref<4160xf32, #tpu.memory_space<vmem>>, vector<16xf32>,
    tpu.vector_store %arg7[%swap3A_167], %broadcast_in_dim3A_5 {strides = array<i32>} : memref<4160xf32, #tpu.memory_space<vmem>>, vector<16xf32>,
    %add3A_169 = arith.constant 32 : i32
    %add3A_170 = arith.addi %min3A_160, %add3A_169 : i32
    %swap3A_171 = arith.index_cast %add3A_170 : i32 to index
    %swap3A_172 = tpu.vector_load %arg7[%swap3A_171] {strides = array<i32>} : memref<4160xf32, #tpu.memory_space<vmem>>, vector<16xf32>,
    tpu.vector_store %arg7[%swap3A_171], %broadcast_in_dim3A_5 {strides = array<i32>} : memref<4160xf32, #tpu.memory_space<vmem>>, vector<16xf32>,
    %add3A_173 = arith.constant 48 : i32
    %add3A_174 = arith.addi %min3A_160, %add3A_173 : i32
    %swap3A_175 = arith.index_cast %add3A_174 : i32 to index
    %swap3A_176 = tpu.vector_load %arg7[%swap3A_175] {strides = array<i32>} : memref<4160xf32, #tpu.memory_space<vmem>>, vector<16xf32>,
    tpu.vector_store %arg7[%swap3A_175], %broadcast_in_dim3A_5 {strides = array<i32>} : memref<4160xf32, #tpu.memory_space<vmem>>, vector<16xf32>,
    %le3A_177 = arith.constant 4096 : i32
    %le3A_178 = arith.cmpi sle, %reduce_max3A_158, %le3A_177 : i32
    %convert_element_type3A_179 = arith.extui %le3A_178 : i1 to i32
    %cond3A_180 = arith.constant 0 : i32
    %cond3A_181 = arith.constant 0 : i32
    %cond3A_182 = arith.cmpi ne, %convert_element_type3A_179, %cond3A_181 : i32
    %cond3A_183 = scf.if %cond3A_182 -> (i32) {
      %add3A_366 = arith.constant 64 : i32
      %add3A_367 = arith.addi %reduce_max3A_158, %add3A_366 : i32
      %sub3A = arith.constant 1 : i32
      %sub3A_368 = arith.subi %add3A_367, %sub3A : i32
      %jit3A = arith.constant 64 : i32
      %div3A = arith.divsi %sub3A_368, %jit3A : i32
      %sign3A = arith.constant 0 : i32
      %sign3A_369 = arith.cmpi sgt, %sub3A_368, %sign3A : i32
      %sign3A_370 = arith.extui %sign3A_369 : i1 to i32
      %sign3A_371 = arith.constant 0 : i32
      %sign3A_372 = arith.cmpi slt, %sub3A_368, %sign3A_371 : i32
      %sign3A_373 = arith.extui %sign3A_372 : i1 to i32
      %sign3A_374 = arith.subi %sign3A_370, %sign3A_373 : i32
      %sign3A_375 = arith.constant 0 : i32
      %sign3A_376 = arith.cmpi sgt, %jit3A, %sign3A_375 : i32
      %sign3A_377 = arith.extui %sign3A_376 : i1 to i32
      %sign3A_378 = arith.constant 0 : i32
      %sign3A_379 = arith.cmpi slt, %jit3A, %sign3A_378 : i32
      %sign3A_380 = arith.extui %sign3A_379 : i1 to i32
      %sign3A_381 = arith.subi %sign3A_377, %sign3A_380 : i32
      %ne3A = arith.cmpi ne, %sign3A_374, %sign3A_381 : i32
      %rem3A = arith.remsi %sub3A_368, %jit3A : i32
      %ne3A_382 = arith.constant 0 : i32
      %ne3A_383 = arith.cmpi ne, %rem3A, %ne3A_382 : i32
      %and3A = arith.andi %ne3A, %ne3A_383 : i1
      %sub3A_384 = arith.constant 1 : i32
      %sub3A_385 = arith.subi %div3A, %sub3A_384 : i32
      %select_n3A = arith.select %and3A, %sub3A_385, %div3A : i32
      %scan3A_386 = arith.constant 0 : i32
      %scan3A_387 = arith.constant 0 : i32
      %scan3A_388 = arith.constant 64 : i32
      %scan3A_389 = arith.addi %scan3A_387, %scan3A_388 : i32
      %scan3A_390 = arith.constant 1 : i32
      %scan3A_391 = scf.for %scan3A_394 = %scan3A_387 to %scan3A_389 step %scan3A_390 iter_args(%scan3A_395 = %scan3A_386) -> (i32)  : i32 {
        %broadcast_in_dim3A_396 = arith.constant 0xFF800000 : f32
        %broadcast_in_dim3A_397 = vector.broadcast %broadcast_in_dim3A_396 : f32 to vector<16xf32>
        %broadcast_in_dim3A_398 = arith.constant 0 : i32
        %broadcast_in_dim3A_399 = vector.broadcast %broadcast_in_dim3A_398 : i32 to vector<16xi32>
        %while3A = arith.constant 0 : i32
        %while3A_400 = arith.subi %select_n3A, %while3A : i32
        %while3A_401 = arith.addi %while3A, %while3A_400 : i32
        %while3A_402 = arith.constant 1 : i32
        %while3A_403 = arith.divsi %while3A_400, %while3A_402 : i32
        %while3A_404 = arith.muli %while3A_403, %while3A_402 : i32
        %while3A_405 = arith.addi %while3A, %while3A_404 : i32
        %while3A_406 = arith.constant 1 : i32
        %while3A_407:2 = scf.for %while3A_431 = %while3A to %while3A_405 step %while3A_406 iter_args(%while3A_432 = %broadcast_in_dim3A_397, %while3A_433 = %broadcast_in_dim3A_399) -> (vector<16xf32>, vector<16xi32>)  : i32 {
          %mul3A_434 = arith.constant 4 : i32
          %mul3A_435 = arith.muli %while3A_431, %mul3A_434 : i32
          %add3A_436 = arith.constant 0 : i32
          %add3A_437 = arith.addi %mul3A_435, %add3A_436 : i32
          %mul3A_438 = arith.constant 16 : i32
          %mul3A_439 = arith.muli %add3A_437, %mul3A_438 : i32
          %get3A = arith.index_cast %mul3A_439 : i32 to index
          %get3A_440 = tpu.vector_load %arg7[%get3A] {strides = array<i32>} : memref<4160xf32, #tpu.memory_space<vmem>>, vector<16xf32>,
          %gt3A = arith.cmpf ogt, %get3A_440, %while3A_432 : vector<16xf32>
          %max3A = arith.maximumf %while3A_432, %get3A_440 : vector<16xf32>
          %mul3A_441 = arith.constant 16 : i32
          %mul3A_442 = arith.muli %add3A_437, %mul3A_441 : i32
          %broadcast_in_dim3A_443 = vector.broadcast %mul3A_442 : i32 to vector<16xi32>
          %add3A_444 = arith.addi %broadcast_in_dim3A_443, %iota3A : vector<16xi32>
          %select_n3A_445 = arith.select %gt3A, %add3A_444, %while3A_433 : vector<16xi1>, vector<16xi32>
          %mul3A_446 = arith.constant 4 : i32
          %mul3A_447 = arith.muli %while3A_431, %mul3A_446 : i32
          %add3A_448 = arith.constant 1 : i32
          %add3A_449 = arith.addi %mul3A_447, %add3A_448 : i32
          %mul3A_450 = arith.constant 16 : i32
          %mul3A_451 = arith.muli %add3A_449, %mul3A_450 : i32
          %get3A_452 = arith.index_cast %mul3A_451 : i32 to index
          %get3A_453 = tpu.vector_load %arg7[%get3A_452] {strides = array<i32>} : memref<4160xf32, #tpu.memory_space<vmem>>, vector<16xf32>,
          %gt3A_454 = arith.cmpf ogt, %get3A_453, %max3A : vector<16xf32>
          %max3A_455 = arith.maximumf %max3A, %get3A_453 : vector<16xf32>
          %mul3A_456 = arith.constant 16 : i32
          %mul3A_457 = arith.muli %add3A_449, %mul3A_456 : i32
          %broadcast_in_dim3A_458 = vector.broadcast %mul3A_457 : i32 to vector<16xi32>
          %add3A_459 = arith.addi %broadcast_in_dim3A_458, %iota3A : vector<16xi32>
          %select_n3A_460 = arith.select %gt3A_454, %add3A_459, %select_n3A_445 : vector<16xi1>, vector<16xi32>
          %mul3A_461 = arith.constant 4 : i32
          %mul3A_462 = arith.muli %while3A_431, %mul3A_461 : i32
          %add3A_463 = arith.constant 2 : i32
          %add3A_464 = arith.addi %mul3A_462, %add3A_463 : i32
          %mul3A_465 = arith.constant 16 : i32
          %mul3A_466 = arith.muli %add3A_464, %mul3A_465 : i32
          %get3A_467 = arith.index_cast %mul3A_466 : i32 to index
          %get3A_468 = tpu.vector_load %arg7[%get3A_467] {strides = array<i32>} : memref<4160xf32, #tpu.memory_space<vmem>>, vector<16xf32>,
          %gt3A_469 = arith.cmpf ogt, %get3A_468, %max3A_455 : vector<16xf32>
          %max3A_470 = arith.maximumf %max3A_455, %get3A_468 : vector<16xf32>
          %mul3A_471 = arith.constant 16 : i32
          %mul3A_472 = arith.muli %add3A_464, %mul3A_471 : i32
          %broadcast_in_dim3A_473 = vector.broadcast %mul3A_472 : i32 to vector<16xi32>
          %add3A_474 = arith.addi %broadcast_in_dim3A_473, %iota3A : vector<16xi32>
          %select_n3A_475 = arith.select %gt3A_469, %add3A_474, %select_n3A_460 : vector<16xi1>, vector<16xi32>
          %mul3A_476 = arith.constant 4 : i32
          %mul3A_477 = arith.muli %while3A_431, %mul3A_476 : i32
          %add3A_478 = arith.constant 3 : i32
          %add3A_479 = arith.addi %mul3A_477, %add3A_478 : i32
          %mul3A_480 = arith.constant 16 : i32
          %mul3A_481 = arith.muli %add3A_479, %mul3A_480 : i32
          %get3A_482 = arith.index_cast %mul3A_481 : i32 to index
          %get3A_483 = tpu.vector_load %arg7[%get3A_482] {strides = array<i32>} : memref<4160xf32, #tpu.memory_space<vmem>>, vector<16xf32>,
          %gt3A_484 = arith.cmpf ogt, %get3A_483, %max3A_470 : vector<16xf32>
          %max3A_485 = arith.maximumf %max3A_470, %get3A_483 : vector<16xf32>
          %mul3A_486 = arith.constant 16 : i32
          %mul3A_487 = arith.muli %add3A_479, %mul3A_486 : i32
          %broadcast_in_dim3A_488 = vector.broadcast %mul3A_487 : i32 to vector<16xi32>
          %add3A_489 = arith.addi %broadcast_in_dim3A_488, %iota3A : vector<16xi32>
          %select_n3A_490 = arith.select %gt3A_484, %add3A_489, %select_n3A_475 : vector<16xi1>, vector<16xi32>
          scf.yield %max3A_485, %select_n3A_490 : vector<16xf32>, vector<16xi32>
        }
        %while3A_408 = arith.constant 1 : i32
        %while3A_409:2 = scf.for %while3A_431 = %while3A_405 to %while3A_401 step %while3A_408 iter_args(%while3A_432 = %while3A_407#0, %while3A_433 = %while3A_407#1) -> (vector<16xf32>, vector<16xi32>)  : i32 {
          %mul3A_434 = arith.constant 4 : i32
          %mul3A_435 = arith.muli %while3A_431, %mul3A_434 : i32
          %add3A_436 = arith.constant 0 : i32
          %add3A_437 = arith.addi %mul3A_435, %add3A_436 : i32
          %mul3A_438 = arith.constant 16 : i32
          %mul3A_439 = arith.muli %add3A_437, %mul3A_438 : i32
          %get3A = arith.index_cast %mul3A_439 : i32 to index
          %get3A_440 = tpu.vector_load %arg7[%get3A] {strides = array<i32>} : memref<4160xf32, #tpu.memory_space<vmem>>, vector<16xf32>,
          %gt3A = arith.cmpf ogt, %get3A_440, %while3A_432 : vector<16xf32>
          %max3A = arith.maximumf %while3A_432, %get3A_440 : vector<16xf32>
          %mul3A_441 = arith.constant 16 : i32
          %mul3A_442 = arith.muli %add3A_437, %mul3A_441 : i32
          %broadcast_in_dim3A_443 = vector.broadcast %mul3A_442 : i32 to vector<16xi32>
          %add3A_444 = arith.addi %broadcast_in_dim3A_443, %iota3A : vector<16xi32>
          %select_n3A_445 = arith.select %gt3A, %add3A_444, %while3A_433 : vector<16xi1>, vector<16xi32>
          %mul3A_446 = arith.constant 4 : i32
          %mul3A_447 = arith.muli %while3A_431, %mul3A_446 : i32
          %add3A_448 = arith.constant 1 : i32
          %add3A_449 = arith.addi %mul3A_447, %add3A_448 : i32
          %mul3A_450 = arith.constant 16 : i32
          %mul3A_451 = arith.muli %add3A_449, %mul3A_450 : i32
          %get3A_452 = arith.index_cast %mul3A_451 : i32 to index
          %get3A_453 = tpu.vector_load %arg7[%get3A_452] {strides = array<i32>} : memref<4160xf32, #tpu.memory_space<vmem>>, vector<16xf32>,
          %gt3A_454 = arith.cmpf ogt, %get3A_453, %max3A : vector<16xf32>
          %max3A_455 = arith.maximumf %max3A, %get3A_453 : vector<16xf32>
          %mul3A_456 = arith.constant 16 : i32
          %mul3A_457 = arith.muli %add3A_449, %mul3A_456 : i32
          %broadcast_in_dim3A_458 = vector.broadcast %mul3A_457 : i32 to vector<16xi32>
          %add3A_459 = arith.addi %broadcast_in_dim3A_458, %iota3A : vector<16xi32>
          %select_n3A_460 = arith.select %gt3A_454, %add3A_459, %select_n3A_445 : vector<16xi1>, vector<16xi32>
          %mul3A_461 = arith.constant 4 : i32
          %mul3A_462 = arith.muli %while3A_431, %mul3A_461 : i32
          %add3A_463 = arith.constant 2 : i32
          %add3A_464 = arith.addi %mul3A_462, %add3A_463 : i32
          %mul3A_465 = arith.constant 16 : i32
          %mul3A_466 = arith.muli %add3A_464, %mul3A_465 : i32
          %get3A_467 = arith.index_cast %mul3A_466 : i32 to index
          %get3A_468 = tpu.vector_load %arg7[%get3A_467] {strides = array<i32>} : memref<4160xf32, #tpu.memory_space<vmem>>, vector<16xf32>,
          %gt3A_469 = arith.cmpf ogt, %get3A_468, %max3A_455 : vector<16xf32>
          %max3A_470 = arith.maximumf %max3A_455, %get3A_468 : vector<16xf32>
          %mul3A_471 = arith.constant 16 : i32
          %mul3A_472 = arith.muli %add3A_464, %mul3A_471 : i32
          %broadcast_in_dim3A_473 = vector.broadcast %mul3A_472 : i32 to vector<16xi32>
          %add3A_474 = arith.addi %broadcast_in_dim3A_473, %iota3A : vector<16xi32>
          %select_n3A_475 = arith.select %gt3A_469, %add3A_474, %select_n3A_460 : vector<16xi1>, vector<16xi32>
          %mul3A_476 = arith.constant 4 : i32
          %mul3A_477 = arith.muli %while3A_431, %mul3A_476 : i32
          %add3A_478 = arith.constant 3 : i32
          %add3A_479 = arith.addi %mul3A_477, %add3A_478 : i32
          %mul3A_480 = arith.constant 16 : i32
          %mul3A_481 = arith.muli %add3A_479, %mul3A_480 : i32
          %get3A_482 = arith.index_cast %mul3A_481 : i32 to index
          %get3A_483 = tpu.vector_load %arg7[%get3A_482] {strides = array<i32>} : memref<4160xf32, #tpu.memory_space<vmem>>, vector<16xf32>,
          %gt3A_484 = arith.cmpf ogt, %get3A_483, %max3A_470 : vector<16xf32>
          %max3A_485 = arith.maximumf %max3A_470, %get3A_483 : vector<16xf32>
          %mul3A_486 = arith.constant 16 : i32
          %mul3A_487 = arith.muli %add3A_479, %mul3A_486 : i32
          %broadcast_in_dim3A_488 = vector.broadcast %mul3A_487 : i32 to vector<16xi32>
          %add3A_489 = arith.addi %broadcast_in_dim3A_488, %iota3A : vector<16xi32>
          %select_n3A_490 = arith.select %gt3A_484, %add3A_489, %select_n3A_475 : vector<16xi1>, vector<16xi32>
          scf.yield %max3A_485, %select_n3A_490 : vector<16xf32>, vector<16xi32>
        }
        %reduce_max3A_410 = arith.constant true
        %reduce_max3A_411 = vector.broadcast %reduce_max3A_410 : i1 to vector<16xi1>
        %reduce_max3A_412 = tpu.scan <max>, %while3A_409#0 masked %reduce_max3A_411 : vector<16xf32>, vector<16xi1> -> vector<16xf32>
        %reduce_max3A_413 = vector.extract %reduce_max3A_412[15] : f32 from vector<16xf32>
        %broadcast_in_dim3A_414 = vector.broadcast %reduce_max3A_413 : f32 to vector<16xf32>
        %eq3A_415 = arith.cmpf oeq, %while3A_409#0, %broadcast_in_dim3A_414 : vector<16xf32>
        %jit3A_416 = arith.constant 1073741824 : i32
        %broadcast_in_dim3A_417 = vector.broadcast %jit3A_416 : i32 to vector<16xi32>
        %select_n3A_418 = arith.select %eq3A_415, %while3A_409#1, %broadcast_in_dim3A_417 : vector<16xi1>, vector<16xi32>
        %reduce_min3A_419 = arith.constant true
        %reduce_min3A_420 = vector.broadcast %reduce_min3A_419 : i1 to vector<16xi1>
        %reduce_min3A_421 = arith.constant -2147483648 : i32
        %reduce_min3A_422 = vector.broadcast %reduce_min3A_421 : i32 to vector<16xi32>
        %reduce_min3A_423 = arith.xori %select_n3A_418, %reduce_min3A_422 : vector<16xi32>
        %reduce_min3A_424 = tpu.scan <min>, %reduce_min3A_423 masked %reduce_min3A_420 : vector<16xi32>, vector<16xi1> -> vector<16xi32>
        %reduce_min3A_425 = arith.xori %reduce_min3A_424, %reduce_min3A_422 : vector<16xi32>
        %reduce_min3A_426 = vector.extract %reduce_min3A_425[15] : i32 from vector<16xi32>
        %broadcast_in_dim3A_427 = vector.broadcast %reduce_min3A_426 : i32 to vector<16xi32>
        %broadcast_in_dim3A_428 = vector.broadcast %scan3A_394 : i32 to vector<16xi32>
        tpu.vector_store_idx %arg10[%broadcast_in_dim3A_428], %broadcast_in_dim3A_414 masked %eq3A_4 : memref<64xf32, #tpu.memory_space<vmem>>[vector<16xi32>], vector<16xf32>, vector<16xi1>
        %broadcast_in_dim3A_429 = vector.broadcast %scan3A_394 : i32 to vector<16xi32>
        %gather3A = tpu.vector_load_idx %arg8[%broadcast_in_dim3A_427] : memref<4160xi32, #tpu.memory_space<vmem>>[vector<16xi32>], vector<16xi32>,
        tpu.vector_store_idx %arg11[%broadcast_in_dim3A_429], %gather3A masked %eq3A_4 : memref<64xi32, #tpu.memory_space<vmem>>[vector<16xi32>], vector<16xi32>, vector<16xi1>
        tpu.vector_store_idx %arg7[%broadcast_in_dim3A_427], %broadcast_in_dim3A_5 masked %eq3A_4 : memref<4160xf32, #tpu.memory_space<vmem>>[vector<16xi32>], vector<16xf32>, vector<16xi1>
        %scan3A_430 = arith.constant 0 : i32
        scf.yield %scan3A_430 : i32
      }
      %scan3A_392 = arith.constant 64 : i32
      %cond3A_393 = arith.constant 0 : i32
      scf.yield %cond3A_393 : i32
    } else {
      %scan3A_366 = arith.constant 0 : i32
      %scan3A_367 = arith.constant 0 : i32
      %scan3A_368 = arith.constant 64 : i32
      %scan3A_369 = arith.addi %scan3A_367, %scan3A_368 : i32
      %scan3A_370 = arith.constant 1 : i32
      %scan3A_371 = scf.for %scan3A_374 = %scan3A_367 to %scan3A_369 step %scan3A_370 iter_args(%scan3A_375 = %scan3A_366) -> (i32)  : i32 {
        %broadcast_in_dim3A_376 = arith.constant 0xFF800000 : f32
        %broadcast_in_dim3A_377 = vector.broadcast %broadcast_in_dim3A_376 : f32 to vector<16xf32>
        %broadcast_in_dim3A_378 = arith.constant 0 : i32
        %broadcast_in_dim3A_379 = vector.broadcast %broadcast_in_dim3A_378 : i32 to vector<16xi32>
        %scan3A_380 = arith.constant 0 : i32
        %scan3A_381 = arith.constant 512 : i32
        %scan3A_382 = arith.addi %scan3A_380, %scan3A_381 : i32
        %scan3A_383 = arith.constant 1 : i32
        %scan3A_384:2 = scf.for %scan3A_405 = %scan3A_380 to %scan3A_382 step %scan3A_383 iter_args(%scan3A_406 = %broadcast_in_dim3A_377, %scan3A_407 = %broadcast_in_dim3A_379) -> (vector<16xf32>, vector<16xi32>)  : i32 {
          %mul3A_408 = arith.constant 4 : i32
          %mul3A_409 = arith.muli %scan3A_405, %mul3A_408 : i32
          %add3A_410 = arith.constant 0 : i32
          %add3A_411 = arith.addi %mul3A_409, %add3A_410 : i32
          %mul3A_412 = arith.constant 16 : i32
          %mul3A_413 = arith.muli %add3A_411, %mul3A_412 : i32
          %get3A = arith.index_cast %mul3A_413 : i32 to index
          %get3A_414 = tpu.vector_load %arg6[%get3A] {strides = array<i32>} : memref<32768xf32, #tpu.memory_space<vmem>>, vector<16xf32>,
          %gt3A = arith.cmpf ogt, %get3A_414, %scan3A_406 : vector<16xf32>
          %max3A = arith.maximumf %scan3A_406, %get3A_414 : vector<16xf32>
          %mul3A_415 = arith.constant 16 : i32
          %mul3A_416 = arith.muli %add3A_411, %mul3A_415 : i32
          %broadcast_in_dim3A_417 = vector.broadcast %mul3A_416 : i32 to vector<16xi32>
          %add3A_418 = arith.addi %broadcast_in_dim3A_417, %iota3A : vector<16xi32>
          %select_n3A_419 = arith.select %gt3A, %add3A_418, %scan3A_407 : vector<16xi1>, vector<16xi32>
          %mul3A_420 = arith.constant 4 : i32
          %mul3A_421 = arith.muli %scan3A_405, %mul3A_420 : i32
          %add3A_422 = arith.constant 1 : i32
          %add3A_423 = arith.addi %mul3A_421, %add3A_422 : i32
          %mul3A_424 = arith.constant 16 : i32
          %mul3A_425 = arith.muli %add3A_423, %mul3A_424 : i32
          %get3A_426 = arith.index_cast %mul3A_425 : i32 to index
          %get3A_427 = tpu.vector_load %arg6[%get3A_426] {strides = array<i32>} : memref<32768xf32, #tpu.memory_space<vmem>>, vector<16xf32>,
          %gt3A_428 = arith.cmpf ogt, %get3A_427, %max3A : vector<16xf32>
          %max3A_429 = arith.maximumf %max3A, %get3A_427 : vector<16xf32>
          %mul3A_430 = arith.constant 16 : i32
          %mul3A_431 = arith.muli %add3A_423, %mul3A_430 : i32
          %broadcast_in_dim3A_432 = vector.broadcast %mul3A_431 : i32 to vector<16xi32>
          %add3A_433 = arith.addi %broadcast_in_dim3A_432, %iota3A : vector<16xi32>
          %select_n3A_434 = arith.select %gt3A_428, %add3A_433, %select_n3A_419 : vector<16xi1>, vector<16xi32>
          %mul3A_435 = arith.constant 4 : i32
          %mul3A_436 = arith.muli %scan3A_405, %mul3A_435 : i32
          %add3A_437 = arith.constant 2 : i32
          %add3A_438 = arith.addi %mul3A_436, %add3A_437 : i32
          %mul3A_439 = arith.constant 16 : i32
          %mul3A_440 = arith.muli %add3A_438, %mul3A_439 : i32
          %get3A_441 = arith.index_cast %mul3A_440 : i32 to index
          %get3A_442 = tpu.vector_load %arg6[%get3A_441] {strides = array<i32>} : memref<32768xf32, #tpu.memory_space<vmem>>, vector<16xf32>,
          %gt3A_443 = arith.cmpf ogt, %get3A_442, %max3A_429 : vector<16xf32>
          %max3A_444 = arith.maximumf %max3A_429, %get3A_442 : vector<16xf32>
          %mul3A_445 = arith.constant 16 : i32
          %mul3A_446 = arith.muli %add3A_438, %mul3A_445 : i32
          %broadcast_in_dim3A_447 = vector.broadcast %mul3A_446 : i32 to vector<16xi32>
          %add3A_448 = arith.addi %broadcast_in_dim3A_447, %iota3A : vector<16xi32>
          %select_n3A_449 = arith.select %gt3A_443, %add3A_448, %select_n3A_434 : vector<16xi1>, vector<16xi32>
          %mul3A_450 = arith.constant 4 : i32
          %mul3A_451 = arith.muli %scan3A_405, %mul3A_450 : i32
          %add3A_452 = arith.constant 3 : i32
          %add3A_453 = arith.addi %mul3A_451, %add3A_452 : i32
          %mul3A_454 = arith.constant 16 : i32
          %mul3A_455 = arith.muli %add3A_453, %mul3A_454 : i32
          %get3A_456 = arith.index_cast %mul3A_455 : i32 to index
          %get3A_457 = tpu.vector_load %arg6[%get3A_456] {strides = array<i32>} : memref<32768xf32, #tpu.memory_space<vmem>>, vector<16xf32>,
          %gt3A_458 = arith.cmpf ogt, %get3A_457, %max3A_444 : vector<16xf32>
          %max3A_459 = arith.maximumf %max3A_444, %get3A_457 : vector<16xf32>
          %mul3A_460 = arith.constant 16 : i32
          %mul3A_461 = arith.muli %add3A_453, %mul3A_460 : i32
          %broadcast_in_dim3A_462 = vector.broadcast %mul3A_461 : i32 to vector<16xi32>
          %add3A_463 = arith.addi %broadcast_in_dim3A_462, %iota3A : vector<16xi32>
          %select_n3A_464 = arith.select %gt3A_458, %add3A_463, %select_n3A_449 : vector<16xi1>, vector<16xi32>
          scf.yield %max3A_459, %select_n3A_464 : vector<16xf32>, vector<16xi32>
        }
        %scan3A_385 = arith.constant 512 : i32
        %reduce_max3A_386 = arith.constant true
        %reduce_max3A_387 = vector.broadcast %reduce_max3A_386 : i1 to vector<16xi1>
        %reduce_max3A_388 = tpu.scan <max>, %scan3A_384#0 masked %reduce_max3A_387 : vector<16xf32>, vector<16xi1> -> vector<16xf32>
        %reduce_max3A_389 = vector.extract %reduce_max3A_388[15] : f32 from vector<16xf32>
        %broadcast_in_dim3A_390 = vector.broadcast %reduce_max3A_389 : f32 to vector<16xf32>
        %eq3A_391 = arith.cmpf oeq, %scan3A_384#0, %broadcast_in_dim3A_390 : vector<16xf32>
        %jit3A = arith.constant 1073741824 : i32
        %broadcast_in_dim3A_392 = vector.broadcast %jit3A : i32 to vector<16xi32>
        %select_n3A = arith.select %eq3A_391, %scan3A_384#1, %broadcast_in_dim3A_392 : vector<16xi1>, vector<16xi32>
        %reduce_min3A_393 = arith.constant true
        %reduce_min3A_394 = vector.broadcast %reduce_min3A_393 : i1 to vector<16xi1>
        %reduce_min3A_395 = arith.constant -2147483648 : i32
        %reduce_min3A_396 = vector.broadcast %reduce_min3A_395 : i32 to vector<16xi32>
        %reduce_min3A_397 = arith.xori %select_n3A, %reduce_min3A_396 : vector<16xi32>
        %reduce_min3A_398 = tpu.scan <min>, %reduce_min3A_397 masked %reduce_min3A_394 : vector<16xi32>, vector<16xi1> -> vector<16xi32>
        %reduce_min3A_399 = arith.xori %reduce_min3A_398, %reduce_min3A_396 : vector<16xi32>
        %reduce_min3A_400 = vector.extract %reduce_min3A_399[15] : i32 from vector<16xi32>
        %broadcast_in_dim3A_401 = vector.broadcast %reduce_min3A_400 : i32 to vector<16xi32>
        %broadcast_in_dim3A_402 = vector.broadcast %scan3A_374 : i32 to vector<16xi32>
        tpu.vector_store_idx %arg10[%broadcast_in_dim3A_402], %broadcast_in_dim3A_390 masked %eq3A_4 : memref<64xf32, #tpu.memory_space<vmem>>[vector<16xi32>], vector<16xf32>, vector<16xi1>
        %broadcast_in_dim3A_403 = vector.broadcast %scan3A_374 : i32 to vector<16xi32>
        tpu.vector_store_idx %arg11[%broadcast_in_dim3A_403], %broadcast_in_dim3A_401 masked %eq3A_4 : memref<64xi32, #tpu.memory_space<vmem>>[vector<16xi32>], vector<16xi32>, vector<16xi1>
        tpu.vector_store_idx %arg6[%broadcast_in_dim3A_401], %broadcast_in_dim3A_5 masked %eq3A_4 : memref<32768xf32, #tpu.memory_space<vmem>>[vector<16xi32>], vector<16xf32>, vector<16xi1>
        %scan3A_404 = arith.constant 0 : i32
        scf.yield %scan3A_404 : i32
      }
      %scan3A_372 = arith.constant 64 : i32
      %cond3A_373 = arith.constant 0 : i32
      scf.yield %cond3A_373 : i32
    }
    %add3A_184 = arith.constant 1 : i32
    %add3A_185 = arith.addi %mul3A_2, %add3A_184 : i32
    "tpu.region"() ({
      %run_scoped3A = tpu.sem_alloc : memref<!tpu.dma_semaphore, #tpu.memory_space<semaphore_mem>>
      %dma_start3A_366 = arith.constant 0 : i32
      %dma_start3A_367 = tpu.memref_slice %arg3[%add3A_185, %dma_start3A_366] : memref<128x64xf32, #tpu.memory_space<hbm>> -> memref<1x64xf32, #tpu.memory_space<hbm>>
      %dma_start3A_368 = tpu.memref_squeeze %dma_start3A_367 : memref<1x64xf32, #tpu.memory_space<hbm>> -> memref<64xf32, #tpu.memory_space<hbm>>
      %dma_start3A_369 = arith.constant 0 : i32
      %dma_start3A_370 = tpu.memref_slice %arg3[%add3A_185, %dma_start3A_369] : memref<128x64xf32, #tpu.memory_space<hbm>> -> memref<1x64xf32, #tpu.memory_space<hbm>>
      %dma_start3A_371 = tpu.memref_squeeze %dma_start3A_370 : memref<1x64xf32, #tpu.memory_space<hbm>> -> memref<64xf32, #tpu.memory_space<hbm>>
      tpu.enqueue_dma source(%arg10 : memref<64xf32, #tpu.memory_space<vmem>>) target(%dma_start3A_371 : memref<64xf32, #tpu.memory_space<hbm>>) target_semaphore(%run_scoped3A : memref<!tpu.dma_semaphore, #tpu.memory_space<semaphore_mem>>)
      %dma_wait3A_372 = arith.constant 0 : i32
      %dma_wait3A_373 = tpu.memref_slice %arg3[%add3A_185, %dma_wait3A_372] : memref<128x64xf32, #tpu.memory_space<hbm>> -> memref<1x64xf32, #tpu.memory_space<hbm>>
      %dma_wait3A_374 = tpu.memref_squeeze %dma_wait3A_373 : memref<1x64xf32, #tpu.memory_space<hbm>> -> memref<64xf32, #tpu.memory_space<hbm>>
      %dma_wait3A_375 = arith.constant 0 : i32
      %dma_wait3A_376 = tpu.memref_slice %arg3[%add3A_185, %dma_wait3A_375] : memref<128x64xf32, #tpu.memory_space<hbm>> -> memref<1x64xf32, #tpu.memory_space<hbm>>
      %dma_wait3A_377 = tpu.memref_squeeze %dma_wait3A_376 : memref<1x64xf32, #tpu.memory_space<hbm>> -> memref<64xf32, #tpu.memory_space<hbm>>
      tpu.wait_dma2 semaphore(%run_scoped3A : memref<!tpu.dma_semaphore, #tpu.memory_space<semaphore_mem>>) src(%arg10 : memref<64xf32, #tpu.memory_space<vmem>>) dst(%dma_wait3A_377 : memref<64xf32, #tpu.memory_space<hbm>>)
      tpu.yield
    }) : () -> ()
    %add3A_186 = arith.constant 1 : i32
    %add3A_187 = arith.addi %mul3A_2, %add3A_186 : i32
    "tpu.region"() ({
      %run_scoped3A = tpu.sem_alloc : memref<!tpu.dma_semaphore, #tpu.memory_space<semaphore_mem>>
      %dma_start3A_366 = arith.constant 0 : i32
      %dma_start3A_367 = tpu.memref_slice %arg4[%add3A_187, %dma_start3A_366] : memref<128x64xi32, #tpu.memory_space<hbm>> -> memref<1x64xi32, #tpu.memory_space<hbm>>
      %dma_start3A_368 = tpu.memref_squeeze %dma_start3A_367 : memref<1x64xi32, #tpu.memory_space<hbm>> -> memref<64xi32, #tpu.memory_space<hbm>>
      %dma_start3A_369 = arith.constant 0 : i32
      %dma_start3A_370 = tpu.memref_slice %arg4[%add3A_187, %dma_start3A_369] : memref<128x64xi32, #tpu.memory_space<hbm>> -> memref<1x64xi32, #tpu.memory_space<hbm>>
      %dma_start3A_371 = tpu.memref_squeeze %dma_start3A_370 : memref<1x64xi32, #tpu.memory_space<hbm>> -> memref<64xi32, #tpu.memory_space<hbm>>
      tpu.enqueue_dma source(%arg11 : memref<64xi32, #tpu.memory_space<vmem>>) target(%dma_start3A_371 : memref<64xi32, #tpu.memory_space<hbm>>) target_semaphore(%run_scoped3A : memref<!tpu.dma_semaphore, #tpu.memory_space<semaphore_mem>>)
      %dma_wait3A_372 = arith.constant 0 : i32
      %dma_wait3A_373 = tpu.memref_slice %arg4[%add3A_187, %dma_wait3A_372] : memref<128x64xi32, #tpu.memory_space<hbm>> -> memref<1x64xi32, #tpu.memory_space<hbm>>
      %dma_wait3A_374 = tpu.memref_squeeze %dma_wait3A_373 : memref<1x64xi32, #tpu.memory_space<hbm>> -> memref<64xi32, #tpu.memory_space<hbm>>
      %dma_wait3A_375 = arith.constant 0 : i32
      %dma_wait3A_376 = tpu.memref_slice %arg4[%add3A_187, %dma_wait3A_375] : memref<128x64xi32, #tpu.memory_space<hbm>> -> memref<1x64xi32, #tpu.memory_space<hbm>>
      %dma_wait3A_377 = tpu.memref_squeeze %dma_wait3A_376 : memref<1x64xi32, #tpu.memory_space<hbm>> -> memref<64xi32, #tpu.memory_space<hbm>>
      tpu.wait_dma2 semaphore(%run_scoped3A : memref<!tpu.dma_semaphore, #tpu.memory_space<semaphore_mem>>) src(%arg11 : memref<64xi32, #tpu.memory_space<vmem>>) dst(%dma_wait3A_377 : memref<64xi32, #tpu.memory_space<hbm>>)
      tpu.yield
    }) : () -> ()
    %add3A_188 = arith.constant 3 : i32
    %add3A_189 = arith.addi %mul3A_2, %add3A_188 : i32
    %dma_start3A_190 = arith.constant 0 : i32
    %dma_start3A_191 = tpu.memref_slice %arg2[%add3A_189, %dma_start3A_190] : memref<128x32768xf32, #tpu.memory_space<hbm>> -> memref<1x32768xf32, #tpu.memory_space<hbm>>
    %dma_start3A_192 = tpu.memref_squeeze %dma_start3A_191 : memref<1x32768xf32, #tpu.memory_space<hbm>> -> memref<32768xf32, #tpu.memory_space<hbm>>
    %dma_start3A_193 = arith.constant 0 : i32
    %dma_start3A_194 = tpu.memref_slice %arg2[%add3A_189, %dma_start3A_193] : memref<128x32768xf32, #tpu.memory_space<hbm>> -> memref<1x32768xf32, #tpu.memory_space<hbm>>
    %dma_start3A_195 = tpu.memref_squeeze %dma_start3A_194 : memref<1x32768xf32, #tpu.memory_space<hbm>> -> memref<32768xf32, #tpu.memory_space<hbm>>
    tpu.enqueue_dma source(%dma_start3A_195 : memref<32768xf32, #tpu.memory_space<hbm>>) target(%arg6 : memref<32768xf32, #tpu.memory_space<vmem>>) target_semaphore(%arg13 : memref<!tpu.dma_semaphore, #tpu.memory_space<semaphore_mem>>)
    %dma_wait3A_196 = arith.constant 0 : i32
    %dma_wait3A_197 = tpu.memref_slice %arg2[%add3A_96, %dma_wait3A_196] : memref<128x32768xf32, #tpu.memory_space<hbm>> -> memref<1x32768xf32, #tpu.memory_space<hbm>>
    %dma_wait3A_198 = tpu.memref_squeeze %dma_wait3A_197 : memref<1x32768xf32, #tpu.memory_space<hbm>> -> memref<32768xf32, #tpu.memory_space<hbm>>
    %dma_wait3A_199 = arith.constant 0 : i32
    %dma_wait3A_200 = tpu.memref_slice %arg2[%add3A_96, %dma_wait3A_199] : memref<128x32768xf32, #tpu.memory_space<hbm>> -> memref<1x32768xf32, #tpu.memory_space<hbm>>
    %dma_wait3A_201 = tpu.memref_squeeze %dma_wait3A_200 : memref<1x32768xf32, #tpu.memory_space<hbm>> -> memref<32768xf32, #tpu.memory_space<hbm>>
    tpu.wait_dma2 semaphore(%arg12 : memref<!tpu.dma_semaphore, #tpu.memory_space<semaphore_mem>>) src(%dma_wait3A_201 : memref<32768xf32, #tpu.memory_space<hbm>>) dst(%arg5 : memref<32768xf32, #tpu.memory_space<vmem>>)
    %scan3A_202 = arith.constant 0 : i32
    %scan3A_203 = arith.constant 64 : i32
    %scan3A_204 = arith.addi %scan3A_202, %scan3A_203 : i32
    %scan3A_205 = arith.constant 1 : i32
    %scan3A_206 = scf.for %scan3A_366 = %scan3A_202 to %scan3A_204 step %scan3A_205 iter_args(%scan3A_367 = %broadcast_in_dim3A_5) -> (vector<16xf32>)  : i32 {
      %add3A_368 = arith.constant 0 : i32
      %add3A_369 = arith.addi %add3A_368, %scan3A_366 : i32
      %mul3A_370 = arith.constant 128 : i32
      %mul3A_371 = arith.muli %add3A_369, %mul3A_370 : i32
      %add3A_372 = arith.constant 0 : i32
      %add3A_373 = arith.addi %mul3A_371, %add3A_372 : i32
      %get3A = arith.index_cast %add3A_373 : i32 to index
      %get3A_374 = tpu.vector_load %arg5[%get3A] {strides = array<i32>} : memref<32768xf32, #tpu.memory_space<vmem>>, vector<16xf32>,
      %add3A_375 = arith.constant 16 : i32
      %add3A_376 = arith.addi %mul3A_371, %add3A_375 : i32
      %get3A_377 = arith.index_cast %add3A_376 : i32 to index
      %get3A_378 = tpu.vector_load %arg5[%get3A_377] {strides = array<i32>} : memref<32768xf32, #tpu.memory_space<vmem>>, vector<16xf32>,
      %add3A_379 = arith.constant 32 : i32
      %add3A_380 = arith.addi %mul3A_371, %add3A_379 : i32
      %get3A_381 = arith.index_cast %add3A_380 : i32 to index
      %get3A_382 = tpu.vector_load %arg5[%get3A_381] {strides = array<i32>} : memref<32768xf32, #tpu.memory_space<vmem>>, vector<16xf32>,
      %add3A_383 = arith.constant 48 : i32
      %add3A_384 = arith.addi %mul3A_371, %add3A_383 : i32
      %get3A_385 = arith.index_cast %add3A_384 : i32 to index
      %get3A_386 = tpu.vector_load %arg5[%get3A_385] {strides = array<i32>} : memref<32768xf32, #tpu.memory_space<vmem>>, vector<16xf32>,
      %add3A_387 = arith.constant 64 : i32
      %add3A_388 = arith.addi %mul3A_371, %add3A_387 : i32
      %get3A_389 = arith.index_cast %add3A_388 : i32 to index
      %get3A_390 = tpu.vector_load %arg5[%get3A_389] {strides = array<i32>} : memref<32768xf32, #tpu.memory_space<vmem>>, vector<16xf32>,
      %add3A_391 = arith.constant 80 : i32
      %add3A_392 = arith.addi %mul3A_371, %add3A_391 : i32
      %get3A_393 = arith.index_cast %add3A_392 : i32 to index
      %get3A_394 = tpu.vector_load %arg5[%get3A_393] {strides = array<i32>} : memref<32768xf32, #tpu.memory_space<vmem>>, vector<16xf32>,
      %add3A_395 = arith.constant 96 : i32
      %add3A_396 = arith.addi %mul3A_371, %add3A_395 : i32
      %get3A_397 = arith.index_cast %add3A_396 : i32 to index
      %get3A_398 = tpu.vector_load %arg5[%get3A_397] {strides = array<i32>} : memref<32768xf32, #tpu.memory_space<vmem>>, vector<16xf32>,
      %add3A_399 = arith.constant 112 : i32
      %add3A_400 = arith.addi %mul3A_371, %add3A_399 : i32
      %get3A_401 = arith.index_cast %add3A_400 : i32 to index
      %get3A_402 = tpu.vector_load %arg5[%get3A_401] {strides = array<i32>} : memref<32768xf32, #tpu.memory_space<vmem>>, vector<16xf32>,
      %max3A = arith.maximumf %get3A_374, %get3A_378 : vector<16xf32>
      %max3A_403 = arith.maximumf %get3A_382, %get3A_386 : vector<16xf32>
      %max3A_404 = arith.maximumf %get3A_390, %get3A_394 : vector<16xf32>
      %max3A_405 = arith.maximumf %get3A_398, %get3A_402 : vector<16xf32>
      %max3A_406 = arith.maximumf %max3A, %max3A_403 : vector<16xf32>
      %max3A_407 = arith.maximumf %max3A_404, %max3A_405 : vector<16xf32>
      %max3A_408 = arith.maximumf %max3A_406, %max3A_407 : vector<16xf32>
      %add3A_409 = arith.constant 0 : i32
      %add3A_410 = arith.addi %add3A_409, %scan3A_366 : i32
      %mul3A_411 = arith.constant 16 : i32
      %mul3A_412 = arith.muli %add3A_410, %mul3A_411 : i32
      %swap3A_413 = arith.index_cast %mul3A_412 : i32 to index
      %swap3A_414 = tpu.vector_load %arg9[%swap3A_413] {strides = array<i32>} : memref<4096xf32, #tpu.memory_space<vmem>>, vector<16xf32>,
      tpu.vector_store %arg9[%swap3A_413], %max3A_408 {strides = array<i32>} : memref<4096xf32, #tpu.memory_space<vmem>>, vector<16xf32>,
      %max3A_415 = arith.maximumf %scan3A_367, %max3A_408 : vector<16xf32>
      scf.yield %max3A_415 : vector<16xf32>
    }
    %scan3A_207 = arith.constant 64 : i32
    %scan3A_208 = arith.constant 0 : i32
    %scan3A_209 = arith.constant 64 : i32
    %scan3A_210 = arith.addi %scan3A_208, %scan3A_209 : i32
    %scan3A_211 = arith.constant 1 : i32
    %scan3A_212 = scf.for %scan3A_366 = %scan3A_208 to %scan3A_210 step %scan3A_211 iter_args(%scan3A_367 = %broadcast_in_dim3A_5) -> (vector<16xf32>)  : i32 {
      %add3A_368 = arith.constant 64 : i32
      %add3A_369 = arith.addi %add3A_368, %scan3A_366 : i32
      %mul3A_370 = arith.constant 128 : i32
      %mul3A_371 = arith.muli %add3A_369, %mul3A_370 : i32
      %add3A_372 = arith.constant 0 : i32
      %add3A_373 = arith.addi %mul3A_371, %add3A_372 : i32
      %get3A = arith.index_cast %add3A_373 : i32 to index
      %get3A_374 = tpu.vector_load %arg5[%get3A] {strides = array<i32>} : memref<32768xf32, #tpu.memory_space<vmem>>, vector<16xf32>,
      %add3A_375 = arith.constant 16 : i32
      %add3A_376 = arith.addi %mul3A_371, %add3A_375 : i32
      %get3A_377 = arith.index_cast %add3A_376 : i32 to index
      %get3A_378 = tpu.vector_load %arg5[%get3A_377] {strides = array<i32>} : memref<32768xf32, #tpu.memory_space<vmem>>, vector<16xf32>,
      %add3A_379 = arith.constant 32 : i32
      %add3A_380 = arith.addi %mul3A_371, %add3A_379 : i32
      %get3A_381 = arith.index_cast %add3A_380 : i32 to index
      %get3A_382 = tpu.vector_load %arg5[%get3A_381] {strides = array<i32>} : memref<32768xf32, #tpu.memory_space<vmem>>, vector<16xf32>,
      %add3A_383 = arith.constant 48 : i32
      %add3A_384 = arith.addi %mul3A_371, %add3A_383 : i32
      %get3A_385 = arith.index_cast %add3A_384 : i32 to index
      %get3A_386 = tpu.vector_load %arg5[%get3A_385] {strides = array<i32>} : memref<32768xf32, #tpu.memory_space<vmem>>, vector<16xf32>,
      %add3A_387 = arith.constant 64 : i32
      %add3A_388 = arith.addi %mul3A_371, %add3A_387 : i32
      %get3A_389 = arith.index_cast %add3A_388 : i32 to index
      %get3A_390 = tpu.vector_load %arg5[%get3A_389] {strides = array<i32>} : memref<32768xf32, #tpu.memory_space<vmem>>, vector<16xf32>,
      %add3A_391 = arith.constant 80 : i32
      %add3A_392 = arith.addi %mul3A_371, %add3A_391 : i32
      %get3A_393 = arith.index_cast %add3A_392 : i32 to index
      %get3A_394 = tpu.vector_load %arg5[%get3A_393] {strides = array<i32>} : memref<32768xf32, #tpu.memory_space<vmem>>, vector<16xf32>,
      %add3A_395 = arith.constant 96 : i32
      %add3A_396 = arith.addi %mul3A_371, %add3A_395 : i32
      %get3A_397 = arith.index_cast %add3A_396 : i32 to index
      %get3A_398 = tpu.vector_load %arg5[%get3A_397] {strides = array<i32>} : memref<32768xf32, #tpu.memory_space<vmem>>, vector<16xf32>,
      %add3A_399 = arith.constant 112 : i32
      %add3A_400 = arith.addi %mul3A_371, %add3A_399 : i32
      %get3A_401 = arith.index_cast %add3A_400 : i32 to index
      %get3A_402 = tpu.vector_load %arg5[%get3A_401] {strides = array<i32>} : memref<32768xf32, #tpu.memory_space<vmem>>, vector<16xf32>,
      %max3A = arith.maximumf %get3A_374, %get3A_378 : vector<16xf32>
      %max3A_403 = arith.maximumf %get3A_382, %get3A_386 : vector<16xf32>
      %max3A_404 = arith.maximumf %get3A_390, %get3A_394 : vector<16xf32>
      %max3A_405 = arith.maximumf %get3A_398, %get3A_402 : vector<16xf32>
      %max3A_406 = arith.maximumf %max3A, %max3A_403 : vector<16xf32>
      %max3A_407 = arith.maximumf %max3A_404, %max3A_405 : vector<16xf32>
      %max3A_408 = arith.maximumf %max3A_406, %max3A_407 : vector<16xf32>
      %add3A_409 = arith.constant 64 : i32
      %add3A_410 = arith.addi %add3A_409, %scan3A_366 : i32
      %mul3A_411 = arith.constant 16 : i32
      %mul3A_412 = arith.muli %add3A_410, %mul3A_411 : i32
      %swap3A_413 = arith.index_cast %mul3A_412 : i32 to index
      %swap3A_414 = tpu.vector_load %arg9[%swap3A_413] {strides = array<i32>} : memref<4096xf32, #tpu.memory_space<vmem>>, vector<16xf32>,
      tpu.vector_store %arg9[%swap3A_413], %max3A_408 {strides = array<i32>} : memref<4096xf32, #tpu.memory_space<vmem>>, vector<16xf32>,
      %max3A_415 = arith.maximumf %scan3A_367, %max3A_408 : vector<16xf32>
      scf.yield %max3A_415 : vector<16xf32>
    }
    %scan3A_213 = arith.constant 64 : i32
    %scan3A_214 = arith.constant 0 : i32
    %scan3A_215 = arith.constant 64 : i32
    %scan3A_216 = arith.addi %scan3A_214, %scan3A_215 : i32
    %scan3A_217 = arith.constant 1 : i32
    %scan3A_218 = scf.for %scan3A_366 = %scan3A_214 to %scan3A_216 step %scan3A_217 iter_args(%scan3A_367 = %broadcast_in_dim3A_5) -> (vector<16xf32>)  : i32 {
      %add3A_368 = arith.constant 128 : i32
      %add3A_369 = arith.addi %add3A_368, %scan3A_366 : i32
      %mul3A_370 = arith.constant 128 : i32
      %mul3A_371 = arith.muli %add3A_369, %mul3A_370 : i32
      %add3A_372 = arith.constant 0 : i32
      %add3A_373 = arith.addi %mul3A_371, %add3A_372 : i32
      %get3A = arith.index_cast %add3A_373 : i32 to index
      %get3A_374 = tpu.vector_load %arg5[%get3A] {strides = array<i32>} : memref<32768xf32, #tpu.memory_space<vmem>>, vector<16xf32>,
      %add3A_375 = arith.constant 16 : i32
      %add3A_376 = arith.addi %mul3A_371, %add3A_375 : i32
      %get3A_377 = arith.index_cast %add3A_376 : i32 to index
      %get3A_378 = tpu.vector_load %arg5[%get3A_377] {strides = array<i32>} : memref<32768xf32, #tpu.memory_space<vmem>>, vector<16xf32>,
      %add3A_379 = arith.constant 32 : i32
      %add3A_380 = arith.addi %mul3A_371, %add3A_379 : i32
      %get3A_381 = arith.index_cast %add3A_380 : i32 to index
      %get3A_382 = tpu.vector_load %arg5[%get3A_381] {strides = array<i32>} : memref<32768xf32, #tpu.memory_space<vmem>>, vector<16xf32>,
      %add3A_383 = arith.constant 48 : i32
      %add3A_384 = arith.addi %mul3A_371, %add3A_383 : i32
      %get3A_385 = arith.index_cast %add3A_384 : i32 to index
      %get3A_386 = tpu.vector_load %arg5[%get3A_385] {strides = array<i32>} : memref<32768xf32, #tpu.memory_space<vmem>>, vector<16xf32>,
      %add3A_387 = arith.constant 64 : i32
      %add3A_388 = arith.addi %mul3A_371, %add3A_387 : i32
      %get3A_389 = arith.index_cast %add3A_388 : i32 to index
      %get3A_390 = tpu.vector_load %arg5[%get3A_389] {strides = array<i32>} : memref<32768xf32, #tpu.memory_space<vmem>>, vector<16xf32>,
      %add3A_391 = arith.constant 80 : i32
      %add3A_392 = arith.addi %mul3A_371, %add3A_391 : i32
      %get3A_393 = arith.index_cast %add3A_392 : i32 to index
      %get3A_394 = tpu.vector_load %arg5[%get3A_393] {strides = array<i32>} : memref<32768xf32, #tpu.memory_space<vmem>>, vector<16xf32>,
      %add3A_395 = arith.constant 96 : i32
      %add3A_396 = arith.addi %mul3A_371, %add3A_395 : i32
      %get3A_397 = arith.index_cast %add3A_396 : i32 to index
      %get3A_398 = tpu.vector_load %arg5[%get3A_397] {strides = array<i32>} : memref<32768xf32, #tpu.memory_space<vmem>>, vector<16xf32>,
      %add3A_399 = arith.constant 112 : i32
      %add3A_400 = arith.addi %mul3A_371, %add3A_399 : i32
      %get3A_401 = arith.index_cast %add3A_400 : i32 to index
      %get3A_402 = tpu.vector_load %arg5[%get3A_401] {strides = array<i32>} : memref<32768xf32, #tpu.memory_space<vmem>>, vector<16xf32>,
      %max3A = arith.maximumf %get3A_374, %get3A_378 : vector<16xf32>
      %max3A_403 = arith.maximumf %get3A_382, %get3A_386 : vector<16xf32>
      %max3A_404 = arith.maximumf %get3A_390, %get3A_394 : vector<16xf32>
      %max3A_405 = arith.maximumf %get3A_398, %get3A_402 : vector<16xf32>
      %max3A_406 = arith.maximumf %max3A, %max3A_403 : vector<16xf32>
      %max3A_407 = arith.maximumf %max3A_404, %max3A_405 : vector<16xf32>
      %max3A_408 = arith.maximumf %max3A_406, %max3A_407 : vector<16xf32>
      %add3A_409 = arith.constant 128 : i32
      %add3A_410 = arith.addi %add3A_409, %scan3A_366 : i32
      %mul3A_411 = arith.constant 16 : i32
      %mul3A_412 = arith.muli %add3A_410, %mul3A_411 : i32
      %swap3A_413 = arith.index_cast %mul3A_412 : i32 to index
      %swap3A_414 = tpu.vector_load %arg9[%swap3A_413] {strides = array<i32>} : memref<4096xf32, #tpu.memory_space<vmem>>, vector<16xf32>,
      tpu.vector_store %arg9[%swap3A_413], %max3A_408 {strides = array<i32>} : memref<4096xf32, #tpu.memory_space<vmem>>, vector<16xf32>,
      %max3A_415 = arith.maximumf %scan3A_367, %max3A_408 : vector<16xf32>
      scf.yield %max3A_415 : vector<16xf32>
    }
    %scan3A_219 = arith.constant 64 : i32
    %scan3A_220 = arith.constant 0 : i32
    %scan3A_221 = arith.constant 64 : i32
    %scan3A_222 = arith.addi %scan3A_220, %scan3A_221 : i32
    %scan3A_223 = arith.constant 1 : i32
    %scan3A_224 = scf.for %scan3A_366 = %scan3A_220 to %scan3A_222 step %scan3A_223 iter_args(%scan3A_367 = %broadcast_in_dim3A_5) -> (vector<16xf32>)  : i32 {
      %add3A_368 = arith.constant 192 : i32
      %add3A_369 = arith.addi %add3A_368, %scan3A_366 : i32
      %mul3A_370 = arith.constant 128 : i32
      %mul3A_371 = arith.muli %add3A_369, %mul3A_370 : i32
      %add3A_372 = arith.constant 0 : i32
      %add3A_373 = arith.addi %mul3A_371, %add3A_372 : i32
      %get3A = arith.index_cast %add3A_373 : i32 to index
      %get3A_374 = tpu.vector_load %arg5[%get3A] {strides = array<i32>} : memref<32768xf32, #tpu.memory_space<vmem>>, vector<16xf32>,
      %add3A_375 = arith.constant 16 : i32
      %add3A_376 = arith.addi %mul3A_371, %add3A_375 : i32
      %get3A_377 = arith.index_cast %add3A_376 : i32 to index
      %get3A_378 = tpu.vector_load %arg5[%get3A_377] {strides = array<i32>} : memref<32768xf32, #tpu.memory_space<vmem>>, vector<16xf32>,
      %add3A_379 = arith.constant 32 : i32
      %add3A_380 = arith.addi %mul3A_371, %add3A_379 : i32
      %get3A_381 = arith.index_cast %add3A_380 : i32 to index
      %get3A_382 = tpu.vector_load %arg5[%get3A_381] {strides = array<i32>} : memref<32768xf32, #tpu.memory_space<vmem>>, vector<16xf32>,
      %add3A_383 = arith.constant 48 : i32
      %add3A_384 = arith.addi %mul3A_371, %add3A_383 : i32
      %get3A_385 = arith.index_cast %add3A_384 : i32 to index
      %get3A_386 = tpu.vector_load %arg5[%get3A_385] {strides = array<i32>} : memref<32768xf32, #tpu.memory_space<vmem>>, vector<16xf32>,
      %add3A_387 = arith.constant 64 : i32
      %add3A_388 = arith.addi %mul3A_371, %add3A_387 : i32
      %get3A_389 = arith.index_cast %add3A_388 : i32 to index
      %get3A_390 = tpu.vector_load %arg5[%get3A_389] {strides = array<i32>} : memref<32768xf32, #tpu.memory_space<vmem>>, vector<16xf32>,
      %add3A_391 = arith.constant 80 : i32
      %add3A_392 = arith.addi %mul3A_371, %add3A_391 : i32
      %get3A_393 = arith.index_cast %add3A_392 : i32 to index
      %get3A_394 = tpu.vector_load %arg5[%get3A_393] {strides = array<i32>} : memref<32768xf32, #tpu.memory_space<vmem>>, vector<16xf32>,
      %add3A_395 = arith.constant 96 : i32
      %add3A_396 = arith.addi %mul3A_371, %add3A_395 : i32
      %get3A_397 = arith.index_cast %add3A_396 : i32 to index
      %get3A_398 = tpu.vector_load %arg5[%get3A_397] {strides = array<i32>} : memref<32768xf32, #tpu.memory_space<vmem>>, vector<16xf32>,
      %add3A_399 = arith.constant 112 : i32
      %add3A_400 = arith.addi %mul3A_371, %add3A_399 : i32
      %get3A_401 = arith.index_cast %add3A_400 : i32 to index
      %get3A_402 = tpu.vector_load %arg5[%get3A_401] {strides = array<i32>} : memref<32768xf32, #tpu.memory_space<vmem>>, vector<16xf32>,
      %max3A = arith.maximumf %get3A_374, %get3A_378 : vector<16xf32>
      %max3A_403 = arith.maximumf %get3A_382, %get3A_386 : vector<16xf32>
      %max3A_404 = arith.maximumf %get3A_390, %get3A_394 : vector<16xf32>
      %max3A_405 = arith.maximumf %get3A_398, %get3A_402 : vector<16xf32>
      %max3A_406 = arith.maximumf %max3A, %max3A_403 : vector<16xf32>
      %max3A_407 = arith.maximumf %max3A_404, %max3A_405 : vector<16xf32>
      %max3A_408 = arith.maximumf %max3A_406, %max3A_407 : vector<16xf32>
      %add3A_409 = arith.constant 192 : i32
      %add3A_410 = arith.addi %add3A_409, %scan3A_366 : i32
      %mul3A_411 = arith.constant 16 : i32
      %mul3A_412 = arith.muli %add3A_410, %mul3A_411 : i32
      %swap3A_413 = arith.index_cast %mul3A_412 : i32 to index
      %swap3A_414 = tpu.vector_load %arg9[%swap3A_413] {strides = array<i32>} : memref<4096xf32, #tpu.memory_space<vmem>>, vector<16xf32>,
      tpu.vector_store %arg9[%swap3A_413], %max3A_408 {strides = array<i32>} : memref<4096xf32, #tpu.memory_space<vmem>>, vector<16xf32>,
      %max3A_415 = arith.maximumf %scan3A_367, %max3A_408 : vector<16xf32>
      scf.yield %max3A_415 : vector<16xf32>
    }
    %scan3A_225 = arith.constant 64 : i32
    %min3A_226 = arith.minimumf %scan3A_206, %scan3A_212 : vector<16xf32>
    %min3A_227 = arith.minimumf %scan3A_218, %scan3A_224 : vector<16xf32>
    %min3A_228 = arith.minimumf %min3A_226, %min3A_227 : vector<16xf32>
    %reduce_min3A_229 = arith.constant true
    %reduce_min3A_230 = vector.broadcast %reduce_min3A_229 : i1 to vector<16xi1>
    %reduce_min3A_231 = tpu.scan <min>, %min3A_228 masked %reduce_min3A_230 : vector<16xf32>, vector<16xi1> -> vector<16xf32>
    %reduce_min3A_232 = vector.extract %reduce_min3A_231[15] : f32 from vector<16xf32>
    %broadcast_in_dim3A_233 = vector.broadcast %reduce_min3A_232 : f32 to vector<16xf32>
    %broadcast_in_dim3A_234 = arith.constant 4112 : i32
    %broadcast_in_dim3A_235 = vector.broadcast %broadcast_in_dim3A_234 : i32 to vector<16xi32>
    %broadcast_in_dim3A_236 = arith.constant 0 : i32
    %broadcast_in_dim3A_237 = vector.broadcast %broadcast_in_dim3A_236 : i32 to vector<16xi32>
    %scan3A_238 = arith.constant 0 : i32
    %scan3A_239 = arith.constant 256 : i32
    %scan3A_240 = arith.addi %scan3A_238, %scan3A_239 : i32
    %scan3A_241 = arith.constant 1 : i32
    %scan3A_242 = scf.for %scan3A_366 = %scan3A_238 to %scan3A_240 step %scan3A_241 iter_args(%scan3A_367 = %broadcast_in_dim3A_237) -> (vector<16xi32>)  : i32 {
      %mul3A_368 = arith.constant 128 : i32
      %mul3A_369 = arith.muli %scan3A_366, %mul3A_368 : i32
      %mul3A_370 = arith.constant 16 : i32
      %mul3A_371 = arith.muli %scan3A_366, %mul3A_370 : i32
      %get3A = arith.index_cast %mul3A_371 : i32 to index
      %get3A_372 = tpu.vector_load %arg9[%get3A] {strides = array<i32>} : memref<4096xf32, #tpu.memory_space<vmem>>, vector<16xf32>,
      %ge3A = arith.cmpf oge, %get3A_372, %broadcast_in_dim3A_233 : vector<16xf32>
      %reduce_or3A = arith.constant 1.000000e+00 : f32
      %reduce_or3A_373 = arith.constant 0.000000e+00 : f32
      %reduce_or3A_374 = vector.broadcast %reduce_or3A : f32 to vector<16xf32>
      %reduce_or3A_375 = vector.broadcast %reduce_or3A_373 : f32 to vector<16xf32>
      %reduce_or3A_376 = arith.select %ge3A, %reduce_or3A_374, %reduce_or3A_375 : vector<16xi1>, vector<16xf32>
      %reduce_or3A_377 = arith.constant true
      %reduce_or3A_378 = vector.broadcast %reduce_or3A_377 : i1 to vector<16xi1>
      %reduce_or3A_379 = tpu.scan <max>, %reduce_or3A_376 masked %reduce_or3A_378 : vector<16xf32>, vector<16xi1> -> vector<16xf32>
      %reduce_or3A_380 = vector.extract %reduce_or3A_379[15] : f32 from vector<16xf32>
      %reduce_or3A_381 = arith.constant 0.000000e+00 : f32
      %reduce_or3A_382 = arith.cmpf ogt, %reduce_or3A_380, %reduce_or3A_381 : f32
      %convert_element_type3A_383 = arith.extui %reduce_or3A_382 : i1 to i32
      %cond3A_384 = arith.constant 0 : i32
      %cond3A_385 = arith.cmpi ne, %convert_element_type3A_383, %cond3A_384 : i32
      %cond3A_386 = scf.if %cond3A_385 -> (vector<16xi32>) {
        %add3A_387 = arith.constant 0 : i32
        %add3A_388 = arith.addi %mul3A_369, %add3A_387 : i32
        %get3A_389 = arith.index_cast %add3A_388 : i32 to index
        %get3A_390 = tpu.vector_load %arg5[%get3A_389] {strides = array<i32>} : memref<32768xf32, #tpu.memory_space<vmem>>, vector<16xf32>,
        %ge3A_391 = arith.cmpf oge, %get3A_390, %broadcast_in_dim3A_233 : vector<16xf32>
        %convert_element_type3A_392 = arith.extui %ge3A_391 : vector<16xi1> to vector<16xi32>
        %broadcast_in_dim3A_393 = arith.constant true
        %broadcast_in_dim3A_394 = vector.broadcast %broadcast_in_dim3A_393 : i1 to vector<16xi1>
        %masked_cumsum3A = tpu.scan <sum>, %convert_element_type3A_392 masked %broadcast_in_dim3A_394 : vector<16xi32>, vector<16xi1> -> vector<16xi32>
        %add3A_395 = arith.addi %scan3A_367, %masked_cumsum3A : vector<16xi32>
        %sub3A = arith.constant 1 : i32
        %sub3A_396 = vector.broadcast %sub3A : i32 to vector<16xi32>
        %sub3A_397 = arith.subi %add3A_395, %sub3A_396 : vector<16xi32>
        %lt3A = arith.cmpi slt, %sub3A_397, %broadcast_in_dim3A_235 : vector<16xi32>
        %and3A = arith.andi %ge3A_391, %lt3A : vector<16xi1>
        tpu.vector_store_idx %arg7[%sub3A_397], %get3A_390 masked %and3A : memref<4160xf32, #tpu.memory_space<vmem>>[vector<16xi32>], vector<16xf32>, vector<16xi1>
        %add3A_398 = arith.constant 0 : i32
        %add3A_399 = arith.addi %mul3A_369, %add3A_398 : i32
        %add3A_400 = vector.broadcast %add3A_399 : i32 to vector<16xi32>
        %add3A_401 = arith.addi %iota3A, %add3A_400 : vector<16xi32>
        tpu.vector_store_idx %arg8[%sub3A_397], %add3A_401 masked %and3A : memref<4160xi32, #tpu.memory_space<vmem>>[vector<16xi32>], vector<16xi32>, vector<16xi1>
        %all_reduce_population_count3A = tpu.all_reduce %ge3A_391 {dim = 0 : i64, kind = #tpu.reduction_kind<sum>} : vector<16xi1> -> vector<16xi32>
        %add3A_402 = arith.addi %scan3A_367, %all_reduce_population_count3A : vector<16xi32>
        %add3A_403 = arith.constant 16 : i32
        %add3A_404 = arith.addi %mul3A_369, %add3A_403 : i32
        %get3A_405 = arith.index_cast %add3A_404 : i32 to index
        %get3A_406 = tpu.vector_load %arg5[%get3A_405] {strides = array<i32>} : memref<32768xf32, #tpu.memory_space<vmem>>, vector<16xf32>,
        %ge3A_407 = arith.cmpf oge, %get3A_406, %broadcast_in_dim3A_233 : vector<16xf32>
        %convert_element_type3A_408 = arith.extui %ge3A_407 : vector<16xi1> to vector<16xi32>
        %broadcast_in_dim3A_409 = arith.constant true
        %broadcast_in_dim3A_410 = vector.broadcast %broadcast_in_dim3A_409 : i1 to vector<16xi1>
        %masked_cumsum3A_411 = tpu.scan <sum>, %convert_element_type3A_408 masked %broadcast_in_dim3A_410 : vector<16xi32>, vector<16xi1> -> vector<16xi32>
        %add3A_412 = arith.addi %add3A_402, %masked_cumsum3A_411 : vector<16xi32>
        %sub3A_413 = arith.constant 1 : i32
        %sub3A_414 = vector.broadcast %sub3A_413 : i32 to vector<16xi32>
        %sub3A_415 = arith.subi %add3A_412, %sub3A_414 : vector<16xi32>
        %lt3A_416 = arith.cmpi slt, %sub3A_415, %broadcast_in_dim3A_235 : vector<16xi32>
        %and3A_417 = arith.andi %ge3A_407, %lt3A_416 : vector<16xi1>
        tpu.vector_store_idx %arg7[%sub3A_415], %get3A_406 masked %and3A_417 : memref<4160xf32, #tpu.memory_space<vmem>>[vector<16xi32>], vector<16xf32>, vector<16xi1>
        %add3A_418 = arith.constant 16 : i32
        %add3A_419 = arith.addi %mul3A_369, %add3A_418 : i32
        %add3A_420 = vector.broadcast %add3A_419 : i32 to vector<16xi32>
        %add3A_421 = arith.addi %iota3A, %add3A_420 : vector<16xi32>
        tpu.vector_store_idx %arg8[%sub3A_415], %add3A_421 masked %and3A_417 : memref<4160xi32, #tpu.memory_space<vmem>>[vector<16xi32>], vector<16xi32>, vector<16xi1>
        %all_reduce_population_count3A_422 = tpu.all_reduce %ge3A_407 {dim = 0 : i64, kind = #tpu.reduction_kind<sum>} : vector<16xi1> -> vector<16xi32>
        %add3A_423 = arith.addi %add3A_402, %all_reduce_population_count3A_422 : vector<16xi32>
        %add3A_424 = arith.constant 32 : i32
        %add3A_425 = arith.addi %mul3A_369, %add3A_424 : i32
        %get3A_426 = arith.index_cast %add3A_425 : i32 to index
        %get3A_427 = tpu.vector_load %arg5[%get3A_426] {strides = array<i32>} : memref<32768xf32, #tpu.memory_space<vmem>>, vector<16xf32>,
        %ge3A_428 = arith.cmpf oge, %get3A_427, %broadcast_in_dim3A_233 : vector<16xf32>
        %convert_element_type3A_429 = arith.extui %ge3A_428 : vector<16xi1> to vector<16xi32>
        %broadcast_in_dim3A_430 = arith.constant true
        %broadcast_in_dim3A_431 = vector.broadcast %broadcast_in_dim3A_430 : i1 to vector<16xi1>
        %masked_cumsum3A_432 = tpu.scan <sum>, %convert_element_type3A_429 masked %broadcast_in_dim3A_431 : vector<16xi32>, vector<16xi1> -> vector<16xi32>
        %add3A_433 = arith.addi %add3A_423, %masked_cumsum3A_432 : vector<16xi32>
        %sub3A_434 = arith.constant 1 : i32
        %sub3A_435 = vector.broadcast %sub3A_434 : i32 to vector<16xi32>
        %sub3A_436 = arith.subi %add3A_433, %sub3A_435 : vector<16xi32>
        %lt3A_437 = arith.cmpi slt, %sub3A_436, %broadcast_in_dim3A_235 : vector<16xi32>
        %and3A_438 = arith.andi %ge3A_428, %lt3A_437 : vector<16xi1>
        tpu.vector_store_idx %arg7[%sub3A_436], %get3A_427 masked %and3A_438 : memref<4160xf32, #tpu.memory_space<vmem>>[vector<16xi32>], vector<16xf32>, vector<16xi1>
        %add3A_439 = arith.constant 32 : i32
        %add3A_440 = arith.addi %mul3A_369, %add3A_439 : i32
        %add3A_441 = vector.broadcast %add3A_440 : i32 to vector<16xi32>
        %add3A_442 = arith.addi %iota3A, %add3A_441 : vector<16xi32>
        tpu.vector_store_idx %arg8[%sub3A_436], %add3A_442 masked %and3A_438 : memref<4160xi32, #tpu.memory_space<vmem>>[vector<16xi32>], vector<16xi32>, vector<16xi1>
        %all_reduce_population_count3A_443 = tpu.all_reduce %ge3A_428 {dim = 0 : i64, kind = #tpu.reduction_kind<sum>} : vector<16xi1> -> vector<16xi32>
        %add3A_444 = arith.addi %add3A_423, %all_reduce_population_count3A_443 : vector<16xi32>
        %add3A_445 = arith.constant 48 : i32
        %add3A_446 = arith.addi %mul3A_369, %add3A_445 : i32
        %get3A_447 = arith.index_cast %add3A_446 : i32 to index
        %get3A_448 = tpu.vector_load %arg5[%get3A_447] {strides = array<i32>} : memref<32768xf32, #tpu.memory_space<vmem>>, vector<16xf32>,
        %ge3A_449 = arith.cmpf oge, %get3A_448, %broadcast_in_dim3A_233 : vector<16xf32>
        %convert_element_type3A_450 = arith.extui %ge3A_449 : vector<16xi1> to vector<16xi32>
        %broadcast_in_dim3A_451 = arith.constant true
        %broadcast_in_dim3A_452 = vector.broadcast %broadcast_in_dim3A_451 : i1 to vector<16xi1>
        %masked_cumsum3A_453 = tpu.scan <sum>, %convert_element_type3A_450 masked %broadcast_in_dim3A_452 : vector<16xi32>, vector<16xi1> -> vector<16xi32>
        %add3A_454 = arith.addi %add3A_444, %masked_cumsum3A_453 : vector<16xi32>
        %sub3A_455 = arith.constant 1 : i32
        %sub3A_456 = vector.broadcast %sub3A_455 : i32 to vector<16xi32>
        %sub3A_457 = arith.subi %add3A_454, %sub3A_456 : vector<16xi32>
        %lt3A_458 = arith.cmpi slt, %sub3A_457, %broadcast_in_dim3A_235 : vector<16xi32>
        %and3A_459 = arith.andi %ge3A_449, %lt3A_458 : vector<16xi1>
        tpu.vector_store_idx %arg7[%sub3A_457], %get3A_448 masked %and3A_459 : memref<4160xf32, #tpu.memory_space<vmem>>[vector<16xi32>], vector<16xf32>, vector<16xi1>
        %add3A_460 = arith.constant 48 : i32
        %add3A_461 = arith.addi %mul3A_369, %add3A_460 : i32
        %add3A_462 = vector.broadcast %add3A_461 : i32 to vector<16xi32>
        %add3A_463 = arith.addi %iota3A, %add3A_462 : vector<16xi32>
        tpu.vector_store_idx %arg8[%sub3A_457], %add3A_463 masked %and3A_459 : memref<4160xi32, #tpu.memory_space<vmem>>[vector<16xi32>], vector<16xi32>, vector<16xi1>
        %all_reduce_population_count3A_464 = tpu.all_reduce %ge3A_449 {dim = 0 : i64, kind = #tpu.reduction_kind<sum>} : vector<16xi1> -> vector<16xi32>
        %add3A_465 = arith.addi %add3A_444, %all_reduce_population_count3A_464 : vector<16xi32>
        %add3A_466 = arith.constant 64 : i32
        %add3A_467 = arith.addi %mul3A_369, %add3A_466 : i32
        %get3A_468 = arith.index_cast %add3A_467 : i32 to index
        %get3A_469 = tpu.vector_load %arg5[%get3A_468] {strides = array<i32>} : memref<32768xf32, #tpu.memory_space<vmem>>, vector<16xf32>,
        %ge3A_470 = arith.cmpf oge, %get3A_469, %broadcast_in_dim3A_233 : vector<16xf32>
        %convert_element_type3A_471 = arith.extui %ge3A_470 : vector<16xi1> to vector<16xi32>
        %broadcast_in_dim3A_472 = arith.constant true
        %broadcast_in_dim3A_473 = vector.broadcast %broadcast_in_dim3A_472 : i1 to vector<16xi1>
        %masked_cumsum3A_474 = tpu.scan <sum>, %convert_element_type3A_471 masked %broadcast_in_dim3A_473 : vector<16xi32>, vector<16xi1> -> vector<16xi32>
        %add3A_475 = arith.addi %add3A_465, %masked_cumsum3A_474 : vector<16xi32>
        %sub3A_476 = arith.constant 1 : i32
        %sub3A_477 = vector.broadcast %sub3A_476 : i32 to vector<16xi32>
        %sub3A_478 = arith.subi %add3A_475, %sub3A_477 : vector<16xi32>
        %lt3A_479 = arith.cmpi slt, %sub3A_478, %broadcast_in_dim3A_235 : vector<16xi32>
        %and3A_480 = arith.andi %ge3A_470, %lt3A_479 : vector<16xi1>
        tpu.vector_store_idx %arg7[%sub3A_478], %get3A_469 masked %and3A_480 : memref<4160xf32, #tpu.memory_space<vmem>>[vector<16xi32>], vector<16xf32>, vector<16xi1>
        %add3A_481 = arith.constant 64 : i32
        %add3A_482 = arith.addi %mul3A_369, %add3A_481 : i32
        %add3A_483 = vector.broadcast %add3A_482 : i32 to vector<16xi32>
        %add3A_484 = arith.addi %iota3A, %add3A_483 : vector<16xi32>
        tpu.vector_store_idx %arg8[%sub3A_478], %add3A_484 masked %and3A_480 : memref<4160xi32, #tpu.memory_space<vmem>>[vector<16xi32>], vector<16xi32>, vector<16xi1>
        %all_reduce_population_count3A_485 = tpu.all_reduce %ge3A_470 {dim = 0 : i64, kind = #tpu.reduction_kind<sum>} : vector<16xi1> -> vector<16xi32>
        %add3A_486 = arith.addi %add3A_465, %all_reduce_population_count3A_485 : vector<16xi32>
        %add3A_487 = arith.constant 80 : i32
        %add3A_488 = arith.addi %mul3A_369, %add3A_487 : i32
        %get3A_489 = arith.index_cast %add3A_488 : i32 to index
        %get3A_490 = tpu.vector_load %arg5[%get3A_489] {strides = array<i32>} : memref<32768xf32, #tpu.memory_space<vmem>>, vector<16xf32>,
        %ge3A_491 = arith.cmpf oge, %get3A_490, %broadcast_in_dim3A_233 : vector<16xf32>
        %convert_element_type3A_492 = arith.extui %ge3A_491 : vector<16xi1> to vector<16xi32>
        %broadcast_in_dim3A_493 = arith.constant true
        %broadcast_in_dim3A_494 = vector.broadcast %broadcast_in_dim3A_493 : i1 to vector<16xi1>
        %masked_cumsum3A_495 = tpu.scan <sum>, %convert_element_type3A_492 masked %broadcast_in_dim3A_494 : vector<16xi32>, vector<16xi1> -> vector<16xi32>
        %add3A_496 = arith.addi %add3A_486, %masked_cumsum3A_495 : vector<16xi32>
        %sub3A_497 = arith.constant 1 : i32
        %sub3A_498 = vector.broadcast %sub3A_497 : i32 to vector<16xi32>
        %sub3A_499 = arith.subi %add3A_496, %sub3A_498 : vector<16xi32>
        %lt3A_500 = arith.cmpi slt, %sub3A_499, %broadcast_in_dim3A_235 : vector<16xi32>
        %and3A_501 = arith.andi %ge3A_491, %lt3A_500 : vector<16xi1>
        tpu.vector_store_idx %arg7[%sub3A_499], %get3A_490 masked %and3A_501 : memref<4160xf32, #tpu.memory_space<vmem>>[vector<16xi32>], vector<16xf32>, vector<16xi1>
        %add3A_502 = arith.constant 80 : i32
        %add3A_503 = arith.addi %mul3A_369, %add3A_502 : i32
        %add3A_504 = vector.broadcast %add3A_503 : i32 to vector<16xi32>
        %add3A_505 = arith.addi %iota3A, %add3A_504 : vector<16xi32>
        tpu.vector_store_idx %arg8[%sub3A_499], %add3A_505 masked %and3A_501 : memref<4160xi32, #tpu.memory_space<vmem>>[vector<16xi32>], vector<16xi32>, vector<16xi1>
        %all_reduce_population_count3A_506 = tpu.all_reduce %ge3A_491 {dim = 0 : i64, kind = #tpu.reduction_kind<sum>} : vector<16xi1> -> vector<16xi32>
        %add3A_507 = arith.addi %add3A_486, %all_reduce_population_count3A_506 : vector<16xi32>
        %add3A_508 = arith.constant 96 : i32
        %add3A_509 = arith.addi %mul3A_369, %add3A_508 : i32
        %get3A_510 = arith.index_cast %add3A_509 : i32 to index
        %get3A_511 = tpu.vector_load %arg5[%get3A_510] {strides = array<i32>} : memref<32768xf32, #tpu.memory_space<vmem>>, vector<16xf32>,
        %ge3A_512 = arith.cmpf oge, %get3A_511, %broadcast_in_dim3A_233 : vector<16xf32>
        %convert_element_type3A_513 = arith.extui %ge3A_512 : vector<16xi1> to vector<16xi32>
        %broadcast_in_dim3A_514 = arith.constant true
        %broadcast_in_dim3A_515 = vector.broadcast %broadcast_in_dim3A_514 : i1 to vector<16xi1>
        %masked_cumsum3A_516 = tpu.scan <sum>, %convert_element_type3A_513 masked %broadcast_in_dim3A_515 : vector<16xi32>, vector<16xi1> -> vector<16xi32>
        %add3A_517 = arith.addi %add3A_507, %masked_cumsum3A_516 : vector<16xi32>
        %sub3A_518 = arith.constant 1 : i32
        %sub3A_519 = vector.broadcast %sub3A_518 : i32 to vector<16xi32>
        %sub3A_520 = arith.subi %add3A_517, %sub3A_519 : vector<16xi32>
        %lt3A_521 = arith.cmpi slt, %sub3A_520, %broadcast_in_dim3A_235 : vector<16xi32>
        %and3A_522 = arith.andi %ge3A_512, %lt3A_521 : vector<16xi1>
        tpu.vector_store_idx %arg7[%sub3A_520], %get3A_511 masked %and3A_522 : memref<4160xf32, #tpu.memory_space<vmem>>[vector<16xi32>], vector<16xf32>, vector<16xi1>
        %add3A_523 = arith.constant 96 : i32
        %add3A_524 = arith.addi %mul3A_369, %add3A_523 : i32
        %add3A_525 = vector.broadcast %add3A_524 : i32 to vector<16xi32>
        %add3A_526 = arith.addi %iota3A, %add3A_525 : vector<16xi32>
        tpu.vector_store_idx %arg8[%sub3A_520], %add3A_526 masked %and3A_522 : memref<4160xi32, #tpu.memory_space<vmem>>[vector<16xi32>], vector<16xi32>, vector<16xi1>
        %all_reduce_population_count3A_527 = tpu.all_reduce %ge3A_512 {dim = 0 : i64, kind = #tpu.reduction_kind<sum>} : vector<16xi1> -> vector<16xi32>
        %add3A_528 = arith.addi %add3A_507, %all_reduce_population_count3A_527 : vector<16xi32>
        %add3A_529 = arith.constant 112 : i32
        %add3A_530 = arith.addi %mul3A_369, %add3A_529 : i32
        %get3A_531 = arith.index_cast %add3A_530 : i32 to index
        %get3A_532 = tpu.vector_load %arg5[%get3A_531] {strides = array<i32>} : memref<32768xf32, #tpu.memory_space<vmem>>, vector<16xf32>,
        %ge3A_533 = arith.cmpf oge, %get3A_532, %broadcast_in_dim3A_233 : vector<16xf32>
        %convert_element_type3A_534 = arith.extui %ge3A_533 : vector<16xi1> to vector<16xi32>
        %broadcast_in_dim3A_535 = arith.constant true
        %broadcast_in_dim3A_536 = vector.broadcast %broadcast_in_dim3A_535 : i1 to vector<16xi1>
        %masked_cumsum3A_537 = tpu.scan <sum>, %convert_element_type3A_534 masked %broadcast_in_dim3A_536 : vector<16xi32>, vector<16xi1> -> vector<16xi32>
        %add3A_538 = arith.addi %add3A_528, %masked_cumsum3A_537 : vector<16xi32>
        %sub3A_539 = arith.constant 1 : i32
        %sub3A_540 = vector.broadcast %sub3A_539 : i32 to vector<16xi32>
        %sub3A_541 = arith.subi %add3A_538, %sub3A_540 : vector<16xi32>
        %lt3A_542 = arith.cmpi slt, %sub3A_541, %broadcast_in_dim3A_235 : vector<16xi32>
        %and3A_543 = arith.andi %ge3A_533, %lt3A_542 : vector<16xi1>
        tpu.vector_store_idx %arg7[%sub3A_541], %get3A_532 masked %and3A_543 : memref<4160xf32, #tpu.memory_space<vmem>>[vector<16xi32>], vector<16xf32>, vector<16xi1>
        %add3A_544 = arith.constant 112 : i32
        %add3A_545 = arith.addi %mul3A_369, %add3A_544 : i32
        %add3A_546 = vector.broadcast %add3A_545 : i32 to vector<16xi32>
        %add3A_547 = arith.addi %iota3A, %add3A_546 : vector<16xi32>
        tpu.vector_store_idx %arg8[%sub3A_541], %add3A_547 masked %and3A_543 : memref<4160xi32, #tpu.memory_space<vmem>>[vector<16xi32>], vector<16xi32>, vector<16xi1>
        %all_reduce_population_count3A_548 = tpu.all_reduce %ge3A_533 {dim = 0 : i64, kind = #tpu.reduction_kind<sum>} : vector<16xi1> -> vector<16xi32>
        %add3A_549 = arith.addi %add3A_528, %all_reduce_population_count3A_548 : vector<16xi32>
        scf.yield %add3A_549 : vector<16xi32>
      } else {
        scf.yield %scan3A_367 : vector<16xi32>
      }
      scf.yield %cond3A_386 : vector<16xi32>
    }
    %scan3A_243 = arith.constant 256 : i32
    %reduce_max3A_244 = arith.constant true
    %reduce_max3A_245 = vector.broadcast %reduce_max3A_244 : i1 to vector<16xi1>
    %reduce_max3A_246 = arith.constant -2147483648 : i32
    %reduce_max3A_247 = vector.broadcast %reduce_max3A_246 : i32 to vector<16xi32>
    %reduce_max3A_248 = arith.xori %scan3A_242, %reduce_max3A_247 : vector<16xi32>
    %reduce_max3A_249 = tpu.scan <max>, %reduce_max3A_248 masked %reduce_max3A_245 : vector<16xi32>, vector<16xi1> -> vector<16xi32>
    %reduce_max3A_250 = arith.xori %reduce_max3A_249, %reduce_max3A_247 : vector<16xi32>
    %reduce_max3A_251 = vector.extract %reduce_max3A_250[15] : i32 from vector<16xi32>
    %min3A_252 = arith.constant 4096 : i32
    %min3A_253 = arith.minsi %reduce_max3A_251, %min3A_252 : i32
    %add3A_254 = arith.constant 0 : i32
    %add3A_255 = arith.addi %min3A_253, %add3A_254 : i32
    %swap3A_256 = arith.index_cast %add3A_255 : i32 to index
    %swap3A_257 = tpu.vector_load %arg7[%swap3A_256] {strides = array<i32>} : memref<4160xf32, #tpu.memory_space<vmem>>, vector<16xf32>,
    tpu.vector_store %arg7[%swap3A_256], %broadcast_in_dim3A_5 {strides = array<i32>} : memref<4160xf32, #tpu.memory_space<vmem>>, vector<16xf32>,
    %add3A_258 = arith.constant 16 : i32
    %add3A_259 = arith.addi %min3A_253, %add3A_258 : i32
    %swap3A_260 = arith.index_cast %add3A_259 : i32 to index
    %swap3A_261 = tpu.vector_load %arg7[%swap3A_260] {strides = array<i32>} : memref<4160xf32, #tpu.memory_space<vmem>>, vector<16xf32>,
    tpu.vector_store %arg7[%swap3A_260], %broadcast_in_dim3A_5 {strides = array<i32>} : memref<4160xf32, #tpu.memory_space<vmem>>, vector<16xf32>,
    %add3A_262 = arith.constant 32 : i32
    %add3A_263 = arith.addi %min3A_253, %add3A_262 : i32
    %swap3A_264 = arith.index_cast %add3A_263 : i32 to index
    %swap3A_265 = tpu.vector_load %arg7[%swap3A_264] {strides = array<i32>} : memref<4160xf32, #tpu.memory_space<vmem>>, vector<16xf32>,
    tpu.vector_store %arg7[%swap3A_264], %broadcast_in_dim3A_5 {strides = array<i32>} : memref<4160xf32, #tpu.memory_space<vmem>>, vector<16xf32>,
    %add3A_266 = arith.constant 48 : i32
    %add3A_267 = arith.addi %min3A_253, %add3A_266 : i32
    %swap3A_268 = arith.index_cast %add3A_267 : i32 to index
    %swap3A_269 = tpu.vector_load %arg7[%swap3A_268] {strides = array<i32>} : memref<4160xf32, #tpu.memory_space<vmem>>, vector<16xf32>,
    tpu.vector_store %arg7[%swap3A_268], %broadcast_in_dim3A_5 {strides = array<i32>} : memref<4160xf32, #tpu.memory_space<vmem>>, vector<16xf32>,
    %le3A_270 = arith.constant 4096 : i32
    %le3A_271 = arith.cmpi sle, %reduce_max3A_251, %le3A_270 : i32
    %convert_element_type3A_272 = arith.extui %le3A_271 : i1 to i32
    %cond3A_273 = arith.constant 0 : i32
    %cond3A_274 = arith.constant 0 : i32
    %cond3A_275 = arith.cmpi ne, %convert_element_type3A_272, %cond3A_274 : i32
    %cond3A_276 = scf.if %cond3A_275 -> (i32) {
      %add3A_366 = arith.constant 64 : i32
      %add3A_367 = arith.addi %reduce_max3A_251, %add3A_366 : i32
      %sub3A = arith.constant 1 : i32
      %sub3A_368 = arith.subi %add3A_367, %sub3A : i32
      %jit3A = arith.constant 64 : i32
      %div3A = arith.divsi %sub3A_368, %jit3A : i32
      %sign3A = arith.constant 0 : i32
      %sign3A_369 = arith.cmpi sgt, %sub3A_368, %sign3A : i32
      %sign3A_370 = arith.extui %sign3A_369 : i1 to i32
      %sign3A_371 = arith.constant 0 : i32
      %sign3A_372 = arith.cmpi slt, %sub3A_368, %sign3A_371 : i32
      %sign3A_373 = arith.extui %sign3A_372 : i1 to i32
      %sign3A_374 = arith.subi %sign3A_370, %sign3A_373 : i32
      %sign3A_375 = arith.constant 0 : i32
      %sign3A_376 = arith.cmpi sgt, %jit3A, %sign3A_375 : i32
      %sign3A_377 = arith.extui %sign3A_376 : i1 to i32
      %sign3A_378 = arith.constant 0 : i32
      %sign3A_379 = arith.cmpi slt, %jit3A, %sign3A_378 : i32
      %sign3A_380 = arith.extui %sign3A_379 : i1 to i32
      %sign3A_381 = arith.subi %sign3A_377, %sign3A_380 : i32
      %ne3A = arith.cmpi ne, %sign3A_374, %sign3A_381 : i32
      %rem3A = arith.remsi %sub3A_368, %jit3A : i32
      %ne3A_382 = arith.constant 0 : i32
      %ne3A_383 = arith.cmpi ne, %rem3A, %ne3A_382 : i32
      %and3A = arith.andi %ne3A, %ne3A_383 : i1
      %sub3A_384 = arith.constant 1 : i32
      %sub3A_385 = arith.subi %div3A, %sub3A_384 : i32
      %select_n3A = arith.select %and3A, %sub3A_385, %div3A : i32
      %scan3A_386 = arith.constant 0 : i32
      %scan3A_387 = arith.constant 0 : i32
      %scan3A_388 = arith.constant 64 : i32
      %scan3A_389 = arith.addi %scan3A_387, %scan3A_388 : i32
      %scan3A_390 = arith.constant 1 : i32
      %scan3A_391 = scf.for %scan3A_394 = %scan3A_387 to %scan3A_389 step %scan3A_390 iter_args(%scan3A_395 = %scan3A_386) -> (i32)  : i32 {
        %broadcast_in_dim3A_396 = arith.constant 0xFF800000 : f32
        %broadcast_in_dim3A_397 = vector.broadcast %broadcast_in_dim3A_396 : f32 to vector<16xf32>
        %broadcast_in_dim3A_398 = arith.constant 0 : i32
        %broadcast_in_dim3A_399 = vector.broadcast %broadcast_in_dim3A_398 : i32 to vector<16xi32>
        %while3A = arith.constant 0 : i32
        %while3A_400 = arith.subi %select_n3A, %while3A : i32
        %while3A_401 = arith.addi %while3A, %while3A_400 : i32
        %while3A_402 = arith.constant 1 : i32
        %while3A_403 = arith.divsi %while3A_400, %while3A_402 : i32
        %while3A_404 = arith.muli %while3A_403, %while3A_402 : i32
        %while3A_405 = arith.addi %while3A, %while3A_404 : i32
        %while3A_406 = arith.constant 1 : i32
        %while3A_407:2 = scf.for %while3A_431 = %while3A to %while3A_405 step %while3A_406 iter_args(%while3A_432 = %broadcast_in_dim3A_397, %while3A_433 = %broadcast_in_dim3A_399) -> (vector<16xf32>, vector<16xi32>)  : i32 {
          %mul3A_434 = arith.constant 4 : i32
          %mul3A_435 = arith.muli %while3A_431, %mul3A_434 : i32
          %add3A_436 = arith.constant 0 : i32
          %add3A_437 = arith.addi %mul3A_435, %add3A_436 : i32
          %mul3A_438 = arith.constant 16 : i32
          %mul3A_439 = arith.muli %add3A_437, %mul3A_438 : i32
          %get3A = arith.index_cast %mul3A_439 : i32 to index
          %get3A_440 = tpu.vector_load %arg7[%get3A] {strides = array<i32>} : memref<4160xf32, #tpu.memory_space<vmem>>, vector<16xf32>,
          %gt3A = arith.cmpf ogt, %get3A_440, %while3A_432 : vector<16xf32>
          %max3A = arith.maximumf %while3A_432, %get3A_440 : vector<16xf32>
          %mul3A_441 = arith.constant 16 : i32
          %mul3A_442 = arith.muli %add3A_437, %mul3A_441 : i32
          %broadcast_in_dim3A_443 = vector.broadcast %mul3A_442 : i32 to vector<16xi32>
          %add3A_444 = arith.addi %broadcast_in_dim3A_443, %iota3A : vector<16xi32>
          %select_n3A_445 = arith.select %gt3A, %add3A_444, %while3A_433 : vector<16xi1>, vector<16xi32>
          %mul3A_446 = arith.constant 4 : i32
          %mul3A_447 = arith.muli %while3A_431, %mul3A_446 : i32
          %add3A_448 = arith.constant 1 : i32
          %add3A_449 = arith.addi %mul3A_447, %add3A_448 : i32
          %mul3A_450 = arith.constant 16 : i32
          %mul3A_451 = arith.muli %add3A_449, %mul3A_450 : i32
          %get3A_452 = arith.index_cast %mul3A_451 : i32 to index
          %get3A_453 = tpu.vector_load %arg7[%get3A_452] {strides = array<i32>} : memref<4160xf32, #tpu.memory_space<vmem>>, vector<16xf32>,
          %gt3A_454 = arith.cmpf ogt, %get3A_453, %max3A : vector<16xf32>
          %max3A_455 = arith.maximumf %max3A, %get3A_453 : vector<16xf32>
          %mul3A_456 = arith.constant 16 : i32
          %mul3A_457 = arith.muli %add3A_449, %mul3A_456 : i32
          %broadcast_in_dim3A_458 = vector.broadcast %mul3A_457 : i32 to vector<16xi32>
          %add3A_459 = arith.addi %broadcast_in_dim3A_458, %iota3A : vector<16xi32>
          %select_n3A_460 = arith.select %gt3A_454, %add3A_459, %select_n3A_445 : vector<16xi1>, vector<16xi32>
          %mul3A_461 = arith.constant 4 : i32
          %mul3A_462 = arith.muli %while3A_431, %mul3A_461 : i32
          %add3A_463 = arith.constant 2 : i32
          %add3A_464 = arith.addi %mul3A_462, %add3A_463 : i32
          %mul3A_465 = arith.constant 16 : i32
          %mul3A_466 = arith.muli %add3A_464, %mul3A_465 : i32
          %get3A_467 = arith.index_cast %mul3A_466 : i32 to index
          %get3A_468 = tpu.vector_load %arg7[%get3A_467] {strides = array<i32>} : memref<4160xf32, #tpu.memory_space<vmem>>, vector<16xf32>,
          %gt3A_469 = arith.cmpf ogt, %get3A_468, %max3A_455 : vector<16xf32>
          %max3A_470 = arith.maximumf %max3A_455, %get3A_468 : vector<16xf32>
          %mul3A_471 = arith.constant 16 : i32
          %mul3A_472 = arith.muli %add3A_464, %mul3A_471 : i32
          %broadcast_in_dim3A_473 = vector.broadcast %mul3A_472 : i32 to vector<16xi32>
          %add3A_474 = arith.addi %broadcast_in_dim3A_473, %iota3A : vector<16xi32>
          %select_n3A_475 = arith.select %gt3A_469, %add3A_474, %select_n3A_460 : vector<16xi1>, vector<16xi32>
          %mul3A_476 = arith.constant 4 : i32
          %mul3A_477 = arith.muli %while3A_431, %mul3A_476 : i32
          %add3A_478 = arith.constant 3 : i32
          %add3A_479 = arith.addi %mul3A_477, %add3A_478 : i32
          %mul3A_480 = arith.constant 16 : i32
          %mul3A_481 = arith.muli %add3A_479, %mul3A_480 : i32
          %get3A_482 = arith.index_cast %mul3A_481 : i32 to index
          %get3A_483 = tpu.vector_load %arg7[%get3A_482] {strides = array<i32>} : memref<4160xf32, #tpu.memory_space<vmem>>, vector<16xf32>,
          %gt3A_484 = arith.cmpf ogt, %get3A_483, %max3A_470 : vector<16xf32>
          %max3A_485 = arith.maximumf %max3A_470, %get3A_483 : vector<16xf32>
          %mul3A_486 = arith.constant 16 : i32
          %mul3A_487 = arith.muli %add3A_479, %mul3A_486 : i32
          %broadcast_in_dim3A_488 = vector.broadcast %mul3A_487 : i32 to vector<16xi32>
          %add3A_489 = arith.addi %broadcast_in_dim3A_488, %iota3A : vector<16xi32>
          %select_n3A_490 = arith.select %gt3A_484, %add3A_489, %select_n3A_475 : vector<16xi1>, vector<16xi32>
          scf.yield %max3A_485, %select_n3A_490 : vector<16xf32>, vector<16xi32>
        }
        %while3A_408 = arith.constant 1 : i32
        %while3A_409:2 = scf.for %while3A_431 = %while3A_405 to %while3A_401 step %while3A_408 iter_args(%while3A_432 = %while3A_407#0, %while3A_433 = %while3A_407#1) -> (vector<16xf32>, vector<16xi32>)  : i32 {
          %mul3A_434 = arith.constant 4 : i32
          %mul3A_435 = arith.muli %while3A_431, %mul3A_434 : i32
          %add3A_436 = arith.constant 0 : i32
          %add3A_437 = arith.addi %mul3A_435, %add3A_436 : i32
          %mul3A_438 = arith.constant 16 : i32
          %mul3A_439 = arith.muli %add3A_437, %mul3A_438 : i32
          %get3A = arith.index_cast %mul3A_439 : i32 to index
          %get3A_440 = tpu.vector_load %arg7[%get3A] {strides = array<i32>} : memref<4160xf32, #tpu.memory_space<vmem>>, vector<16xf32>,
          %gt3A = arith.cmpf ogt, %get3A_440, %while3A_432 : vector<16xf32>
          %max3A = arith.maximumf %while3A_432, %get3A_440 : vector<16xf32>
          %mul3A_441 = arith.constant 16 : i32
          %mul3A_442 = arith.muli %add3A_437, %mul3A_441 : i32
          %broadcast_in_dim3A_443 = vector.broadcast %mul3A_442 : i32 to vector<16xi32>
          %add3A_444 = arith.addi %broadcast_in_dim3A_443, %iota3A : vector<16xi32>
          %select_n3A_445 = arith.select %gt3A, %add3A_444, %while3A_433 : vector<16xi1>, vector<16xi32>
          %mul3A_446 = arith.constant 4 : i32
          %mul3A_447 = arith.muli %while3A_431, %mul3A_446 : i32
          %add3A_448 = arith.constant 1 : i32
          %add3A_449 = arith.addi %mul3A_447, %add3A_448 : i32
          %mul3A_450 = arith.constant 16 : i32
          %mul3A_451 = arith.muli %add3A_449, %mul3A_450 : i32
          %get3A_452 = arith.index_cast %mul3A_451 : i32 to index
          %get3A_453 = tpu.vector_load %arg7[%get3A_452] {strides = array<i32>} : memref<4160xf32, #tpu.memory_space<vmem>>, vector<16xf32>,
          %gt3A_454 = arith.cmpf ogt, %get3A_453, %max3A : vector<16xf32>
          %max3A_455 = arith.maximumf %max3A, %get3A_453 : vector<16xf32>
          %mul3A_456 = arith.constant 16 : i32
          %mul3A_457 = arith.muli %add3A_449, %mul3A_456 : i32
          %broadcast_in_dim3A_458 = vector.broadcast %mul3A_457 : i32 to vector<16xi32>
          %add3A_459 = arith.addi %broadcast_in_dim3A_458, %iota3A : vector<16xi32>
          %select_n3A_460 = arith.select %gt3A_454, %add3A_459, %select_n3A_445 : vector<16xi1>, vector<16xi32>
          %mul3A_461 = arith.constant 4 : i32
          %mul3A_462 = arith.muli %while3A_431, %mul3A_461 : i32
          %add3A_463 = arith.constant 2 : i32
          %add3A_464 = arith.addi %mul3A_462, %add3A_463 : i32
          %mul3A_465 = arith.constant 16 : i32
          %mul3A_466 = arith.muli %add3A_464, %mul3A_465 : i32
          %get3A_467 = arith.index_cast %mul3A_466 : i32 to index
          %get3A_468 = tpu.vector_load %arg7[%get3A_467] {strides = array<i32>} : memref<4160xf32, #tpu.memory_space<vmem>>, vector<16xf32>,
          %gt3A_469 = arith.cmpf ogt, %get3A_468, %max3A_455 : vector<16xf32>
          %max3A_470 = arith.maximumf %max3A_455, %get3A_468 : vector<16xf32>
          %mul3A_471 = arith.constant 16 : i32
          %mul3A_472 = arith.muli %add3A_464, %mul3A_471 : i32
          %broadcast_in_dim3A_473 = vector.broadcast %mul3A_472 : i32 to vector<16xi32>
          %add3A_474 = arith.addi %broadcast_in_dim3A_473, %iota3A : vector<16xi32>
          %select_n3A_475 = arith.select %gt3A_469, %add3A_474, %select_n3A_460 : vector<16xi1>, vector<16xi32>
          %mul3A_476 = arith.constant 4 : i32
          %mul3A_477 = arith.muli %while3A_431, %mul3A_476 : i32
          %add3A_478 = arith.constant 3 : i32
          %add3A_479 = arith.addi %mul3A_477, %add3A_478 : i32
          %mul3A_480 = arith.constant 16 : i32
          %mul3A_481 = arith.muli %add3A_479, %mul3A_480 : i32
          %get3A_482 = arith.index_cast %mul3A_481 : i32 to index
          %get3A_483 = tpu.vector_load %arg7[%get3A_482] {strides = array<i32>} : memref<4160xf32, #tpu.memory_space<vmem>>, vector<16xf32>,
          %gt3A_484 = arith.cmpf ogt, %get3A_483, %max3A_470 : vector<16xf32>
          %max3A_485 = arith.maximumf %max3A_470, %get3A_483 : vector<16xf32>
          %mul3A_486 = arith.constant 16 : i32
          %mul3A_487 = arith.muli %add3A_479, %mul3A_486 : i32
          %broadcast_in_dim3A_488 = vector.broadcast %mul3A_487 : i32 to vector<16xi32>
          %add3A_489 = arith.addi %broadcast_in_dim3A_488, %iota3A : vector<16xi32>
          %select_n3A_490 = arith.select %gt3A_484, %add3A_489, %select_n3A_475 : vector<16xi1>, vector<16xi32>
          scf.yield %max3A_485, %select_n3A_490 : vector<16xf32>, vector<16xi32>
        }
        %reduce_max3A_410 = arith.constant true
        %reduce_max3A_411 = vector.broadcast %reduce_max3A_410 : i1 to vector<16xi1>
        %reduce_max3A_412 = tpu.scan <max>, %while3A_409#0 masked %reduce_max3A_411 : vector<16xf32>, vector<16xi1> -> vector<16xf32>
        %reduce_max3A_413 = vector.extract %reduce_max3A_412[15] : f32 from vector<16xf32>
        %broadcast_in_dim3A_414 = vector.broadcast %reduce_max3A_413 : f32 to vector<16xf32>
        %eq3A_415 = arith.cmpf oeq, %while3A_409#0, %broadcast_in_dim3A_414 : vector<16xf32>
        %jit3A_416 = arith.constant 1073741824 : i32
        %broadcast_in_dim3A_417 = vector.broadcast %jit3A_416 : i32 to vector<16xi32>
        %select_n3A_418 = arith.select %eq3A_415, %while3A_409#1, %broadcast_in_dim3A_417 : vector<16xi1>, vector<16xi32>
        %reduce_min3A_419 = arith.constant true
        %reduce_min3A_420 = vector.broadcast %reduce_min3A_419 : i1 to vector<16xi1>
        %reduce_min3A_421 = arith.constant -2147483648 : i32
        %reduce_min3A_422 = vector.broadcast %reduce_min3A_421 : i32 to vector<16xi32>
        %reduce_min3A_423 = arith.xori %select_n3A_418, %reduce_min3A_422 : vector<16xi32>
        %reduce_min3A_424 = tpu.scan <min>, %reduce_min3A_423 masked %reduce_min3A_420 : vector<16xi32>, vector<16xi1> -> vector<16xi32>
        %reduce_min3A_425 = arith.xori %reduce_min3A_424, %reduce_min3A_422 : vector<16xi32>
        %reduce_min3A_426 = vector.extract %reduce_min3A_425[15] : i32 from vector<16xi32>
        %broadcast_in_dim3A_427 = vector.broadcast %reduce_min3A_426 : i32 to vector<16xi32>
        %broadcast_in_dim3A_428 = vector.broadcast %scan3A_394 : i32 to vector<16xi32>
        tpu.vector_store_idx %arg10[%broadcast_in_dim3A_428], %broadcast_in_dim3A_414 masked %eq3A_4 : memref<64xf32, #tpu.memory_space<vmem>>[vector<16xi32>], vector<16xf32>, vector<16xi1>
        %broadcast_in_dim3A_429 = vector.broadcast %scan3A_394 : i32 to vector<16xi32>
        %gather3A = tpu.vector_load_idx %arg8[%broadcast_in_dim3A_427] : memref<4160xi32, #tpu.memory_space<vmem>>[vector<16xi32>], vector<16xi32>,
        tpu.vector_store_idx %arg11[%broadcast_in_dim3A_429], %gather3A masked %eq3A_4 : memref<64xi32, #tpu.memory_space<vmem>>[vector<16xi32>], vector<16xi32>, vector<16xi1>
        tpu.vector_store_idx %arg7[%broadcast_in_dim3A_427], %broadcast_in_dim3A_5 masked %eq3A_4 : memref<4160xf32, #tpu.memory_space<vmem>>[vector<16xi32>], vector<16xf32>, vector<16xi1>
        %scan3A_430 = arith.constant 0 : i32
        scf.yield %scan3A_430 : i32
      }
      %scan3A_392 = arith.constant 64 : i32
      %cond3A_393 = arith.constant 0 : i32
      scf.yield %cond3A_393 : i32
    } else {
      %scan3A_366 = arith.constant 0 : i32
      %scan3A_367 = arith.constant 0 : i32
      %scan3A_368 = arith.constant 64 : i32
      %scan3A_369 = arith.addi %scan3A_367, %scan3A_368 : i32
      %scan3A_370 = arith.constant 1 : i32
      %scan3A_371 = scf.for %scan3A_374 = %scan3A_367 to %scan3A_369 step %scan3A_370 iter_args(%scan3A_375 = %scan3A_366) -> (i32)  : i32 {
        %broadcast_in_dim3A_376 = arith.constant 0xFF800000 : f32
        %broadcast_in_dim3A_377 = vector.broadcast %broadcast_in_dim3A_376 : f32 to vector<16xf32>
        %broadcast_in_dim3A_378 = arith.constant 0 : i32
        %broadcast_in_dim3A_379 = vector.broadcast %broadcast_in_dim3A_378 : i32 to vector<16xi32>
        %scan3A_380 = arith.constant 0 : i32
        %scan3A_381 = arith.constant 512 : i32
        %scan3A_382 = arith.addi %scan3A_380, %scan3A_381 : i32
        %scan3A_383 = arith.constant 1 : i32
        %scan3A_384:2 = scf.for %scan3A_405 = %scan3A_380 to %scan3A_382 step %scan3A_383 iter_args(%scan3A_406 = %broadcast_in_dim3A_377, %scan3A_407 = %broadcast_in_dim3A_379) -> (vector<16xf32>, vector<16xi32>)  : i32 {
          %mul3A_408 = arith.constant 4 : i32
          %mul3A_409 = arith.muli %scan3A_405, %mul3A_408 : i32
          %add3A_410 = arith.constant 0 : i32
          %add3A_411 = arith.addi %mul3A_409, %add3A_410 : i32
          %mul3A_412 = arith.constant 16 : i32
          %mul3A_413 = arith.muli %add3A_411, %mul3A_412 : i32
          %get3A = arith.index_cast %mul3A_413 : i32 to index
          %get3A_414 = tpu.vector_load %arg5[%get3A] {strides = array<i32>} : memref<32768xf32, #tpu.memory_space<vmem>>, vector<16xf32>,
          %gt3A = arith.cmpf ogt, %get3A_414, %scan3A_406 : vector<16xf32>
          %max3A = arith.maximumf %scan3A_406, %get3A_414 : vector<16xf32>
          %mul3A_415 = arith.constant 16 : i32
          %mul3A_416 = arith.muli %add3A_411, %mul3A_415 : i32
          %broadcast_in_dim3A_417 = vector.broadcast %mul3A_416 : i32 to vector<16xi32>
          %add3A_418 = arith.addi %broadcast_in_dim3A_417, %iota3A : vector<16xi32>
          %select_n3A_419 = arith.select %gt3A, %add3A_418, %scan3A_407 : vector<16xi1>, vector<16xi32>
          %mul3A_420 = arith.constant 4 : i32
          %mul3A_421 = arith.muli %scan3A_405, %mul3A_420 : i32
          %add3A_422 = arith.constant 1 : i32
          %add3A_423 = arith.addi %mul3A_421, %add3A_422 : i32
          %mul3A_424 = arith.constant 16 : i32
          %mul3A_425 = arith.muli %add3A_423, %mul3A_424 : i32
          %get3A_426 = arith.index_cast %mul3A_425 : i32 to index
          %get3A_427 = tpu.vector_load %arg5[%get3A_426] {strides = array<i32>} : memref<32768xf32, #tpu.memory_space<vmem>>, vector<16xf32>,
          %gt3A_428 = arith.cmpf ogt, %get3A_427, %max3A : vector<16xf32>
          %max3A_429 = arith.maximumf %max3A, %get3A_427 : vector<16xf32>
          %mul3A_430 = arith.constant 16 : i32
          %mul3A_431 = arith.muli %add3A_423, %mul3A_430 : i32
          %broadcast_in_dim3A_432 = vector.broadcast %mul3A_431 : i32 to vector<16xi32>
          %add3A_433 = arith.addi %broadcast_in_dim3A_432, %iota3A : vector<16xi32>
          %select_n3A_434 = arith.select %gt3A_428, %add3A_433, %select_n3A_419 : vector<16xi1>, vector<16xi32>
          %mul3A_435 = arith.constant 4 : i32
          %mul3A_436 = arith.muli %scan3A_405, %mul3A_435 : i32
          %add3A_437 = arith.constant 2 : i32
          %add3A_438 = arith.addi %mul3A_436, %add3A_437 : i32
          %mul3A_439 = arith.constant 16 : i32
          %mul3A_440 = arith.muli %add3A_438, %mul3A_439 : i32
          %get3A_441 = arith.index_cast %mul3A_440 : i32 to index
          %get3A_442 = tpu.vector_load %arg5[%get3A_441] {strides = array<i32>} : memref<32768xf32, #tpu.memory_space<vmem>>, vector<16xf32>,
          %gt3A_443 = arith.cmpf ogt, %get3A_442, %max3A_429 : vector<16xf32>
          %max3A_444 = arith.maximumf %max3A_429, %get3A_442 : vector<16xf32>
          %mul3A_445 = arith.constant 16 : i32
          %mul3A_446 = arith.muli %add3A_438, %mul3A_445 : i32
          %broadcast_in_dim3A_447 = vector.broadcast %mul3A_446 : i32 to vector<16xi32>
          %add3A_448 = arith.addi %broadcast_in_dim3A_447, %iota3A : vector<16xi32>
          %select_n3A_449 = arith.select %gt3A_443, %add3A_448, %select_n3A_434 : vector<16xi1>, vector<16xi32>
          %mul3A_450 = arith.constant 4 : i32
          %mul3A_451 = arith.muli %scan3A_405, %mul3A_450 : i32
          %add3A_452 = arith.constant 3 : i32
          %add3A_453 = arith.addi %mul3A_451, %add3A_452 : i32
          %mul3A_454 = arith.constant 16 : i32
          %mul3A_455 = arith.muli %add3A_453, %mul3A_454 : i32
          %get3A_456 = arith.index_cast %mul3A_455 : i32 to index
          %get3A_457 = tpu.vector_load %arg5[%get3A_456] {strides = array<i32>} : memref<32768xf32, #tpu.memory_space<vmem>>, vector<16xf32>,
          %gt3A_458 = arith.cmpf ogt, %get3A_457, %max3A_444 : vector<16xf32>
          %max3A_459 = arith.maximumf %max3A_444, %get3A_457 : vector<16xf32>
          %mul3A_460 = arith.constant 16 : i32
          %mul3A_461 = arith.muli %add3A_453, %mul3A_460 : i32
          %broadcast_in_dim3A_462 = vector.broadcast %mul3A_461 : i32 to vector<16xi32>
          %add3A_463 = arith.addi %broadcast_in_dim3A_462, %iota3A : vector<16xi32>
          %select_n3A_464 = arith.select %gt3A_458, %add3A_463, %select_n3A_449 : vector<16xi1>, vector<16xi32>
          scf.yield %max3A_459, %select_n3A_464 : vector<16xf32>, vector<16xi32>
        }
        %scan3A_385 = arith.constant 512 : i32
        %reduce_max3A_386 = arith.constant true
        %reduce_max3A_387 = vector.broadcast %reduce_max3A_386 : i1 to vector<16xi1>
        %reduce_max3A_388 = tpu.scan <max>, %scan3A_384#0 masked %reduce_max3A_387 : vector<16xf32>, vector<16xi1> -> vector<16xf32>
        %reduce_max3A_389 = vector.extract %reduce_max3A_388[15] : f32 from vector<16xf32>
        %broadcast_in_dim3A_390 = vector.broadcast %reduce_max3A_389 : f32 to vector<16xf32>
        %eq3A_391 = arith.cmpf oeq, %scan3A_384#0, %broadcast_in_dim3A_390 : vector<16xf32>
        %jit3A = arith.constant 1073741824 : i32
        %broadcast_in_dim3A_392 = vector.broadcast %jit3A : i32 to vector<16xi32>
        %select_n3A = arith.select %eq3A_391, %scan3A_384#1, %broadcast_in_dim3A_392 : vector<16xi1>, vector<16xi32>
        %reduce_min3A_393 = arith.constant true
        %reduce_min3A_394 = vector.broadcast %reduce_min3A_393 : i1 to vector<16xi1>
        %reduce_min3A_395 = arith.constant -2147483648 : i32
        %reduce_min3A_396 = vector.broadcast %reduce_min3A_395 : i32 to vector<16xi32>
        %reduce_min3A_397 = arith.xori %select_n3A, %reduce_min3A_396 : vector<16xi32>
        %reduce_min3A_398 = tpu.scan <min>, %reduce_min3A_397 masked %reduce_min3A_394 : vector<16xi32>, vector<16xi1> -> vector<16xi32>
        %reduce_min3A_399 = arith.xori %reduce_min3A_398, %reduce_min3A_396 : vector<16xi32>
        %reduce_min3A_400 = vector.extract %reduce_min3A_399[15] : i32 from vector<16xi32>
        %broadcast_in_dim3A_401 = vector.broadcast %reduce_min3A_400 : i32 to vector<16xi32>
        %broadcast_in_dim3A_402 = vector.broadcast %scan3A_374 : i32 to vector<16xi32>
        tpu.vector_store_idx %arg10[%broadcast_in_dim3A_402], %broadcast_in_dim3A_390 masked %eq3A_4 : memref<64xf32, #tpu.memory_space<vmem>>[vector<16xi32>], vector<16xf32>, vector<16xi1>
        %broadcast_in_dim3A_403 = vector.broadcast %scan3A_374 : i32 to vector<16xi32>
        tpu.vector_store_idx %arg11[%broadcast_in_dim3A_403], %broadcast_in_dim3A_401 masked %eq3A_4 : memref<64xi32, #tpu.memory_space<vmem>>[vector<16xi32>], vector<16xi32>, vector<16xi1>
        tpu.vector_store_idx %arg5[%broadcast_in_dim3A_401], %broadcast_in_dim3A_5 masked %eq3A_4 : memref<32768xf32, #tpu.memory_space<vmem>>[vector<16xi32>], vector<16xf32>, vector<16xi1>
        %scan3A_404 = arith.constant 0 : i32
        scf.yield %scan3A_404 : i32
      }
      %scan3A_372 = arith.constant 64 : i32
      %cond3A_373 = arith.constant 0 : i32
      scf.yield %cond3A_373 : i32
    }
    %add3A_277 = arith.constant 2 : i32
    %add3A_278 = arith.addi %mul3A_2, %add3A_277 : i32
    "tpu.region"() ({
      %run_scoped3A = tpu.sem_alloc : memref<!tpu.dma_semaphore, #tpu.memory_space<semaphore_mem>>
      %dma_start3A_366 = arith.constant 0 : i32
      %dma_start3A_367 = tpu.memref_slice %arg3[%add3A_278, %dma_start3A_366] : memref<128x64xf32, #tpu.memory_space<hbm>> -> memref<1x64xf32, #tpu.memory_space<hbm>>
      %dma_start3A_368 = tpu.memref_squeeze %dma_start3A_367 : memref<1x64xf32, #tpu.memory_space<hbm>> -> memref<64xf32, #tpu.memory_space<hbm>>
      %dma_start3A_369 = arith.constant 0 : i32
      %dma_start3A_370 = tpu.memref_slice %arg3[%add3A_278, %dma_start3A_369] : memref<128x64xf32, #tpu.memory_space<hbm>> -> memref<1x64xf32, #tpu.memory_space<hbm>>
      %dma_start3A_371 = tpu.memref_squeeze %dma_start3A_370 : memref<1x64xf32, #tpu.memory_space<hbm>> -> memref<64xf32, #tpu.memory_space<hbm>>
      tpu.enqueue_dma source(%arg10 : memref<64xf32, #tpu.memory_space<vmem>>) target(%dma_start3A_371 : memref<64xf32, #tpu.memory_space<hbm>>) target_semaphore(%run_scoped3A : memref<!tpu.dma_semaphore, #tpu.memory_space<semaphore_mem>>)
      %dma_wait3A_372 = arith.constant 0 : i32
      %dma_wait3A_373 = tpu.memref_slice %arg3[%add3A_278, %dma_wait3A_372] : memref<128x64xf32, #tpu.memory_space<hbm>> -> memref<1x64xf32, #tpu.memory_space<hbm>>
      %dma_wait3A_374 = tpu.memref_squeeze %dma_wait3A_373 : memref<1x64xf32, #tpu.memory_space<hbm>> -> memref<64xf32, #tpu.memory_space<hbm>>
      %dma_wait3A_375 = arith.constant 0 : i32
      %dma_wait3A_376 = tpu.memref_slice %arg3[%add3A_278, %dma_wait3A_375] : memref<128x64xf32, #tpu.memory_space<hbm>> -> memref<1x64xf32, #tpu.memory_space<hbm>>
      %dma_wait3A_377 = tpu.memref_squeeze %dma_wait3A_376 : memref<1x64xf32, #tpu.memory_space<hbm>> -> memref<64xf32, #tpu.memory_space<hbm>>
      tpu.wait_dma2 semaphore(%run_scoped3A : memref<!tpu.dma_semaphore, #tpu.memory_space<semaphore_mem>>) src(%arg10 : memref<64xf32, #tpu.memory_space<vmem>>) dst(%dma_wait3A_377 : memref<64xf32, #tpu.memory_space<hbm>>)
      tpu.yield
    }) : () -> ()
    %add3A_279 = arith.constant 2 : i32
    %add3A_280 = arith.addi %mul3A_2, %add3A_279 : i32
    "tpu.region"() ({
      %run_scoped3A = tpu.sem_alloc : memref<!tpu.dma_semaphore, #tpu.memory_space<semaphore_mem>>
      %dma_start3A_366 = arith.constant 0 : i32
      %dma_start3A_367 = tpu.memref_slice %arg4[%add3A_280, %dma_start3A_366] : memref<128x64xi32, #tpu.memory_space<hbm>> -> memref<1x64xi32, #tpu.memory_space<hbm>>
      %dma_start3A_368 = tpu.memref_squeeze %dma_start3A_367 : memref<1x64xi32, #tpu.memory_space<hbm>> -> memref<64xi32, #tpu.memory_space<hbm>>
      %dma_start3A_369 = arith.constant 0 : i32
      %dma_start3A_370 = tpu.memref_slice %arg4[%add3A_280, %dma_start3A_369] : memref<128x64xi32, #tpu.memory_space<hbm>> -> memref<1x64xi32, #tpu.memory_space<hbm>>
      %dma_start3A_371 = tpu.memref_squeeze %dma_start3A_370 : memref<1x64xi32, #tpu.memory_space<hbm>> -> memref<64xi32, #tpu.memory_space<hbm>>
      tpu.enqueue_dma source(%arg11 : memref<64xi32, #tpu.memory_space<vmem>>) target(%dma_start3A_371 : memref<64xi32, #tpu.memory_space<hbm>>) target_semaphore(%run_scoped3A : memref<!tpu.dma_semaphore, #tpu.memory_space<semaphore_mem>>)
      %dma_wait3A_372 = arith.constant 0 : i32
      %dma_wait3A_373 = tpu.memref_slice %arg4[%add3A_280, %dma_wait3A_372] : memref<128x64xi32, #tpu.memory_space<hbm>> -> memref<1x64xi32, #tpu.memory_space<hbm>>
      %dma_wait3A_374 = tpu.memref_squeeze %dma_wait3A_373 : memref<1x64xi32, #tpu.memory_space<hbm>> -> memref<64xi32, #tpu.memory_space<hbm>>
      %dma_wait3A_375 = arith.constant 0 : i32
      %dma_wait3A_376 = tpu.memref_slice %arg4[%add3A_280, %dma_wait3A_375] : memref<128x64xi32, #tpu.memory_space<hbm>> -> memref<1x64xi32, #tpu.memory_space<hbm>>
      %dma_wait3A_377 = tpu.memref_squeeze %dma_wait3A_376 : memref<1x64xi32, #tpu.memory_space<hbm>> -> memref<64xi32, #tpu.memory_space<hbm>>
      tpu.wait_dma2 semaphore(%run_scoped3A : memref<!tpu.dma_semaphore, #tpu.memory_space<semaphore_mem>>) src(%arg11 : memref<64xi32, #tpu.memory_space<vmem>>) dst(%dma_wait3A_377 : memref<64xi32, #tpu.memory_space<hbm>>)
      tpu.yield
    }) : () -> ()
    %dma_wait3A_281 = arith.constant 0 : i32
    %dma_wait3A_282 = tpu.memref_slice %arg2[%add3A_189, %dma_wait3A_281] : memref<128x32768xf32, #tpu.memory_space<hbm>> -> memref<1x32768xf32, #tpu.memory_space<hbm>>
    %dma_wait3A_283 = tpu.memref_squeeze %dma_wait3A_282 : memref<1x32768xf32, #tpu.memory_space<hbm>> -> memref<32768xf32, #tpu.memory_space<hbm>>
    %dma_wait3A_284 = arith.constant 0 : i32
    %dma_wait3A_285 = tpu.memref_slice %arg2[%add3A_189, %dma_wait3A_284] : memref<128x32768xf32, #tpu.memory_space<hbm>> -> memref<1x32768xf32, #tpu.memory_space<hbm>>
    %dma_wait3A_286 = tpu.memref_squeeze %dma_wait3A_285 : memref<1x32768xf32, #tpu.memory_space<hbm>> -> memref<32768xf32, #tpu.memory_space<hbm>>
    tpu.wait_dma2 semaphore(%arg13 : memref<!tpu.dma_semaphore, #tpu.memory_space<semaphore_mem>>) src(%dma_wait3A_286 : memref<32768xf32, #tpu.memory_space<hbm>>) dst(%arg6 : memref<32768xf32, #tpu.memory_space<vmem>>)
    %scan3A_287 = arith.constant 0 : i32
    %scan3A_288 = arith.constant 64 : i32
    %scan3A_289 = arith.addi %scan3A_287, %scan3A_288 : i32
    %scan3A_290 = arith.constant 1 : i32
    %scan3A_291 = scf.for %scan3A_366 = %scan3A_287 to %scan3A_289 step %scan3A_290 iter_args(%scan3A_367 = %broadcast_in_dim3A_5) -> (vector<16xf32>)  : i32 {
      %add3A_368 = arith.constant 0 : i32
      %add3A_369 = arith.addi %add3A_368, %scan3A_366 : i32
      %mul3A_370 = arith.constant 128 : i32
      %mul3A_371 = arith.muli %add3A_369, %mul3A_370 : i32
      %add3A_372 = arith.constant 0 : i32
      %add3A_373 = arith.addi %mul3A_371, %add3A_372 : i32
      %get3A = arith.index_cast %add3A_373 : i32 to index
      %get3A_374 = tpu.vector_load %arg6[%get3A] {strides = array<i32>} : memref<32768xf32, #tpu.memory_space<vmem>>, vector<16xf32>,
      %add3A_375 = arith.constant 16 : i32
      %add3A_376 = arith.addi %mul3A_371, %add3A_375 : i32
      %get3A_377 = arith.index_cast %add3A_376 : i32 to index
      %get3A_378 = tpu.vector_load %arg6[%get3A_377] {strides = array<i32>} : memref<32768xf32, #tpu.memory_space<vmem>>, vector<16xf32>,
      %add3A_379 = arith.constant 32 : i32
      %add3A_380 = arith.addi %mul3A_371, %add3A_379 : i32
      %get3A_381 = arith.index_cast %add3A_380 : i32 to index
      %get3A_382 = tpu.vector_load %arg6[%get3A_381] {strides = array<i32>} : memref<32768xf32, #tpu.memory_space<vmem>>, vector<16xf32>,
      %add3A_383 = arith.constant 48 : i32
      %add3A_384 = arith.addi %mul3A_371, %add3A_383 : i32
      %get3A_385 = arith.index_cast %add3A_384 : i32 to index
      %get3A_386 = tpu.vector_load %arg6[%get3A_385] {strides = array<i32>} : memref<32768xf32, #tpu.memory_space<vmem>>, vector<16xf32>,
      %add3A_387 = arith.constant 64 : i32
      %add3A_388 = arith.addi %mul3A_371, %add3A_387 : i32
      %get3A_389 = arith.index_cast %add3A_388 : i32 to index
      %get3A_390 = tpu.vector_load %arg6[%get3A_389] {strides = array<i32>} : memref<32768xf32, #tpu.memory_space<vmem>>, vector<16xf32>,
      %add3A_391 = arith.constant 80 : i32
      %add3A_392 = arith.addi %mul3A_371, %add3A_391 : i32
      %get3A_393 = arith.index_cast %add3A_392 : i32 to index
      %get3A_394 = tpu.vector_load %arg6[%get3A_393] {strides = array<i32>} : memref<32768xf32, #tpu.memory_space<vmem>>, vector<16xf32>,
      %add3A_395 = arith.constant 96 : i32
      %add3A_396 = arith.addi %mul3A_371, %add3A_395 : i32
      %get3A_397 = arith.index_cast %add3A_396 : i32 to index
      %get3A_398 = tpu.vector_load %arg6[%get3A_397] {strides = array<i32>} : memref<32768xf32, #tpu.memory_space<vmem>>, vector<16xf32>,
      %add3A_399 = arith.constant 112 : i32
      %add3A_400 = arith.addi %mul3A_371, %add3A_399 : i32
      %get3A_401 = arith.index_cast %add3A_400 : i32 to index
      %get3A_402 = tpu.vector_load %arg6[%get3A_401] {strides = array<i32>} : memref<32768xf32, #tpu.memory_space<vmem>>, vector<16xf32>,
      %max3A = arith.maximumf %get3A_374, %get3A_378 : vector<16xf32>
      %max3A_403 = arith.maximumf %get3A_382, %get3A_386 : vector<16xf32>
      %max3A_404 = arith.maximumf %get3A_390, %get3A_394 : vector<16xf32>
      %max3A_405 = arith.maximumf %get3A_398, %get3A_402 : vector<16xf32>
      %max3A_406 = arith.maximumf %max3A, %max3A_403 : vector<16xf32>
      %max3A_407 = arith.maximumf %max3A_404, %max3A_405 : vector<16xf32>
      %max3A_408 = arith.maximumf %max3A_406, %max3A_407 : vector<16xf32>
      %add3A_409 = arith.constant 0 : i32
      %add3A_410 = arith.addi %add3A_409, %scan3A_366 : i32
      %mul3A_411 = arith.constant 16 : i32
      %mul3A_412 = arith.muli %add3A_410, %mul3A_411 : i32
      %swap3A_413 = arith.index_cast %mul3A_412 : i32 to index
      %swap3A_414 = tpu.vector_load %arg9[%swap3A_413] {strides = array<i32>} : memref<4096xf32, #tpu.memory_space<vmem>>, vector<16xf32>,
      tpu.vector_store %arg9[%swap3A_413], %max3A_408 {strides = array<i32>} : memref<4096xf32, #tpu.memory_space<vmem>>, vector<16xf32>,
      %max3A_415 = arith.maximumf %scan3A_367, %max3A_408 : vector<16xf32>
      scf.yield %max3A_415 : vector<16xf32>
    }
    %scan3A_292 = arith.constant 64 : i32
    %scan3A_293 = arith.constant 0 : i32
    %scan3A_294 = arith.constant 64 : i32
    %scan3A_295 = arith.addi %scan3A_293, %scan3A_294 : i32
    %scan3A_296 = arith.constant 1 : i32
    %scan3A_297 = scf.for %scan3A_366 = %scan3A_293 to %scan3A_295 step %scan3A_296 iter_args(%scan3A_367 = %broadcast_in_dim3A_5) -> (vector<16xf32>)  : i32 {
      %add3A_368 = arith.constant 64 : i32
      %add3A_369 = arith.addi %add3A_368, %scan3A_366 : i32
      %mul3A_370 = arith.constant 128 : i32
      %mul3A_371 = arith.muli %add3A_369, %mul3A_370 : i32
      %add3A_372 = arith.constant 0 : i32
      %add3A_373 = arith.addi %mul3A_371, %add3A_372 : i32
      %get3A = arith.index_cast %add3A_373 : i32 to index
      %get3A_374 = tpu.vector_load %arg6[%get3A] {strides = array<i32>} : memref<32768xf32, #tpu.memory_space<vmem>>, vector<16xf32>,
      %add3A_375 = arith.constant 16 : i32
      %add3A_376 = arith.addi %mul3A_371, %add3A_375 : i32
      %get3A_377 = arith.index_cast %add3A_376 : i32 to index
      %get3A_378 = tpu.vector_load %arg6[%get3A_377] {strides = array<i32>} : memref<32768xf32, #tpu.memory_space<vmem>>, vector<16xf32>,
      %add3A_379 = arith.constant 32 : i32
      %add3A_380 = arith.addi %mul3A_371, %add3A_379 : i32
      %get3A_381 = arith.index_cast %add3A_380 : i32 to index
      %get3A_382 = tpu.vector_load %arg6[%get3A_381] {strides = array<i32>} : memref<32768xf32, #tpu.memory_space<vmem>>, vector<16xf32>,
      %add3A_383 = arith.constant 48 : i32
      %add3A_384 = arith.addi %mul3A_371, %add3A_383 : i32
      %get3A_385 = arith.index_cast %add3A_384 : i32 to index
      %get3A_386 = tpu.vector_load %arg6[%get3A_385] {strides = array<i32>} : memref<32768xf32, #tpu.memory_space<vmem>>, vector<16xf32>,
      %add3A_387 = arith.constant 64 : i32
      %add3A_388 = arith.addi %mul3A_371, %add3A_387 : i32
      %get3A_389 = arith.index_cast %add3A_388 : i32 to index
      %get3A_390 = tpu.vector_load %arg6[%get3A_389] {strides = array<i32>} : memref<32768xf32, #tpu.memory_space<vmem>>, vector<16xf32>,
      %add3A_391 = arith.constant 80 : i32
      %add3A_392 = arith.addi %mul3A_371, %add3A_391 : i32
      %get3A_393 = arith.index_cast %add3A_392 : i32 to index
      %get3A_394 = tpu.vector_load %arg6[%get3A_393] {strides = array<i32>} : memref<32768xf32, #tpu.memory_space<vmem>>, vector<16xf32>,
      %add3A_395 = arith.constant 96 : i32
      %add3A_396 = arith.addi %mul3A_371, %add3A_395 : i32
      %get3A_397 = arith.index_cast %add3A_396 : i32 to index
      %get3A_398 = tpu.vector_load %arg6[%get3A_397] {strides = array<i32>} : memref<32768xf32, #tpu.memory_space<vmem>>, vector<16xf32>,
      %add3A_399 = arith.constant 112 : i32
      %add3A_400 = arith.addi %mul3A_371, %add3A_399 : i32
      %get3A_401 = arith.index_cast %add3A_400 : i32 to index
      %get3A_402 = tpu.vector_load %arg6[%get3A_401] {strides = array<i32>} : memref<32768xf32, #tpu.memory_space<vmem>>, vector<16xf32>,
      %max3A = arith.maximumf %get3A_374, %get3A_378 : vector<16xf32>
      %max3A_403 = arith.maximumf %get3A_382, %get3A_386 : vector<16xf32>
      %max3A_404 = arith.maximumf %get3A_390, %get3A_394 : vector<16xf32>
      %max3A_405 = arith.maximumf %get3A_398, %get3A_402 : vector<16xf32>
      %max3A_406 = arith.maximumf %max3A, %max3A_403 : vector<16xf32>
      %max3A_407 = arith.maximumf %max3A_404, %max3A_405 : vector<16xf32>
      %max3A_408 = arith.maximumf %max3A_406, %max3A_407 : vector<16xf32>
      %add3A_409 = arith.constant 64 : i32
      %add3A_410 = arith.addi %add3A_409, %scan3A_366 : i32
      %mul3A_411 = arith.constant 16 : i32
      %mul3A_412 = arith.muli %add3A_410, %mul3A_411 : i32
      %swap3A_413 = arith.index_cast %mul3A_412 : i32 to index
      %swap3A_414 = tpu.vector_load %arg9[%swap3A_413] {strides = array<i32>} : memref<4096xf32, #tpu.memory_space<vmem>>, vector<16xf32>,
      tpu.vector_store %arg9[%swap3A_413], %max3A_408 {strides = array<i32>} : memref<4096xf32, #tpu.memory_space<vmem>>, vector<16xf32>,
      %max3A_415 = arith.maximumf %scan3A_367, %max3A_408 : vector<16xf32>
      scf.yield %max3A_415 : vector<16xf32>
    }
    %scan3A_298 = arith.constant 64 : i32
    %scan3A_299 = arith.constant 0 : i32
    %scan3A_300 = arith.constant 64 : i32
    %scan3A_301 = arith.addi %scan3A_299, %scan3A_300 : i32
    %scan3A_302 = arith.constant 1 : i32
    %scan3A_303 = scf.for %scan3A_366 = %scan3A_299 to %scan3A_301 step %scan3A_302 iter_args(%scan3A_367 = %broadcast_in_dim3A_5) -> (vector<16xf32>)  : i32 {
      %add3A_368 = arith.constant 128 : i32
      %add3A_369 = arith.addi %add3A_368, %scan3A_366 : i32
      %mul3A_370 = arith.constant 128 : i32
      %mul3A_371 = arith.muli %add3A_369, %mul3A_370 : i32
      %add3A_372 = arith.constant 0 : i32
      %add3A_373 = arith.addi %mul3A_371, %add3A_372 : i32
      %get3A = arith.index_cast %add3A_373 : i32 to index
      %get3A_374 = tpu.vector_load %arg6[%get3A] {strides = array<i32>} : memref<32768xf32, #tpu.memory_space<vmem>>, vector<16xf32>,
      %add3A_375 = arith.constant 16 : i32
      %add3A_376 = arith.addi %mul3A_371, %add3A_375 : i32
      %get3A_377 = arith.index_cast %add3A_376 : i32 to index
      %get3A_378 = tpu.vector_load %arg6[%get3A_377] {strides = array<i32>} : memref<32768xf32, #tpu.memory_space<vmem>>, vector<16xf32>,
      %add3A_379 = arith.constant 32 : i32
      %add3A_380 = arith.addi %mul3A_371, %add3A_379 : i32
      %get3A_381 = arith.index_cast %add3A_380 : i32 to index
      %get3A_382 = tpu.vector_load %arg6[%get3A_381] {strides = array<i32>} : memref<32768xf32, #tpu.memory_space<vmem>>, vector<16xf32>,
      %add3A_383 = arith.constant 48 : i32
      %add3A_384 = arith.addi %mul3A_371, %add3A_383 : i32
      %get3A_385 = arith.index_cast %add3A_384 : i32 to index
      %get3A_386 = tpu.vector_load %arg6[%get3A_385] {strides = array<i32>} : memref<32768xf32, #tpu.memory_space<vmem>>, vector<16xf32>,
      %add3A_387 = arith.constant 64 : i32
      %add3A_388 = arith.addi %mul3A_371, %add3A_387 : i32
      %get3A_389 = arith.index_cast %add3A_388 : i32 to index
      %get3A_390 = tpu.vector_load %arg6[%get3A_389] {strides = array<i32>} : memref<32768xf32, #tpu.memory_space<vmem>>, vector<16xf32>,
      %add3A_391 = arith.constant 80 : i32
      %add3A_392 = arith.addi %mul3A_371, %add3A_391 : i32
      %get3A_393 = arith.index_cast %add3A_392 : i32 to index
      %get3A_394 = tpu.vector_load %arg6[%get3A_393] {strides = array<i32>} : memref<32768xf32, #tpu.memory_space<vmem>>, vector<16xf32>,
      %add3A_395 = arith.constant 96 : i32
      %add3A_396 = arith.addi %mul3A_371, %add3A_395 : i32
      %get3A_397 = arith.index_cast %add3A_396 : i32 to index
      %get3A_398 = tpu.vector_load %arg6[%get3A_397] {strides = array<i32>} : memref<32768xf32, #tpu.memory_space<vmem>>, vector<16xf32>,
      %add3A_399 = arith.constant 112 : i32
      %add3A_400 = arith.addi %mul3A_371, %add3A_399 : i32
      %get3A_401 = arith.index_cast %add3A_400 : i32 to index
      %get3A_402 = tpu.vector_load %arg6[%get3A_401] {strides = array<i32>} : memref<32768xf32, #tpu.memory_space<vmem>>, vector<16xf32>,
      %max3A = arith.maximumf %get3A_374, %get3A_378 : vector<16xf32>
      %max3A_403 = arith.maximumf %get3A_382, %get3A_386 : vector<16xf32>
      %max3A_404 = arith.maximumf %get3A_390, %get3A_394 : vector<16xf32>
      %max3A_405 = arith.maximumf %get3A_398, %get3A_402 : vector<16xf32>
      %max3A_406 = arith.maximumf %max3A, %max3A_403 : vector<16xf32>
      %max3A_407 = arith.maximumf %max3A_404, %max3A_405 : vector<16xf32>
      %max3A_408 = arith.maximumf %max3A_406, %max3A_407 : vector<16xf32>
      %add3A_409 = arith.constant 128 : i32
      %add3A_410 = arith.addi %add3A_409, %scan3A_366 : i32
      %mul3A_411 = arith.constant 16 : i32
      %mul3A_412 = arith.muli %add3A_410, %mul3A_411 : i32
      %swap3A_413 = arith.index_cast %mul3A_412 : i32 to index
      %swap3A_414 = tpu.vector_load %arg9[%swap3A_413] {strides = array<i32>} : memref<4096xf32, #tpu.memory_space<vmem>>, vector<16xf32>,
      tpu.vector_store %arg9[%swap3A_413], %max3A_408 {strides = array<i32>} : memref<4096xf32, #tpu.memory_space<vmem>>, vector<16xf32>,
      %max3A_415 = arith.maximumf %scan3A_367, %max3A_408 : vector<16xf32>
      scf.yield %max3A_415 : vector<16xf32>
    }
    %scan3A_304 = arith.constant 64 : i32
    %scan3A_305 = arith.constant 0 : i32
    %scan3A_306 = arith.constant 64 : i32
    %scan3A_307 = arith.addi %scan3A_305, %scan3A_306 : i32
    %scan3A_308 = arith.constant 1 : i32
    %scan3A_309 = scf.for %scan3A_366 = %scan3A_305 to %scan3A_307 step %scan3A_308 iter_args(%scan3A_367 = %broadcast_in_dim3A_5) -> (vector<16xf32>)  : i32 {
      %add3A_368 = arith.constant 192 : i32
      %add3A_369 = arith.addi %add3A_368, %scan3A_366 : i32
      %mul3A_370 = arith.constant 128 : i32
      %mul3A_371 = arith.muli %add3A_369, %mul3A_370 : i32
      %add3A_372 = arith.constant 0 : i32
      %add3A_373 = arith.addi %mul3A_371, %add3A_372 : i32
      %get3A = arith.index_cast %add3A_373 : i32 to index
      %get3A_374 = tpu.vector_load %arg6[%get3A] {strides = array<i32>} : memref<32768xf32, #tpu.memory_space<vmem>>, vector<16xf32>,
      %add3A_375 = arith.constant 16 : i32
      %add3A_376 = arith.addi %mul3A_371, %add3A_375 : i32
      %get3A_377 = arith.index_cast %add3A_376 : i32 to index
      %get3A_378 = tpu.vector_load %arg6[%get3A_377] {strides = array<i32>} : memref<32768xf32, #tpu.memory_space<vmem>>, vector<16xf32>,
      %add3A_379 = arith.constant 32 : i32
      %add3A_380 = arith.addi %mul3A_371, %add3A_379 : i32
      %get3A_381 = arith.index_cast %add3A_380 : i32 to index
      %get3A_382 = tpu.vector_load %arg6[%get3A_381] {strides = array<i32>} : memref<32768xf32, #tpu.memory_space<vmem>>, vector<16xf32>,
      %add3A_383 = arith.constant 48 : i32
      %add3A_384 = arith.addi %mul3A_371, %add3A_383 : i32
      %get3A_385 = arith.index_cast %add3A_384 : i32 to index
      %get3A_386 = tpu.vector_load %arg6[%get3A_385] {strides = array<i32>} : memref<32768xf32, #tpu.memory_space<vmem>>, vector<16xf32>,
      %add3A_387 = arith.constant 64 : i32
      %add3A_388 = arith.addi %mul3A_371, %add3A_387 : i32
      %get3A_389 = arith.index_cast %add3A_388 : i32 to index
      %get3A_390 = tpu.vector_load %arg6[%get3A_389] {strides = array<i32>} : memref<32768xf32, #tpu.memory_space<vmem>>, vector<16xf32>,
      %add3A_391 = arith.constant 80 : i32
      %add3A_392 = arith.addi %mul3A_371, %add3A_391 : i32
      %get3A_393 = arith.index_cast %add3A_392 : i32 to index
      %get3A_394 = tpu.vector_load %arg6[%get3A_393] {strides = array<i32>} : memref<32768xf32, #tpu.memory_space<vmem>>, vector<16xf32>,
      %add3A_395 = arith.constant 96 : i32
      %add3A_396 = arith.addi %mul3A_371, %add3A_395 : i32
      %get3A_397 = arith.index_cast %add3A_396 : i32 to index
      %get3A_398 = tpu.vector_load %arg6[%get3A_397] {strides = array<i32>} : memref<32768xf32, #tpu.memory_space<vmem>>, vector<16xf32>,
      %add3A_399 = arith.constant 112 : i32
      %add3A_400 = arith.addi %mul3A_371, %add3A_399 : i32
      %get3A_401 = arith.index_cast %add3A_400 : i32 to index
      %get3A_402 = tpu.vector_load %arg6[%get3A_401] {strides = array<i32>} : memref<32768xf32, #tpu.memory_space<vmem>>, vector<16xf32>,
      %max3A = arith.maximumf %get3A_374, %get3A_378 : vector<16xf32>
      %max3A_403 = arith.maximumf %get3A_382, %get3A_386 : vector<16xf32>
      %max3A_404 = arith.maximumf %get3A_390, %get3A_394 : vector<16xf32>
      %max3A_405 = arith.maximumf %get3A_398, %get3A_402 : vector<16xf32>
      %max3A_406 = arith.maximumf %max3A, %max3A_403 : vector<16xf32>
      %max3A_407 = arith.maximumf %max3A_404, %max3A_405 : vector<16xf32>
      %max3A_408 = arith.maximumf %max3A_406, %max3A_407 : vector<16xf32>
      %add3A_409 = arith.constant 192 : i32
      %add3A_410 = arith.addi %add3A_409, %scan3A_366 : i32
      %mul3A_411 = arith.constant 16 : i32
      %mul3A_412 = arith.muli %add3A_410, %mul3A_411 : i32
      %swap3A_413 = arith.index_cast %mul3A_412 : i32 to index
      %swap3A_414 = tpu.vector_load %arg9[%swap3A_413] {strides = array<i32>} : memref<4096xf32, #tpu.memory_space<vmem>>, vector<16xf32>,
      tpu.vector_store %arg9[%swap3A_413], %max3A_408 {strides = array<i32>} : memref<4096xf32, #tpu.memory_space<vmem>>, vector<16xf32>,
      %max3A_415 = arith.maximumf %scan3A_367, %max3A_408 : vector<16xf32>
      scf.yield %max3A_415 : vector<16xf32>
    }
    %scan3A_310 = arith.constant 64 : i32
    %min3A_311 = arith.minimumf %scan3A_291, %scan3A_297 : vector<16xf32>
    %min3A_312 = arith.minimumf %scan3A_303, %scan3A_309 : vector<16xf32>
    %min3A_313 = arith.minimumf %min3A_311, %min3A_312 : vector<16xf32>
    %reduce_min3A_314 = arith.constant true
    %reduce_min3A_315 = vector.broadcast %reduce_min3A_314 : i1 to vector<16xi1>
    %reduce_min3A_316 = tpu.scan <min>, %min3A_313 masked %reduce_min3A_315 : vector<16xf32>, vector<16xi1> -> vector<16xf32>
    %reduce_min3A_317 = vector.extract %reduce_min3A_316[15] : f32 from vector<16xf32>
    %broadcast_in_dim3A_318 = vector.broadcast %reduce_min3A_317 : f32 to vector<16xf32>
    %broadcast_in_dim3A_319 = arith.constant 4112 : i32
    %broadcast_in_dim3A_320 = vector.broadcast %broadcast_in_dim3A_319 : i32 to vector<16xi32>
    %broadcast_in_dim3A_321 = arith.constant 0 : i32
    %broadcast_in_dim3A_322 = vector.broadcast %broadcast_in_dim3A_321 : i32 to vector<16xi32>
    %scan3A_323 = arith.constant 0 : i32
    %scan3A_324 = arith.constant 256 : i32
    %scan3A_325 = arith.addi %scan3A_323, %scan3A_324 : i32
    %scan3A_326 = arith.constant 1 : i32
    %scan3A_327 = scf.for %scan3A_366 = %scan3A_323 to %scan3A_325 step %scan3A_326 iter_args(%scan3A_367 = %broadcast_in_dim3A_322) -> (vector<16xi32>)  : i32 {
      %mul3A_368 = arith.constant 128 : i32
      %mul3A_369 = arith.muli %scan3A_366, %mul3A_368 : i32
      %mul3A_370 = arith.constant 16 : i32
      %mul3A_371 = arith.muli %scan3A_366, %mul3A_370 : i32
      %get3A = arith.index_cast %mul3A_371 : i32 to index
      %get3A_372 = tpu.vector_load %arg9[%get3A] {strides = array<i32>} : memref<4096xf32, #tpu.memory_space<vmem>>, vector<16xf32>,
      %ge3A = arith.cmpf oge, %get3A_372, %broadcast_in_dim3A_318 : vector<16xf32>
      %reduce_or3A = arith.constant 1.000000e+00 : f32
      %reduce_or3A_373 = arith.constant 0.000000e+00 : f32
      %reduce_or3A_374 = vector.broadcast %reduce_or3A : f32 to vector<16xf32>
      %reduce_or3A_375 = vector.broadcast %reduce_or3A_373 : f32 to vector<16xf32>
      %reduce_or3A_376 = arith.select %ge3A, %reduce_or3A_374, %reduce_or3A_375 : vector<16xi1>, vector<16xf32>
      %reduce_or3A_377 = arith.constant true
      %reduce_or3A_378 = vector.broadcast %reduce_or3A_377 : i1 to vector<16xi1>
      %reduce_or3A_379 = tpu.scan <max>, %reduce_or3A_376 masked %reduce_or3A_378 : vector<16xf32>, vector<16xi1> -> vector<16xf32>
      %reduce_or3A_380 = vector.extract %reduce_or3A_379[15] : f32 from vector<16xf32>
      %reduce_or3A_381 = arith.constant 0.000000e+00 : f32
      %reduce_or3A_382 = arith.cmpf ogt, %reduce_or3A_380, %reduce_or3A_381 : f32
      %convert_element_type3A_383 = arith.extui %reduce_or3A_382 : i1 to i32
      %cond3A_384 = arith.constant 0 : i32
      %cond3A_385 = arith.cmpi ne, %convert_element_type3A_383, %cond3A_384 : i32
      %cond3A_386 = scf.if %cond3A_385 -> (vector<16xi32>) {
        %add3A_387 = arith.constant 0 : i32
        %add3A_388 = arith.addi %mul3A_369, %add3A_387 : i32
        %get3A_389 = arith.index_cast %add3A_388 : i32 to index
        %get3A_390 = tpu.vector_load %arg6[%get3A_389] {strides = array<i32>} : memref<32768xf32, #tpu.memory_space<vmem>>, vector<16xf32>,
        %ge3A_391 = arith.cmpf oge, %get3A_390, %broadcast_in_dim3A_318 : vector<16xf32>
        %convert_element_type3A_392 = arith.extui %ge3A_391 : vector<16xi1> to vector<16xi32>
        %broadcast_in_dim3A_393 = arith.constant true
        %broadcast_in_dim3A_394 = vector.broadcast %broadcast_in_dim3A_393 : i1 to vector<16xi1>
        %masked_cumsum3A = tpu.scan <sum>, %convert_element_type3A_392 masked %broadcast_in_dim3A_394 : vector<16xi32>, vector<16xi1> -> vector<16xi32>
        %add3A_395 = arith.addi %scan3A_367, %masked_cumsum3A : vector<16xi32>
        %sub3A = arith.constant 1 : i32
        %sub3A_396 = vector.broadcast %sub3A : i32 to vector<16xi32>
        %sub3A_397 = arith.subi %add3A_395, %sub3A_396 : vector<16xi32>
        %lt3A = arith.cmpi slt, %sub3A_397, %broadcast_in_dim3A_320 : vector<16xi32>
        %and3A = arith.andi %ge3A_391, %lt3A : vector<16xi1>
        tpu.vector_store_idx %arg7[%sub3A_397], %get3A_390 masked %and3A : memref<4160xf32, #tpu.memory_space<vmem>>[vector<16xi32>], vector<16xf32>, vector<16xi1>
        %add3A_398 = arith.constant 0 : i32
        %add3A_399 = arith.addi %mul3A_369, %add3A_398 : i32
        %add3A_400 = vector.broadcast %add3A_399 : i32 to vector<16xi32>
        %add3A_401 = arith.addi %iota3A, %add3A_400 : vector<16xi32>
        tpu.vector_store_idx %arg8[%sub3A_397], %add3A_401 masked %and3A : memref<4160xi32, #tpu.memory_space<vmem>>[vector<16xi32>], vector<16xi32>, vector<16xi1>
        %all_reduce_population_count3A = tpu.all_reduce %ge3A_391 {dim = 0 : i64, kind = #tpu.reduction_kind<sum>} : vector<16xi1> -> vector<16xi32>
        %add3A_402 = arith.addi %scan3A_367, %all_reduce_population_count3A : vector<16xi32>
        %add3A_403 = arith.constant 16 : i32
        %add3A_404 = arith.addi %mul3A_369, %add3A_403 : i32
        %get3A_405 = arith.index_cast %add3A_404 : i32 to index
        %get3A_406 = tpu.vector_load %arg6[%get3A_405] {strides = array<i32>} : memref<32768xf32, #tpu.memory_space<vmem>>, vector<16xf32>,
        %ge3A_407 = arith.cmpf oge, %get3A_406, %broadcast_in_dim3A_318 : vector<16xf32>
        %convert_element_type3A_408 = arith.extui %ge3A_407 : vector<16xi1> to vector<16xi32>
        %broadcast_in_dim3A_409 = arith.constant true
        %broadcast_in_dim3A_410 = vector.broadcast %broadcast_in_dim3A_409 : i1 to vector<16xi1>
        %masked_cumsum3A_411 = tpu.scan <sum>, %convert_element_type3A_408 masked %broadcast_in_dim3A_410 : vector<16xi32>, vector<16xi1> -> vector<16xi32>
        %add3A_412 = arith.addi %add3A_402, %masked_cumsum3A_411 : vector<16xi32>
        %sub3A_413 = arith.constant 1 : i32
        %sub3A_414 = vector.broadcast %sub3A_413 : i32 to vector<16xi32>
        %sub3A_415 = arith.subi %add3A_412, %sub3A_414 : vector<16xi32>
        %lt3A_416 = arith.cmpi slt, %sub3A_415, %broadcast_in_dim3A_320 : vector<16xi32>
        %and3A_417 = arith.andi %ge3A_407, %lt3A_416 : vector<16xi1>
        tpu.vector_store_idx %arg7[%sub3A_415], %get3A_406 masked %and3A_417 : memref<4160xf32, #tpu.memory_space<vmem>>[vector<16xi32>], vector<16xf32>, vector<16xi1>
        %add3A_418 = arith.constant 16 : i32
        %add3A_419 = arith.addi %mul3A_369, %add3A_418 : i32
        %add3A_420 = vector.broadcast %add3A_419 : i32 to vector<16xi32>
        %add3A_421 = arith.addi %iota3A, %add3A_420 : vector<16xi32>
        tpu.vector_store_idx %arg8[%sub3A_415], %add3A_421 masked %and3A_417 : memref<4160xi32, #tpu.memory_space<vmem>>[vector<16xi32>], vector<16xi32>, vector<16xi1>
        %all_reduce_population_count3A_422 = tpu.all_reduce %ge3A_407 {dim = 0 : i64, kind = #tpu.reduction_kind<sum>} : vector<16xi1> -> vector<16xi32>
        %add3A_423 = arith.addi %add3A_402, %all_reduce_population_count3A_422 : vector<16xi32>
        %add3A_424 = arith.constant 32 : i32
        %add3A_425 = arith.addi %mul3A_369, %add3A_424 : i32
        %get3A_426 = arith.index_cast %add3A_425 : i32 to index
        %get3A_427 = tpu.vector_load %arg6[%get3A_426] {strides = array<i32>} : memref<32768xf32, #tpu.memory_space<vmem>>, vector<16xf32>,
        %ge3A_428 = arith.cmpf oge, %get3A_427, %broadcast_in_dim3A_318 : vector<16xf32>
        %convert_element_type3A_429 = arith.extui %ge3A_428 : vector<16xi1> to vector<16xi32>
        %broadcast_in_dim3A_430 = arith.constant true
        %broadcast_in_dim3A_431 = vector.broadcast %broadcast_in_dim3A_430 : i1 to vector<16xi1>
        %masked_cumsum3A_432 = tpu.scan <sum>, %convert_element_type3A_429 masked %broadcast_in_dim3A_431 : vector<16xi32>, vector<16xi1> -> vector<16xi32>
        %add3A_433 = arith.addi %add3A_423, %masked_cumsum3A_432 : vector<16xi32>
        %sub3A_434 = arith.constant 1 : i32
        %sub3A_435 = vector.broadcast %sub3A_434 : i32 to vector<16xi32>
        %sub3A_436 = arith.subi %add3A_433, %sub3A_435 : vector<16xi32>
        %lt3A_437 = arith.cmpi slt, %sub3A_436, %broadcast_in_dim3A_320 : vector<16xi32>
        %and3A_438 = arith.andi %ge3A_428, %lt3A_437 : vector<16xi1>
        tpu.vector_store_idx %arg7[%sub3A_436], %get3A_427 masked %and3A_438 : memref<4160xf32, #tpu.memory_space<vmem>>[vector<16xi32>], vector<16xf32>, vector<16xi1>
        %add3A_439 = arith.constant 32 : i32
        %add3A_440 = arith.addi %mul3A_369, %add3A_439 : i32
        %add3A_441 = vector.broadcast %add3A_440 : i32 to vector<16xi32>
        %add3A_442 = arith.addi %iota3A, %add3A_441 : vector<16xi32>
        tpu.vector_store_idx %arg8[%sub3A_436], %add3A_442 masked %and3A_438 : memref<4160xi32, #tpu.memory_space<vmem>>[vector<16xi32>], vector<16xi32>, vector<16xi1>
        %all_reduce_population_count3A_443 = tpu.all_reduce %ge3A_428 {dim = 0 : i64, kind = #tpu.reduction_kind<sum>} : vector<16xi1> -> vector<16xi32>
        %add3A_444 = arith.addi %add3A_423, %all_reduce_population_count3A_443 : vector<16xi32>
        %add3A_445 = arith.constant 48 : i32
        %add3A_446 = arith.addi %mul3A_369, %add3A_445 : i32
        %get3A_447 = arith.index_cast %add3A_446 : i32 to index
        %get3A_448 = tpu.vector_load %arg6[%get3A_447] {strides = array<i32>} : memref<32768xf32, #tpu.memory_space<vmem>>, vector<16xf32>,
        %ge3A_449 = arith.cmpf oge, %get3A_448, %broadcast_in_dim3A_318 : vector<16xf32>
        %convert_element_type3A_450 = arith.extui %ge3A_449 : vector<16xi1> to vector<16xi32>
        %broadcast_in_dim3A_451 = arith.constant true
        %broadcast_in_dim3A_452 = vector.broadcast %broadcast_in_dim3A_451 : i1 to vector<16xi1>
        %masked_cumsum3A_453 = tpu.scan <sum>, %convert_element_type3A_450 masked %broadcast_in_dim3A_452 : vector<16xi32>, vector<16xi1> -> vector<16xi32>
        %add3A_454 = arith.addi %add3A_444, %masked_cumsum3A_453 : vector<16xi32>
        %sub3A_455 = arith.constant 1 : i32
        %sub3A_456 = vector.broadcast %sub3A_455 : i32 to vector<16xi32>
        %sub3A_457 = arith.subi %add3A_454, %sub3A_456 : vector<16xi32>
        %lt3A_458 = arith.cmpi slt, %sub3A_457, %broadcast_in_dim3A_320 : vector<16xi32>
        %and3A_459 = arith.andi %ge3A_449, %lt3A_458 : vector<16xi1>
        tpu.vector_store_idx %arg7[%sub3A_457], %get3A_448 masked %and3A_459 : memref<4160xf32, #tpu.memory_space<vmem>>[vector<16xi32>], vector<16xf32>, vector<16xi1>
        %add3A_460 = arith.constant 48 : i32
        %add3A_461 = arith.addi %mul3A_369, %add3A_460 : i32
        %add3A_462 = vector.broadcast %add3A_461 : i32 to vector<16xi32>
        %add3A_463 = arith.addi %iota3A, %add3A_462 : vector<16xi32>
        tpu.vector_store_idx %arg8[%sub3A_457], %add3A_463 masked %and3A_459 : memref<4160xi32, #tpu.memory_space<vmem>>[vector<16xi32>], vector<16xi32>, vector<16xi1>
        %all_reduce_population_count3A_464 = tpu.all_reduce %ge3A_449 {dim = 0 : i64, kind = #tpu.reduction_kind<sum>} : vector<16xi1> -> vector<16xi32>
        %add3A_465 = arith.addi %add3A_444, %all_reduce_population_count3A_464 : vector<16xi32>
        %add3A_466 = arith.constant 64 : i32
        %add3A_467 = arith.addi %mul3A_369, %add3A_466 : i32
        %get3A_468 = arith.index_cast %add3A_467 : i32 to index
        %get3A_469 = tpu.vector_load %arg6[%get3A_468] {strides = array<i32>} : memref<32768xf32, #tpu.memory_space<vmem>>, vector<16xf32>,
        %ge3A_470 = arith.cmpf oge, %get3A_469, %broadcast_in_dim3A_318 : vector<16xf32>
        %convert_element_type3A_471 = arith.extui %ge3A_470 : vector<16xi1> to vector<16xi32>
        %broadcast_in_dim3A_472 = arith.constant true
        %broadcast_in_dim3A_473 = vector.broadcast %broadcast_in_dim3A_472 : i1 to vector<16xi1>
        %masked_cumsum3A_474 = tpu.scan <sum>, %convert_element_type3A_471 masked %broadcast_in_dim3A_473 : vector<16xi32>, vector<16xi1> -> vector<16xi32>
        %add3A_475 = arith.addi %add3A_465, %masked_cumsum3A_474 : vector<16xi32>
        %sub3A_476 = arith.constant 1 : i32
        %sub3A_477 = vector.broadcast %sub3A_476 : i32 to vector<16xi32>
        %sub3A_478 = arith.subi %add3A_475, %sub3A_477 : vector<16xi32>
        %lt3A_479 = arith.cmpi slt, %sub3A_478, %broadcast_in_dim3A_320 : vector<16xi32>
        %and3A_480 = arith.andi %ge3A_470, %lt3A_479 : vector<16xi1>
        tpu.vector_store_idx %arg7[%sub3A_478], %get3A_469 masked %and3A_480 : memref<4160xf32, #tpu.memory_space<vmem>>[vector<16xi32>], vector<16xf32>, vector<16xi1>
        %add3A_481 = arith.constant 64 : i32
        %add3A_482 = arith.addi %mul3A_369, %add3A_481 : i32
        %add3A_483 = vector.broadcast %add3A_482 : i32 to vector<16xi32>
        %add3A_484 = arith.addi %iota3A, %add3A_483 : vector<16xi32>
        tpu.vector_store_idx %arg8[%sub3A_478], %add3A_484 masked %and3A_480 : memref<4160xi32, #tpu.memory_space<vmem>>[vector<16xi32>], vector<16xi32>, vector<16xi1>
        %all_reduce_population_count3A_485 = tpu.all_reduce %ge3A_470 {dim = 0 : i64, kind = #tpu.reduction_kind<sum>} : vector<16xi1> -> vector<16xi32>
        %add3A_486 = arith.addi %add3A_465, %all_reduce_population_count3A_485 : vector<16xi32>
        %add3A_487 = arith.constant 80 : i32
        %add3A_488 = arith.addi %mul3A_369, %add3A_487 : i32
        %get3A_489 = arith.index_cast %add3A_488 : i32 to index
        %get3A_490 = tpu.vector_load %arg6[%get3A_489] {strides = array<i32>} : memref<32768xf32, #tpu.memory_space<vmem>>, vector<16xf32>,
        %ge3A_491 = arith.cmpf oge, %get3A_490, %broadcast_in_dim3A_318 : vector<16xf32>
        %convert_element_type3A_492 = arith.extui %ge3A_491 : vector<16xi1> to vector<16xi32>
        %broadcast_in_dim3A_493 = arith.constant true
        %broadcast_in_dim3A_494 = vector.broadcast %broadcast_in_dim3A_493 : i1 to vector<16xi1>
        %masked_cumsum3A_495 = tpu.scan <sum>, %convert_element_type3A_492 masked %broadcast_in_dim3A_494 : vector<16xi32>, vector<16xi1> -> vector<16xi32>
        %add3A_496 = arith.addi %add3A_486, %masked_cumsum3A_495 : vector<16xi32>
        %sub3A_497 = arith.constant 1 : i32
        %sub3A_498 = vector.broadcast %sub3A_497 : i32 to vector<16xi32>
        %sub3A_499 = arith.subi %add3A_496, %sub3A_498 : vector<16xi32>
        %lt3A_500 = arith.cmpi slt, %sub3A_499, %broadcast_in_dim3A_320 : vector<16xi32>
        %and3A_501 = arith.andi %ge3A_491, %lt3A_500 : vector<16xi1>
        tpu.vector_store_idx %arg7[%sub3A_499], %get3A_490 masked %and3A_501 : memref<4160xf32, #tpu.memory_space<vmem>>[vector<16xi32>], vector<16xf32>, vector<16xi1>
        %add3A_502 = arith.constant 80 : i32
        %add3A_503 = arith.addi %mul3A_369, %add3A_502 : i32
        %add3A_504 = vector.broadcast %add3A_503 : i32 to vector<16xi32>
        %add3A_505 = arith.addi %iota3A, %add3A_504 : vector<16xi32>
        tpu.vector_store_idx %arg8[%sub3A_499], %add3A_505 masked %and3A_501 : memref<4160xi32, #tpu.memory_space<vmem>>[vector<16xi32>], vector<16xi32>, vector<16xi1>
        %all_reduce_population_count3A_506 = tpu.all_reduce %ge3A_491 {dim = 0 : i64, kind = #tpu.reduction_kind<sum>} : vector<16xi1> -> vector<16xi32>
        %add3A_507 = arith.addi %add3A_486, %all_reduce_population_count3A_506 : vector<16xi32>
        %add3A_508 = arith.constant 96 : i32
        %add3A_509 = arith.addi %mul3A_369, %add3A_508 : i32
        %get3A_510 = arith.index_cast %add3A_509 : i32 to index
        %get3A_511 = tpu.vector_load %arg6[%get3A_510] {strides = array<i32>} : memref<32768xf32, #tpu.memory_space<vmem>>, vector<16xf32>,
        %ge3A_512 = arith.cmpf oge, %get3A_511, %broadcast_in_dim3A_318 : vector<16xf32>
        %convert_element_type3A_513 = arith.extui %ge3A_512 : vector<16xi1> to vector<16xi32>
        %broadcast_in_dim3A_514 = arith.constant true
        %broadcast_in_dim3A_515 = vector.broadcast %broadcast_in_dim3A_514 : i1 to vector<16xi1>
        %masked_cumsum3A_516 = tpu.scan <sum>, %convert_element_type3A_513 masked %broadcast_in_dim3A_515 : vector<16xi32>, vector<16xi1> -> vector<16xi32>
        %add3A_517 = arith.addi %add3A_507, %masked_cumsum3A_516 : vector<16xi32>
        %sub3A_518 = arith.constant 1 : i32
        %sub3A_519 = vector.broadcast %sub3A_518 : i32 to vector<16xi32>
        %sub3A_520 = arith.subi %add3A_517, %sub3A_519 : vector<16xi32>
        %lt3A_521 = arith.cmpi slt, %sub3A_520, %broadcast_in_dim3A_320 : vector<16xi32>
        %and3A_522 = arith.andi %ge3A_512, %lt3A_521 : vector<16xi1>
        tpu.vector_store_idx %arg7[%sub3A_520], %get3A_511 masked %and3A_522 : memref<4160xf32, #tpu.memory_space<vmem>>[vector<16xi32>], vector<16xf32>, vector<16xi1>
        %add3A_523 = arith.constant 96 : i32
        %add3A_524 = arith.addi %mul3A_369, %add3A_523 : i32
        %add3A_525 = vector.broadcast %add3A_524 : i32 to vector<16xi32>
        %add3A_526 = arith.addi %iota3A, %add3A_525 : vector<16xi32>
        tpu.vector_store_idx %arg8[%sub3A_520], %add3A_526 masked %and3A_522 : memref<4160xi32, #tpu.memory_space<vmem>>[vector<16xi32>], vector<16xi32>, vector<16xi1>
        %all_reduce_population_count3A_527 = tpu.all_reduce %ge3A_512 {dim = 0 : i64, kind = #tpu.reduction_kind<sum>} : vector<16xi1> -> vector<16xi32>
        %add3A_528 = arith.addi %add3A_507, %all_reduce_population_count3A_527 : vector<16xi32>
        %add3A_529 = arith.constant 112 : i32
        %add3A_530 = arith.addi %mul3A_369, %add3A_529 : i32
        %get3A_531 = arith.index_cast %add3A_530 : i32 to index
        %get3A_532 = tpu.vector_load %arg6[%get3A_531] {strides = array<i32>} : memref<32768xf32, #tpu.memory_space<vmem>>, vector<16xf32>,
        %ge3A_533 = arith.cmpf oge, %get3A_532, %broadcast_in_dim3A_318 : vector<16xf32>
        %convert_element_type3A_534 = arith.extui %ge3A_533 : vector<16xi1> to vector<16xi32>
        %broadcast_in_dim3A_535 = arith.constant true
        %broadcast_in_dim3A_536 = vector.broadcast %broadcast_in_dim3A_535 : i1 to vector<16xi1>
        %masked_cumsum3A_537 = tpu.scan <sum>, %convert_element_type3A_534 masked %broadcast_in_dim3A_536 : vector<16xi32>, vector<16xi1> -> vector<16xi32>
        %add3A_538 = arith.addi %add3A_528, %masked_cumsum3A_537 : vector<16xi32>
        %sub3A_539 = arith.constant 1 : i32
        %sub3A_540 = vector.broadcast %sub3A_539 : i32 to vector<16xi32>
        %sub3A_541 = arith.subi %add3A_538, %sub3A_540 : vector<16xi32>
        %lt3A_542 = arith.cmpi slt, %sub3A_541, %broadcast_in_dim3A_320 : vector<16xi32>
        %and3A_543 = arith.andi %ge3A_533, %lt3A_542 : vector<16xi1>
        tpu.vector_store_idx %arg7[%sub3A_541], %get3A_532 masked %and3A_543 : memref<4160xf32, #tpu.memory_space<vmem>>[vector<16xi32>], vector<16xf32>, vector<16xi1>
        %add3A_544 = arith.constant 112 : i32
        %add3A_545 = arith.addi %mul3A_369, %add3A_544 : i32
        %add3A_546 = vector.broadcast %add3A_545 : i32 to vector<16xi32>
        %add3A_547 = arith.addi %iota3A, %add3A_546 : vector<16xi32>
        tpu.vector_store_idx %arg8[%sub3A_541], %add3A_547 masked %and3A_543 : memref<4160xi32, #tpu.memory_space<vmem>>[vector<16xi32>], vector<16xi32>, vector<16xi1>
        %all_reduce_population_count3A_548 = tpu.all_reduce %ge3A_533 {dim = 0 : i64, kind = #tpu.reduction_kind<sum>} : vector<16xi1> -> vector<16xi32>
        %add3A_549 = arith.addi %add3A_528, %all_reduce_population_count3A_548 : vector<16xi32>
        scf.yield %add3A_549 : vector<16xi32>
      } else {
        scf.yield %scan3A_367 : vector<16xi32>
      }
      scf.yield %cond3A_386 : vector<16xi32>
    }
    %scan3A_328 = arith.constant 256 : i32
    %reduce_max3A_329 = arith.constant true
    %reduce_max3A_330 = vector.broadcast %reduce_max3A_329 : i1 to vector<16xi1>
    %reduce_max3A_331 = arith.constant -2147483648 : i32
    %reduce_max3A_332 = vector.broadcast %reduce_max3A_331 : i32 to vector<16xi32>
    %reduce_max3A_333 = arith.xori %scan3A_327, %reduce_max3A_332 : vector<16xi32>
    %reduce_max3A_334 = tpu.scan <max>, %reduce_max3A_333 masked %reduce_max3A_330 : vector<16xi32>, vector<16xi1> -> vector<16xi32>
    %reduce_max3A_335 = arith.xori %reduce_max3A_334, %reduce_max3A_332 : vector<16xi32>
    %reduce_max3A_336 = vector.extract %reduce_max3A_335[15] : i32 from vector<16xi32>
    %min3A_337 = arith.constant 4096 : i32
    %min3A_338 = arith.minsi %reduce_max3A_336, %min3A_337 : i32
    %add3A_339 = arith.constant 0 : i32
    %add3A_340 = arith.addi %min3A_338, %add3A_339 : i32
    %swap3A_341 = arith.index_cast %add3A_340 : i32 to index
    %swap3A_342 = tpu.vector_load %arg7[%swap3A_341] {strides = array<i32>} : memref<4160xf32, #tpu.memory_space<vmem>>, vector<16xf32>,
    tpu.vector_store %arg7[%swap3A_341], %broadcast_in_dim3A_5 {strides = array<i32>} : memref<4160xf32, #tpu.memory_space<vmem>>, vector<16xf32>,
    %add3A_343 = arith.constant 16 : i32
    %add3A_344 = arith.addi %min3A_338, %add3A_343 : i32
    %swap3A_345 = arith.index_cast %add3A_344 : i32 to index
    %swap3A_346 = tpu.vector_load %arg7[%swap3A_345] {strides = array<i32>} : memref<4160xf32, #tpu.memory_space<vmem>>, vector<16xf32>,
    tpu.vector_store %arg7[%swap3A_345], %broadcast_in_dim3A_5 {strides = array<i32>} : memref<4160xf32, #tpu.memory_space<vmem>>, vector<16xf32>,
    %add3A_347 = arith.constant 32 : i32
    %add3A_348 = arith.addi %min3A_338, %add3A_347 : i32
    %swap3A_349 = arith.index_cast %add3A_348 : i32 to index
    %swap3A_350 = tpu.vector_load %arg7[%swap3A_349] {strides = array<i32>} : memref<4160xf32, #tpu.memory_space<vmem>>, vector<16xf32>,
    tpu.vector_store %arg7[%swap3A_349], %broadcast_in_dim3A_5 {strides = array<i32>} : memref<4160xf32, #tpu.memory_space<vmem>>, vector<16xf32>,
    %add3A_351 = arith.constant 48 : i32
    %add3A_352 = arith.addi %min3A_338, %add3A_351 : i32
    %swap3A_353 = arith.index_cast %add3A_352 : i32 to index
    %swap3A_354 = tpu.vector_load %arg7[%swap3A_353] {strides = array<i32>} : memref<4160xf32, #tpu.memory_space<vmem>>, vector<16xf32>,
    tpu.vector_store %arg7[%swap3A_353], %broadcast_in_dim3A_5 {strides = array<i32>} : memref<4160xf32, #tpu.memory_space<vmem>>, vector<16xf32>,
    %le3A_355 = arith.constant 4096 : i32
    %le3A_356 = arith.cmpi sle, %reduce_max3A_336, %le3A_355 : i32
    %convert_element_type3A_357 = arith.extui %le3A_356 : i1 to i32
    %cond3A_358 = arith.constant 0 : i32
    %cond3A_359 = arith.constant 0 : i32
    %cond3A_360 = arith.cmpi ne, %convert_element_type3A_357, %cond3A_359 : i32
    %cond3A_361 = scf.if %cond3A_360 -> (i32) {
      %add3A_366 = arith.constant 64 : i32
      %add3A_367 = arith.addi %reduce_max3A_336, %add3A_366 : i32
      %sub3A = arith.constant 1 : i32
      %sub3A_368 = arith.subi %add3A_367, %sub3A : i32
      %jit3A = arith.constant 64 : i32
      %div3A = arith.divsi %sub3A_368, %jit3A : i32
      %sign3A = arith.constant 0 : i32
      %sign3A_369 = arith.cmpi sgt, %sub3A_368, %sign3A : i32
      %sign3A_370 = arith.extui %sign3A_369 : i1 to i32
      %sign3A_371 = arith.constant 0 : i32
      %sign3A_372 = arith.cmpi slt, %sub3A_368, %sign3A_371 : i32
      %sign3A_373 = arith.extui %sign3A_372 : i1 to i32
      %sign3A_374 = arith.subi %sign3A_370, %sign3A_373 : i32
      %sign3A_375 = arith.constant 0 : i32
      %sign3A_376 = arith.cmpi sgt, %jit3A, %sign3A_375 : i32
      %sign3A_377 = arith.extui %sign3A_376 : i1 to i32
      %sign3A_378 = arith.constant 0 : i32
      %sign3A_379 = arith.cmpi slt, %jit3A, %sign3A_378 : i32
      %sign3A_380 = arith.extui %sign3A_379 : i1 to i32
      %sign3A_381 = arith.subi %sign3A_377, %sign3A_380 : i32
      %ne3A = arith.cmpi ne, %sign3A_374, %sign3A_381 : i32
      %rem3A = arith.remsi %sub3A_368, %jit3A : i32
      %ne3A_382 = arith.constant 0 : i32
      %ne3A_383 = arith.cmpi ne, %rem3A, %ne3A_382 : i32
      %and3A = arith.andi %ne3A, %ne3A_383 : i1
      %sub3A_384 = arith.constant 1 : i32
      %sub3A_385 = arith.subi %div3A, %sub3A_384 : i32
      %select_n3A = arith.select %and3A, %sub3A_385, %div3A : i32
      %scan3A_386 = arith.constant 0 : i32
      %scan3A_387 = arith.constant 0 : i32
      %scan3A_388 = arith.constant 64 : i32
      %scan3A_389 = arith.addi %scan3A_387, %scan3A_388 : i32
      %scan3A_390 = arith.constant 1 : i32
      %scan3A_391 = scf.for %scan3A_394 = %scan3A_387 to %scan3A_389 step %scan3A_390 iter_args(%scan3A_395 = %scan3A_386) -> (i32)  : i32 {
        %broadcast_in_dim3A_396 = arith.constant 0xFF800000 : f32
        %broadcast_in_dim3A_397 = vector.broadcast %broadcast_in_dim3A_396 : f32 to vector<16xf32>
        %broadcast_in_dim3A_398 = arith.constant 0 : i32
        %broadcast_in_dim3A_399 = vector.broadcast %broadcast_in_dim3A_398 : i32 to vector<16xi32>
        %while3A = arith.constant 0 : i32
        %while3A_400 = arith.subi %select_n3A, %while3A : i32
        %while3A_401 = arith.addi %while3A, %while3A_400 : i32
        %while3A_402 = arith.constant 1 : i32
        %while3A_403 = arith.divsi %while3A_400, %while3A_402 : i32
        %while3A_404 = arith.muli %while3A_403, %while3A_402 : i32
        %while3A_405 = arith.addi %while3A, %while3A_404 : i32
        %while3A_406 = arith.constant 1 : i32
        %while3A_407:2 = scf.for %while3A_431 = %while3A to %while3A_405 step %while3A_406 iter_args(%while3A_432 = %broadcast_in_dim3A_397, %while3A_433 = %broadcast_in_dim3A_399) -> (vector<16xf32>, vector<16xi32>)  : i32 {
          %mul3A_434 = arith.constant 4 : i32
          %mul3A_435 = arith.muli %while3A_431, %mul3A_434 : i32
          %add3A_436 = arith.constant 0 : i32
          %add3A_437 = arith.addi %mul3A_435, %add3A_436 : i32
          %mul3A_438 = arith.constant 16 : i32
          %mul3A_439 = arith.muli %add3A_437, %mul3A_438 : i32
          %get3A = arith.index_cast %mul3A_439 : i32 to index
          %get3A_440 = tpu.vector_load %arg7[%get3A] {strides = array<i32>} : memref<4160xf32, #tpu.memory_space<vmem>>, vector<16xf32>,
          %gt3A = arith.cmpf ogt, %get3A_440, %while3A_432 : vector<16xf32>
          %max3A = arith.maximumf %while3A_432, %get3A_440 : vector<16xf32>
          %mul3A_441 = arith.constant 16 : i32
          %mul3A_442 = arith.muli %add3A_437, %mul3A_441 : i32
          %broadcast_in_dim3A_443 = vector.broadcast %mul3A_442 : i32 to vector<16xi32>
          %add3A_444 = arith.addi %broadcast_in_dim3A_443, %iota3A : vector<16xi32>
          %select_n3A_445 = arith.select %gt3A, %add3A_444, %while3A_433 : vector<16xi1>, vector<16xi32>
          %mul3A_446 = arith.constant 4 : i32
          %mul3A_447 = arith.muli %while3A_431, %mul3A_446 : i32
          %add3A_448 = arith.constant 1 : i32
          %add3A_449 = arith.addi %mul3A_447, %add3A_448 : i32
          %mul3A_450 = arith.constant 16 : i32
          %mul3A_451 = arith.muli %add3A_449, %mul3A_450 : i32
          %get3A_452 = arith.index_cast %mul3A_451 : i32 to index
          %get3A_453 = tpu.vector_load %arg7[%get3A_452] {strides = array<i32>} : memref<4160xf32, #tpu.memory_space<vmem>>, vector<16xf32>,
          %gt3A_454 = arith.cmpf ogt, %get3A_453, %max3A : vector<16xf32>
          %max3A_455 = arith.maximumf %max3A, %get3A_453 : vector<16xf32>
          %mul3A_456 = arith.constant 16 : i32
          %mul3A_457 = arith.muli %add3A_449, %mul3A_456 : i32
          %broadcast_in_dim3A_458 = vector.broadcast %mul3A_457 : i32 to vector<16xi32>
          %add3A_459 = arith.addi %broadcast_in_dim3A_458, %iota3A : vector<16xi32>
          %select_n3A_460 = arith.select %gt3A_454, %add3A_459, %select_n3A_445 : vector<16xi1>, vector<16xi32>
          %mul3A_461 = arith.constant 4 : i32
          %mul3A_462 = arith.muli %while3A_431, %mul3A_461 : i32
          %add3A_463 = arith.constant 2 : i32
          %add3A_464 = arith.addi %mul3A_462, %add3A_463 : i32
          %mul3A_465 = arith.constant 16 : i32
          %mul3A_466 = arith.muli %add3A_464, %mul3A_465 : i32
          %get3A_467 = arith.index_cast %mul3A_466 : i32 to index
          %get3A_468 = tpu.vector_load %arg7[%get3A_467] {strides = array<i32>} : memref<4160xf32, #tpu.memory_space<vmem>>, vector<16xf32>,
          %gt3A_469 = arith.cmpf ogt, %get3A_468, %max3A_455 : vector<16xf32>
          %max3A_470 = arith.maximumf %max3A_455, %get3A_468 : vector<16xf32>
          %mul3A_471 = arith.constant 16 : i32
          %mul3A_472 = arith.muli %add3A_464, %mul3A_471 : i32
          %broadcast_in_dim3A_473 = vector.broadcast %mul3A_472 : i32 to vector<16xi32>
          %add3A_474 = arith.addi %broadcast_in_dim3A_473, %iota3A : vector<16xi32>
          %select_n3A_475 = arith.select %gt3A_469, %add3A_474, %select_n3A_460 : vector<16xi1>, vector<16xi32>
          %mul3A_476 = arith.constant 4 : i32
          %mul3A_477 = arith.muli %while3A_431, %mul3A_476 : i32
          %add3A_478 = arith.constant 3 : i32
          %add3A_479 = arith.addi %mul3A_477, %add3A_478 : i32
          %mul3A_480 = arith.constant 16 : i32
          %mul3A_481 = arith.muli %add3A_479, %mul3A_480 : i32
          %get3A_482 = arith.index_cast %mul3A_481 : i32 to index
          %get3A_483 = tpu.vector_load %arg7[%get3A_482] {strides = array<i32>} : memref<4160xf32, #tpu.memory_space<vmem>>, vector<16xf32>,
          %gt3A_484 = arith.cmpf ogt, %get3A_483, %max3A_470 : vector<16xf32>
          %max3A_485 = arith.maximumf %max3A_470, %get3A_483 : vector<16xf32>
          %mul3A_486 = arith.constant 16 : i32
          %mul3A_487 = arith.muli %add3A_479, %mul3A_486 : i32
          %broadcast_in_dim3A_488 = vector.broadcast %mul3A_487 : i32 to vector<16xi32>
          %add3A_489 = arith.addi %broadcast_in_dim3A_488, %iota3A : vector<16xi32>
          %select_n3A_490 = arith.select %gt3A_484, %add3A_489, %select_n3A_475 : vector<16xi1>, vector<16xi32>
          scf.yield %max3A_485, %select_n3A_490 : vector<16xf32>, vector<16xi32>
        }
        %while3A_408 = arith.constant 1 : i32
        %while3A_409:2 = scf.for %while3A_431 = %while3A_405 to %while3A_401 step %while3A_408 iter_args(%while3A_432 = %while3A_407#0, %while3A_433 = %while3A_407#1) -> (vector<16xf32>, vector<16xi32>)  : i32 {
          %mul3A_434 = arith.constant 4 : i32
          %mul3A_435 = arith.muli %while3A_431, %mul3A_434 : i32
          %add3A_436 = arith.constant 0 : i32
          %add3A_437 = arith.addi %mul3A_435, %add3A_436 : i32
          %mul3A_438 = arith.constant 16 : i32
          %mul3A_439 = arith.muli %add3A_437, %mul3A_438 : i32
          %get3A = arith.index_cast %mul3A_439 : i32 to index
          %get3A_440 = tpu.vector_load %arg7[%get3A] {strides = array<i32>} : memref<4160xf32, #tpu.memory_space<vmem>>, vector<16xf32>,
          %gt3A = arith.cmpf ogt, %get3A_440, %while3A_432 : vector<16xf32>
          %max3A = arith.maximumf %while3A_432, %get3A_440 : vector<16xf32>
          %mul3A_441 = arith.constant 16 : i32
          %mul3A_442 = arith.muli %add3A_437, %mul3A_441 : i32
          %broadcast_in_dim3A_443 = vector.broadcast %mul3A_442 : i32 to vector<16xi32>
          %add3A_444 = arith.addi %broadcast_in_dim3A_443, %iota3A : vector<16xi32>
          %select_n3A_445 = arith.select %gt3A, %add3A_444, %while3A_433 : vector<16xi1>, vector<16xi32>
          %mul3A_446 = arith.constant 4 : i32
          %mul3A_447 = arith.muli %while3A_431, %mul3A_446 : i32
          %add3A_448 = arith.constant 1 : i32
          %add3A_449 = arith.addi %mul3A_447, %add3A_448 : i32
          %mul3A_450 = arith.constant 16 : i32
          %mul3A_451 = arith.muli %add3A_449, %mul3A_450 : i32
          %get3A_452 = arith.index_cast %mul3A_451 : i32 to index
          %get3A_453 = tpu.vector_load %arg7[%get3A_452] {strides = array<i32>} : memref<4160xf32, #tpu.memory_space<vmem>>, vector<16xf32>,
          %gt3A_454 = arith.cmpf ogt, %get3A_453, %max3A : vector<16xf32>
          %max3A_455 = arith.maximumf %max3A, %get3A_453 : vector<16xf32>
          %mul3A_456 = arith.constant 16 : i32
          %mul3A_457 = arith.muli %add3A_449, %mul3A_456 : i32
          %broadcast_in_dim3A_458 = vector.broadcast %mul3A_457 : i32 to vector<16xi32>
          %add3A_459 = arith.addi %broadcast_in_dim3A_458, %iota3A : vector<16xi32>
          %select_n3A_460 = arith.select %gt3A_454, %add3A_459, %select_n3A_445 : vector<16xi1>, vector<16xi32>
          %mul3A_461 = arith.constant 4 : i32
          %mul3A_462 = arith.muli %while3A_431, %mul3A_461 : i32
          %add3A_463 = arith.constant 2 : i32
          %add3A_464 = arith.addi %mul3A_462, %add3A_463 : i32
          %mul3A_465 = arith.constant 16 : i32
          %mul3A_466 = arith.muli %add3A_464, %mul3A_465 : i32
          %get3A_467 = arith.index_cast %mul3A_466 : i32 to index
          %get3A_468 = tpu.vector_load %arg7[%get3A_467] {strides = array<i32>} : memref<4160xf32, #tpu.memory_space<vmem>>, vector<16xf32>,
          %gt3A_469 = arith.cmpf ogt, %get3A_468, %max3A_455 : vector<16xf32>
          %max3A_470 = arith.maximumf %max3A_455, %get3A_468 : vector<16xf32>
          %mul3A_471 = arith.constant 16 : i32
          %mul3A_472 = arith.muli %add3A_464, %mul3A_471 : i32
          %broadcast_in_dim3A_473 = vector.broadcast %mul3A_472 : i32 to vector<16xi32>
          %add3A_474 = arith.addi %broadcast_in_dim3A_473, %iota3A : vector<16xi32>
          %select_n3A_475 = arith.select %gt3A_469, %add3A_474, %select_n3A_460 : vector<16xi1>, vector<16xi32>
          %mul3A_476 = arith.constant 4 : i32
          %mul3A_477 = arith.muli %while3A_431, %mul3A_476 : i32
          %add3A_478 = arith.constant 3 : i32
          %add3A_479 = arith.addi %mul3A_477, %add3A_478 : i32
          %mul3A_480 = arith.constant 16 : i32
          %mul3A_481 = arith.muli %add3A_479, %mul3A_480 : i32
          %get3A_482 = arith.index_cast %mul3A_481 : i32 to index
          %get3A_483 = tpu.vector_load %arg7[%get3A_482] {strides = array<i32>} : memref<4160xf32, #tpu.memory_space<vmem>>, vector<16xf32>,
          %gt3A_484 = arith.cmpf ogt, %get3A_483, %max3A_470 : vector<16xf32>
          %max3A_485 = arith.maximumf %max3A_470, %get3A_483 : vector<16xf32>
          %mul3A_486 = arith.constant 16 : i32
          %mul3A_487 = arith.muli %add3A_479, %mul3A_486 : i32
          %broadcast_in_dim3A_488 = vector.broadcast %mul3A_487 : i32 to vector<16xi32>
          %add3A_489 = arith.addi %broadcast_in_dim3A_488, %iota3A : vector<16xi32>
          %select_n3A_490 = arith.select %gt3A_484, %add3A_489, %select_n3A_475 : vector<16xi1>, vector<16xi32>
          scf.yield %max3A_485, %select_n3A_490 : vector<16xf32>, vector<16xi32>
        }
        %reduce_max3A_410 = arith.constant true
        %reduce_max3A_411 = vector.broadcast %reduce_max3A_410 : i1 to vector<16xi1>
        %reduce_max3A_412 = tpu.scan <max>, %while3A_409#0 masked %reduce_max3A_411 : vector<16xf32>, vector<16xi1> -> vector<16xf32>
        %reduce_max3A_413 = vector.extract %reduce_max3A_412[15] : f32 from vector<16xf32>
        %broadcast_in_dim3A_414 = vector.broadcast %reduce_max3A_413 : f32 to vector<16xf32>
        %eq3A_415 = arith.cmpf oeq, %while3A_409#0, %broadcast_in_dim3A_414 : vector<16xf32>
        %jit3A_416 = arith.constant 1073741824 : i32
        %broadcast_in_dim3A_417 = vector.broadcast %jit3A_416 : i32 to vector<16xi32>
        %select_n3A_418 = arith.select %eq3A_415, %while3A_409#1, %broadcast_in_dim3A_417 : vector<16xi1>, vector<16xi32>
        %reduce_min3A_419 = arith.constant true
        %reduce_min3A_420 = vector.broadcast %reduce_min3A_419 : i1 to vector<16xi1>
        %reduce_min3A_421 = arith.constant -2147483648 : i32
        %reduce_min3A_422 = vector.broadcast %reduce_min3A_421 : i32 to vector<16xi32>
        %reduce_min3A_423 = arith.xori %select_n3A_418, %reduce_min3A_422 : vector<16xi32>
        %reduce_min3A_424 = tpu.scan <min>, %reduce_min3A_423 masked %reduce_min3A_420 : vector<16xi32>, vector<16xi1> -> vector<16xi32>
        %reduce_min3A_425 = arith.xori %reduce_min3A_424, %reduce_min3A_422 : vector<16xi32>
        %reduce_min3A_426 = vector.extract %reduce_min3A_425[15] : i32 from vector<16xi32>
        %broadcast_in_dim3A_427 = vector.broadcast %reduce_min3A_426 : i32 to vector<16xi32>
        %broadcast_in_dim3A_428 = vector.broadcast %scan3A_394 : i32 to vector<16xi32>
        tpu.vector_store_idx %arg10[%broadcast_in_dim3A_428], %broadcast_in_dim3A_414 masked %eq3A_4 : memref<64xf32, #tpu.memory_space<vmem>>[vector<16xi32>], vector<16xf32>, vector<16xi1>
        %broadcast_in_dim3A_429 = vector.broadcast %scan3A_394 : i32 to vector<16xi32>
        %gather3A = tpu.vector_load_idx %arg8[%broadcast_in_dim3A_427] : memref<4160xi32, #tpu.memory_space<vmem>>[vector<16xi32>], vector<16xi32>,
        tpu.vector_store_idx %arg11[%broadcast_in_dim3A_429], %gather3A masked %eq3A_4 : memref<64xi32, #tpu.memory_space<vmem>>[vector<16xi32>], vector<16xi32>, vector<16xi1>
        tpu.vector_store_idx %arg7[%broadcast_in_dim3A_427], %broadcast_in_dim3A_5 masked %eq3A_4 : memref<4160xf32, #tpu.memory_space<vmem>>[vector<16xi32>], vector<16xf32>, vector<16xi1>
        %scan3A_430 = arith.constant 0 : i32
        scf.yield %scan3A_430 : i32
      }
      %scan3A_392 = arith.constant 64 : i32
      %cond3A_393 = arith.constant 0 : i32
      scf.yield %cond3A_393 : i32
    } else {
      %scan3A_366 = arith.constant 0 : i32
      %scan3A_367 = arith.constant 0 : i32
      %scan3A_368 = arith.constant 64 : i32
      %scan3A_369 = arith.addi %scan3A_367, %scan3A_368 : i32
      %scan3A_370 = arith.constant 1 : i32
      %scan3A_371 = scf.for %scan3A_374 = %scan3A_367 to %scan3A_369 step %scan3A_370 iter_args(%scan3A_375 = %scan3A_366) -> (i32)  : i32 {
        %broadcast_in_dim3A_376 = arith.constant 0xFF800000 : f32
        %broadcast_in_dim3A_377 = vector.broadcast %broadcast_in_dim3A_376 : f32 to vector<16xf32>
        %broadcast_in_dim3A_378 = arith.constant 0 : i32
        %broadcast_in_dim3A_379 = vector.broadcast %broadcast_in_dim3A_378 : i32 to vector<16xi32>
        %scan3A_380 = arith.constant 0 : i32
        %scan3A_381 = arith.constant 512 : i32
        %scan3A_382 = arith.addi %scan3A_380, %scan3A_381 : i32
        %scan3A_383 = arith.constant 1 : i32
        %scan3A_384:2 = scf.for %scan3A_405 = %scan3A_380 to %scan3A_382 step %scan3A_383 iter_args(%scan3A_406 = %broadcast_in_dim3A_377, %scan3A_407 = %broadcast_in_dim3A_379) -> (vector<16xf32>, vector<16xi32>)  : i32 {
          %mul3A_408 = arith.constant 4 : i32
          %mul3A_409 = arith.muli %scan3A_405, %mul3A_408 : i32
          %add3A_410 = arith.constant 0 : i32
          %add3A_411 = arith.addi %mul3A_409, %add3A_410 : i32
          %mul3A_412 = arith.constant 16 : i32
          %mul3A_413 = arith.muli %add3A_411, %mul3A_412 : i32
          %get3A = arith.index_cast %mul3A_413 : i32 to index
          %get3A_414 = tpu.vector_load %arg6[%get3A] {strides = array<i32>} : memref<32768xf32, #tpu.memory_space<vmem>>, vector<16xf32>,
          %gt3A = arith.cmpf ogt, %get3A_414, %scan3A_406 : vector<16xf32>
          %max3A = arith.maximumf %scan3A_406, %get3A_414 : vector<16xf32>
          %mul3A_415 = arith.constant 16 : i32
          %mul3A_416 = arith.muli %add3A_411, %mul3A_415 : i32
          %broadcast_in_dim3A_417 = vector.broadcast %mul3A_416 : i32 to vector<16xi32>
          %add3A_418 = arith.addi %broadcast_in_dim3A_417, %iota3A : vector<16xi32>
          %select_n3A_419 = arith.select %gt3A, %add3A_418, %scan3A_407 : vector<16xi1>, vector<16xi32>
          %mul3A_420 = arith.constant 4 : i32
          %mul3A_421 = arith.muli %scan3A_405, %mul3A_420 : i32
          %add3A_422 = arith.constant 1 : i32
          %add3A_423 = arith.addi %mul3A_421, %add3A_422 : i32
          %mul3A_424 = arith.constant 16 : i32
          %mul3A_425 = arith.muli %add3A_423, %mul3A_424 : i32
          %get3A_426 = arith.index_cast %mul3A_425 : i32 to index
          %get3A_427 = tpu.vector_load %arg6[%get3A_426] {strides = array<i32>} : memref<32768xf32, #tpu.memory_space<vmem>>, vector<16xf32>,
          %gt3A_428 = arith.cmpf ogt, %get3A_427, %max3A : vector<16xf32>
          %max3A_429 = arith.maximumf %max3A, %get3A_427 : vector<16xf32>
          %mul3A_430 = arith.constant 16 : i32
          %mul3A_431 = arith.muli %add3A_423, %mul3A_430 : i32
          %broadcast_in_dim3A_432 = vector.broadcast %mul3A_431 : i32 to vector<16xi32>
          %add3A_433 = arith.addi %broadcast_in_dim3A_432, %iota3A : vector<16xi32>
          %select_n3A_434 = arith.select %gt3A_428, %add3A_433, %select_n3A_419 : vector<16xi1>, vector<16xi32>
          %mul3A_435 = arith.constant 4 : i32
          %mul3A_436 = arith.muli %scan3A_405, %mul3A_435 : i32
          %add3A_437 = arith.constant 2 : i32
          %add3A_438 = arith.addi %mul3A_436, %add3A_437 : i32
          %mul3A_439 = arith.constant 16 : i32
          %mul3A_440 = arith.muli %add3A_438, %mul3A_439 : i32
          %get3A_441 = arith.index_cast %mul3A_440 : i32 to index
          %get3A_442 = tpu.vector_load %arg6[%get3A_441] {strides = array<i32>} : memref<32768xf32, #tpu.memory_space<vmem>>, vector<16xf32>,
          %gt3A_443 = arith.cmpf ogt, %get3A_442, %max3A_429 : vector<16xf32>
          %max3A_444 = arith.maximumf %max3A_429, %get3A_442 : vector<16xf32>
          %mul3A_445 = arith.constant 16 : i32
          %mul3A_446 = arith.muli %add3A_438, %mul3A_445 : i32
          %broadcast_in_dim3A_447 = vector.broadcast %mul3A_446 : i32 to vector<16xi32>
          %add3A_448 = arith.addi %broadcast_in_dim3A_447, %iota3A : vector<16xi32>
          %select_n3A_449 = arith.select %gt3A_443, %add3A_448, %select_n3A_434 : vector<16xi1>, vector<16xi32>
          %mul3A_450 = arith.constant 4 : i32
          %mul3A_451 = arith.muli %scan3A_405, %mul3A_450 : i32
          %add3A_452 = arith.constant 3 : i32
          %add3A_453 = arith.addi %mul3A_451, %add3A_452 : i32
          %mul3A_454 = arith.constant 16 : i32
          %mul3A_455 = arith.muli %add3A_453, %mul3A_454 : i32
          %get3A_456 = arith.index_cast %mul3A_455 : i32 to index
          %get3A_457 = tpu.vector_load %arg6[%get3A_456] {strides = array<i32>} : memref<32768xf32, #tpu.memory_space<vmem>>, vector<16xf32>,
          %gt3A_458 = arith.cmpf ogt, %get3A_457, %max3A_444 : vector<16xf32>
          %max3A_459 = arith.maximumf %max3A_444, %get3A_457 : vector<16xf32>
          %mul3A_460 = arith.constant 16 : i32
          %mul3A_461 = arith.muli %add3A_453, %mul3A_460 : i32
          %broadcast_in_dim3A_462 = vector.broadcast %mul3A_461 : i32 to vector<16xi32>
          %add3A_463 = arith.addi %broadcast_in_dim3A_462, %iota3A : vector<16xi32>
          %select_n3A_464 = arith.select %gt3A_458, %add3A_463, %select_n3A_449 : vector<16xi1>, vector<16xi32>
          scf.yield %max3A_459, %select_n3A_464 : vector<16xf32>, vector<16xi32>
        }
        %scan3A_385 = arith.constant 512 : i32
        %reduce_max3A_386 = arith.constant true
        %reduce_max3A_387 = vector.broadcast %reduce_max3A_386 : i1 to vector<16xi1>
        %reduce_max3A_388 = tpu.scan <max>, %scan3A_384#0 masked %reduce_max3A_387 : vector<16xf32>, vector<16xi1> -> vector<16xf32>
        %reduce_max3A_389 = vector.extract %reduce_max3A_388[15] : f32 from vector<16xf32>
        %broadcast_in_dim3A_390 = vector.broadcast %reduce_max3A_389 : f32 to vector<16xf32>
        %eq3A_391 = arith.cmpf oeq, %scan3A_384#0, %broadcast_in_dim3A_390 : vector<16xf32>
        %jit3A = arith.constant 1073741824 : i32
        %broadcast_in_dim3A_392 = vector.broadcast %jit3A : i32 to vector<16xi32>
        %select_n3A = arith.select %eq3A_391, %scan3A_384#1, %broadcast_in_dim3A_392 : vector<16xi1>, vector<16xi32>
        %reduce_min3A_393 = arith.constant true
        %reduce_min3A_394 = vector.broadcast %reduce_min3A_393 : i1 to vector<16xi1>
        %reduce_min3A_395 = arith.constant -2147483648 : i32
        %reduce_min3A_396 = vector.broadcast %reduce_min3A_395 : i32 to vector<16xi32>
        %reduce_min3A_397 = arith.xori %select_n3A, %reduce_min3A_396 : vector<16xi32>
        %reduce_min3A_398 = tpu.scan <min>, %reduce_min3A_397 masked %reduce_min3A_394 : vector<16xi32>, vector<16xi1> -> vector<16xi32>
        %reduce_min3A_399 = arith.xori %reduce_min3A_398, %reduce_min3A_396 : vector<16xi32>
        %reduce_min3A_400 = vector.extract %reduce_min3A_399[15] : i32 from vector<16xi32>
        %broadcast_in_dim3A_401 = vector.broadcast %reduce_min3A_400 : i32 to vector<16xi32>
        %broadcast_in_dim3A_402 = vector.broadcast %scan3A_374 : i32 to vector<16xi32>
        tpu.vector_store_idx %arg10[%broadcast_in_dim3A_402], %broadcast_in_dim3A_390 masked %eq3A_4 : memref<64xf32, #tpu.memory_space<vmem>>[vector<16xi32>], vector<16xf32>, vector<16xi1>
        %broadcast_in_dim3A_403 = vector.broadcast %scan3A_374 : i32 to vector<16xi32>
        tpu.vector_store_idx %arg11[%broadcast_in_dim3A_403], %broadcast_in_dim3A_401 masked %eq3A_4 : memref<64xi32, #tpu.memory_space<vmem>>[vector<16xi32>], vector<16xi32>, vector<16xi1>
        tpu.vector_store_idx %arg6[%broadcast_in_dim3A_401], %broadcast_in_dim3A_5 masked %eq3A_4 : memref<32768xf32, #tpu.memory_space<vmem>>[vector<16xi32>], vector<16xf32>, vector<16xi1>
        %scan3A_404 = arith.constant 0 : i32
        scf.yield %scan3A_404 : i32
      }
      %scan3A_372 = arith.constant 64 : i32
      %cond3A_373 = arith.constant 0 : i32
      scf.yield %cond3A_373 : i32
    }
    %add3A_362 = arith.constant 3 : i32
    %add3A_363 = arith.addi %mul3A_2, %add3A_362 : i32
    "tpu.region"() ({
      %run_scoped3A = tpu.sem_alloc : memref<!tpu.dma_semaphore, #tpu.memory_space<semaphore_mem>>
      %dma_start3A_366 = arith.constant 0 : i32
      %dma_start3A_367 = tpu.memref_slice %arg3[%add3A_363, %dma_start3A_366] : memref<128x64xf32, #tpu.memory_space<hbm>> -> memref<1x64xf32, #tpu.memory_space<hbm>>
      %dma_start3A_368 = tpu.memref_squeeze %dma_start3A_367 : memref<1x64xf32, #tpu.memory_space<hbm>> -> memref<64xf32, #tpu.memory_space<hbm>>
      %dma_start3A_369 = arith.constant 0 : i32
      %dma_start3A_370 = tpu.memref_slice %arg3[%add3A_363, %dma_start3A_369] : memref<128x64xf32, #tpu.memory_space<hbm>> -> memref<1x64xf32, #tpu.memory_space<hbm>>
      %dma_start3A_371 = tpu.memref_squeeze %dma_start3A_370 : memref<1x64xf32, #tpu.memory_space<hbm>> -> memref<64xf32, #tpu.memory_space<hbm>>
      tpu.enqueue_dma source(%arg10 : memref<64xf32, #tpu.memory_space<vmem>>) target(%dma_start3A_371 : memref<64xf32, #tpu.memory_space<hbm>>) target_semaphore(%run_scoped3A : memref<!tpu.dma_semaphore, #tpu.memory_space<semaphore_mem>>)
      %dma_wait3A_372 = arith.constant 0 : i32
      %dma_wait3A_373 = tpu.memref_slice %arg3[%add3A_363, %dma_wait3A_372] : memref<128x64xf32, #tpu.memory_space<hbm>> -> memref<1x64xf32, #tpu.memory_space<hbm>>
      %dma_wait3A_374 = tpu.memref_squeeze %dma_wait3A_373 : memref<1x64xf32, #tpu.memory_space<hbm>> -> memref<64xf32, #tpu.memory_space<hbm>>
      %dma_wait3A_375 = arith.constant 0 : i32
      %dma_wait3A_376 = tpu.memref_slice %arg3[%add3A_363, %dma_wait3A_375] : memref<128x64xf32, #tpu.memory_space<hbm>> -> memref<1x64xf32, #tpu.memory_space<hbm>>
      %dma_wait3A_377 = tpu.memref_squeeze %dma_wait3A_376 : memref<1x64xf32, #tpu.memory_space<hbm>> -> memref<64xf32, #tpu.memory_space<hbm>>
      tpu.wait_dma2 semaphore(%run_scoped3A : memref<!tpu.dma_semaphore, #tpu.memory_space<semaphore_mem>>) src(%arg10 : memref<64xf32, #tpu.memory_space<vmem>>) dst(%dma_wait3A_377 : memref<64xf32, #tpu.memory_space<hbm>>)
      tpu.yield
    }) : () -> ()
    %add3A_364 = arith.constant 3 : i32
    %add3A_365 = arith.addi %mul3A_2, %add3A_364 : i32
    "tpu.region"() ({
      %run_scoped3A = tpu.sem_alloc : memref<!tpu.dma_semaphore, #tpu.memory_space<semaphore_mem>>
      %dma_start3A_366 = arith.constant 0 : i32
      %dma_start3A_367 = tpu.memref_slice %arg4[%add3A_365, %dma_start3A_366] : memref<128x64xi32, #tpu.memory_space<hbm>> -> memref<1x64xi32, #tpu.memory_space<hbm>>
      %dma_start3A_368 = tpu.memref_squeeze %dma_start3A_367 : memref<1x64xi32, #tpu.memory_space<hbm>> -> memref<64xi32, #tpu.memory_space<hbm>>
      %dma_start3A_369 = arith.constant 0 : i32
      %dma_start3A_370 = tpu.memref_slice %arg4[%add3A_365, %dma_start3A_369] : memref<128x64xi32, #tpu.memory_space<hbm>> -> memref<1x64xi32, #tpu.memory_space<hbm>>
      %dma_start3A_371 = tpu.memref_squeeze %dma_start3A_370 : memref<1x64xi32, #tpu.memory_space<hbm>> -> memref<64xi32, #tpu.memory_space<hbm>>
      tpu.enqueue_dma source(%arg11 : memref<64xi32, #tpu.memory_space<vmem>>) target(%dma_start3A_371 : memref<64xi32, #tpu.memory_space<hbm>>) target_semaphore(%run_scoped3A : memref<!tpu.dma_semaphore, #tpu.memory_space<semaphore_mem>>)
      %dma_wait3A_372 = arith.constant 0 : i32
      %dma_wait3A_373 = tpu.memref_slice %arg4[%add3A_365, %dma_wait3A_372] : memref<128x64xi32, #tpu.memory_space<hbm>> -> memref<1x64xi32, #tpu.memory_space<hbm>>
      %dma_wait3A_374 = tpu.memref_squeeze %dma_wait3A_373 : memref<1x64xi32, #tpu.memory_space<hbm>> -> memref<64xi32, #tpu.memory_space<hbm>>
      %dma_wait3A_375 = arith.constant 0 : i32
      %dma_wait3A_376 = tpu.memref_slice %arg4[%add3A_365, %dma_wait3A_375] : memref<128x64xi32, #tpu.memory_space<hbm>> -> memref<1x64xi32, #tpu.memory_space<hbm>>
      %dma_wait3A_377 = tpu.memref_squeeze %dma_wait3A_376 : memref<1x64xi32, #tpu.memory_space<hbm>> -> memref<64xi32, #tpu.memory_space<hbm>>
      tpu.wait_dma2 semaphore(%run_scoped3A : memref<!tpu.dma_semaphore, #tpu.memory_space<semaphore_mem>>) src(%arg11 : memref<64xi32, #tpu.memory_space<vmem>>) dst(%dma_wait3A_377 : memref<64xi32, #tpu.memory_space<hbm>>)
      tpu.yield
    }) : () -> ()
    return
  }
}

</mosaic_0001>

<sc_bundles>
// kernel: kernel.3.cloned.1.call-start
scs
__scs_entry_jumppad:
0x0: {  	(pc) =	sbr.rel $0x88, $3  }
0x1: {  	(tag) =	ssettag $0x0;
	lr =	simm.s32 $0x1  }
0x2: {  	[smem:$0x3FA0] =	sst lr;
	_ =	strace $0xD0000000  }
0x3: {  	_ = 	snop  }
0x4: {  	_ = 	snop  }
0x5: {  	_ = 	snop  }
0x6: {  	_ = 	snop  }
0x7: {  	_ = 	snop  }
__scs_overlays_trampoline_lowered:
0x8: {  	[smem:$0x3FAF] =	sst s0  }
0x9: {  	[smem:$0x3FB0] =	sst s1  }
0xa: {  	[smem:$0x3FB1] =	sst s2  }
0xb: {  	[smem:$0x3FB2] =	sst s3  }
0xc: {  	[smem:$0x3FB3] =	sst s4  }
0xd: {  	[smem:$0x3FB4] =	sst s5  }
0xe: {  	[smem:$0x3FB5] =	sst s6  }
0xf: {  	[smem:$0x3FB6] =	sst s7  }
0x10: {  	[smem:$0x3FB7] =	sst s8  }
0x11: {  	[smem:$0x3FB8] =	sst s9;
	s0 =	simm.s32 @!p0 $0x0  }
0x12: {  	s1 =	sld [smem:$0x3F9E];
	s0 =	simm.s32 @p0 $0x1  }
0x13: {  	[smem:$0x3FB9] =	sst s0;
	s0 =	simm.s32 @!p1 $0x0  }
0x14: {  	s2 =	sld [smem:$0x3F9D];
	s0 =	simm.s32 @p1 $0x1  }
0x15: {  	[smem:$0x3FBA] =	sst s0;
	s0 =	simm.s32 @!p2 $0x0  }
0x16: {  	s3 =	sld [smem:$0x3FDB];
	s0 =	simm.s32 @p2 $0x1  }
0x17: {  	s4 =	simm.s32 $0x1BF5;
	[smem:$0x3FBC] =	sst s0  }
0x18: {  	s0 =	sld [smem:$0x3F9F];
	_ =	swait.ge [sflag:s4], $0x0  }
0x19: {  	s7 =	sld [smem:$0x3FA0]  }
0x1a: {  	s8 =	sadd.s32 $0xFFFFE003, lr  }
0x1b: {  	s9 =	sadd.s32 $0xFFFFFEF7, lr;
	s5 =	simm.s32 $0xFFFFFFFF;
	p2 =	slt.u32 s8, $0xFFFFF086  }
0x1c: {  	p1 =	slt.u32 s9, $0xF7A;
	s5 =	simm.s32 @!p2 $0x0  }
0x1d: {  	s5 =	simm.s32 @p1 $0x1;
	p0 =	seq.s32 s7, s2  }
0x1e: {  	s7 =	smul.u32 @!p0 $0xF7A, s2;
	p2 =	seq.s32 @!p0 s5, $0x0  }
0x1f: {  	s9 =	smul.u32 $0xF7A, s1;
	s8 =	simm.s32 @!p0 $0x1BF5;
	p2 =	por !p2, p0  }
0x20: {  	[sflag:s8] =	ssyncset.s32 @!p0 $0xFFFFF086;
	s6 =	sadd.s32 @!p0 s3, s7;
	s7 =	simm.s32 @!p0 $0x108  }
0x21: {  	s3 =	sadd.s32 s3, s9;
	s6 =	sadd.s32 @!p0 $0x88, s6;
	s7 =	simm.s32 @p2 $0x1082  }
0x22: {  	[simem:s7], [sflag:s8] =	dma.local @!p0 [hbm:s6], $0xF7A  }
0x23: {  	s9 =	sor.u32 $0xD0000000, s2;
	s6 =	simm.s32 $0x108;
	_ =	swait.ge @!p0 [sflag:s8], $0x0  }
0x24: {  	s3 =	sadd.s32 $0x88, s3;
	s6 =	simm.s32 @!p1 $0x1082;
	[sflag:s4] =	ssyncset.s32 $0xFFFFF086  }
0x25: {  	[simem:s6], [sflag:s4] =	dma.local [hbm:s3], $0xF7A  }
0x26: {  	[smem:$0x3FA0] =	sst s1;
	(tag) =	ssettag s2;
	_ =	strace s9  }
0x27: {  	s1 =	sld [smem:$0x3FB0]  }
0x28: {  	s2 =	sld [smem:$0x3FB1]  }
0x29: {  	s4 =	sld [smem:$0x3FB3]  }
0x2a: {  	p0 =	seq.s32 s5, $0x0;
	s5 =	sld [smem:$0x3FB4]  }
0x2b: {  	s6 =	sld [smem:$0x3FB5]  }
0x2c: {  	s7 =	sld [smem:$0x3FB6]  }
0x2d: {  	s3 =	simm.s32 $0x108;
	s8 =	sld [smem:$0x3FB7]  }
0x2e: {  	s3 =	simm.s32 @!p0 $0x1082;
	s9 =	sld [smem:$0x3FB8]  }
0x2f: {  	lr =	sadd.s32 s0, s3;
	s0 =	sld [smem:$0x3FAF]  }
0x30: {  	s3 =	sld [smem:$0x3FB2]  }
0x31: {  	[smem:$0x3FBB] =	sst s10  }
0x32: {  	s10 =	sld [smem:$0x3FB9];
	_ =	sdelay $0x3  }
0x33: {  	p0 =	seq.s32 s10, $0x1;
	s10 =	sld [smem:$0x3FBB];
	_ =	sdelay $0x3  }
0x34: {  	[smem:$0x3FBB] =	sst s10  }
0x35: {  	s10 =	sld [smem:$0x3FBA];
	_ =	sdelay $0x3  }
0x36: {  	p1 =	seq.s32 s10, $0x1;
	s10 =	sld [smem:$0x3FBB];
	_ =	sdelay $0x3  }
0x37: {  	[smem:$0x3FBB] =	sst s10  }
0x38: {  	s10 =	sld [smem:$0x3FBC]  }
0x39: {  	_ = 	snop;
	(pc) =	sbr.ind lr, $3  }
0x3a: {  	_ = 	snop  }
0x3b: {  	_ = 	snop  }
0x3c: {  	p2 =	seq.s32 s10, $0x1;
	s10 =	sld [smem:$0x3FBB]  }
0x3d: {  	_ =	shalt  }
0x3e: {  	_ =	shalt  }
0x3f: {  	_ =	shalt  }
0x40: {  	_ =	shalt  }
0x41: {  	_ =	shalt  }
0x42: {  	_ =	shalt  }
0x43: {  	_ =	shalt  }
0x44: {  	_ =	shalt  }
0x45: {  	_ =	shalt  }
0x46: {  	_ =	shalt  }
0x47: {  	_ =	shalt  }
0x48: {  	_ =	shalt  }
0x49: {  	_ =	shalt  }
0x4a: {  	_ =	shalt  }
0x4b: {  	_ =	shalt  }
0x4c: {  	_ =	shalt  }
0x4d: {  	_ =	shalt  }
0x4e: {  	_ =	shalt  }
0x4f: {  	_ =	shalt  }
0x50: {  	_ =	shalt  }
0x51: {  	_ =	shalt  }
0x52: {  	_ =	shalt  }
0x53: {  	_ =	shalt  }
0x54: {  	_ =	shalt  }
0x55: {  	_ =	shalt  }
0x56: {  	_ =	shalt  }
0x57: {  	_ =	shalt  }
0x58: {  	_ =	shalt  }
0x59: {  	_ =	shalt  }
0x5a: {  	_ =	shalt  }
0x5b: {  	_ =	shalt  }
0x5c: {  	_ =	shalt  }
0x5d: {  	_ =	shalt  }
0x5e: {  	_ =	shalt  }
0x5f: {  	_ =	shalt  }
0x60: {  	_ =	shalt  }
0x61: {  	_ =	shalt  }
0x62: {  	_ =	shalt  }
0x63: {  	_ =	shalt  }
0x64: {  	_ =	shalt  }
0x65: {  	_ =	shalt  }
0x66: {  	_ =	shalt  }
0x67: {  	_ =	shalt  }
0x68: {  	_ =	shalt  }
0x69: {  	_ =	shalt  }
0x6a: {  	_ =	shalt  }
0x6b: {  	_ =	shalt  }
0x6c: {  	_ =	shalt  }
0x6d: {  	_ =	shalt  }
0x6e: {  	_ =	shalt  }
0x6f: {  	_ =	shalt  }
0x70: {  	_ =	shalt  }
0x71: {  	_ =	shalt  }
0x72: {  	_ =	shalt  }
0x73: {  	_ =	shalt  }
0x74: {  	_ =	shalt  }
0x75: {  	_ =	shalt  }
0x76: {  	_ =	shalt  }
0x77: {  	_ =	shalt  }
0x78: {  	_ =	shalt  }
0x79: {  	_ =	shalt  }
0x7a: {  	_ =	shalt  }
0x7b: {  	_ =	shalt  }
0x7c: {  	_ =	shalt  }
0x7d: {  	_ =	shalt  }
0x7e: {  	_ =	shalt  }
0x7f: {  	_ =	shalt  }
0x80: {  	_ =	shalt  }
0x81: {  	_ =	shalt  }
0x82: {  	_ =	shalt  }
0x83: {  	_ =	shalt  }
0x84: {  	_ =	shalt  }
0x85: {  	_ =	shalt  }
0x86: {  	_ =	shalt  }
0x87: {  	_ =	shalt  }
.Lfunc_end0:
.L_simem_size_0:
called_computation_lowered:
.L_overlay_start_0:
0x88: {  	s2 =	sld [smem:$0x3FD9]  }
0x89: {  	s3 =	sld [smem:$0x3FFE];
	_ =	sdelay $0x1  }
0x8a: {  	s1 =	srdreg.scid  }
0x8b: {  	s0 =	sand.u32 $0x1, s1  }
0x8c: {  	s14 =	sshll.u32 s0, $0xA;
	s2 =	sadd.s32 s3, s2  }
0x8d: {  	s2 =	sadd.s32 s2, s14  }
0x8e: {  	[smem:$0x3FC7] =	sst s2  }
0x8f: {  	_ = 	snop  }
0x90: {  	s2 =	sld [smem:$0x3FD0];
	_ =	sdelay $0x2  }
0x91: {  	s4 =	simm.s32 $0xA;
	s5 =	simm.s32 $0x10;
	s15 =	sld [smem:$0x3FC9]  }
0x92: {  	[smem:s5], [sflag:s4] =	dma.local [hbm:s2], $0x1  }
0x93: {  	_ =	swait.eq [sflag:s4], $0x1  }
0x94: {  	[sflag:s4] =	ssyncset.done $0x0  }
0x95: {  	[sflag:s4] =	ssyncadd.s32 $0xFFFFFFFF  }
0x96: {  	s16 =	sld [smem:$0x12];
	(tm) =	ssettm $0x1  }
0x97: {  	s17 =	sld [smem:$0x3FFB];
	_ =	sdelay $0x3  }
0x98: {  	_ =	strace s17  }
0x99: {  	s4 =	sld [smem:$0x3FFC];
	_ =	sdelay $0x3  }
0x9a: {  	_ =	strace s4  }
0x9b: {  	s4 =	sld [smem:$0x3FFD];
	_ =	sdelay $0x3  }
0x9c: {  	_ =	strace s4  }
0x9d: {  	_ =	strace $0x8FFFFFFF  }
0x9e: {  	s18 =	sld [smem:$0x3FDB];
	_ =	sdelay $0x1  }
0x9f: {  	s19 =	simm.s32 $_scs_section_size  }
0xa0: {  	s6 =	simm.s32 $_size__tile_overlayer_lowered;
	s7 =	simm.s32 $_tile_overlayer_lowered  }
0xa1: {  	s22 =	simm.s32 $0x1BFF;
	s21 =	sshll.u32 s7, $0x1;
	s4 =	sadd.s32 s19, s18  }
0xa2: {  	s8 =	simm.s32 $0x0;
	s20 =	sshll.u32 s6, $0x1;
	s6 =	sadd.s32 s21, s4  }
0xa3: {  	[timem:s8], [sflag:s22] =	dma.local [hbm:s6], s20  }
0xa4: {  	_ =	swait.ge [sflag:s22], s20  }
0xa5: {  	s5 =	ssub.s32 $0x0, s20;
	[sflag:s22] =	ssyncset.done $0x0  }
0xa6: {  	[sflag:s22] =	ssyncadd.s32 s5;
	_ =	sdelay $0x1  }
0xa7: {  	s23 =	simm.s32 $0x1B8B  }
0xa8: {  	_ =	swait.ge [sflag:s23], $0x1  }
0xa9: {  	[sflag:s23] =	ssyncset.done $0x0  }
0xaa: {  	s25 =	simm.s32 $0x1B8E;
	s24 =	sld [smem:$0x3FFE];
	[sflag:s23] =	ssyncadd.s32 $0xFFFFFFFF  }
0xab: {  	s26 =	simm.s32 $execute0_lowered;
	[smem:$0x3FD2] =	sst s25  }
0xac: {  	s6 =	sshll.u32 s26, $0x1;
	_ =	strace $0x80000046;
	[dreg:$0x1] =	wrdreg $0xFFFFFFFF  }
0xad: {  	s28 =	simm.s32 $_size_execute0_lowered;
	s4 =	sadd.s32 s4, s6;
	[dreg:$0x0] =	wrdreg $0x0  }
0xae: {  	s6 =	sshll.u32 s28, $0x1;
	[dreg:$0x2] =	wrdreg s4  }
0xaf: {  	[dreg:$0x3] =	wrdreg s6  }
0xb0: {  	[dreg:$0x4] =	wrdreg $0xC0  }
0xb1: {  	_ =	task [dreg:s8], $0x5FFFF  }
0xb2: {  	[dreg:$0x1] =	wrdreg $0xFFFFFFFF  }
0xb3: {  	[dreg:$0x0] =	wrdreg $0x60  }
0xb4: {  	[dreg:$0x2] =	wrdreg s15  }
0xb5: {  	[dreg:$0x3] =	wrdreg s16  }
0xb6: {  	[dreg:$0x4] =	wrdreg s24  }
0xb7: {  	[dreg:$0x5] =	wrdreg $0x9  }
0xb8: {  	_ =	task.clear_ibuf [dreg:s8], $0x6FFFF;
	_ =	strace $0x90000046  }
0xb9: {  	s29 =	simm.s32 $0x9;
	_ =	strace $0x80000048  }
0xba: {  	_ =	swait.ge [sflag:s29], $0x1  }
0xbb: {  	[sflag:s29] =	ssyncadd.s32 $0xFFFFFFFF  }
0xbc: {  	_ =	strace $0x90000048  }
0xbd: {  	_ =	sfence  }
0xbe: {  	s30 =	sld [smem:$0x0];
	_ =	sdelay $0x2  }
0xbf: {  	s31 =	sshll.u32 s1, $0xD;
	s1 =	sshrl.u32 s1, $0x2  }
0xc0: {  	s3 =	sand.u32 $0x4000, s31;
	s1 =	sadd.s32 s1, s30  }
0xc1: {  	s0 =	sor.u32 s3, s0;
	s1 =	sshll.u32 s1, $0x11  }
0xc2: {  	s0 =	sor.u32 s1, s0  }
0xc3: {  	s0 =	sadd.s32 $0x8F2B, s0  }
0xc4: {  	[sflag:s0] =	ssyncadd.remote.s32 $0x1  }
0xc5: {  	_ =	sfence.sel $0xFFFF  }
0xc6: {  	[dreg:$0x0] =	wrdreg $0xFFFFFFFF;
	(pc) =	sbr.abs _section_cstart, $3  }
0xc7: {  	[dreg:$0x1] =	wrdreg $0xFFFFFFFF  }
0xc8: {  	_ =	task.clear_ibuf [dreg:s8], $0x2FFFF;
	_ =	strace $0x9FFFFFFF  }
0xc9: {  	(tm) =	ssettm $0x7FFFFFFF  }
tec
execute0_lowered:
.L_overlay_start_1:
0x0: {  	(tag) =	ssettag $0x1  }
0x1: {  	s0 =	rddreg [dreg:$0x0]  }
0x2: {  	s2 =	rddreg [dreg:$0x1]  }
0x3: {  	s3 =	rddreg [dreg:$0x2]  }
0x4: {  	s1 =	simm.s32 $0x0;
	s4 =	srdreg.scid;
	s9 =	stileid.u32  }
0x5: {  	s16 =	simm.s32 $0x80;
	s17 =	simm.s32 $0x400;
	s18 =	simm.s32 $0x8000  }
0x6: {  	s19 =	simm.s32 $0x1;
	s20 =	simm.s32 $0x10000;
	s21 =	simm.s32 $0x11080  }
0x7: {  	[smem:$0x7FF] =	sst s1;
	s4 =	sand.u32 $0x1, s4;
	s3 =	sadd.s32 $0xA00, s3  }
0x8: {  	s10 =	sshll.u32 s9, $0x12;
	s11 =	sshll.u32 s9, $0xA;
	s5 =	ssub.s32 $0x2, s4  }
0x9: {  	_ =	strace $0x80000047;
	s4 =	sshll.u32 s4, $0x9;
	s6 =	sshrl.u32 s5, $0x1  }
0xa: {  	s22 =	sor.u32 s4, s10;
	s7 =	sor.u32 $0x80, s4;
	s24 =	sor.u32 s4, s11  }
0xb: {  	s12 =	sor.u32 $0x100, s4;
	s4 =	sor.u32 $0x180, s4;
	s5 =	ssub.s32 s5, s6  }
0xc: {  	s6 =	sshrl.u32 s22, $0x3;
	s8 =	sor.u32 s10, s7;
	s25 =	sshrl.u32 s24, $0x3  }
0xd: {  	s26 =	sor.u32 s10, s12;
	s7 =	sor.u32 s11, s7;
	s10 =	sor.u32 s10, s4  }
0xe: {  	s12 =	sor.u32 s11, s12;
	s4 =	sor.u32 s11, s4;
	s22 =	simm.s32 $0x13100  }
0xf: {  	s24 =	simm.s32 $0x3;
	s6 =	sadd.s32 s0, s6;
	s23 =	sshrl.u32 s8, $0x3  }
0x10: {  	s8 =	sadd.s32 s2, s25;
	s28 =	sshrl.u32 s7, $0x3;
	s10 =	sshrl.u32 s10, $0x3  }
0x11: {  	s12 =	sshrl.u32 s12, $0x3;
	s31 =	sshrl.u32 s4, $0x3;
	[dreg:$0x4] =	wrdreg s6  }
0x12: {  	s15 =	smax.u32 s5, $0x1;
	s6 =	sadd.s32 s0, s23;
	[dreg:$0x6] =	wrdreg s8  }
0x13: {  	s8 =	sshrl.u32 s26, $0x3;
	s30 =	sadd.s32 s2, s28;
	s9 =	sadd.s32 s3, s28  }
.Ltmp0:
0x14: {  	s10 =	sadd.s32 s0, s10;
	s11 =	sadd.s32 s2, s12;
	(pc) =	sbr.rel .LBB2_1-.Ltmp0, $4  }
0x15: {  	s12 =	sadd.s32 s3, s12;
	s13 =	sadd.s32 s2, s31;
	[dreg:$0x5] =	wrdreg s6  }
0x16: {  	s14 =	sadd.s32 s3, s31;
	s6 =	sadd.s32 s3, s25;
	[dreg:$0x9] =	wrdreg s30  }
0x17: {  	v0 =	vimm.f32 $0.0e+00;
	s23 =	simm.s32 $0x13180;
	s29 =	sadd.s32 s0, s8;
	[dreg:$0x7] =	wrdreg s6  }
0x18: {  	v1 =	vimm.s32 $0x0;
	v2 =	vlaneseq.u32;
	v3 =	vimm.f32 $-Inf;
	s26 =	simm.s32 $0x0;
	s25 =	simm.s32 $0x2;
	[dreg:$0x8] =	wrdreg s29  }
.LBB2_109:
0x19: {  	[hbm4b:s13+s1] =	stream.linear.scatter [tilespmem:s22], [sflag:$0x3], $0x80, $0x38;
	[tilespmem:$0x13200] =	vst v63  }
0x1a: {  	s26 =	sadd.s32 $0x1, s26;
	_ =	swait.ge [sflag:s24], $0x80  }
0x1b: {  	p0 =	sne.s32 s26, s15;
	[sflag:s24] =	ssyncset.done $0x0  }
.Ltmp1:
0x1c: {  	[sflag:s24] =	ssyncadd.s32 $0xFFFFFF80;
	(pc) =	sbr.rel @!p0 .LBB2_110-.Ltmp1, $4  }
0x1d: {  	[hbm4b:s14+s1] =	stream.linear.scatter [tilespmem:s23], [sflag:$0x3], $0x80, $0x38;
	[tilespmem:$0x13200] =	vst v63  }
0x1e: {  	_ =	swait.ge [sflag:s24], $0x80  }
0x1f: {  	[sflag:s24] =	ssyncset.done $0x0  }
0x20: {  	[sflag:s24] =	ssyncadd.s32 $0xFFFFFF80  }
.LBB2_1:
0x21: {  	s0 =	rddreg [dreg:$0x4]  }
0x22: {  	[tilespmem:s1], [sflag:$0x1] =	stream.strided.gather [hbm4b:s0+s16], $0x8000, s17, s16, $0x38;
	[tilespmem:$0x13200] =	vst v63  }
0x23: {  	s31 =	rddreg [dreg:$0x5]  }
0x24: {  	[tilespmem:s18], [sflag:$0x2] =	stream.strided.gather [hbm4b:s31+s16], $0x8000, s17, s16, $0x38;
	[tilespmem:$0x13200] =	vst v63  }
0x25: {  	_ =	swait.ge [sflag:s19], $0x8000  }
0x26: {  	[sflag:s19] =	ssyncset.done $0x0  }
0x27: {  	s0 =	simm.s32 $0x40;
	[sflag:s19] =	ssyncadd.s32 $0xFFFF8000  }
0x28: {  	v5 =	vld [tilespmem:s0+$0xFFFFFFD0]  }
0x29: {  	v6 =	vld [tilespmem:s0+$0xFFFFFFC0]  }
0x2a: {  	v7 =	vld [tilespmem:s0+$0xFFFFFFE0]  }
0x2b: {  	v8 =	vld [tilespmem:s0+$0xFFFFFFF0]  }
0x2c: {  	v9 =	vld [tilespmem:s0+$0x0]  }
0x2d: {  	v10 =	vld [tilespmem:s0+$0x10]  }
0x2e: {  	v11 =	vld [tilespmem:s0+$0x20]  }
0x2f: {  	s3 =	simm.s32 $0x40;
	s2 =	simm.s32 $0x0;
	v4 =	vimm.f32 $-Inf;
	v12 =	vld [tilespmem:s0+$0x30]  }
.LBB2_2:
0x30: {  	p0 =	sne.s32 s3, $0xFC0;
	_ =	sdelay $0x2  }
0x31: {  	v5 =	vmax.f32 v6, v5  }
0x32: {  	v6 =	vmax.f32 v7, v8;
	v7 =	vmax.f32 v9, v10;
	v8 =	vmax.f32 v11, v12  }
0x33: {  	v5 =	vmax.f32 v5, v6;
	v6 =	vmax.f32 v7, v8  }
0x34: {  	s4 =	sshra.s32 s2, $0x2;
	s2 =	smov.u32 s3;
	v5 =	vmax.f32 v5, v6  }
0x35: {  	s0 =	sadd.s32 $0x80, s0;
	[tilespmem:s4+$0x12100] =	vst v5;
	v4 =	vmax.f32 v4, v5  }
0x36: {  	v5 =	vld [tilespmem:s0+$0xFFFFFFD0]  }
0x37: {  	v6 =	vld [tilespmem:s0+$0xFFFFFFC0]  }
0x38: {  	v7 =	vld [tilespmem:s0+$0xFFFFFFE0]  }
.Ltmp2:
0x39: {  	v8 =	vld [tilespmem:s0+$0xFFFFFFF0];
	(pc) =	sbr.rel @p0 .LBB2_2-.Ltmp2, $4  }
0x3a: {  	v9 =	vld [tilespmem:s0+$0x0]  }
0x3b: {  	v10 =	vld [tilespmem:s0+$0x10]  }
0x3c: {  	v11 =	vld [tilespmem:s0+$0x20]  }
0x3d: {  	s3 =	sadd.s32 $0x40, s3;
	v12 =	vld [tilespmem:s0+$0x30]  }
0x3e: {  	_ =	sdelay $0x2  }
0x3f: {  	v5 =	vmax.f32 v6, v5  }
0x40: {  	v6 =	vmax.f32 v7, v8;
	v7 =	vmax.f32 v9, v10;
	v8 =	vmax.f32 v11, v12  }
0x41: {  	v5 =	vmax.f32 v5, v6;
	v6 =	vmax.f32 v7, v8  }
0x42: {  	s0 =	sshra.s32 s2, $0x2;
	v5 =	vmax.f32 v5, v6  }
0x43: {  	[tilespmem:s0+$0x12100] =	vst v5;
	s0 =	simm.s32 $0x2070  }
0x44: {  	v7 =	vld [tilespmem:s0+$0xFFFFFFA0]  }
0x45: {  	v8 =	vld [tilespmem:s0+$0xFFFFFF90]  }
0x46: {  	v9 =	vld [tilespmem:s0+$0xFFFFFFB0]  }
0x47: {  	v10 =	vld [tilespmem:s0+$0xFFFFFFC0]  }
0x48: {  	v11 =	vld [tilespmem:s0+$0xFFFFFFD0]  }
0x49: {  	v12 =	vld [tilespmem:s0+$0xFFFFFFE0]  }
0x4a: {  	v13 =	vld [tilespmem:s0+$0xFFFFFFF0]  }
0x4b: {  	s2 =	simm.s32 $0x0;
	s3 =	simm.s32 $0x40;
	v6 =	vimm.f32 $-Inf;
	v4 =	vmax.f32 v4, v5;
	v5 =	vimm.f32 $-Inf;
	v14 =	vld [tilespmem:s0+$0x0]  }
.LBB2_4:
0x4c: {  	p0 =	sne.s32 s3, $0xFC0;
	_ =	sdelay $0x2  }
0x4d: {  	v7 =	vmax.f32 v8, v7  }
0x4e: {  	v8 =	vmax.f32 v9, v10;
	v9 =	vmax.f32 v11, v12;
	v10 =	vmax.f32 v13, v14  }
0x4f: {  	v7 =	vmax.f32 v7, v8;
	v8 =	vmax.f32 v9, v10  }
0x50: {  	s4 =	sshra.s32 s2, $0x2;
	s2 =	smov.u32 s3;
	v7 =	vmax.f32 v7, v8  }
0x51: {  	s0 =	sadd.s32 $0x80, s0;
	[tilespmem:s4+$0x12500] =	vst v7;
	v5 =	vmax.f32 v5, v7  }
0x52: {  	v7 =	vld [tilespmem:s0+$0xFFFFFFA0]  }
0x53: {  	v8 =	vld [tilespmem:s0+$0xFFFFFF90]  }
0x54: {  	v9 =	vld [tilespmem:s0+$0xFFFFFFB0]  }
.Ltmp3:
0x55: {  	v10 =	vld [tilespmem:s0+$0xFFFFFFC0];
	(pc) =	sbr.rel @p0 .LBB2_4-.Ltmp3, $4  }
0x56: {  	v11 =	vld [tilespmem:s0+$0xFFFFFFD0]  }
0x57: {  	v12 =	vld [tilespmem:s0+$0xFFFFFFE0]  }
0x58: {  	v13 =	vld [tilespmem:s0+$0xFFFFFFF0]  }
0x59: {  	s3 =	sadd.s32 $0x40, s3;
	v14 =	vld [tilespmem:s0+$0x0]  }
0x5a: {  	_ =	sdelay $0x2  }
0x5b: {  	v7 =	vmax.f32 v8, v7  }
0x5c: {  	v8 =	vmax.f32 v9, v10;
	v9 =	vmax.f32 v11, v12;
	v10 =	vmax.f32 v13, v14  }
0x5d: {  	v7 =	vmax.f32 v7, v8;
	v8 =	vmax.f32 v9, v10  }
0x5e: {  	s0 =	sshra.s32 s2, $0x2;
	v13 =	vmax.f32 v7, v8  }
0x5f: {  	s31 =	simm.s32 $0x0;
	[tilespmem:s0+$0x12500] =	vst v13  }
0x60: {  	v7 =	vld [tilespmem:s31+$0x4010]  }
0x61: {  	v8 =	vld [tilespmem:s31+$0x4000]  }
0x62: {  	v9 =	vld [tilespmem:s31+$0x4020]  }
0x63: {  	v10 =	vld [tilespmem:s31+$0x4030]  }
0x64: {  	v11 =	vld [tilespmem:s31+$0x4040]  }
0x65: {  	v12 =	vld [tilespmem:s31+$0x4050]  }
0x66: {  	v14 =	vld [tilespmem:s31+$0x4060]  }
0x67: {  	v15 =	vld [tilespmem:s31+$0x4070];
	_ =	sdelay $0x3  }
0x68: {  	v7 =	vmax.f32 v8, v7  }
0x69: {  	v8 =	vmax.f32 v9, v10;
	v9 =	vmax.f32 v11, v12;
	v10 =	vmax.f32 v14, v15  }
0x6a: {  	v7 =	vmax.f32 v7, v8;
	v8 =	vmax.f32 v9, v10  }
0x6b: {  	s28 =	simm.s32 $0x12900;
	v14 =	vmax.f32 v7, v8  }
0x6c: {  	s2 =	simm.s32 $0x80;
	[tilespmem:s28+$0x0] =	vst v14  }
0x6d: {  	v7 =	vld [tilespmem:s2+$0x4010]  }
0x6e: {  	v8 =	vld [tilespmem:s2+$0x4000]  }
0x6f: {  	v9 =	vld [tilespmem:s2+$0x4020]  }
0x70: {  	v10 =	vld [tilespmem:s2+$0x4030]  }
0x71: {  	v11 =	vld [tilespmem:s2+$0x4040]  }
0x72: {  	v12 =	vld [tilespmem:s2+$0x4050]  }
0x73: {  	v5 =	vmax.f32 v5, v13;
	s0 =	simm.s32 $0x400;
	v6 =	vmax.f32 v6, v14;
	v13 =	vld [tilespmem:s2+$0x4060]  }
.LBB2_6:
0x74: {  	p0 =	sne.s32 s0, $0x7E00;
	v14 =	vld [tilespmem:s2+$0x4070];
	_ =	sdelay $0x3  }
0x75: {  	v7 =	vmax.f32 v8, v7  }
0x76: {  	v8 =	vmax.f32 v9, v10;
	v9 =	vmax.f32 v11, v12;
	v10 =	vmax.f32 v13, v14  }
0x77: {  	v7 =	vmax.f32 v7, v8;
	v8 =	vmax.f32 v9, v10  }
0x78: {  	s28 =	sadd.s32 $0x10, s28;
	v7 =	vmax.f32 v7, v8  }
0x79: {  	s2 =	sshra.s32 s0, $0x2;
	[tilespmem:s28+$0x0] =	vst v7;
	v6 =	vmax.f32 v6, v7  }
0x7a: {  	v7 =	vld [tilespmem:s2+$0x4010]  }
0x7b: {  	v8 =	vld [tilespmem:s2+$0x4000]  }
.Ltmp4:
0x7c: {  	v9 =	vld [tilespmem:s2+$0x4020];
	(pc) =	sbr.rel @p0 .LBB2_6-.Ltmp4, $4  }
0x7d: {  	v10 =	vld [tilespmem:s2+$0x4030]  }
0x7e: {  	v11 =	vld [tilespmem:s2+$0x4040]  }
0x7f: {  	v12 =	vld [tilespmem:s2+$0x4050]  }
0x80: {  	s0 =	sadd.s32 $0x200, s0;
	v13 =	vld [tilespmem:s2+$0x4060]  }
0x81: {  	v14 =	vld [tilespmem:s2+$0x4070];
	_ =	sdelay $0x3  }
0x82: {  	v7 =	vmax.f32 v8, v7  }
0x83: {  	v8 =	vmax.f32 v9, v10;
	v9 =	vmax.f32 v11, v12;
	v10 =	vmax.f32 v13, v14  }
0x84: {  	v7 =	vmax.f32 v7, v8;
	v8 =	vmax.f32 v9, v10  }
0x85: {  	s0 =	sadd.s32 $0x10, s28;
	v7 =	vmax.f32 v7, v8  }
0x86: {  	s31 =	simm.s32 $0x0;
	[tilespmem:s0+$0x0] =	vst v7  }
0x87: {  	v8 =	vld [tilespmem:s31+$0x6010]  }
0x88: {  	v9 =	vld [tilespmem:s31+$0x6000]  }
0x89: {  	v10 =	vld [tilespmem:s31+$0x6020]  }
0x8a: {  	v11 =	vld [tilespmem:s31+$0x6030]  }
0x8b: {  	v12 =	vld [tilespmem:s31+$0x6040]  }
0x8c: {  	v13 =	vld [tilespmem:s31+$0x6050]  }
0x8d: {  	v14 =	vld [tilespmem:s31+$0x6060]  }
0x8e: {  	v15 =	vld [tilespmem:s31+$0x6070];
	_ =	sdelay $0x3  }
0x8f: {  	v8 =	vmax.f32 v9, v8  }
0x90: {  	v9 =	vmax.f32 v10, v11;
	v10 =	vmax.f32 v12, v13;
	v11 =	vmax.f32 v14, v15  }
0x91: {  	v8 =	vmax.f32 v8, v9;
	v9 =	vmax.f32 v10, v11  }
0x92: {  	s28 =	simm.s32 $0x12D00;
	v14 =	vmax.f32 v8, v9  }
0x93: {  	s2 =	simm.s32 $0x80;
	[tilespmem:s28+$0x0] =	vst v14  }
0x94: {  	v8 =	vld [tilespmem:s2+$0x6010]  }
0x95: {  	v9 =	vld [tilespmem:s2+$0x6000]  }
0x96: {  	v10 =	vld [tilespmem:s2+$0x6020]  }
0x97: {  	v11 =	vld [tilespmem:s2+$0x6030]  }
0x98: {  	v12 =	vld [tilespmem:s2+$0x6040]  }
0x99: {  	v15 =	vimm.f32 $-Inf;
	v13 =	vld [tilespmem:s2+$0x6050]  }
0x9a: {  	v6 =	vmax.f32 v6, v7;
	s0 =	simm.s32 $0x400;
	v7 =	vmax.f32 v15, v14;
	v14 =	vld [tilespmem:s2+$0x6060]  }
.LBB2_8:
0x9b: {  	p0 =	sne.s32 s0, $0x7E00;
	v15 =	vld [tilespmem:s2+$0x6070];
	_ =	sdelay $0x3  }
0x9c: {  	v8 =	vmax.f32 v9, v8  }
0x9d: {  	v9 =	vmax.f32 v10, v11;
	v10 =	vmax.f32 v12, v13;
	v11 =	vmax.f32 v14, v15  }
0x9e: {  	v8 =	vmax.f32 v8, v9;
	v9 =	vmax.f32 v10, v11  }
0x9f: {  	s28 =	sadd.s32 $0x10, s28;
	v8 =	vmax.f32 v8, v9  }
0xa0: {  	s2 =	sshra.s32 s0, $0x2;
	[tilespmem:s28+$0x0] =	vst v8;
	v7 =	vmax.f32 v7, v8  }
0xa1: {  	v8 =	vld [tilespmem:s2+$0x6010]  }
0xa2: {  	v9 =	vld [tilespmem:s2+$0x6000]  }
.Ltmp5:
0xa3: {  	v10 =	vld [tilespmem:s2+$0x6020];
	(pc) =	sbr.rel @p0 .LBB2_8-.Ltmp5, $4  }
0xa4: {  	v11 =	vld [tilespmem:s2+$0x6030]  }
0xa5: {  	v12 =	vld [tilespmem:s2+$0x6040]  }
0xa6: {  	v13 =	vld [tilespmem:s2+$0x6050]  }
0xa7: {  	s0 =	sadd.s32 $0x200, s0;
	v14 =	vld [tilespmem:s2+$0x6060]  }
0xa8: {  	v15 =	vld [tilespmem:s2+$0x6070];
	_ =	sdelay $0x3  }
0xa9: {  	v8 =	vmax.f32 v9, v8  }
0xaa: {  	v60 =	vmax.f32 v10, v11;
	v61 =	vmax.f32 v12, v13;
	v62 =	vmax.f32 v14, v15  }
0xab: {  	v8 =	vmax.f32 v8, v60;
	v63 =	vmax.f32 v61, v62  }
0xac: {  	v8 =	vmax.f32 v8, v63  }
0xad: {  	v7 =	vmax.f32 v7, v8  }
0xae: {  	v4 =	vmin.f32 v4, v5;
	v5 =	vmin.f32 v6, v7  }
0xaf: {  	v4 =	vmin.f32 v4, v5  }
0xb0: {  	(xrf0) =	vmin.scan.msk.f32 $0xffff, v4;
	_ =	sdelay $0x2  }
.Ltmp6:
0xb1: {  	_ = 	snop;
	(pc) =	sbr.rel .LBB2_10-.Ltmp6, $3  }
0xb2: {  	_ =	sdelay $0x1  }
0xb3: {  	s0 =	sadd.s32 $0x10, s28;
	v4, _, _ =	vpop (xrf0)  }
0xb4: {  	s28 =	simm.s32 $0x70;
	s29 =	simm.s32 $0x12100;
	s30 =	simm.s32 $0x40;
	[tilespmem:s0+$0x0] =	vst v8;
	v5 =	vimm.s32 $0x0;
	v4 =	vbroadcast v4, $0xF  }
.LBB2_12:
0xb5: {  	s28 =	sadd.s32 $0x80, s28  }
0xb6: {  	p0 =	sne.s32 s28, $0x8070  }
.Ltmp7:
0xb7: {  	_ = 	snop;
	(pc) =	sbr.rel @!p0 .LBB2_13-.Ltmp7, $2  }
0xb8: {  	_ =	sdelay $0x2  }
0xb9: {  	s29 =	sadd.s32 $0x10, s29;
	s30 =	sadd.s32 $0x80, s30  }
.LBB2_10:
0xba: {  	v6 =	vld [tilespmem:s29+$0x0];
	_ =	sdelay $0x4  }
0xbb: {  	vm0 =	vge.f32 v6, v4  }
0xbc: {  	v6 =	vsel vm0, $0x3F800000, v0  }
0xbd: {  	(xrf0) =	vmax.scan.msk.f32 $0xffff, v6;
	_ =	sdelay $0x5  }
0xbe: {  	v6, _, _ =	vpop (xrf0)  }
0xbf: {  	(v2sf) =	vpush v6, $0xF;
	_ =	sdelay $0xe  }
0xc0: {  	s0 =	spop (v2sf)  }
0xc1: {  	p0 =	sgt.f32 s0, $0.0e+00  }
.Ltmp8:
0xc2: {  	_ = 	snop;
	(pc) =	sbr.rel @!p0 .LBB2_12-.Ltmp8, $1  }
0xc3: {  	_ =	sdelay $0x3  }
0xc4: {  	v6 =	vld [tilespmem:s30+$0xFFFFFFC0];
	_ =	sdelay $0x4  }
0xc5: {  	vm0 =	vge.f32 v6, v4  }
0xc6: {  	v7 =	vsel vm0, $0x1, v1  }
0xc7: {  	(xrf0) =	vadd.scan.msk.s32 $0xffff, v7;
	_ =	sdelay $0x5  }
0xc8: {  	v7, _, _ =	vpop (xrf0)  }
0xc9: {  	v7 =	vadd.s32 v7, v5  }
0xca: {  	v7 =	vadd.s32 $0xFFFFFFFF, v7  }
0xcb: {  	vm1 =	vlt.s32 v7, $0x1010  }
0xcc: {  	vm1 =	vmand vm0, vm1;
	_ =	sdelay $0x4  }
0xcd: {  	s0 =	sadd.s32 $0xFFFFFF90, s28  }
0xce: {  	[tilespmem:v7+s20+$0x0] =	vst.idx.msk vm1, v6;
	v6 =	vor.u32 s0, v2  }
0xcf: {  	[tilespmem:v7+s21+$0x0] =	vst.idx.msk vm1, v6  }
0xd0: {  	v6 =	vld [tilespmem:s30+$0xFFFFFFD0];
	_ =	sdelay $0x4  }
0xd1: {  	vm14 =	vge.f32 v6, v4  }
0xd2: {  	v7 =	vsel vm14, $0x1, v1  }
0xd3: {  	(xrf0) =	vadd.scan.msk.s32 $0xffff, v7;
	_ =	sdelay $0x1  }
0xd4: {  	v7 =	vmpcnt.ones.xlane vm0;
	_ =	sdelay $0x3  }
0xd5: {  	v5 =	vadd.s32 v5, v7;
	v7, _, _ =	vpop (xrf0)  }
0xd6: {  	v7 =	vadd.s32 v7, v5  }
0xd7: {  	v7 =	vadd.s32 $0xFFFFFFFF, v7  }
0xd8: {  	vm15 =	vlt.s32 v7, $0x1010  }
0xd9: {  	vm0 =	vmand vm14, vm15;
	_ =	sdelay $0x4  }
0xda: {  	s4 =	sadd.s32 $0xFFFFFFA0, s28  }
0xdb: {  	[tilespmem:v7+s20+$0x0] =	vst.idx.msk vm0, v6;
	v6 =	vor.u32 s4, v2  }
0xdc: {  	[tilespmem:v7+s21+$0x0] =	vst.idx.msk vm0, v6  }
0xdd: {  	v6 =	vld [tilespmem:s30+$0xFFFFFFE0];
	_ =	sdelay $0x4  }
0xde: {  	vm4 =	vge.f32 v6, v4  }
0xdf: {  	v7 =	vsel vm4, $0x1, v1  }
0xe0: {  	(xrf0) =	vadd.scan.msk.s32 $0xffff, v7;
	_ =	sdelay $0x1  }
0xe1: {  	v7 =	vmpcnt.ones.xlane vm14;
	_ =	sdelay $0x3  }
0xe2: {  	v5 =	vadd.s32 v5, v7;
	v7, _, _ =	vpop (xrf0)  }
0xe3: {  	v7 =	vadd.s32 v7, v5  }
0xe4: {  	v7 =	vadd.s32 $0xFFFFFFFF, v7  }
0xe5: {  	vm5 =	vlt.s32 v7, $0x1010  }
0xe6: {  	vm1 =	vmand vm4, vm5;
	_ =	sdelay $0x4  }
0xe7: {  	s5 =	sadd.s32 $0xFFFFFFB0, s28  }
0xe8: {  	[tilespmem:v7+s20+$0x0] =	vst.idx.msk vm1, v6;
	v6 =	vor.u32 s5, v2  }
0xe9: {  	[tilespmem:v7+s21+$0x0] =	vst.idx.msk vm1, v6  }
0xea: {  	v6 =	vld [tilespmem:s30+$0xFFFFFFF0];
	_ =	sdelay $0x4  }
0xeb: {  	vm6 =	vge.f32 v6, v4  }
0xec: {  	v7 =	vsel vm6, $0x1, v1  }
0xed: {  	(xrf0) =	vadd.scan.msk.s32 $0xffff, v7;
	_ =	sdelay $0x1  }
0xee: {  	v7 =	vmpcnt.ones.xlane vm4;
	_ =	sdelay $0x3  }
0xef: {  	v5 =	vadd.s32 v5, v7;
	v7, _, _ =	vpop (xrf0)  }
0xf0: {  	v7 =	vadd.s32 v7, v5  }
0xf1: {  	v7 =	vadd.s32 $0xFFFFFFFF, v7  }
0xf2: {  	vm7 =	vlt.s32 v7, $0x1010  }
0xf3: {  	vm0 =	vmand vm6, vm7;
	_ =	sdelay $0x4  }
0xf4: {  	s6 =	sadd.s32 $0xFFFFFFC0, s28  }
0xf5: {  	[tilespmem:v7+s20+$0x0] =	vst.idx.msk vm0, v6;
	v6 =	vor.u32 s6, v2  }
0xf6: {  	[tilespmem:v7+s21+$0x0] =	vst.idx.msk vm0, v6  }
0xf7: {  	v6 =	vld [tilespmem:s30+$0x0];
	_ =	sdelay $0x4  }
0xf8: {  	vm8 =	vge.f32 v6, v4  }
0xf9: {  	v7 =	vsel vm8, $0x1, v1  }
0xfa: {  	(xrf0) =	vadd.scan.msk.s32 $0xffff, v7;
	_ =	sdelay $0x1  }
0xfb: {  	v7 =	vmpcnt.ones.xlane vm6;
	_ =	sdelay $0x3  }
0xfc: {  	v5 =	vadd.s32 v5, v7;
	v7, _, _ =	vpop (xrf0)  }
0xfd: {  	v7 =	vadd.s32 v7, v5  }
0xfe: {  	v7 =	vadd.s32 $0xFFFFFFFF, v7  }
0xff: {  	vm9 =	vlt.s32 v7, $0x1010  }
0x100: {  	vm1 =	vmand vm8, vm9;
	_ =	sdelay $0x4  }
0x101: {  	s7 =	sadd.s32 $0xFFFFFFD0, s28  }
0x102: {  	[tilespmem:v7+s20+$0x0] =	vst.idx.msk vm1, v6;
	v6 =	vor.u32 s7, v2  }
0x103: {  	[tilespmem:v7+s21+$0x0] =	vst.idx.msk vm1, v6  }
0x104: {  	v6 =	vld [tilespmem:s30+$0x10];
	_ =	sdelay $0x4  }
0x105: {  	vm10 =	vge.f32 v6, v4  }
0x106: {  	v7 =	vsel vm10, $0x1, v1  }
0x107: {  	(xrf0) =	vadd.scan.msk.s32 $0xffff, v7;
	_ =	sdelay $0x1  }
0x108: {  	v7 =	vmpcnt.ones.xlane vm8;
	_ =	sdelay $0x3  }
0x109: {  	v5 =	vadd.s32 v5, v7;
	v7, _, _ =	vpop (xrf0)  }
0x10a: {  	v7 =	vadd.s32 v7, v5  }
0x10b: {  	v7 =	vadd.s32 $0xFFFFFFFF, v7  }
0x10c: {  	vm11 =	vlt.s32 v7, $0x1010  }
0x10d: {  	vm0 =	vmand vm10, vm11;
	_ =	sdelay $0x4  }
0x10e: {  	s8 =	sadd.s32 $0xFFFFFFE0, s28  }
0x10f: {  	[tilespmem:v7+s20+$0x0] =	vst.idx.msk vm0, v6;
	v6 =	vor.u32 s8, v2  }
0x110: {  	[tilespmem:v7+s21+$0x0] =	vst.idx.msk vm0, v6  }
0x111: {  	v6 =	vld [tilespmem:s30+$0x20];
	_ =	sdelay $0x4  }
0x112: {  	vm12 =	vge.f32 v6, v4  }
0x113: {  	v7 =	vsel vm12, $0x1, v1  }
0x114: {  	(xrf0) =	vadd.scan.msk.s32 $0xffff, v7;
	_ =	sdelay $0x1  }
0x115: {  	v7 =	vmpcnt.ones.xlane vm10;
	_ =	sdelay $0x3  }
0x116: {  	v5 =	vadd.s32 v5, v7;
	v7, _, _ =	vpop (xrf0)  }
0x117: {  	v7 =	vadd.s32 v7, v5  }
0x118: {  	v7 =	vadd.s32 $0xFFFFFFFF, v7  }
0x119: {  	vm13 =	vlt.s32 v7, $0x1010  }
0x11a: {  	vm1 =	vmand vm12, vm13;
	_ =	sdelay $0x4  }
0x11b: {  	s31 =	sadd.s32 $0xFFFFFFF0, s28  }
0x11c: {  	[tilespmem:v7+s20+$0x0] =	vst.idx.msk vm1, v6;
	v6 =	vor.u32 s31, v2  }
0x11d: {  	[tilespmem:v7+s21+$0x0] =	vst.idx.msk vm1, v6  }
0x11e: {  	v6 =	vld [tilespmem:s30+$0x30];
	_ =	sdelay $0x4  }
0x11f: {  	vm14 =	vge.f32 v6, v4  }
0x120: {  	v7 =	vsel vm14, $0x1, v1  }
0x121: {  	(xrf0) =	vadd.scan.msk.s32 $0xffff, v7;
	_ =	sdelay $0x1  }
0x122: {  	v7 =	vmpcnt.ones.xlane vm12;
	_ =	sdelay $0x3  }
0x123: {  	v5 =	vadd.s32 v5, v7;
	v7, _, _ =	vpop (xrf0)  }
0x124: {  	v7 =	vadd.s32 v7, v5  }
0x125: {  	v7 =	vadd.s32 $0xFFFFFFFF, v7  }
0x126: {  	vm15 =	vlt.s32 v7, $0x1010  }
0x127: {  	vm0 =	vmand vm14, vm15;
	_ =	sdelay $0x2  }
.Ltmp9:
0x128: {  	_ = 	snop;
	(pc) =	sbr.rel .LBB2_12-.Ltmp9, $4  }
0x129: {  	_ = 	snop  }
0x12a: {  	v8 =	vmpcnt.ones.xlane vm14  }
0x12b: {  	[tilespmem:v7+s20+$0x0] =	vst.idx.msk vm0, v6;
	v6 =	vor.u32 s28, v2  }
0x12c: {  	v5 =	vadd.s32 v5, v8;
	[tilespmem:v7+s21+$0x0] =	vst.idx.msk vm0, v6  }
.LBB2_13:
0x12d: {  	v4 =	vxor.u32 $0x80000000, v5  }
0x12e: {  	(xrf0) =	vmax.scan.msk.u32 $0xffff, v4;
	_ =	sdelay $0x5  }
0x12f: {  	v4, _, _ =	vpop (xrf0)  }
0x130: {  	(v2sf) =	vpush v4, $0xF;
	_ =	sdelay $0xe  }
0x131: {  	s0 =	spop (v2sf)  }
0x132: {  	s2 =	sxor.u32 $0x80000000, s0  }
0x133: {  	p0 =	slt.s32 s2, $0x1000;
	p1 =	sgt.s32 s2, $0x1000  }
.Ltmp10:
0x134: {  	s2 =	simm.s32 @!p0 $0x1000;
	(pc) =	sbr.rel @p1 .LBB2_25-.Ltmp10, $4  }
0x135: {  	[tilespmem:s2+$0x10000] =	vst v3  }
0x136: {  	[tilespmem:s2+$0x10010] =	vst v3  }
0x137: {  	[tilespmem:s2+$0x10020] =	vst v3  }
0x138: {  	s28 =	simm.s32 $0x0;
	s29 =	simm.s32 $0x0;
	[tilespmem:s2+$0x10030] =	vst v3  }
0x139: {  	s0 =	sadd.s32 $0x8000003F, s0  }
0x13a: {  	s2 =	sand.u32 $0x3F, s0  }
0x13b: {  	s3 =	sshra.s32 s0, $0x1F;
	p0 =	slt.s32 s0, $0x1;
	p1 =	sne.s32 s2, $0x0  }
.Ltmp11:
0x13c: {  	s31 =	sshrl.u32 s3, $0x1A;
	p0 =	por !p0, !p1;
	(pc) =	sbr.rel .LBB2_15-.Ltmp11, $4  }
0x13d: {  	s2 =	simm.s32 $0x1;
	s0 =	sadd.s32 s31, s0;
	p0 =	por !p0, !p0  }
0x13e: {  	s0 =	sshra.s32 s0, $0x6;
	s2 =	simm.s32 @!p0 $0x0  }
0x13f: {  	s28 =	ssub.s32 s0, s2  }
0x140: {  	s29 =	simm.s32 $0x0;
	s30 =	simm.s32 $0x0;
	p0 =	slt.s32 s28, $0x1  }
.LBB2_25:
0x141: {  	s0 =	simm.s32 $0x20  }
0x142: {  	v4 =	vld [tilespmem:s0+$0xFFFFFFE0]  }
0x143: {  	v6 =	vld [tilespmem:s0+$0xFFFFFFF0]  }
0x144: {  	v7 =	vld [tilespmem:s0+$0x0]  }
0x145: {  	s2 =	simm.s32 $0x60;
	v8 =	vld [tilespmem:s0+$0x10]  }
0x146: {  	v5 =	vimm.f32 $-Inf;
	v9 =	vimm.s32 $0x0;
	s8 =	simm.s32 $0x20;
	s4 =	simm.s32 $0x10;
	v13 =	vor.u32 s28, v2;
	v11 =	vld [tilespmem:s2+$0xFFFFFFE0]  }
0x147: {  	s3 =	simm.s32 $0x30;
	v12 =	vor.u32 s8, v2;
	v15 =	vor.u32 s4, v2;
	v10 =	vmax.f32 v5, v4  }
0x148: {  	vm0 =	vgt.f32 v4, v5;
	v5 =	vor.u32 s3, v2;
	v14 =	vmax.f32 v10, v6  }
0x149: {  	v4 =	vld [tilespmem:s2+$0xFFFFFFF0];
	v9 =	vsel vm0, v13, v9;
	vm0 =	vgt.f32 v6, v10;
	v10 =	vmax.f32 v14, v7  }
0x14a: {  	s30 =	simm.s32 $0x40;
	s31 =	simm.s32 $0x70;
	v6 =	vld [tilespmem:s2+$0x0];
	v13 =	vsel vm0, v15, v9;
	vm1 =	vgt.f32 v7, v14;
	v7 =	vmax.f32 v10, v8  }
0x14b: {  	s0 =	simm.s32 $0x60;
	s3 =	simm.s32 $0x80;
	vm0 =	vgt.f32 v11, v7;
	v9 =	vmax.f32 v7, v11;
	v7 =	vld [tilespmem:s2+$0x10];
	s2 =	simm.s32 $0xA0;
	v11 =	vsel vm1, v12, v13  }
.LBB2_26:
0x14c: {  	s4 =	sadd.s32 $0x20, s3;
	s5 =	sadd.s32 $0x30, s3  }
0x14d: {  	v12 =	vld [tilespmem:s2+$0xFFFFFFE0];
	vm1 =	vgt.f32 v8, v10;
	s6 =	smov.u32 s3;
	s7 =	sadd.s32 $0x40, s3;
	p0 =	sne.s32 s3, $0x7FC0  }
.Ltmp12:
0x14e: {  	s3 =	sadd.s32 $0x10, s30;
	v13 =	vor.u32 s0, v2;
	v8 =	vsel vm1, v5, v11;
	v5 =	vor.u32 s31, v2;
	(pc) =	sbr.rel @p0 .LBB2_26-.Ltmp12, $4  }
0x14f: {  	v10 =	vor.u32 s30, v2;
	v14 =	vor.u32 s3, v2;
	s0 =	smov.u32 s4;
	s31 =	smov.u32 s5;
	s30 =	smov.u32 s6;
	v11 =	vmax.f32 v9, v4  }
0x150: {  	v15 =	vsel vm0, v10, v8;
	vm0 =	vgt.f32 v4, v9;
	v4 =	vld [tilespmem:s2+$0xFFFFFFF0];
	v10 =	vmax.f32 v11, v6  }
0x151: {  	v14 =	vsel vm0, v14, v15;
	vm1 =	vgt.f32 v6, v11;
	v6 =	vld [tilespmem:s2+$0x0];
	v9 =	vmax.f32 v10, v7;
	v8 =	vmovc v7  }
0x152: {  	s3 =	smov.u32 s7;
	v11 =	vsel vm1, v13, v14;
	vm0 =	vgt.f32 v12, v9;
	v9 =	vmax.f32 v9, v12;
	v7 =	vld [tilespmem:s2+$0x10];
	s2 =	sadd.s32 $0x40, s2  }
0x153: {  	_ =	sdelay $0x1  }
0x154: {  	v12 =	vmax.f32 v9, v4  }
0x155: {  	v13 =	vmax.f32 v12, v6  }
0x156: {  	v14 =	vmax.f32 v13, v7  }
0x157: {  	(xrf0) =	vmax.scan.msk.f32 $0xffff, v14;
	_ =	sdelay $0x2  }
0x158: {  	vm1 =	vgt.f32 v8, v10  }
0x159: {  	s2 =	sadd.s32 $0x10, s30;
	v60 =	vor.u32 s0, v2;
	v61 =	vor.u32 s30, v2;
	v5 =	vsel vm1, v5, v11  }
0x15a: {  	v62 =	vor.u32 s2, v2;
	v5 =	vsel vm0, v61, v5;
	vm12 =	vgt.f32 v4, v9  }
0x15b: {  	v4 =	vor.u32 s31, v2;
	v5 =	vsel vm12, v62, v5;
	vm13 =	vgt.f32 v6, v12;
	v63, _, _ =	vpop (xrf0)  }
0x15c: {  	v5 =	vsel vm13, v60, v5;
	vm14 =	vgt.f32 v7, v13;
	v6 =	vbroadcast v63, $0xF  }
0x15d: {  	v4 =	vsel vm14, v4, v5  }
0x15e: {  	v4 =	vxor.u32 $0x80000000, v4;
	vm15 =	veq.f32 v14, v6  }
0x15f: {  	v4 =	vnsel vm15, $0xC0000000, v4  }
0x160: {  	(xrf0) =	vmin.scan.msk.u32 $0xffff, v4;
	_ =	sdelay $0x5  }
0x161: {  	v4, _, _ =	vpop (xrf0)  }
0x162: {  	(v2sf) =	vpush v4, $0xF;
	_ =	sdelay $0xe  }
0x163: {  	v4 =	vmov s29;
	s31 =	spop (v2sf)  }
0x164: {  	s29 =	sadd.s32 $0x1, s29;
	s0 =	sxor.u32 $0x80000000, s31  }
0x165: {  	p0 =	sne.s32 s29, $0x40;
	v5 =	vmov s0  }
.Ltmp13:
0x166: {  	_ = 	snop;
	(pc) =	sbr.rel @p0 .LBB2_25-.Ltmp13, $4  }
0x167: {  	_ = 	snop  }
0x168: {  	[tilespmem:v4+s22+$0x0] =	vst.idx.msk $0x1, v6  }
0x169: {  	[tilespmem:v4+s23+$0x0] =	vst.idx.msk $0x1, v5  }
0x16a: {  	[tilespmem:v5+s1+$0x0] =	vst.idx.msk $0x1, v3  }
.LBB2_28:
0x16b: {  	s28 =	simm.s32 $0x0;
	s0 =	rddreg [dreg:$0x6]  }
0x16c: {  	[hbm4b:s0+s28] =	stream.linear.scatter [tilespmem:s22], [sflag:$0x3], $0x80, $0x38;
	[tilespmem:$0x13200] =	vst v63  }
0x16d: {  	_ =	swait.ge [sflag:s24], $0x80  }
0x16e: {  	[sflag:s24] =	ssyncset.done $0x0  }
0x16f: {  	s30 =	rddreg [dreg:$0x7];
	[sflag:s24] =	ssyncadd.s32 $0xFFFFFF80  }
0x170: {  	[hbm4b:s30+s28] =	stream.linear.scatter [tilespmem:s23], [sflag:$0x3], $0x80, $0x38;
	[tilespmem:$0x13200] =	vst v63  }
0x171: {  	_ =	swait.ge [sflag:s24], $0x80  }
0x172: {  	[sflag:s24] =	ssyncset.done $0x0  }
0x173: {  	s31 =	rddreg [dreg:$0x8];
	[sflag:s24] =	ssyncadd.s32 $0xFFFFFF80  }
0x174: {  	[tilespmem:s28], [sflag:$0x1] =	stream.strided.gather [hbm4b:s31+s16], $0x8000, s17, s16, $0x38;
	[tilespmem:$0x13200] =	vst v63  }
0x175: {  	_ =	swait.ge [sflag:s25], $0x8000  }
0x176: {  	[sflag:s25] =	ssyncset.done $0x0  }
0x177: {  	s0 =	simm.s32 $0x8040;
	[sflag:s25] =	ssyncadd.s32 $0xFFFF8000  }
0x178: {  	v6 =	vld [tilespmem:s0+$0xFFFFFFD0]  }
0x179: {  	v7 =	vld [tilespmem:s0+$0xFFFFFFC0]  }
0x17a: {  	v8 =	vld [tilespmem:s0+$0xFFFFFFE0]  }
0x17b: {  	v9 =	vld [tilespmem:s0+$0xFFFFFFF0]  }
0x17c: {  	v10 =	vld [tilespmem:s0+$0x0]  }
0x17d: {  	v11 =	vld [tilespmem:s0+$0x10]  }
0x17e: {  	v12 =	vld [tilespmem:s0+$0x20]  }
0x17f: {  	v5 =	vimm.f32 $-Inf;
	s3 =	simm.s32 $0x40;
	s2 =	simm.s32 $0x0;
	v4 =	vimm.f32 $-Inf;
	v13 =	vld [tilespmem:s0+$0x30]  }
.LBB2_29:
0x180: {  	p0 =	sne.s32 s3, $0xFC0;
	_ =	sdelay $0x2  }
0x181: {  	v6 =	vmax.f32 v7, v6  }
0x182: {  	v7 =	vmax.f32 v8, v9;
	v8 =	vmax.f32 v10, v11;
	v9 =	vmax.f32 v12, v13  }
0x183: {  	v6 =	vmax.f32 v6, v7;
	v7 =	vmax.f32 v8, v9  }
0x184: {  	s4 =	sshra.s32 s2, $0x2;
	s2 =	smov.u32 s3;
	v6 =	vmax.f32 v6, v7  }
0x185: {  	s0 =	sadd.s32 $0x80, s0;
	[tilespmem:s4+$0x12100] =	vst v6;
	v4 =	vmax.f32 v4, v6  }
0x186: {  	v6 =	vld [tilespmem:s0+$0xFFFFFFD0]  }
0x187: {  	v7 =	vld [tilespmem:s0+$0xFFFFFFC0]  }
0x188: {  	v8 =	vld [tilespmem:s0+$0xFFFFFFE0]  }
.Ltmp14:
0x189: {  	v9 =	vld [tilespmem:s0+$0xFFFFFFF0];
	(pc) =	sbr.rel @p0 .LBB2_29-.Ltmp14, $4  }
0x18a: {  	v10 =	vld [tilespmem:s0+$0x0]  }
0x18b: {  	v11 =	vld [tilespmem:s0+$0x10]  }
0x18c: {  	v12 =	vld [tilespmem:s0+$0x20]  }
0x18d: {  	s3 =	sadd.s32 $0x40, s3;
	v13 =	vld [tilespmem:s0+$0x30]  }
0x18e: {  	_ =	sdelay $0x2  }
0x18f: {  	v6 =	vmax.f32 v7, v6  }
0x190: {  	v7 =	vmax.f32 v8, v9;
	v8 =	vmax.f32 v10, v11;
	v9 =	vmax.f32 v12, v13  }
0x191: {  	v6 =	vmax.f32 v6, v7;
	v7 =	vmax.f32 v8, v9  }
0x192: {  	s0 =	sshra.s32 s2, $0x2;
	v13 =	vmax.f32 v6, v7  }
0x193: {  	[tilespmem:s0+$0x12100] =	vst v13;
	s0 =	simm.s32 $0xA070  }
0x194: {  	v6 =	vld [tilespmem:s0+$0xFFFFFFA0]  }
0x195: {  	v7 =	vld [tilespmem:s0+$0xFFFFFF90]  }
0x196: {  	v8 =	vld [tilespmem:s0+$0xFFFFFFB0]  }
0x197: {  	v9 =	vld [tilespmem:s0+$0xFFFFFFC0]  }
0x198: {  	v10 =	vld [tilespmem:s0+$0xFFFFFFD0]  }
0x199: {  	v11 =	vld [tilespmem:s0+$0xFFFFFFE0]  }
0x19a: {  	v12 =	vld [tilespmem:s0+$0xFFFFFFF0]  }
0x19b: {  	s2 =	simm.s32 $0x40;
	v4 =	vmax.f32 v4, v13;
	v13 =	vld [tilespmem:s0+$0x0]  }
.LBB2_31:
0x19c: {  	p0 =	sne.s32 s2, $0xFC0;
	_ =	sdelay $0x2  }
0x19d: {  	v6 =	vmax.f32 v7, v6  }
0x19e: {  	v7 =	vmax.f32 v8, v9;
	v8 =	vmax.f32 v10, v11;
	v9 =	vmax.f32 v12, v13  }
0x19f: {  	v6 =	vmax.f32 v6, v7;
	v7 =	vmax.f32 v8, v9  }
0x1a0: {  	s3 =	sshra.s32 s28, $0x2;
	s28 =	smov.u32 s2;
	v6 =	vmax.f32 v6, v7  }
0x1a1: {  	s0 =	sadd.s32 $0x80, s0;
	[tilespmem:s3+$0x12500] =	vst v6;
	v5 =	vmax.f32 v5, v6  }
0x1a2: {  	v6 =	vld [tilespmem:s0+$0xFFFFFFA0]  }
0x1a3: {  	v7 =	vld [tilespmem:s0+$0xFFFFFF90]  }
0x1a4: {  	v8 =	vld [tilespmem:s0+$0xFFFFFFB0]  }
.Ltmp15:
0x1a5: {  	v9 =	vld [tilespmem:s0+$0xFFFFFFC0];
	(pc) =	sbr.rel @p0 .LBB2_31-.Ltmp15, $4  }
0x1a6: {  	v10 =	vld [tilespmem:s0+$0xFFFFFFD0]  }
0x1a7: {  	v11 =	vld [tilespmem:s0+$0xFFFFFFE0]  }
0x1a8: {  	v12 =	vld [tilespmem:s0+$0xFFFFFFF0]  }
0x1a9: {  	s2 =	sadd.s32 $0x40, s2;
	v13 =	vld [tilespmem:s0+$0x0]  }
0x1aa: {  	_ =	sdelay $0x2  }
0x1ab: {  	v6 =	vmax.f32 v7, v6  }
0x1ac: {  	v7 =	vmax.f32 v8, v9;
	v8 =	vmax.f32 v10, v11;
	v9 =	vmax.f32 v12, v13  }
0x1ad: {  	v6 =	vmax.f32 v6, v7;
	v7 =	vmax.f32 v8, v9  }
0x1ae: {  	s0 =	sshra.s32 s28, $0x2;
	v7 =	vmax.f32 v6, v7  }
0x1af: {  	s28 =	simm.s32 $0x0;
	[tilespmem:s0+$0x12500] =	vst v7  }
0x1b0: {  	v6 =	vld [tilespmem:s28+$0xC010]  }
0x1b1: {  	v8 =	vld [tilespmem:s28+$0xC000]  }
0x1b2: {  	v9 =	vld [tilespmem:s28+$0xC020]  }
0x1b3: {  	v10 =	vld [tilespmem:s28+$0xC030]  }
0x1b4: {  	v11 =	vld [tilespmem:s28+$0xC040]  }
0x1b5: {  	v12 =	vld [tilespmem:s28+$0xC050]  }
0x1b6: {  	v13 =	vld [tilespmem:s28+$0xC060]  }
0x1b7: {  	v14 =	vld [tilespmem:s28+$0xC070];
	_ =	sdelay $0x3  }
0x1b8: {  	v6 =	vmax.f32 v8, v6  }
0x1b9: {  	v8 =	vmax.f32 v9, v10;
	v9 =	vmax.f32 v11, v12;
	v10 =	vmax.f32 v13, v14  }
0x1ba: {  	v6 =	vmax.f32 v6, v8;
	v8 =	vmax.f32 v9, v10  }
0x1bb: {  	s29 =	simm.s32 $0x12900;
	v14 =	vmax.f32 v6, v8  }
0x1bc: {  	s2 =	simm.s32 $0x80;
	[tilespmem:s29+$0x0] =	vst v14  }
0x1bd: {  	v8 =	vld [tilespmem:s2+$0xC010]  }
0x1be: {  	v9 =	vld [tilespmem:s2+$0xC000]  }
0x1bf: {  	v10 =	vld [tilespmem:s2+$0xC020]  }
0x1c0: {  	v11 =	vld [tilespmem:s2+$0xC030]  }
0x1c1: {  	v12 =	vld [tilespmem:s2+$0xC040]  }
0x1c2: {  	v6 =	vimm.f32 $-Inf;
	v13 =	vld [tilespmem:s2+$0xC050]  }
0x1c3: {  	v5 =	vmax.f32 v5, v7;
	s0 =	simm.s32 $0x400;
	v7 =	vmax.f32 v6, v14;
	v14 =	vld [tilespmem:s2+$0xC060]  }
.LBB2_33:
0x1c4: {  	p0 =	sne.s32 s0, $0x7E00;
	v15 =	vld [tilespmem:s2+$0xC070];
	_ =	sdelay $0x3  }
0x1c5: {  	v8 =	vmax.f32 v9, v8  }
0x1c6: {  	v9 =	vmax.f32 v10, v11;
	v10 =	vmax.f32 v12, v13;
	v11 =	vmax.f32 v14, v15  }
0x1c7: {  	v8 =	vmax.f32 v8, v9;
	v9 =	vmax.f32 v10, v11  }
0x1c8: {  	s29 =	sadd.s32 $0x10, s29;
	v8 =	vmax.f32 v8, v9  }
0x1c9: {  	s2 =	sshra.s32 s0, $0x2;
	[tilespmem:s29+$0x0] =	vst v8;
	v7 =	vmax.f32 v7, v8  }
0x1ca: {  	v8 =	vld [tilespmem:s2+$0xC010]  }
0x1cb: {  	v9 =	vld [tilespmem:s2+$0xC000]  }
.Ltmp16:
0x1cc: {  	v10 =	vld [tilespmem:s2+$0xC020];
	(pc) =	sbr.rel @p0 .LBB2_33-.Ltmp16, $4  }
0x1cd: {  	v11 =	vld [tilespmem:s2+$0xC030]  }
0x1ce: {  	v12 =	vld [tilespmem:s2+$0xC040]  }
0x1cf: {  	v13 =	vld [tilespmem:s2+$0xC050]  }
0x1d0: {  	s0 =	sadd.s32 $0x200, s0;
	v14 =	vld [tilespmem:s2+$0xC060]  }
0x1d1: {  	v15 =	vld [tilespmem:s2+$0xC070];
	_ =	sdelay $0x3  }
0x1d2: {  	v8 =	vmax.f32 v9, v8  }
0x1d3: {  	v9 =	vmax.f32 v10, v11;
	v10 =	vmax.f32 v12, v13;
	v11 =	vmax.f32 v14, v15  }
0x1d4: {  	v8 =	vmax.f32 v8, v9;
	v9 =	vmax.f32 v10, v11  }
0x1d5: {  	s0 =	sadd.s32 $0x10, s29;
	v14 =	vmax.f32 v8, v9  }
0x1d6: {  	[tilespmem:s0+$0x0] =	vst v14  }
0x1d7: {  	v8 =	vld [tilespmem:s28+$0xE010]  }
0x1d8: {  	v9 =	vld [tilespmem:s28+$0xE000]  }
0x1d9: {  	v10 =	vld [tilespmem:s28+$0xE020]  }
0x1da: {  	v11 =	vld [tilespmem:s28+$0xE030]  }
0x1db: {  	v12 =	vld [tilespmem:s28+$0xE040]  }
0x1dc: {  	v13 =	vld [tilespmem:s28+$0xE050]  }
0x1dd: {  	v15 =	vld [tilespmem:s28+$0xE060]  }
0x1de: {  	v16 =	vld [tilespmem:s28+$0xE070];
	_ =	sdelay $0x3  }
0x1df: {  	v8 =	vmax.f32 v9, v8  }
0x1e0: {  	v9 =	vmax.f32 v10, v11;
	v10 =	vmax.f32 v12, v13;
	v11 =	vmax.f32 v15, v16  }
0x1e1: {  	v8 =	vmax.f32 v8, v9;
	v9 =	vmax.f32 v10, v11  }
0x1e2: {  	s28 =	simm.s32 $0x12D00;
	v15 =	vmax.f32 v8, v9  }
0x1e3: {  	s2 =	simm.s32 $0x80;
	[tilespmem:s28+$0x0] =	vst v15  }
0x1e4: {  	v8 =	vld [tilespmem:s2+$0xE010]  }
0x1e5: {  	v9 =	vld [tilespmem:s2+$0xE000]  }
0x1e6: {  	v10 =	vld [tilespmem:s2+$0xE020]  }
0x1e7: {  	v11 =	vld [tilespmem:s2+$0xE030]  }
0x1e8: {  	v12 =	vld [tilespmem:s2+$0xE040]  }
0x1e9: {  	v13 =	vld [tilespmem:s2+$0xE050]  }
0x1ea: {  	v7 =	vmax.f32 v7, v14;
	s0 =	simm.s32 $0x400;
	v6 =	vmax.f32 v6, v15;
	v14 =	vld [tilespmem:s2+$0xE060]  }
.LBB2_35:
0x1eb: {  	p0 =	sne.s32 s0, $0x7E00;
	v15 =	vld [tilespmem:s2+$0xE070];
	_ =	sdelay $0x3  }
0x1ec: {  	v8 =	vmax.f32 v9, v8  }
0x1ed: {  	v9 =	vmax.f32 v10, v11;
	v10 =	vmax.f32 v12, v13;
	v11 =	vmax.f32 v14, v15  }
0x1ee: {  	v8 =	vmax.f32 v8, v9;
	v9 =	vmax.f32 v10, v11  }
0x1ef: {  	s28 =	sadd.s32 $0x10, s28;
	v8 =	vmax.f32 v8, v9  }
0x1f0: {  	s2 =	sshra.s32 s0, $0x2;
	[tilespmem:s28+$0x0] =	vst v8;
	v6 =	vmax.f32 v6, v8  }
0x1f1: {  	v8 =	vld [tilespmem:s2+$0xE010]  }
0x1f2: {  	v9 =	vld [tilespmem:s2+$0xE000]  }
.Ltmp17:
0x1f3: {  	v10 =	vld [tilespmem:s2+$0xE020];
	(pc) =	sbr.rel @p0 .LBB2_35-.Ltmp17, $4  }
0x1f4: {  	v11 =	vld [tilespmem:s2+$0xE030]  }
0x1f5: {  	v12 =	vld [tilespmem:s2+$0xE040]  }
0x1f6: {  	v13 =	vld [tilespmem:s2+$0xE050]  }
0x1f7: {  	s0 =	sadd.s32 $0x200, s0;
	v14 =	vld [tilespmem:s2+$0xE060]  }
0x1f8: {  	v15 =	vld [tilespmem:s2+$0xE070];
	_ =	sdelay $0x3  }
0x1f9: {  	v8 =	vmax.f32 v9, v8  }
0x1fa: {  	v60 =	vmax.f32 v10, v11;
	v61 =	vmax.f32 v12, v13;
	v62 =	vmax.f32 v14, v15  }
0x1fb: {  	v8 =	vmax.f32 v8, v60;
	v63 =	vmax.f32 v61, v62  }
0x1fc: {  	v8 =	vmax.f32 v8, v63  }
0x1fd: {  	v6 =	vmax.f32 v6, v8  }
0x1fe: {  	v4 =	vmin.f32 v4, v5;
	v5 =	vmin.f32 v7, v6  }
0x1ff: {  	v4 =	vmin.f32 v4, v5  }
0x200: {  	(xrf0) =	vmin.scan.msk.f32 $0xffff, v4;
	_ =	sdelay $0x2  }
.Ltmp18:
0x201: {  	_ = 	snop;
	(pc) =	sbr.rel .LBB2_37-.Ltmp18, $3  }
0x202: {  	_ =	sdelay $0x1  }
0x203: {  	s0 =	sadd.s32 $0x10, s28;
	v4, _, _ =	vpop (xrf0)  }
0x204: {  	s28 =	simm.s32 $0x70;
	s29 =	simm.s32 $0x12100;
	s30 =	simm.s32 $0x8040;
	[tilespmem:s0+$0x0] =	vst v8;
	v5 =	vimm.s32 $0x0;
	v4 =	vbroadcast v4, $0xF  }
.LBB2_39:
0x205: {  	s28 =	sadd.s32 $0x80, s28  }
0x206: {  	p0 =	sne.s32 s28, $0x8070  }
.Ltmp19:
0x207: {  	_ = 	snop;
	(pc) =	sbr.rel @!p0 .LBB2_40-.Ltmp19, $2  }
0x208: {  	_ =	sdelay $0x2  }
0x209: {  	s29 =	sadd.s32 $0x10, s29;
	s30 =	sadd.s32 $0x80, s30  }
.LBB2_37:
0x20a: {  	v6 =	vld [tilespmem:s29+$0x0];
	_ =	sdelay $0x4  }
0x20b: {  	vm0 =	vge.f32 v6, v4  }
0x20c: {  	v6 =	vsel vm0, $0x3F800000, v0  }
0x20d: {  	(xrf0) =	vmax.scan.msk.f32 $0xffff, v6;
	_ =	sdelay $0x5  }
0x20e: {  	v6, _, _ =	vpop (xrf0)  }
0x20f: {  	(v2sf) =	vpush v6, $0xF;
	_ =	sdelay $0xe  }
0x210: {  	s0 =	spop (v2sf)  }
0x211: {  	p0 =	sgt.f32 s0, $0.0e+00  }
.Ltmp20:
0x212: {  	_ = 	snop;
	(pc) =	sbr.rel @!p0 .LBB2_39-.Ltmp20, $1  }
0x213: {  	_ =	sdelay $0x3  }
0x214: {  	v6 =	vld [tilespmem:s30+$0xFFFFFFC0];
	_ =	sdelay $0x4  }
0x215: {  	vm0 =	vge.f32 v6, v4  }
0x216: {  	v7 =	vsel vm0, $0x1, v1  }
0x217: {  	(xrf0) =	vadd.scan.msk.s32 $0xffff, v7;
	_ =	sdelay $0x5  }
0x218: {  	v7, _, _ =	vpop (xrf0)  }
0x219: {  	v7 =	vadd.s32 v7, v5  }
0x21a: {  	v7 =	vadd.s32 $0xFFFFFFFF, v7  }
0x21b: {  	vm1 =	vlt.s32 v7, $0x1010  }
0x21c: {  	vm1 =	vmand vm0, vm1;
	_ =	sdelay $0x4  }
0x21d: {  	s0 =	sadd.s32 $0xFFFFFF90, s28  }
0x21e: {  	[tilespmem:v7+s20+$0x0] =	vst.idx.msk vm1, v6;
	v6 =	vor.u32 s0, v2  }
0x21f: {  	[tilespmem:v7+s21+$0x0] =	vst.idx.msk vm1, v6  }
0x220: {  	v6 =	vld [tilespmem:s30+$0xFFFFFFD0];
	_ =	sdelay $0x4  }
0x221: {  	vm14 =	vge.f32 v6, v4  }
0x222: {  	v7 =	vsel vm14, $0x1, v1  }
0x223: {  	(xrf0) =	vadd.scan.msk.s32 $0xffff, v7;
	_ =	sdelay $0x1  }
0x224: {  	v7 =	vmpcnt.ones.xlane vm0;
	_ =	sdelay $0x3  }
0x225: {  	v5 =	vadd.s32 v5, v7;
	v7, _, _ =	vpop (xrf0)  }
0x226: {  	v7 =	vadd.s32 v7, v5  }
0x227: {  	v7 =	vadd.s32 $0xFFFFFFFF, v7  }
0x228: {  	vm15 =	vlt.s32 v7, $0x1010  }
0x229: {  	vm0 =	vmand vm14, vm15;
	_ =	sdelay $0x4  }
0x22a: {  	s4 =	sadd.s32 $0xFFFFFFA0, s28  }
0x22b: {  	[tilespmem:v7+s20+$0x0] =	vst.idx.msk vm0, v6;
	v6 =	vor.u32 s4, v2  }
0x22c: {  	[tilespmem:v7+s21+$0x0] =	vst.idx.msk vm0, v6  }
0x22d: {  	v6 =	vld [tilespmem:s30+$0xFFFFFFE0];
	_ =	sdelay $0x4  }
0x22e: {  	vm4 =	vge.f32 v6, v4  }
0x22f: {  	v7 =	vsel vm4, $0x1, v1  }
0x230: {  	(xrf0) =	vadd.scan.msk.s32 $0xffff, v7;
	_ =	sdelay $0x1  }
0x231: {  	v7 =	vmpcnt.ones.xlane vm14;
	_ =	sdelay $0x3  }
0x232: {  	v5 =	vadd.s32 v5, v7;
	v7, _, _ =	vpop (xrf0)  }
0x233: {  	v7 =	vadd.s32 v7, v5  }
0x234: {  	v7 =	vadd.s32 $0xFFFFFFFF, v7  }
0x235: {  	vm5 =	vlt.s32 v7, $0x1010  }
0x236: {  	vm1 =	vmand vm4, vm5;
	_ =	sdelay $0x4  }
0x237: {  	s5 =	sadd.s32 $0xFFFFFFB0, s28  }
0x238: {  	[tilespmem:v7+s20+$0x0] =	vst.idx.msk vm1, v6;
	v6 =	vor.u32 s5, v2  }
0x239: {  	[tilespmem:v7+s21+$0x0] =	vst.idx.msk vm1, v6  }
0x23a: {  	v6 =	vld [tilespmem:s30+$0xFFFFFFF0];
	_ =	sdelay $0x4  }
0x23b: {  	vm6 =	vge.f32 v6, v4  }
0x23c: {  	v7 =	vsel vm6, $0x1, v1  }
0x23d: {  	(xrf0) =	vadd.scan.msk.s32 $0xffff, v7;
	_ =	sdelay $0x1  }
0x23e: {  	v7 =	vmpcnt.ones.xlane vm4;
	_ =	sdelay $0x3  }
0x23f: {  	v5 =	vadd.s32 v5, v7;
	v7, _, _ =	vpop (xrf0)  }
0x240: {  	v7 =	vadd.s32 v7, v5  }
0x241: {  	v7 =	vadd.s32 $0xFFFFFFFF, v7  }
0x242: {  	vm7 =	vlt.s32 v7, $0x1010  }
0x243: {  	vm0 =	vmand vm6, vm7;
	_ =	sdelay $0x4  }
0x244: {  	s6 =	sadd.s32 $0xFFFFFFC0, s28  }
0x245: {  	[tilespmem:v7+s20+$0x0] =	vst.idx.msk vm0, v6;
	v6 =	vor.u32 s6, v2  }
0x246: {  	[tilespmem:v7+s21+$0x0] =	vst.idx.msk vm0, v6  }
0x247: {  	v6 =	vld [tilespmem:s30+$0x0];
	_ =	sdelay $0x4  }
0x248: {  	vm8 =	vge.f32 v6, v4  }
0x249: {  	v7 =	vsel vm8, $0x1, v1  }
0x24a: {  	(xrf0) =	vadd.scan.msk.s32 $0xffff, v7;
	_ =	sdelay $0x1  }
0x24b: {  	v7 =	vmpcnt.ones.xlane vm6;
	_ =	sdelay $0x3  }
0x24c: {  	v5 =	vadd.s32 v5, v7;
	v7, _, _ =	vpop (xrf0)  }
0x24d: {  	v7 =	vadd.s32 v7, v5  }
0x24e: {  	v7 =	vadd.s32 $0xFFFFFFFF, v7  }
0x24f: {  	vm9 =	vlt.s32 v7, $0x1010  }
0x250: {  	vm1 =	vmand vm8, vm9;
	_ =	sdelay $0x4  }
0x251: {  	s7 =	sadd.s32 $0xFFFFFFD0, s28  }
0x252: {  	[tilespmem:v7+s20+$0x0] =	vst.idx.msk vm1, v6;
	v6 =	vor.u32 s7, v2  }
0x253: {  	[tilespmem:v7+s21+$0x0] =	vst.idx.msk vm1, v6  }
0x254: {  	v6 =	vld [tilespmem:s30+$0x10];
	_ =	sdelay $0x4  }
0x255: {  	vm10 =	vge.f32 v6, v4  }
0x256: {  	v7 =	vsel vm10, $0x1, v1  }
0x257: {  	(xrf0) =	vadd.scan.msk.s32 $0xffff, v7;
	_ =	sdelay $0x1  }
0x258: {  	v7 =	vmpcnt.ones.xlane vm8;
	_ =	sdelay $0x3  }
0x259: {  	v5 =	vadd.s32 v5, v7;
	v7, _, _ =	vpop (xrf0)  }
0x25a: {  	v7 =	vadd.s32 v7, v5  }
0x25b: {  	v7 =	vadd.s32 $0xFFFFFFFF, v7  }
0x25c: {  	vm11 =	vlt.s32 v7, $0x1010  }
0x25d: {  	vm0 =	vmand vm10, vm11;
	_ =	sdelay $0x4  }
0x25e: {  	s8 =	sadd.s32 $0xFFFFFFE0, s28  }
0x25f: {  	[tilespmem:v7+s20+$0x0] =	vst.idx.msk vm0, v6;
	v6 =	vor.u32 s8, v2  }
0x260: {  	[tilespmem:v7+s21+$0x0] =	vst.idx.msk vm0, v6  }
0x261: {  	v6 =	vld [tilespmem:s30+$0x20];
	_ =	sdelay $0x4  }
0x262: {  	vm12 =	vge.f32 v6, v4  }
0x263: {  	v7 =	vsel vm12, $0x1, v1  }
0x264: {  	(xrf0) =	vadd.scan.msk.s32 $0xffff, v7;
	_ =	sdelay $0x1  }
0x265: {  	v7 =	vmpcnt.ones.xlane vm10;
	_ =	sdelay $0x3  }
0x266: {  	v5 =	vadd.s32 v5, v7;
	v7, _, _ =	vpop (xrf0)  }
0x267: {  	v7 =	vadd.s32 v7, v5  }
0x268: {  	v7 =	vadd.s32 $0xFFFFFFFF, v7  }
0x269: {  	vm13 =	vlt.s32 v7, $0x1010  }
0x26a: {  	vm1 =	vmand vm12, vm13;
	_ =	sdelay $0x4  }
0x26b: {  	s31 =	sadd.s32 $0xFFFFFFF0, s28  }
0x26c: {  	[tilespmem:v7+s20+$0x0] =	vst.idx.msk vm1, v6;
	v6 =	vor.u32 s31, v2  }
0x26d: {  	[tilespmem:v7+s21+$0x0] =	vst.idx.msk vm1, v6  }
0x26e: {  	v6 =	vld [tilespmem:s30+$0x30];
	_ =	sdelay $0x4  }
0x26f: {  	vm14 =	vge.f32 v6, v4  }
0x270: {  	v7 =	vsel vm14, $0x1, v1  }
0x271: {  	(xrf0) =	vadd.scan.msk.s32 $0xffff, v7;
	_ =	sdelay $0x1  }
0x272: {  	v7 =	vmpcnt.ones.xlane vm12;
	_ =	sdelay $0x3  }
0x273: {  	v5 =	vadd.s32 v5, v7;
	v7, _, _ =	vpop (xrf0)  }
0x274: {  	v7 =	vadd.s32 v7, v5  }
0x275: {  	v7 =	vadd.s32 $0xFFFFFFFF, v7  }
0x276: {  	vm15 =	vlt.s32 v7, $0x1010  }
0x277: {  	vm0 =	vmand vm14, vm15;
	_ =	sdelay $0x2  }
.Ltmp21:
0x278: {  	_ = 	snop;
	(pc) =	sbr.rel .LBB2_39-.Ltmp21, $4  }
0x279: {  	_ = 	snop  }
0x27a: {  	v8 =	vmpcnt.ones.xlane vm14  }
0x27b: {  	[tilespmem:v7+s20+$0x0] =	vst.idx.msk vm0, v6;
	v6 =	vor.u32 s28, v2  }
0x27c: {  	v5 =	vadd.s32 v5, v8;
	[tilespmem:v7+s21+$0x0] =	vst.idx.msk vm0, v6  }
.LBB2_16:
0x27d: {  	v4 =	vimm.s32 $0x80000000  }
.LBB2_24:
0x27e: {  	(xrf0) =	vmax.scan.msk.f32 $0xffff, v5;
	_ =	sdelay $0x5  }
0x27f: {  	v6, _, _ =	vpop (xrf0)  }
0x280: {  	v6 =	vbroadcast v6, $0xF;
	_ =	sdelay $0x1  }
0x281: {  	vm0 =	veq.f32 v5, v6  }
0x282: {  	v4 =	vnsel vm0, $0xC0000000, v4  }
0x283: {  	(xrf0) =	vmin.scan.msk.u32 $0xffff, v4;
	_ =	sdelay $0x5  }
0x284: {  	v4, _, _ =	vpop (xrf0)  }
0x285: {  	(v2sf) =	vpush v4, $0xF;
	_ =	sdelay $0xe  }
0x286: {  	s0 =	spop (v2sf)  }
0x287: {  	v4 =	vmov s30;
	s0 =	sxor.u32 $0x80000000, s0  }
0x288: {  	v5 =	vmov s0;
	_ =	sdelay $0x3  }
0x289: {  	[tilespmem:v4+s22+$0x0] =	vst.idx.msk $0x1, v6  }
0x28a: {  	s30 =	sadd.s32 $0x1, s30;
	v6 =	vld.idx.msk [tilespmem:v5+s21+$0x0], $0xffff  }
0x28b: {  	p1 =	seq.s32 s30, $0x40  }
.Ltmp22:
0x28c: {  	_ = 	snop;
	(pc) =	sbr.rel @p1 .LBB2_28-.Ltmp22, $3  }
0x28d: {  	_ =	sdelay $0x1  }
0x28e: {  	[tilespmem:v4+s23+$0x0] =	vst.idx.msk $0x1, v6  }
0x28f: {  	[tilespmem:v5+s20+$0x0] =	vst.idx.msk $0x1, v3  }
.LBB2_15:
.Ltmp23:
0x290: {  	(pc) =	sbr.rel @p0 .LBB2_16-.Ltmp23, $2  }
0x291: {  	_ =	sdelay $0x2  }
0x292: {  	v5 =	vimm.f32 $-Inf  }
0x293: {  	s4 =	simm.s32 $0x10020  }
0x294: {  	p2 =	sne.s32 s28, $0x1;
	v6 =	vld [tilespmem:s4+$0xFFFFFFE0]  }
.Ltmp24:
0x295: {  	v7 =	vld [tilespmem:s4+$0x10];
	(pc) =	sbr.rel @!p2 .LBB2_18-.Ltmp24, $3  }
0x296: {  	_ =	sdelay $0x1  }
0x297: {  	s0 =	simm.s32 $0x20;
	s3 =	simm.s32 $0x30;
	s2 =	sadd.s32 $0xFFFFFFFF, s28;
	v13 =	vld [tilespmem:s4+$0xFFFFFFF0]  }
0x298: {  	v4 =	vimm.s32 $0x0;
	s31 =	simm.s32 $0x40;
	p1 =	por $0x0, $0x0;
	v12 =	vld [tilespmem:s4+$0x0];
	s4 =	simm.s32 $0x10060;
	vm0 =	vgt.f32 v6, v5;
	v5 =	vmax.f32 v5, v6  }
0x299: {  	_ = 	snop  }
0x29a: {  	v11 =	vld [tilespmem:s4+$0xFFFFFFE0];
	p2 =	sne.s32 s2, $0x1  }
.Ltmp25:
0x29b: {  	s5 =	simm.s32 $0x10;
	v14 =	vor.u32 s0, v2;
	v6 =	vor.u32 s3, v2;
	(pc) =	sbr.rel @!p2 .LBB2_20-.Ltmp25, $4  }
0x29c: {  	v9 =	vor.u32 s29, v2;
	v16 =	vor.u32 s5, v2;
	v15 =	vmax.f32 v5, v13  }
0x29d: {  	v8 =	vld [tilespmem:s4+$0xFFFFFFF0];
	v17 =	vsel vm0, v9, v4;
	vm0 =	vgt.f32 v13, v5;
	v10 =	vmax.f32 v15, v12  }
0x29e: {  	s0 =	simm.s32 $0x60;
	s3 =	simm.s32 $0x70;
	s2 =	sadd.s32 $0xFFFFFFFF, s2;
	v9 =	vld [tilespmem:s4+$0x0];
	v13 =	vsel vm0, v16, v17;
	vm1 =	vgt.f32 v12, v15;
	v5 =	vmax.f32 v10, v7  }
0x29f: {  	p1 =	por $0x1, $0x1;
	s5 =	simm.s32 $0x100A0;
	v14 =	vsel vm1, v14, v13;
	vm0 =	vgt.f32 v11, v5;
	v5 =	vmax.f32 v5, v11;
	v11 =	vld [tilespmem:s4+$0x10];
	s4 =	simm.s32 $0x80  }
.LBB2_21:
0x2a0: {  	v12 =	vld [tilespmem:s5+$0xFFFFFFE0];
	s6 =	sadd.s32 $0x20, s4;
	s7 =	sadd.s32 $0x30, s4;
	p2 =	sne.s32 s2, $0x1;
	vm1 =	vgt.f32 v7, v10  }
.Ltmp26:
0x2a1: {  	s2 =	sadd.s32 $0xFFFFFFFF, s2;
	s8 =	sadd.s32 $0x10, s31;
	v13 =	vor.u32 s0, v2;
	v7 =	vsel vm1, v6, v14;
	v6 =	vor.u32 s3, v2;
	(pc) =	sbr.rel @p2 .LBB2_21-.Ltmp26, $4  }
0x2a2: {  	v10 =	vor.u32 s31, v2;
	s31 =	smov.u32 s4;
	v15 =	vor.u32 s8, v2;
	s0 =	smov.u32 s6;
	s3 =	smov.u32 s7;
	v14 =	vmax.f32 v5, v8  }
0x2a3: {  	v16 =	vsel vm0, v10, v7;
	vm0 =	vgt.f32 v8, v5;
	v8 =	vld [tilespmem:s5+$0xFFFFFFF0];
	v10 =	vmax.f32 v14, v9  }
0x2a4: {  	v15 =	vsel vm0, v15, v16;
	vm1 =	vgt.f32 v9, v14;
	v9 =	vld [tilespmem:s5+$0x0];
	v5 =	vmax.f32 v10, v11;
	v7 =	vmovc v11  }
0x2a5: {  	s4 =	sadd.s32 $0x40, s4;
	v14 =	vsel vm1, v13, v15;
	vm0 =	vgt.f32 v12, v5;
	v5 =	vmax.f32 v5, v12;
	v11 =	vld [tilespmem:s5+$0x10];
	s5 =	sadd.s32 $0x40, s5  }
0x2a6: {  	_ =	sdelay $0x3  }
0x2a7: {  	v15 =	vmovc v7;
	v13 =	vmov v8;
	v12 =	vmov v9;
	v7 =	vmov v11  }
.LBB2_23:
0x2a8: {  	vm1 =	vgt.f32 @p1 v15, v10  }
0x2a9: {  	v8 =	vor.u32 s0, v2;
	v6 =	vsel @p1 vm1, v6, v14  }
0x2aa: {  	s8 =	sadd.s32 $0x10, s31;
	v9 =	vor.u32 s31, v2;
	v63 =	vmax.f32 v5, v13;
	v4 =	vpsel p1, v6, v4  }
.Ltmp27:
0x2ab: {  	vm13 =	vgt.f32 v13, v5;
	v6 =	vor.u32 s8, v2;
	v4 =	vsel vm0, v9, v4;
	(pc) =	sbr.rel .LBB2_24-.Ltmp27, $4  }
0x2ac: {  	v5 =	vmax.f32 v63, v12;
	vm14 =	vgt.f32 v12, v63;
	v4 =	vsel vm13, v6, v4  }
0x2ad: {  	vm15 =	vgt.f32 v7, v5;
	v6 =	vor.u32 s3, v2;
	v4 =	vsel vm14, v8, v4  }
0x2ae: {  	v4 =	vsel vm15, v6, v4  }
0x2af: {  	v5 =	vmax.f32 v5, v7;
	v4 =	vxor.u32 $0x80000000, v4  }
.LBB2_18:
.Ltmp28:
0x2b0: {  	(pc) =	sbr.rel .LBB2_23-.Ltmp28, $2  }
0x2b1: {  	_ =	sdelay $0x2  }
0x2b2: {  	s31 =	simm.s32 $0x0  }
.LBB2_20:
.Ltmp29:
0x2b3: {  	_ = 	snop;
	(pc) =	sbr.rel .LBB2_23-.Ltmp29, $2  }
0x2b4: {  	_ =	sdelay $0x2  }
0x2b5: {  	v15 =	vmovc v7;
	s0 =	simm.s32 $0x60;
	s3 =	simm.s32 $0x70;
	v13 =	vmov v8;
	v12 =	vmov v9;
	v7 =	vmov v11  }
.LBB2_40:
0x2b6: {  	v4 =	vxor.u32 $0x80000000, v5  }
0x2b7: {  	(xrf0) =	vmax.scan.msk.u32 $0xffff, v4;
	_ =	sdelay $0x5  }
0x2b8: {  	v4, _, _ =	vpop (xrf0)  }
0x2b9: {  	(v2sf) =	vpush v4, $0xF;
	_ =	sdelay $0xe  }
0x2ba: {  	s0 =	spop (v2sf)  }
0x2bb: {  	s2 =	sxor.u32 $0x80000000, s0  }
0x2bc: {  	p0 =	slt.s32 s2, $0x1000;
	p1 =	sgt.s32 s2, $0x1000  }
.Ltmp30:
0x2bd: {  	s2 =	simm.s32 @!p0 $0x1000;
	(pc) =	sbr.rel @p1 .LBB2_52-.Ltmp30, $4  }
0x2be: {  	[tilespmem:s2+$0x10000] =	vst v3  }
0x2bf: {  	[tilespmem:s2+$0x10010] =	vst v3  }
0x2c0: {  	[tilespmem:s2+$0x10020] =	vst v3  }
0x2c1: {  	s28 =	simm.s32 $0x0;
	s29 =	simm.s32 $0x0;
	[tilespmem:s2+$0x10030] =	vst v3  }
0x2c2: {  	s0 =	sadd.s32 $0x8000003F, s0  }
0x2c3: {  	s2 =	sand.u32 $0x3F, s0  }
0x2c4: {  	s3 =	sshra.s32 s0, $0x1F;
	p0 =	slt.s32 s0, $0x1;
	p1 =	sne.s32 s2, $0x0  }
.Ltmp31:
0x2c5: {  	s31 =	sshrl.u32 s3, $0x1A;
	p0 =	por !p0, !p1;
	(pc) =	sbr.rel .LBB2_42-.Ltmp31, $4  }
0x2c6: {  	s2 =	simm.s32 $0x1;
	s0 =	sadd.s32 s31, s0;
	p0 =	por !p0, !p0  }
0x2c7: {  	s0 =	sshra.s32 s0, $0x6;
	s2 =	simm.s32 @!p0 $0x0  }
0x2c8: {  	s28 =	ssub.s32 s0, s2  }
0x2c9: {  	s29 =	simm.s32 $0x0;
	s30 =	simm.s32 $0x0;
	p0 =	slt.s32 s28, $0x1  }
.LBB2_52:
0x2ca: {  	s0 =	simm.s32 $0x8020  }
0x2cb: {  	v4 =	vld [tilespmem:s0+$0xFFFFFFE0]  }
0x2cc: {  	v6 =	vld [tilespmem:s0+$0xFFFFFFF0]  }
0x2cd: {  	v7 =	vld [tilespmem:s0+$0x0]  }
0x2ce: {  	s2 =	simm.s32 $0x8060;
	v8 =	vld [tilespmem:s0+$0x10]  }
0x2cf: {  	v5 =	vimm.f32 $-Inf;
	v9 =	vimm.s32 $0x0;
	s8 =	simm.s32 $0x20;
	s4 =	simm.s32 $0x10;
	v13 =	vor.u32 s28, v2;
	v11 =	vld [tilespmem:s2+$0xFFFFFFE0]  }
0x2d0: {  	s3 =	simm.s32 $0x30;
	v12 =	vor.u32 s8, v2;
	v15 =	vor.u32 s4, v2;
	v10 =	vmax.f32 v5, v4  }
0x2d1: {  	vm0 =	vgt.f32 v4, v5;
	v5 =	vor.u32 s3, v2;
	v14 =	vmax.f32 v10, v6  }
0x2d2: {  	v4 =	vld [tilespmem:s2+$0xFFFFFFF0];
	v9 =	vsel vm0, v13, v9;
	vm0 =	vgt.f32 v6, v10;
	v10 =	vmax.f32 v14, v7  }
0x2d3: {  	s30 =	simm.s32 $0x40;
	s31 =	simm.s32 $0x70;
	v6 =	vld [tilespmem:s2+$0x0];
	v13 =	vsel vm0, v15, v9;
	vm1 =	vgt.f32 v7, v14;
	v7 =	vmax.f32 v10, v8  }
0x2d4: {  	s0 =	simm.s32 $0x60;
	s3 =	simm.s32 $0x80;
	vm0 =	vgt.f32 v11, v7;
	v9 =	vmax.f32 v7, v11;
	v7 =	vld [tilespmem:s2+$0x10];
	s2 =	simm.s32 $0x80A0;
	v11 =	vsel vm1, v12, v13  }
.LBB2_53:
0x2d5: {  	s4 =	sadd.s32 $0x20, s3;
	s5 =	sadd.s32 $0x30, s3  }
0x2d6: {  	v12 =	vld [tilespmem:s2+$0xFFFFFFE0];
	vm1 =	vgt.f32 v8, v10;
	s6 =	smov.u32 s3;
	s7 =	sadd.s32 $0x40, s3;
	p0 =	sne.s32 s3, $0x7FC0  }
.Ltmp32:
0x2d7: {  	s3 =	sadd.s32 $0x10, s30;
	v13 =	vor.u32 s0, v2;
	v8 =	vsel vm1, v5, v11;
	v5 =	vor.u32 s31, v2;
	(pc) =	sbr.rel @p0 .LBB2_53-.Ltmp32, $4  }
0x2d8: {  	v10 =	vor.u32 s30, v2;
	v14 =	vor.u32 s3, v2;
	s0 =	smov.u32 s4;
	s31 =	smov.u32 s5;
	s30 =	smov.u32 s6;
	v11 =	vmax.f32 v9, v4  }
0x2d9: {  	v15 =	vsel vm0, v10, v8;
	vm0 =	vgt.f32 v4, v9;
	v4 =	vld [tilespmem:s2+$0xFFFFFFF0];
	v10 =	vmax.f32 v11, v6  }
0x2da: {  	v14 =	vsel vm0, v14, v15;
	vm1 =	vgt.f32 v6, v11;
	v6 =	vld [tilespmem:s2+$0x0];
	v9 =	vmax.f32 v10, v7;
	v8 =	vmovc v7  }
0x2db: {  	s3 =	smov.u32 s7;
	v11 =	vsel vm1, v13, v14;
	vm0 =	vgt.f32 v12, v9;
	v9 =	vmax.f32 v9, v12;
	v7 =	vld [tilespmem:s2+$0x10];
	s2 =	sadd.s32 $0x40, s2  }
0x2dc: {  	_ =	sdelay $0x1  }
0x2dd: {  	v12 =	vmax.f32 v9, v4  }
0x2de: {  	v13 =	vmax.f32 v12, v6  }
0x2df: {  	v14 =	vmax.f32 v13, v7  }
0x2e0: {  	(xrf0) =	vmax.scan.msk.f32 $0xffff, v14;
	_ =	sdelay $0x2  }
0x2e1: {  	vm1 =	vgt.f32 v8, v10  }
0x2e2: {  	s2 =	sadd.s32 $0x10, s30;
	v60 =	vor.u32 s0, v2;
	v61 =	vor.u32 s30, v2;
	v5 =	vsel vm1, v5, v11  }
0x2e3: {  	v62 =	vor.u32 s2, v2;
	v5 =	vsel vm0, v61, v5;
	vm12 =	vgt.f32 v4, v9  }
0x2e4: {  	v4 =	vor.u32 s31, v2;
	v5 =	vsel vm12, v62, v5;
	vm13 =	vgt.f32 v6, v12;
	v63, _, _ =	vpop (xrf0)  }
0x2e5: {  	v5 =	vsel vm13, v60, v5;
	vm14 =	vgt.f32 v7, v13;
	v6 =	vbroadcast v63, $0xF  }
0x2e6: {  	v4 =	vsel vm14, v4, v5  }
0x2e7: {  	v4 =	vxor.u32 $0x80000000, v4;
	vm15 =	veq.f32 v14, v6  }
0x2e8: {  	v4 =	vnsel vm15, $0xC0000000, v4  }
0x2e9: {  	(xrf0) =	vmin.scan.msk.u32 $0xffff, v4;
	_ =	sdelay $0x5  }
0x2ea: {  	v4, _, _ =	vpop (xrf0)  }
0x2eb: {  	(v2sf) =	vpush v4, $0xF;
	_ =	sdelay $0xe  }
0x2ec: {  	v4 =	vmov s29;
	s31 =	spop (v2sf)  }
0x2ed: {  	s29 =	sadd.s32 $0x1, s29;
	s0 =	sxor.u32 $0x80000000, s31  }
0x2ee: {  	p0 =	sne.s32 s29, $0x40;
	v5 =	vmov s0  }
.Ltmp33:
0x2ef: {  	_ = 	snop;
	(pc) =	sbr.rel @p0 .LBB2_52-.Ltmp33, $4  }
0x2f0: {  	_ = 	snop  }
0x2f1: {  	[tilespmem:v4+s22+$0x0] =	vst.idx.msk $0x1, v6  }
0x2f2: {  	[tilespmem:v4+s23+$0x0] =	vst.idx.msk $0x1, v5  }
0x2f3: {  	[tilespmem:v5+s18+$0x0] =	vst.idx.msk $0x1, v3  }
.LBB2_55:
0x2f4: {  	s28 =	simm.s32 $0x0;
	s0 =	rddreg [dreg:$0x9]  }
0x2f5: {  	[hbm4b:s0+s28] =	stream.linear.scatter [tilespmem:s22], [sflag:$0x3], $0x80, $0x38;
	[tilespmem:$0x13200] =	vst v63  }
0x2f6: {  	_ =	swait.ge [sflag:s24], $0x80  }
0x2f7: {  	[sflag:s24] =	ssyncset.done $0x0  }
0x2f8: {  	[sflag:s24] =	ssyncadd.s32 $0xFFFFFF80  }
0x2f9: {  	[hbm4b:s9+s28] =	stream.linear.scatter [tilespmem:s23], [sflag:$0x3], $0x80, $0x38;
	[tilespmem:$0x13200] =	vst v63  }
0x2fa: {  	_ =	swait.ge [sflag:s24], $0x80  }
0x2fb: {  	[sflag:s24] =	ssyncset.done $0x0  }
0x2fc: {  	[sflag:s24] =	ssyncadd.s32 $0xFFFFFF80  }
0x2fd: {  	[tilespmem:s18], [sflag:$0x2] =	stream.strided.gather [hbm4b:s10+s16], $0x8000, s17, s16, $0x38;
	[tilespmem:$0x13200] =	vst v63  }
0x2fe: {  	_ =	swait.ge [sflag:s19], $0x8000  }
0x2ff: {  	[sflag:s19] =	ssyncset.done $0x0  }
0x300: {  	s0 =	simm.s32 $0x40;
	[sflag:s19] =	ssyncadd.s32 $0xFFFF8000  }
0x301: {  	v6 =	vld [tilespmem:s0+$0xFFFFFFD0]  }
0x302: {  	v7 =	vld [tilespmem:s0+$0xFFFFFFC0]  }
0x303: {  	v8 =	vld [tilespmem:s0+$0xFFFFFFE0]  }
0x304: {  	v9 =	vld [tilespmem:s0+$0xFFFFFFF0]  }
0x305: {  	v10 =	vld [tilespmem:s0+$0x0]  }
0x306: {  	v11 =	vld [tilespmem:s0+$0x10]  }
0x307: {  	v12 =	vld [tilespmem:s0+$0x20]  }
0x308: {  	v5 =	vimm.f32 $-Inf;
	s3 =	simm.s32 $0x40;
	s2 =	simm.s32 $0x0;
	v4 =	vimm.f32 $-Inf;
	v13 =	vld [tilespmem:s0+$0x30]  }
.LBB2_56:
0x309: {  	p0 =	sne.s32 s3, $0xFC0;
	_ =	sdelay $0x2  }
0x30a: {  	v6 =	vmax.f32 v7, v6  }
0x30b: {  	v7 =	vmax.f32 v8, v9;
	v8 =	vmax.f32 v10, v11;
	v9 =	vmax.f32 v12, v13  }
0x30c: {  	v6 =	vmax.f32 v6, v7;
	v7 =	vmax.f32 v8, v9  }
0x30d: {  	s4 =	sshra.s32 s2, $0x2;
	s2 =	smov.u32 s3;
	v6 =	vmax.f32 v6, v7  }
0x30e: {  	s0 =	sadd.s32 $0x80, s0;
	[tilespmem:s4+$0x12100] =	vst v6;
	v4 =	vmax.f32 v4, v6  }
0x30f: {  	v6 =	vld [tilespmem:s0+$0xFFFFFFD0]  }
0x310: {  	v7 =	vld [tilespmem:s0+$0xFFFFFFC0]  }
0x311: {  	v8 =	vld [tilespmem:s0+$0xFFFFFFE0]  }
.Ltmp34:
0x312: {  	v9 =	vld [tilespmem:s0+$0xFFFFFFF0];
	(pc) =	sbr.rel @p0 .LBB2_56-.Ltmp34, $4  }
0x313: {  	v10 =	vld [tilespmem:s0+$0x0]  }
0x314: {  	v11 =	vld [tilespmem:s0+$0x10]  }
0x315: {  	v12 =	vld [tilespmem:s0+$0x20]  }
0x316: {  	s3 =	sadd.s32 $0x40, s3;
	v13 =	vld [tilespmem:s0+$0x30]  }
0x317: {  	_ =	sdelay $0x2  }
0x318: {  	v6 =	vmax.f32 v7, v6  }
0x319: {  	v7 =	vmax.f32 v8, v9;
	v8 =	vmax.f32 v10, v11;
	v9 =	vmax.f32 v12, v13  }
0x31a: {  	v6 =	vmax.f32 v6, v7;
	v7 =	vmax.f32 v8, v9  }
0x31b: {  	s0 =	sshra.s32 s2, $0x2;
	v13 =	vmax.f32 v6, v7  }
0x31c: {  	[tilespmem:s0+$0x12100] =	vst v13;
	s0 =	simm.s32 $0x2070  }
0x31d: {  	v6 =	vld [tilespmem:s0+$0xFFFFFFA0]  }
0x31e: {  	v7 =	vld [tilespmem:s0+$0xFFFFFF90]  }
0x31f: {  	v8 =	vld [tilespmem:s0+$0xFFFFFFB0]  }
0x320: {  	v9 =	vld [tilespmem:s0+$0xFFFFFFC0]  }
0x321: {  	v10 =	vld [tilespmem:s0+$0xFFFFFFD0]  }
0x322: {  	v11 =	vld [tilespmem:s0+$0xFFFFFFE0]  }
0x323: {  	v12 =	vld [tilespmem:s0+$0xFFFFFFF0]  }
0x324: {  	s2 =	simm.s32 $0x40;
	v4 =	vmax.f32 v4, v13;
	v13 =	vld [tilespmem:s0+$0x0]  }
.LBB2_58:
0x325: {  	p0 =	sne.s32 s2, $0xFC0;
	_ =	sdelay $0x2  }
0x326: {  	v6 =	vmax.f32 v7, v6  }
0x327: {  	v7 =	vmax.f32 v8, v9;
	v8 =	vmax.f32 v10, v11;
	v9 =	vmax.f32 v12, v13  }
0x328: {  	v6 =	vmax.f32 v6, v7;
	v7 =	vmax.f32 v8, v9  }
0x329: {  	s3 =	sshra.s32 s28, $0x2;
	s28 =	smov.u32 s2;
	v6 =	vmax.f32 v6, v7  }
0x32a: {  	s0 =	sadd.s32 $0x80, s0;
	[tilespmem:s3+$0x12500] =	vst v6;
	v5 =	vmax.f32 v5, v6  }
0x32b: {  	v6 =	vld [tilespmem:s0+$0xFFFFFFA0]  }
0x32c: {  	v7 =	vld [tilespmem:s0+$0xFFFFFF90]  }
0x32d: {  	v8 =	vld [tilespmem:s0+$0xFFFFFFB0]  }
.Ltmp35:
0x32e: {  	v9 =	vld [tilespmem:s0+$0xFFFFFFC0];
	(pc) =	sbr.rel @p0 .LBB2_58-.Ltmp35, $4  }
0x32f: {  	v10 =	vld [tilespmem:s0+$0xFFFFFFD0]  }
0x330: {  	v11 =	vld [tilespmem:s0+$0xFFFFFFE0]  }
0x331: {  	v12 =	vld [tilespmem:s0+$0xFFFFFFF0]  }
0x332: {  	s2 =	sadd.s32 $0x40, s2;
	v13 =	vld [tilespmem:s0+$0x0]  }
0x333: {  	_ =	sdelay $0x2  }
0x334: {  	v6 =	vmax.f32 v7, v6  }
0x335: {  	v7 =	vmax.f32 v8, v9;
	v8 =	vmax.f32 v10, v11;
	v9 =	vmax.f32 v12, v13  }
0x336: {  	v6 =	vmax.f32 v6, v7;
	v7 =	vmax.f32 v8, v9  }
0x337: {  	s0 =	sshra.s32 s28, $0x2;
	v7 =	vmax.f32 v6, v7  }
0x338: {  	s28 =	simm.s32 $0x0;
	[tilespmem:s0+$0x12500] =	vst v7  }
0x339: {  	v6 =	vld [tilespmem:s28+$0x4010]  }
0x33a: {  	v8 =	vld [tilespmem:s28+$0x4000]  }
0x33b: {  	v9 =	vld [tilespmem:s28+$0x4020]  }
0x33c: {  	v10 =	vld [tilespmem:s28+$0x4030]  }
0x33d: {  	v11 =	vld [tilespmem:s28+$0x4040]  }
0x33e: {  	v12 =	vld [tilespmem:s28+$0x4050]  }
0x33f: {  	v13 =	vld [tilespmem:s28+$0x4060]  }
0x340: {  	v14 =	vld [tilespmem:s28+$0x4070];
	_ =	sdelay $0x3  }
0x341: {  	v6 =	vmax.f32 v8, v6  }
0x342: {  	v8 =	vmax.f32 v9, v10;
	v9 =	vmax.f32 v11, v12;
	v10 =	vmax.f32 v13, v14  }
0x343: {  	v6 =	vmax.f32 v6, v8;
	v8 =	vmax.f32 v9, v10  }
0x344: {  	s29 =	simm.s32 $0x12900;
	v14 =	vmax.f32 v6, v8  }
0x345: {  	s2 =	simm.s32 $0x80;
	[tilespmem:s29+$0x0] =	vst v14  }
0x346: {  	v8 =	vld [tilespmem:s2+$0x4010]  }
0x347: {  	v9 =	vld [tilespmem:s2+$0x4000]  }
0x348: {  	v10 =	vld [tilespmem:s2+$0x4020]  }
0x349: {  	v11 =	vld [tilespmem:s2+$0x4030]  }
0x34a: {  	v12 =	vld [tilespmem:s2+$0x4040]  }
0x34b: {  	v6 =	vimm.f32 $-Inf;
	v13 =	vld [tilespmem:s2+$0x4050]  }
0x34c: {  	v5 =	vmax.f32 v5, v7;
	s0 =	simm.s32 $0x400;
	v7 =	vmax.f32 v6, v14;
	v14 =	vld [tilespmem:s2+$0x4060]  }
.LBB2_60:
0x34d: {  	p0 =	sne.s32 s0, $0x7E00;
	v15 =	vld [tilespmem:s2+$0x4070];
	_ =	sdelay $0x3  }
0x34e: {  	v8 =	vmax.f32 v9, v8  }
0x34f: {  	v9 =	vmax.f32 v10, v11;
	v10 =	vmax.f32 v12, v13;
	v11 =	vmax.f32 v14, v15  }
0x350: {  	v8 =	vmax.f32 v8, v9;
	v9 =	vmax.f32 v10, v11  }
0x351: {  	s29 =	sadd.s32 $0x10, s29;
	v8 =	vmax.f32 v8, v9  }
0x352: {  	s2 =	sshra.s32 s0, $0x2;
	[tilespmem:s29+$0x0] =	vst v8;
	v7 =	vmax.f32 v7, v8  }
0x353: {  	v8 =	vld [tilespmem:s2+$0x4010]  }
0x354: {  	v9 =	vld [tilespmem:s2+$0x4000]  }
.Ltmp36:
0x355: {  	v10 =	vld [tilespmem:s2+$0x4020];
	(pc) =	sbr.rel @p0 .LBB2_60-.Ltmp36, $4  }
0x356: {  	v11 =	vld [tilespmem:s2+$0x4030]  }
0x357: {  	v12 =	vld [tilespmem:s2+$0x4040]  }
0x358: {  	v13 =	vld [tilespmem:s2+$0x4050]  }
0x359: {  	s0 =	sadd.s32 $0x200, s0;
	v14 =	vld [tilespmem:s2+$0x4060]  }
0x35a: {  	v15 =	vld [tilespmem:s2+$0x4070];
	_ =	sdelay $0x3  }
0x35b: {  	v8 =	vmax.f32 v9, v8  }
0x35c: {  	v9 =	vmax.f32 v10, v11;
	v10 =	vmax.f32 v12, v13;
	v11 =	vmax.f32 v14, v15  }
0x35d: {  	v8 =	vmax.f32 v8, v9;
	v9 =	vmax.f32 v10, v11  }
0x35e: {  	s0 =	sadd.s32 $0x10, s29;
	v14 =	vmax.f32 v8, v9  }
0x35f: {  	[tilespmem:s0+$0x0] =	vst v14  }
0x360: {  	v8 =	vld [tilespmem:s28+$0x6010]  }
0x361: {  	v9 =	vld [tilespmem:s28+$0x6000]  }
0x362: {  	v10 =	vld [tilespmem:s28+$0x6020]  }
0x363: {  	v11 =	vld [tilespmem:s28+$0x6030]  }
0x364: {  	v12 =	vld [tilespmem:s28+$0x6040]  }
0x365: {  	v13 =	vld [tilespmem:s28+$0x6050]  }
0x366: {  	v15 =	vld [tilespmem:s28+$0x6060]  }
0x367: {  	v16 =	vld [tilespmem:s28+$0x6070];
	_ =	sdelay $0x3  }
0x368: {  	v8 =	vmax.f32 v9, v8  }
0x369: {  	v9 =	vmax.f32 v10, v11;
	v10 =	vmax.f32 v12, v13;
	v11 =	vmax.f32 v15, v16  }
0x36a: {  	v8 =	vmax.f32 v8, v9;
	v9 =	vmax.f32 v10, v11  }
0x36b: {  	s28 =	simm.s32 $0x12D00;
	v15 =	vmax.f32 v8, v9  }
0x36c: {  	s2 =	simm.s32 $0x80;
	[tilespmem:s28+$0x0] =	vst v15  }
0x36d: {  	v8 =	vld [tilespmem:s2+$0x6010]  }
0x36e: {  	v9 =	vld [tilespmem:s2+$0x6000]  }
0x36f: {  	v10 =	vld [tilespmem:s2+$0x6020]  }
0x370: {  	v11 =	vld [tilespmem:s2+$0x6030]  }
0x371: {  	v12 =	vld [tilespmem:s2+$0x6040]  }
0x372: {  	v13 =	vld [tilespmem:s2+$0x6050]  }
0x373: {  	v7 =	vmax.f32 v7, v14;
	s0 =	simm.s32 $0x400;
	v6 =	vmax.f32 v6, v15;
	v14 =	vld [tilespmem:s2+$0x6060]  }
.LBB2_62:
0x374: {  	p0 =	sne.s32 s0, $0x7E00;
	v15 =	vld [tilespmem:s2+$0x6070];
	_ =	sdelay $0x3  }
0x375: {  	v8 =	vmax.f32 v9, v8  }
0x376: {  	v9 =	vmax.f32 v10, v11;
	v10 =	vmax.f32 v12, v13;
	v11 =	vmax.f32 v14, v15  }
0x377: {  	v8 =	vmax.f32 v8, v9;
	v9 =	vmax.f32 v10, v11  }
0x378: {  	s28 =	sadd.s32 $0x10, s28;
	v8 =	vmax.f32 v8, v9  }
0x379: {  	s2 =	sshra.s32 s0, $0x2;
	[tilespmem:s28+$0x0] =	vst v8;
	v6 =	vmax.f32 v6, v8  }
0x37a: {  	v8 =	vld [tilespmem:s2+$0x6010]  }
0x37b: {  	v9 =	vld [tilespmem:s2+$0x6000]  }
.Ltmp37:
0x37c: {  	v10 =	vld [tilespmem:s2+$0x6020];
	(pc) =	sbr.rel @p0 .LBB2_62-.Ltmp37, $4  }
0x37d: {  	v11 =	vld [tilespmem:s2+$0x6030]  }
0x37e: {  	v12 =	vld [tilespmem:s2+$0x6040]  }
0x37f: {  	v13 =	vld [tilespmem:s2+$0x6050]  }
0x380: {  	s0 =	sadd.s32 $0x200, s0;
	v14 =	vld [tilespmem:s2+$0x6060]  }
0x381: {  	v15 =	vld [tilespmem:s2+$0x6070];
	_ =	sdelay $0x3  }
0x382: {  	v8 =	vmax.f32 v9, v8  }
0x383: {  	v60 =	vmax.f32 v10, v11;
	v61 =	vmax.f32 v12, v13;
	v62 =	vmax.f32 v14, v15  }
0x384: {  	v8 =	vmax.f32 v8, v60;
	v63 =	vmax.f32 v61, v62  }
0x385: {  	v8 =	vmax.f32 v8, v63  }
0x386: {  	v6 =	vmax.f32 v6, v8  }
0x387: {  	v4 =	vmin.f32 v4, v5;
	v5 =	vmin.f32 v7, v6  }
0x388: {  	v4 =	vmin.f32 v4, v5  }
0x389: {  	(xrf0) =	vmin.scan.msk.f32 $0xffff, v4;
	_ =	sdelay $0x2  }
.Ltmp38:
0x38a: {  	_ = 	snop;
	(pc) =	sbr.rel .LBB2_64-.Ltmp38, $3  }
0x38b: {  	_ =	sdelay $0x1  }
0x38c: {  	s0 =	sadd.s32 $0x10, s28;
	v4, _, _ =	vpop (xrf0)  }
0x38d: {  	s28 =	simm.s32 $0x70;
	s29 =	simm.s32 $0x12100;
	s30 =	simm.s32 $0x40;
	[tilespmem:s0+$0x0] =	vst v8;
	v5 =	vimm.s32 $0x0;
	v4 =	vbroadcast v4, $0xF  }
.LBB2_66:
0x38e: {  	s28 =	sadd.s32 $0x80, s28  }
0x38f: {  	p0 =	sne.s32 s28, $0x8070  }
.Ltmp39:
0x390: {  	_ = 	snop;
	(pc) =	sbr.rel @!p0 .LBB2_67-.Ltmp39, $2  }
0x391: {  	_ =	sdelay $0x2  }
0x392: {  	s29 =	sadd.s32 $0x10, s29;
	s30 =	sadd.s32 $0x80, s30  }
.LBB2_64:
0x393: {  	v6 =	vld [tilespmem:s29+$0x0];
	_ =	sdelay $0x4  }
0x394: {  	vm0 =	vge.f32 v6, v4  }
0x395: {  	v6 =	vsel vm0, $0x3F800000, v0  }
0x396: {  	(xrf0) =	vmax.scan.msk.f32 $0xffff, v6;
	_ =	sdelay $0x5  }
0x397: {  	v6, _, _ =	vpop (xrf0)  }
0x398: {  	(v2sf) =	vpush v6, $0xF;
	_ =	sdelay $0xe  }
0x399: {  	s0 =	spop (v2sf)  }
0x39a: {  	p0 =	sgt.f32 s0, $0.0e+00  }
.Ltmp40:
0x39b: {  	_ = 	snop;
	(pc) =	sbr.rel @!p0 .LBB2_66-.Ltmp40, $1  }
0x39c: {  	_ =	sdelay $0x3  }
0x39d: {  	v6 =	vld [tilespmem:s30+$0xFFFFFFC0];
	_ =	sdelay $0x4  }
0x39e: {  	vm0 =	vge.f32 v6, v4  }
0x39f: {  	v7 =	vsel vm0, $0x1, v1  }
0x3a0: {  	(xrf0) =	vadd.scan.msk.s32 $0xffff, v7;
	_ =	sdelay $0x5  }
0x3a1: {  	v7, _, _ =	vpop (xrf0)  }
0x3a2: {  	v7 =	vadd.s32 v7, v5  }
0x3a3: {  	v7 =	vadd.s32 $0xFFFFFFFF, v7  }
0x3a4: {  	vm1 =	vlt.s32 v7, $0x1010  }
0x3a5: {  	vm1 =	vmand vm0, vm1;
	_ =	sdelay $0x4  }
0x3a6: {  	s0 =	sadd.s32 $0xFFFFFF90, s28  }
0x3a7: {  	[tilespmem:v7+s20+$0x0] =	vst.idx.msk vm1, v6;
	v6 =	vor.u32 s0, v2  }
0x3a8: {  	[tilespmem:v7+s21+$0x0] =	vst.idx.msk vm1, v6  }
0x3a9: {  	v6 =	vld [tilespmem:s30+$0xFFFFFFD0];
	_ =	sdelay $0x4  }
0x3aa: {  	vm14 =	vge.f32 v6, v4  }
0x3ab: {  	v7 =	vsel vm14, $0x1, v1  }
0x3ac: {  	(xrf0) =	vadd.scan.msk.s32 $0xffff, v7;
	_ =	sdelay $0x1  }
0x3ad: {  	v7 =	vmpcnt.ones.xlane vm0;
	_ =	sdelay $0x3  }
0x3ae: {  	v5 =	vadd.s32 v5, v7;
	v7, _, _ =	vpop (xrf0)  }
0x3af: {  	v7 =	vadd.s32 v7, v5  }
0x3b0: {  	v7 =	vadd.s32 $0xFFFFFFFF, v7  }
0x3b1: {  	vm15 =	vlt.s32 v7, $0x1010  }
0x3b2: {  	vm0 =	vmand vm14, vm15;
	_ =	sdelay $0x4  }
0x3b3: {  	s4 =	sadd.s32 $0xFFFFFFA0, s28  }
0x3b4: {  	[tilespmem:v7+s20+$0x0] =	vst.idx.msk vm0, v6;
	v6 =	vor.u32 s4, v2  }
0x3b5: {  	[tilespmem:v7+s21+$0x0] =	vst.idx.msk vm0, v6  }
0x3b6: {  	v6 =	vld [tilespmem:s30+$0xFFFFFFE0];
	_ =	sdelay $0x4  }
0x3b7: {  	vm4 =	vge.f32 v6, v4  }
0x3b8: {  	v7 =	vsel vm4, $0x1, v1  }
0x3b9: {  	(xrf0) =	vadd.scan.msk.s32 $0xffff, v7;
	_ =	sdelay $0x1  }
0x3ba: {  	v7 =	vmpcnt.ones.xlane vm14;
	_ =	sdelay $0x3  }
0x3bb: {  	v5 =	vadd.s32 v5, v7;
	v7, _, _ =	vpop (xrf0)  }
0x3bc: {  	v7 =	vadd.s32 v7, v5  }
0x3bd: {  	v7 =	vadd.s32 $0xFFFFFFFF, v7  }
0x3be: {  	vm5 =	vlt.s32 v7, $0x1010  }
0x3bf: {  	vm1 =	vmand vm4, vm5;
	_ =	sdelay $0x4  }
0x3c0: {  	s5 =	sadd.s32 $0xFFFFFFB0, s28  }
0x3c1: {  	[tilespmem:v7+s20+$0x0] =	vst.idx.msk vm1, v6;
	v6 =	vor.u32 s5, v2  }
0x3c2: {  	[tilespmem:v7+s21+$0x0] =	vst.idx.msk vm1, v6  }
0x3c3: {  	v6 =	vld [tilespmem:s30+$0xFFFFFFF0];
	_ =	sdelay $0x4  }
0x3c4: {  	vm6 =	vge.f32 v6, v4  }
0x3c5: {  	v7 =	vsel vm6, $0x1, v1  }
0x3c6: {  	(xrf0) =	vadd.scan.msk.s32 $0xffff, v7;
	_ =	sdelay $0x1  }
0x3c7: {  	v7 =	vmpcnt.ones.xlane vm4;
	_ =	sdelay $0x3  }
0x3c8: {  	v5 =	vadd.s32 v5, v7;
	v7, _, _ =	vpop (xrf0)  }
0x3c9: {  	v7 =	vadd.s32 v7, v5  }
0x3ca: {  	v7 =	vadd.s32 $0xFFFFFFFF, v7  }
0x3cb: {  	vm7 =	vlt.s32 v7, $0x1010  }
0x3cc: {  	vm0 =	vmand vm6, vm7;
	_ =	sdelay $0x4  }
0x3cd: {  	s6 =	sadd.s32 $0xFFFFFFC0, s28  }
0x3ce: {  	[tilespmem:v7+s20+$0x0] =	vst.idx.msk vm0, v6;
	v6 =	vor.u32 s6, v2  }
0x3cf: {  	[tilespmem:v7+s21+$0x0] =	vst.idx.msk vm0, v6  }
0x3d0: {  	v6 =	vld [tilespmem:s30+$0x0];
	_ =	sdelay $0x4  }
0x3d1: {  	vm8 =	vge.f32 v6, v4  }
0x3d2: {  	v7 =	vsel vm8, $0x1, v1  }
0x3d3: {  	(xrf0) =	vadd.scan.msk.s32 $0xffff, v7;
	_ =	sdelay $0x1  }
0x3d4: {  	v7 =	vmpcnt.ones.xlane vm6;
	_ =	sdelay $0x3  }
0x3d5: {  	v5 =	vadd.s32 v5, v7;
	v7, _, _ =	vpop (xrf0)  }
0x3d6: {  	v7 =	vadd.s32 v7, v5  }
0x3d7: {  	v7 =	vadd.s32 $0xFFFFFFFF, v7  }
0x3d8: {  	vm9 =	vlt.s32 v7, $0x1010  }
0x3d9: {  	vm1 =	vmand vm8, vm9;
	_ =	sdelay $0x4  }
0x3da: {  	s7 =	sadd.s32 $0xFFFFFFD0, s28  }
0x3db: {  	[tilespmem:v7+s20+$0x0] =	vst.idx.msk vm1, v6;
	v6 =	vor.u32 s7, v2  }
0x3dc: {  	[tilespmem:v7+s21+$0x0] =	vst.idx.msk vm1, v6  }
0x3dd: {  	v6 =	vld [tilespmem:s30+$0x10];
	_ =	sdelay $0x4  }
0x3de: {  	vm10 =	vge.f32 v6, v4  }
0x3df: {  	v7 =	vsel vm10, $0x1, v1  }
0x3e0: {  	(xrf0) =	vadd.scan.msk.s32 $0xffff, v7;
	_ =	sdelay $0x1  }
0x3e1: {  	v7 =	vmpcnt.ones.xlane vm8;
	_ =	sdelay $0x3  }
0x3e2: {  	v5 =	vadd.s32 v5, v7;
	v7, _, _ =	vpop (xrf0)  }
0x3e3: {  	v7 =	vadd.s32 v7, v5  }
0x3e4: {  	v7 =	vadd.s32 $0xFFFFFFFF, v7  }
0x3e5: {  	vm11 =	vlt.s32 v7, $0x1010  }
0x3e6: {  	vm0 =	vmand vm10, vm11;
	_ =	sdelay $0x4  }
0x3e7: {  	s8 =	sadd.s32 $0xFFFFFFE0, s28  }
0x3e8: {  	[tilespmem:v7+s20+$0x0] =	vst.idx.msk vm0, v6;
	v6 =	vor.u32 s8, v2  }
0x3e9: {  	[tilespmem:v7+s21+$0x0] =	vst.idx.msk vm0, v6  }
0x3ea: {  	v6 =	vld [tilespmem:s30+$0x20];
	_ =	sdelay $0x4  }
0x3eb: {  	vm12 =	vge.f32 v6, v4  }
0x3ec: {  	v7 =	vsel vm12, $0x1, v1  }
0x3ed: {  	(xrf0) =	vadd.scan.msk.s32 $0xffff, v7;
	_ =	sdelay $0x1  }
0x3ee: {  	v7 =	vmpcnt.ones.xlane vm10;
	_ =	sdelay $0x3  }
0x3ef: {  	v5 =	vadd.s32 v5, v7;
	v7, _, _ =	vpop (xrf0)  }
0x3f0: {  	v7 =	vadd.s32 v7, v5  }
0x3f1: {  	v7 =	vadd.s32 $0xFFFFFFFF, v7  }
0x3f2: {  	vm13 =	vlt.s32 v7, $0x1010  }
0x3f3: {  	vm1 =	vmand vm12, vm13;
	_ =	sdelay $0x4  }
0x3f4: {  	s31 =	sadd.s32 $0xFFFFFFF0, s28  }
0x3f5: {  	[tilespmem:v7+s20+$0x0] =	vst.idx.msk vm1, v6;
	v6 =	vor.u32 s31, v2  }
0x3f6: {  	[tilespmem:v7+s21+$0x0] =	vst.idx.msk vm1, v6  }
0x3f7: {  	v6 =	vld [tilespmem:s30+$0x30];
	_ =	sdelay $0x4  }
0x3f8: {  	vm14 =	vge.f32 v6, v4  }
0x3f9: {  	v7 =	vsel vm14, $0x1, v1  }
0x3fa: {  	(xrf0) =	vadd.scan.msk.s32 $0xffff, v7;
	_ =	sdelay $0x1  }
0x3fb: {  	v7 =	vmpcnt.ones.xlane vm12;
	_ =	sdelay $0x3  }
0x3fc: {  	v5 =	vadd.s32 v5, v7;
	v7, _, _ =	vpop (xrf0)  }
0x3fd: {  	v7 =	vadd.s32 v7, v5  }
0x3fe: {  	v7 =	vadd.s32 $0xFFFFFFFF, v7  }
0x3ff: {  	vm15 =	vlt.s32 v7, $0x1010  }
0x400: {  	vm0 =	vmand vm14, vm15;
	_ =	sdelay $0x2  }
.Ltmp41:
0x401: {  	_ = 	snop;
	(pc) =	sbr.rel .LBB2_66-.Ltmp41, $4  }
0x402: {  	_ = 	snop  }
0x403: {  	v8 =	vmpcnt.ones.xlane vm14  }
0x404: {  	[tilespmem:v7+s20+$0x0] =	vst.idx.msk vm0, v6;
	v6 =	vor.u32 s28, v2  }
0x405: {  	v5 =	vadd.s32 v5, v8;
	[tilespmem:v7+s21+$0x0] =	vst.idx.msk vm0, v6  }
.LBB2_43:
0x406: {  	v4 =	vimm.s32 $0x80000000  }
.LBB2_51:
0x407: {  	(xrf0) =	vmax.scan.msk.f32 $0xffff, v5;
	_ =	sdelay $0x5  }
0x408: {  	v6, _, _ =	vpop (xrf0)  }
0x409: {  	v6 =	vbroadcast v6, $0xF;
	_ =	sdelay $0x1  }
0x40a: {  	vm0 =	veq.f32 v5, v6  }
0x40b: {  	v4 =	vnsel vm0, $0xC0000000, v4  }
0x40c: {  	(xrf0) =	vmin.scan.msk.u32 $0xffff, v4;
	_ =	sdelay $0x5  }
0x40d: {  	v4, _, _ =	vpop (xrf0)  }
0x40e: {  	(v2sf) =	vpush v4, $0xF;
	_ =	sdelay $0xe  }
0x40f: {  	s0 =	spop (v2sf)  }
0x410: {  	v4 =	vmov s30;
	s0 =	sxor.u32 $0x80000000, s0  }
0x411: {  	v5 =	vmov s0;
	_ =	sdelay $0x3  }
0x412: {  	[tilespmem:v4+s22+$0x0] =	vst.idx.msk $0x1, v6  }
0x413: {  	s30 =	sadd.s32 $0x1, s30;
	v6 =	vld.idx.msk [tilespmem:v5+s21+$0x0], $0xffff  }
0x414: {  	p1 =	seq.s32 s30, $0x40  }
.Ltmp42:
0x415: {  	_ = 	snop;
	(pc) =	sbr.rel @p1 .LBB2_55-.Ltmp42, $3  }
0x416: {  	_ =	sdelay $0x1  }
0x417: {  	[tilespmem:v4+s23+$0x0] =	vst.idx.msk $0x1, v6  }
0x418: {  	[tilespmem:v5+s20+$0x0] =	vst.idx.msk $0x1, v3  }
.LBB2_42:
.Ltmp43:
0x419: {  	(pc) =	sbr.rel @p0 .LBB2_43-.Ltmp43, $2  }
0x41a: {  	_ =	sdelay $0x2  }
0x41b: {  	v5 =	vimm.f32 $-Inf  }
0x41c: {  	s4 =	simm.s32 $0x10020  }
0x41d: {  	p2 =	sne.s32 s28, $0x1;
	v6 =	vld [tilespmem:s4+$0xFFFFFFE0]  }
.Ltmp44:
0x41e: {  	v7 =	vld [tilespmem:s4+$0x10];
	(pc) =	sbr.rel @!p2 .LBB2_45-.Ltmp44, $3  }
0x41f: {  	_ =	sdelay $0x1  }
0x420: {  	s0 =	simm.s32 $0x20;
	s3 =	simm.s32 $0x30;
	s2 =	sadd.s32 $0xFFFFFFFF, s28;
	v13 =	vld [tilespmem:s4+$0xFFFFFFF0]  }
0x421: {  	v4 =	vimm.s32 $0x0;
	s31 =	simm.s32 $0x40;
	p1 =	por $0x0, $0x0;
	v12 =	vld [tilespmem:s4+$0x0];
	s4 =	simm.s32 $0x10060;
	vm0 =	vgt.f32 v6, v5;
	v5 =	vmax.f32 v5, v6  }
0x422: {  	_ = 	snop  }
0x423: {  	v11 =	vld [tilespmem:s4+$0xFFFFFFE0];
	p2 =	sne.s32 s2, $0x1  }
.Ltmp45:
0x424: {  	s5 =	simm.s32 $0x10;
	v14 =	vor.u32 s0, v2;
	v6 =	vor.u32 s3, v2;
	(pc) =	sbr.rel @!p2 .LBB2_47-.Ltmp45, $4  }
0x425: {  	v9 =	vor.u32 s29, v2;
	v16 =	vor.u32 s5, v2;
	v15 =	vmax.f32 v5, v13  }
0x426: {  	v8 =	vld [tilespmem:s4+$0xFFFFFFF0];
	v17 =	vsel vm0, v9, v4;
	vm0 =	vgt.f32 v13, v5;
	v10 =	vmax.f32 v15, v12  }
0x427: {  	s0 =	simm.s32 $0x60;
	s3 =	simm.s32 $0x70;
	s2 =	sadd.s32 $0xFFFFFFFF, s2;
	v9 =	vld [tilespmem:s4+$0x0];
	v13 =	vsel vm0, v16, v17;
	vm1 =	vgt.f32 v12, v15;
	v5 =	vmax.f32 v10, v7  }
0x428: {  	p1 =	por $0x1, $0x1;
	s5 =	simm.s32 $0x100A0;
	v14 =	vsel vm1, v14, v13;
	vm0 =	vgt.f32 v11, v5;
	v5 =	vmax.f32 v5, v11;
	v11 =	vld [tilespmem:s4+$0x10];
	s4 =	simm.s32 $0x80  }
.LBB2_48:
0x429: {  	v12 =	vld [tilespmem:s5+$0xFFFFFFE0];
	s6 =	sadd.s32 $0x20, s4;
	s7 =	sadd.s32 $0x30, s4;
	p2 =	sne.s32 s2, $0x1;
	vm1 =	vgt.f32 v7, v10  }
.Ltmp46:
0x42a: {  	s2 =	sadd.s32 $0xFFFFFFFF, s2;
	s8 =	sadd.s32 $0x10, s31;
	v13 =	vor.u32 s0, v2;
	v7 =	vsel vm1, v6, v14;
	v6 =	vor.u32 s3, v2;
	(pc) =	sbr.rel @p2 .LBB2_48-.Ltmp46, $4  }
0x42b: {  	v10 =	vor.u32 s31, v2;
	s31 =	smov.u32 s4;
	v15 =	vor.u32 s8, v2;
	s0 =	smov.u32 s6;
	s3 =	smov.u32 s7;
	v14 =	vmax.f32 v5, v8  }
0x42c: {  	v16 =	vsel vm0, v10, v7;
	vm0 =	vgt.f32 v8, v5;
	v8 =	vld [tilespmem:s5+$0xFFFFFFF0];
	v10 =	vmax.f32 v14, v9  }
0x42d: {  	v15 =	vsel vm0, v15, v16;
	vm1 =	vgt.f32 v9, v14;
	v9 =	vld [tilespmem:s5+$0x0];
	v5 =	vmax.f32 v10, v11;
	v7 =	vmovc v11  }
0x42e: {  	s4 =	sadd.s32 $0x40, s4;
	v14 =	vsel vm1, v13, v15;
	vm0 =	vgt.f32 v12, v5;
	v5 =	vmax.f32 v5, v12;
	v11 =	vld [tilespmem:s5+$0x10];
	s5 =	sadd.s32 $0x40, s5  }
0x42f: {  	_ =	sdelay $0x3  }
0x430: {  	v15 =	vmovc v7;
	v13 =	vmov v8;
	v12 =	vmov v9;
	v7 =	vmov v11  }
.LBB2_50:
0x431: {  	vm1 =	vgt.f32 @p1 v15, v10  }
0x432: {  	v8 =	vor.u32 s0, v2;
	v6 =	vsel @p1 vm1, v6, v14  }
0x433: {  	s8 =	sadd.s32 $0x10, s31;
	v9 =	vor.u32 s31, v2;
	v63 =	vmax.f32 v5, v13;
	v4 =	vpsel p1, v6, v4  }
.Ltmp47:
0x434: {  	vm13 =	vgt.f32 v13, v5;
	v6 =	vor.u32 s8, v2;
	v4 =	vsel vm0, v9, v4;
	(pc) =	sbr.rel .LBB2_51-.Ltmp47, $4  }
0x435: {  	v5 =	vmax.f32 v63, v12;
	vm14 =	vgt.f32 v12, v63;
	v4 =	vsel vm13, v6, v4  }
0x436: {  	vm15 =	vgt.f32 v7, v5;
	v6 =	vor.u32 s3, v2;
	v4 =	vsel vm14, v8, v4  }
0x437: {  	v4 =	vsel vm15, v6, v4  }
0x438: {  	v5 =	vmax.f32 v5, v7;
	v4 =	vxor.u32 $0x80000000, v4  }
.LBB2_45:
.Ltmp48:
0x439: {  	(pc) =	sbr.rel .LBB2_50-.Ltmp48, $2  }
0x43a: {  	_ =	sdelay $0x2  }
0x43b: {  	s31 =	simm.s32 $0x0  }
.LBB2_47:
.Ltmp49:
0x43c: {  	_ = 	snop;
	(pc) =	sbr.rel .LBB2_50-.Ltmp49, $2  }
0x43d: {  	_ =	sdelay $0x2  }
0x43e: {  	v15 =	vmovc v7;
	s0 =	simm.s32 $0x60;
	s3 =	simm.s32 $0x70;
	v13 =	vmov v8;
	v12 =	vmov v9;
	v7 =	vmov v11  }
.LBB2_67:
0x43f: {  	v4 =	vxor.u32 $0x80000000, v5  }
0x440: {  	(xrf0) =	vmax.scan.msk.u32 $0xffff, v4;
	_ =	sdelay $0x5  }
0x441: {  	v4, _, _ =	vpop (xrf0)  }
0x442: {  	(v2sf) =	vpush v4, $0xF;
	_ =	sdelay $0xe  }
0x443: {  	s0 =	spop (v2sf)  }
0x444: {  	s2 =	sxor.u32 $0x80000000, s0  }
0x445: {  	p0 =	slt.s32 s2, $0x1000;
	p1 =	sgt.s32 s2, $0x1000  }
.Ltmp50:
0x446: {  	s2 =	simm.s32 @!p0 $0x1000;
	(pc) =	sbr.rel @p1 .LBB2_79-.Ltmp50, $4  }
0x447: {  	[tilespmem:s2+$0x10000] =	vst v3  }
0x448: {  	[tilespmem:s2+$0x10010] =	vst v3  }
0x449: {  	[tilespmem:s2+$0x10020] =	vst v3  }
0x44a: {  	s28 =	simm.s32 $0x0;
	s29 =	simm.s32 $0x0;
	[tilespmem:s2+$0x10030] =	vst v3  }
0x44b: {  	s0 =	sadd.s32 $0x8000003F, s0  }
0x44c: {  	s2 =	sand.u32 $0x3F, s0  }
0x44d: {  	s3 =	sshra.s32 s0, $0x1F;
	p0 =	slt.s32 s0, $0x1;
	p1 =	sne.s32 s2, $0x0  }
.Ltmp51:
0x44e: {  	s31 =	sshrl.u32 s3, $0x1A;
	p0 =	por !p0, !p1;
	(pc) =	sbr.rel .LBB2_69-.Ltmp51, $4  }
0x44f: {  	s2 =	simm.s32 $0x1;
	s0 =	sadd.s32 s31, s0;
	p0 =	por !p0, !p0  }
0x450: {  	s0 =	sshra.s32 s0, $0x6;
	s2 =	simm.s32 @!p0 $0x0  }
0x451: {  	s28 =	ssub.s32 s0, s2  }
0x452: {  	s29 =	simm.s32 $0x0;
	s30 =	simm.s32 $0x0;
	p0 =	slt.s32 s28, $0x1  }
.LBB2_79:
0x453: {  	s0 =	simm.s32 $0x20  }
0x454: {  	v4 =	vld [tilespmem:s0+$0xFFFFFFE0]  }
0x455: {  	v6 =	vld [tilespmem:s0+$0xFFFFFFF0]  }
0x456: {  	v7 =	vld [tilespmem:s0+$0x0]  }
0x457: {  	s2 =	simm.s32 $0x60;
	v8 =	vld [tilespmem:s0+$0x10]  }
0x458: {  	v5 =	vimm.f32 $-Inf;
	v9 =	vimm.s32 $0x0;
	s8 =	simm.s32 $0x20;
	s4 =	simm.s32 $0x10;
	v13 =	vor.u32 s28, v2;
	v11 =	vld [tilespmem:s2+$0xFFFFFFE0]  }
0x459: {  	s3 =	simm.s32 $0x30;
	v12 =	vor.u32 s8, v2;
	v15 =	vor.u32 s4, v2;
	v10 =	vmax.f32 v5, v4  }
0x45a: {  	vm0 =	vgt.f32 v4, v5;
	v5 =	vor.u32 s3, v2;
	v14 =	vmax.f32 v10, v6  }
0x45b: {  	v4 =	vld [tilespmem:s2+$0xFFFFFFF0];
	v9 =	vsel vm0, v13, v9;
	vm0 =	vgt.f32 v6, v10;
	v10 =	vmax.f32 v14, v7  }
0x45c: {  	s30 =	simm.s32 $0x40;
	s31 =	simm.s32 $0x70;
	v6 =	vld [tilespmem:s2+$0x0];
	v13 =	vsel vm0, v15, v9;
	vm1 =	vgt.f32 v7, v14;
	v7 =	vmax.f32 v10, v8  }
0x45d: {  	s0 =	simm.s32 $0x60;
	s3 =	simm.s32 $0x80;
	vm0 =	vgt.f32 v11, v7;
	v9 =	vmax.f32 v7, v11;
	v7 =	vld [tilespmem:s2+$0x10];
	s2 =	simm.s32 $0xA0;
	v11 =	vsel vm1, v12, v13  }
.LBB2_80:
0x45e: {  	s4 =	sadd.s32 $0x20, s3;
	s5 =	sadd.s32 $0x30, s3  }
0x45f: {  	v12 =	vld [tilespmem:s2+$0xFFFFFFE0];
	vm1 =	vgt.f32 v8, v10;
	s6 =	smov.u32 s3;
	s7 =	sadd.s32 $0x40, s3;
	p0 =	sne.s32 s3, $0x7FC0  }
.Ltmp52:
0x460: {  	s3 =	sadd.s32 $0x10, s30;
	v13 =	vor.u32 s0, v2;
	v8 =	vsel vm1, v5, v11;
	v5 =	vor.u32 s31, v2;
	(pc) =	sbr.rel @p0 .LBB2_80-.Ltmp52, $4  }
0x461: {  	v10 =	vor.u32 s30, v2;
	v14 =	vor.u32 s3, v2;
	s0 =	smov.u32 s4;
	s31 =	smov.u32 s5;
	s30 =	smov.u32 s6;
	v11 =	vmax.f32 v9, v4  }
0x462: {  	v15 =	vsel vm0, v10, v8;
	vm0 =	vgt.f32 v4, v9;
	v4 =	vld [tilespmem:s2+$0xFFFFFFF0];
	v10 =	vmax.f32 v11, v6  }
0x463: {  	v14 =	vsel vm0, v14, v15;
	vm1 =	vgt.f32 v6, v11;
	v6 =	vld [tilespmem:s2+$0x0];
	v9 =	vmax.f32 v10, v7;
	v8 =	vmovc v7  }
0x464: {  	s3 =	smov.u32 s7;
	v11 =	vsel vm1, v13, v14;
	vm0 =	vgt.f32 v12, v9;
	v9 =	vmax.f32 v9, v12;
	v7 =	vld [tilespmem:s2+$0x10];
	s2 =	sadd.s32 $0x40, s2  }
0x465: {  	_ =	sdelay $0x1  }
0x466: {  	v12 =	vmax.f32 v9, v4  }
0x467: {  	v13 =	vmax.f32 v12, v6  }
0x468: {  	v14 =	vmax.f32 v13, v7  }
0x469: {  	(xrf0) =	vmax.scan.msk.f32 $0xffff, v14;
	_ =	sdelay $0x2  }
0x46a: {  	vm1 =	vgt.f32 v8, v10  }
0x46b: {  	s2 =	sadd.s32 $0x10, s30;
	v60 =	vor.u32 s0, v2;
	v61 =	vor.u32 s30, v2;
	v5 =	vsel vm1, v5, v11  }
0x46c: {  	v62 =	vor.u32 s2, v2;
	v5 =	vsel vm0, v61, v5;
	vm12 =	vgt.f32 v4, v9  }
0x46d: {  	v4 =	vor.u32 s31, v2;
	v5 =	vsel vm12, v62, v5;
	vm13 =	vgt.f32 v6, v12;
	v63, _, _ =	vpop (xrf0)  }
0x46e: {  	v5 =	vsel vm13, v60, v5;
	vm14 =	vgt.f32 v7, v13;
	v6 =	vbroadcast v63, $0xF  }
0x46f: {  	v4 =	vsel vm14, v4, v5  }
0x470: {  	v4 =	vxor.u32 $0x80000000, v4;
	vm15 =	veq.f32 v14, v6  }
0x471: {  	v4 =	vnsel vm15, $0xC0000000, v4  }
0x472: {  	(xrf0) =	vmin.scan.msk.u32 $0xffff, v4;
	_ =	sdelay $0x5  }
0x473: {  	v4, _, _ =	vpop (xrf0)  }
0x474: {  	(v2sf) =	vpush v4, $0xF;
	_ =	sdelay $0xe  }
0x475: {  	v4 =	vmov s29;
	s31 =	spop (v2sf)  }
0x476: {  	s29 =	sadd.s32 $0x1, s29;
	s0 =	sxor.u32 $0x80000000, s31  }
0x477: {  	p0 =	sne.s32 s29, $0x40;
	v5 =	vmov s0  }
.Ltmp53:
0x478: {  	_ = 	snop;
	(pc) =	sbr.rel @p0 .LBB2_79-.Ltmp53, $4  }
0x479: {  	_ = 	snop  }
0x47a: {  	[tilespmem:v4+s22+$0x0] =	vst.idx.msk $0x1, v6  }
0x47b: {  	[tilespmem:v4+s23+$0x0] =	vst.idx.msk $0x1, v5  }
0x47c: {  	[tilespmem:v5+s1+$0x0] =	vst.idx.msk $0x1, v3  }
.LBB2_82:
0x47d: {  	s28 =	simm.s32 $0x0  }
0x47e: {  	[hbm4b:s11+s28] =	stream.linear.scatter [tilespmem:s22], [sflag:$0x3], $0x80, $0x38;
	[tilespmem:$0x13200] =	vst v63  }
0x47f: {  	_ =	swait.ge [sflag:s24], $0x80  }
0x480: {  	[sflag:s24] =	ssyncset.done $0x0  }
0x481: {  	[sflag:s24] =	ssyncadd.s32 $0xFFFFFF80  }
0x482: {  	[hbm4b:s12+s28] =	stream.linear.scatter [tilespmem:s23], [sflag:$0x3], $0x80, $0x38;
	[tilespmem:$0x13200] =	vst v63  }
0x483: {  	_ =	swait.ge [sflag:s24], $0x80  }
0x484: {  	[sflag:s24] =	ssyncset.done $0x0  }
0x485: {  	[sflag:s24] =	ssyncadd.s32 $0xFFFFFF80  }
0x486: {  	_ =	swait.ge [sflag:s25], $0x8000  }
0x487: {  	[sflag:s25] =	ssyncset.done $0x0  }
0x488: {  	s0 =	simm.s32 $0x8040;
	[sflag:s25] =	ssyncadd.s32 $0xFFFF8000  }
0x489: {  	v6 =	vld [tilespmem:s0+$0xFFFFFFD0]  }
0x48a: {  	v7 =	vld [tilespmem:s0+$0xFFFFFFC0]  }
0x48b: {  	v8 =	vld [tilespmem:s0+$0xFFFFFFE0]  }
0x48c: {  	v9 =	vld [tilespmem:s0+$0xFFFFFFF0]  }
0x48d: {  	v10 =	vld [tilespmem:s0+$0x0]  }
0x48e: {  	v11 =	vld [tilespmem:s0+$0x10]  }
0x48f: {  	v12 =	vld [tilespmem:s0+$0x20]  }
0x490: {  	v5 =	vimm.f32 $-Inf;
	s3 =	simm.s32 $0x40;
	s2 =	simm.s32 $0x0;
	v4 =	vimm.f32 $-Inf;
	v13 =	vld [tilespmem:s0+$0x30]  }
.LBB2_83:
0x491: {  	p0 =	sne.s32 s3, $0xFC0;
	_ =	sdelay $0x2  }
0x492: {  	v6 =	vmax.f32 v7, v6  }
0x493: {  	v7 =	vmax.f32 v8, v9;
	v8 =	vmax.f32 v10, v11;
	v9 =	vmax.f32 v12, v13  }
0x494: {  	v6 =	vmax.f32 v6, v7;
	v7 =	vmax.f32 v8, v9  }
0x495: {  	s4 =	sshra.s32 s2, $0x2;
	s2 =	smov.u32 s3;
	v6 =	vmax.f32 v6, v7  }
0x496: {  	s0 =	sadd.s32 $0x80, s0;
	[tilespmem:s4+$0x12100] =	vst v6;
	v4 =	vmax.f32 v4, v6  }
0x497: {  	v6 =	vld [tilespmem:s0+$0xFFFFFFD0]  }
0x498: {  	v7 =	vld [tilespmem:s0+$0xFFFFFFC0]  }
0x499: {  	v8 =	vld [tilespmem:s0+$0xFFFFFFE0]  }
.Ltmp54:
0x49a: {  	v9 =	vld [tilespmem:s0+$0xFFFFFFF0];
	(pc) =	sbr.rel @p0 .LBB2_83-.Ltmp54, $4  }
0x49b: {  	v10 =	vld [tilespmem:s0+$0x0]  }
0x49c: {  	v11 =	vld [tilespmem:s0+$0x10]  }
0x49d: {  	v12 =	vld [tilespmem:s0+$0x20]  }
0x49e: {  	s3 =	sadd.s32 $0x40, s3;
	v13 =	vld [tilespmem:s0+$0x30]  }
0x49f: {  	_ =	sdelay $0x2  }
0x4a0: {  	v6 =	vmax.f32 v7, v6  }
0x4a1: {  	v7 =	vmax.f32 v8, v9;
	v8 =	vmax.f32 v10, v11;
	v9 =	vmax.f32 v12, v13  }
0x4a2: {  	v6 =	vmax.f32 v6, v7;
	v7 =	vmax.f32 v8, v9  }
0x4a3: {  	s0 =	sshra.s32 s2, $0x2;
	v13 =	vmax.f32 v6, v7  }
0x4a4: {  	[tilespmem:s0+$0x12100] =	vst v13;
	s0 =	simm.s32 $0xA070  }
0x4a5: {  	v6 =	vld [tilespmem:s0+$0xFFFFFFA0]  }
0x4a6: {  	v7 =	vld [tilespmem:s0+$0xFFFFFF90]  }
0x4a7: {  	v8 =	vld [tilespmem:s0+$0xFFFFFFB0]  }
0x4a8: {  	v9 =	vld [tilespmem:s0+$0xFFFFFFC0]  }
0x4a9: {  	v10 =	vld [tilespmem:s0+$0xFFFFFFD0]  }
0x4aa: {  	v11 =	vld [tilespmem:s0+$0xFFFFFFE0]  }
0x4ab: {  	v12 =	vld [tilespmem:s0+$0xFFFFFFF0]  }
0x4ac: {  	s2 =	simm.s32 $0x40;
	v4 =	vmax.f32 v4, v13;
	v13 =	vld [tilespmem:s0+$0x0]  }
.LBB2_85:
0x4ad: {  	p0 =	sne.s32 s2, $0xFC0;
	_ =	sdelay $0x2  }
0x4ae: {  	v6 =	vmax.f32 v7, v6  }
0x4af: {  	v7 =	vmax.f32 v8, v9;
	v8 =	vmax.f32 v10, v11;
	v9 =	vmax.f32 v12, v13  }
0x4b0: {  	v6 =	vmax.f32 v6, v7;
	v7 =	vmax.f32 v8, v9  }
0x4b1: {  	s3 =	sshra.s32 s28, $0x2;
	s28 =	smov.u32 s2;
	v6 =	vmax.f32 v6, v7  }
0x4b2: {  	s0 =	sadd.s32 $0x80, s0;
	[tilespmem:s3+$0x12500] =	vst v6;
	v5 =	vmax.f32 v5, v6  }
0x4b3: {  	v6 =	vld [tilespmem:s0+$0xFFFFFFA0]  }
0x4b4: {  	v7 =	vld [tilespmem:s0+$0xFFFFFF90]  }
0x4b5: {  	v8 =	vld [tilespmem:s0+$0xFFFFFFB0]  }
.Ltmp55:
0x4b6: {  	v9 =	vld [tilespmem:s0+$0xFFFFFFC0];
	(pc) =	sbr.rel @p0 .LBB2_85-.Ltmp55, $4  }
0x4b7: {  	v10 =	vld [tilespmem:s0+$0xFFFFFFD0]  }
0x4b8: {  	v11 =	vld [tilespmem:s0+$0xFFFFFFE0]  }
0x4b9: {  	v12 =	vld [tilespmem:s0+$0xFFFFFFF0]  }
0x4ba: {  	s2 =	sadd.s32 $0x40, s2;
	v13 =	vld [tilespmem:s0+$0x0]  }
0x4bb: {  	_ =	sdelay $0x2  }
0x4bc: {  	v6 =	vmax.f32 v7, v6  }
0x4bd: {  	v7 =	vmax.f32 v8, v9;
	v8 =	vmax.f32 v10, v11;
	v9 =	vmax.f32 v12, v13  }
0x4be: {  	v6 =	vmax.f32 v6, v7;
	v7 =	vmax.f32 v8, v9  }
0x4bf: {  	s0 =	sshra.s32 s28, $0x2;
	v7 =	vmax.f32 v6, v7  }
0x4c0: {  	s28 =	simm.s32 $0x0;
	[tilespmem:s0+$0x12500] =	vst v7  }
0x4c1: {  	v6 =	vld [tilespmem:s28+$0xC010]  }
0x4c2: {  	v8 =	vld [tilespmem:s28+$0xC000]  }
0x4c3: {  	v9 =	vld [tilespmem:s28+$0xC020]  }
0x4c4: {  	v10 =	vld [tilespmem:s28+$0xC030]  }
0x4c5: {  	v11 =	vld [tilespmem:s28+$0xC040]  }
0x4c6: {  	v12 =	vld [tilespmem:s28+$0xC050]  }
0x4c7: {  	v13 =	vld [tilespmem:s28+$0xC060]  }
0x4c8: {  	v14 =	vld [tilespmem:s28+$0xC070];
	_ =	sdelay $0x3  }
0x4c9: {  	v6 =	vmax.f32 v8, v6  }
0x4ca: {  	v8 =	vmax.f32 v9, v10;
	v9 =	vmax.f32 v11, v12;
	v10 =	vmax.f32 v13, v14  }
0x4cb: {  	v6 =	vmax.f32 v6, v8;
	v8 =	vmax.f32 v9, v10  }
0x4cc: {  	s29 =	simm.s32 $0x12900;
	v14 =	vmax.f32 v6, v8  }
0x4cd: {  	s2 =	simm.s32 $0x80;
	[tilespmem:s29+$0x0] =	vst v14  }
0x4ce: {  	v8 =	vld [tilespmem:s2+$0xC010]  }
0x4cf: {  	v9 =	vld [tilespmem:s2+$0xC000]  }
0x4d0: {  	v10 =	vld [tilespmem:s2+$0xC020]  }
0x4d1: {  	v11 =	vld [tilespmem:s2+$0xC030]  }
0x4d2: {  	v12 =	vld [tilespmem:s2+$0xC040]  }
0x4d3: {  	v6 =	vimm.f32 $-Inf;
	v13 =	vld [tilespmem:s2+$0xC050]  }
0x4d4: {  	v5 =	vmax.f32 v5, v7;
	s0 =	simm.s32 $0x400;
	v7 =	vmax.f32 v6, v14;
	v14 =	vld [tilespmem:s2+$0xC060]  }
.LBB2_87:
0x4d5: {  	p0 =	sne.s32 s0, $0x7E00;
	v15 =	vld [tilespmem:s2+$0xC070];
	_ =	sdelay $0x3  }
0x4d6: {  	v8 =	vmax.f32 v9, v8  }
0x4d7: {  	v9 =	vmax.f32 v10, v11;
	v10 =	vmax.f32 v12, v13;
	v11 =	vmax.f32 v14, v15  }
0x4d8: {  	v8 =	vmax.f32 v8, v9;
	v9 =	vmax.f32 v10, v11  }
0x4d9: {  	s29 =	sadd.s32 $0x10, s29;
	v8 =	vmax.f32 v8, v9  }
0x4da: {  	s2 =	sshra.s32 s0, $0x2;
	[tilespmem:s29+$0x0] =	vst v8;
	v7 =	vmax.f32 v7, v8  }
0x4db: {  	v8 =	vld [tilespmem:s2+$0xC010]  }
0x4dc: {  	v9 =	vld [tilespmem:s2+$0xC000]  }
.Ltmp56:
0x4dd: {  	v10 =	vld [tilespmem:s2+$0xC020];
	(pc) =	sbr.rel @p0 .LBB2_87-.Ltmp56, $4  }
0x4de: {  	v11 =	vld [tilespmem:s2+$0xC030]  }
0x4df: {  	v12 =	vld [tilespmem:s2+$0xC040]  }
0x4e0: {  	v13 =	vld [tilespmem:s2+$0xC050]  }
0x4e1: {  	s0 =	sadd.s32 $0x200, s0;
	v14 =	vld [tilespmem:s2+$0xC060]  }
0x4e2: {  	v15 =	vld [tilespmem:s2+$0xC070];
	_ =	sdelay $0x3  }
0x4e3: {  	v8 =	vmax.f32 v9, v8  }
0x4e4: {  	v9 =	vmax.f32 v10, v11;
	v10 =	vmax.f32 v12, v13;
	v11 =	vmax.f32 v14, v15  }
0x4e5: {  	v8 =	vmax.f32 v8, v9;
	v9 =	vmax.f32 v10, v11  }
0x4e6: {  	s0 =	sadd.s32 $0x10, s29;
	v14 =	vmax.f32 v8, v9  }
0x4e7: {  	[tilespmem:s0+$0x0] =	vst v14  }
0x4e8: {  	v8 =	vld [tilespmem:s28+$0xE010]  }
0x4e9: {  	v9 =	vld [tilespmem:s28+$0xE000]  }
0x4ea: {  	v10 =	vld [tilespmem:s28+$0xE020]  }
0x4eb: {  	v11 =	vld [tilespmem:s28+$0xE030]  }
0x4ec: {  	v12 =	vld [tilespmem:s28+$0xE040]  }
0x4ed: {  	v13 =	vld [tilespmem:s28+$0xE050]  }
0x4ee: {  	v15 =	vld [tilespmem:s28+$0xE060]  }
0x4ef: {  	v16 =	vld [tilespmem:s28+$0xE070];
	_ =	sdelay $0x3  }
0x4f0: {  	v8 =	vmax.f32 v9, v8  }
0x4f1: {  	v9 =	vmax.f32 v10, v11;
	v10 =	vmax.f32 v12, v13;
	v11 =	vmax.f32 v15, v16  }
0x4f2: {  	v8 =	vmax.f32 v8, v9;
	v9 =	vmax.f32 v10, v11  }
0x4f3: {  	s28 =	simm.s32 $0x12D00;
	v15 =	vmax.f32 v8, v9  }
0x4f4: {  	s2 =	simm.s32 $0x80;
	[tilespmem:s28+$0x0] =	vst v15  }
0x4f5: {  	v8 =	vld [tilespmem:s2+$0xE010]  }
0x4f6: {  	v9 =	vld [tilespmem:s2+$0xE000]  }
0x4f7: {  	v10 =	vld [tilespmem:s2+$0xE020]  }
0x4f8: {  	v11 =	vld [tilespmem:s2+$0xE030]  }
0x4f9: {  	v12 =	vld [tilespmem:s2+$0xE040]  }
0x4fa: {  	v13 =	vld [tilespmem:s2+$0xE050]  }
0x4fb: {  	v7 =	vmax.f32 v7, v14;
	s0 =	simm.s32 $0x400;
	v6 =	vmax.f32 v6, v15;
	v14 =	vld [tilespmem:s2+$0xE060]  }
.LBB2_89:
0x4fc: {  	p0 =	sne.s32 s0, $0x7E00;
	v15 =	vld [tilespmem:s2+$0xE070];
	_ =	sdelay $0x3  }
0x4fd: {  	v8 =	vmax.f32 v9, v8  }
0x4fe: {  	v9 =	vmax.f32 v10, v11;
	v10 =	vmax.f32 v12, v13;
	v11 =	vmax.f32 v14, v15  }
0x4ff: {  	v8 =	vmax.f32 v8, v9;
	v9 =	vmax.f32 v10, v11  }
0x500: {  	s28 =	sadd.s32 $0x10, s28;
	v8 =	vmax.f32 v8, v9  }
0x501: {  	s2 =	sshra.s32 s0, $0x2;
	[tilespmem:s28+$0x0] =	vst v8;
	v6 =	vmax.f32 v6, v8  }
0x502: {  	v8 =	vld [tilespmem:s2+$0xE010]  }
0x503: {  	v9 =	vld [tilespmem:s2+$0xE000]  }
.Ltmp57:
0x504: {  	v10 =	vld [tilespmem:s2+$0xE020];
	(pc) =	sbr.rel @p0 .LBB2_89-.Ltmp57, $4  }
0x505: {  	v11 =	vld [tilespmem:s2+$0xE030]  }
0x506: {  	v12 =	vld [tilespmem:s2+$0xE040]  }
0x507: {  	v13 =	vld [tilespmem:s2+$0xE050]  }
0x508: {  	s0 =	sadd.s32 $0x200, s0;
	v14 =	vld [tilespmem:s2+$0xE060]  }
0x509: {  	v15 =	vld [tilespmem:s2+$0xE070];
	_ =	sdelay $0x3  }
0x50a: {  	v8 =	vmax.f32 v9, v8  }
0x50b: {  	v60 =	vmax.f32 v10, v11;
	v61 =	vmax.f32 v12, v13;
	v62 =	vmax.f32 v14, v15  }
0x50c: {  	v8 =	vmax.f32 v8, v60;
	v63 =	vmax.f32 v61, v62  }
0x50d: {  	v8 =	vmax.f32 v8, v63  }
0x50e: {  	v6 =	vmax.f32 v6, v8  }
0x50f: {  	v4 =	vmin.f32 v4, v5;
	v5 =	vmin.f32 v7, v6  }
0x510: {  	v4 =	vmin.f32 v4, v5  }
0x511: {  	(xrf0) =	vmin.scan.msk.f32 $0xffff, v4;
	_ =	sdelay $0x2  }
.Ltmp58:
0x512: {  	_ = 	snop;
	(pc) =	sbr.rel .LBB2_91-.Ltmp58, $3  }
0x513: {  	_ =	sdelay $0x1  }
0x514: {  	s0 =	sadd.s32 $0x10, s28;
	v4, _, _ =	vpop (xrf0)  }
0x515: {  	s28 =	simm.s32 $0x70;
	s29 =	simm.s32 $0x12100;
	s30 =	simm.s32 $0x8040;
	[tilespmem:s0+$0x0] =	vst v8;
	v5 =	vimm.s32 $0x0;
	v4 =	vbroadcast v4, $0xF  }
.LBB2_93:
0x516: {  	s28 =	sadd.s32 $0x80, s28  }
0x517: {  	p0 =	sne.s32 s28, $0x8070  }
.Ltmp59:
0x518: {  	_ = 	snop;
	(pc) =	sbr.rel @!p0 .LBB2_94-.Ltmp59, $2  }
0x519: {  	_ =	sdelay $0x2  }
0x51a: {  	s29 =	sadd.s32 $0x10, s29;
	s30 =	sadd.s32 $0x80, s30  }
.LBB2_91:
0x51b: {  	v6 =	vld [tilespmem:s29+$0x0];
	_ =	sdelay $0x4  }
0x51c: {  	vm0 =	vge.f32 v6, v4  }
0x51d: {  	v6 =	vsel vm0, $0x3F800000, v0  }
0x51e: {  	(xrf0) =	vmax.scan.msk.f32 $0xffff, v6;
	_ =	sdelay $0x5  }
0x51f: {  	v6, _, _ =	vpop (xrf0)  }
0x520: {  	(v2sf) =	vpush v6, $0xF;
	_ =	sdelay $0xe  }
0x521: {  	s0 =	spop (v2sf)  }
0x522: {  	p0 =	sgt.f32 s0, $0.0e+00  }
.Ltmp60:
0x523: {  	_ = 	snop;
	(pc) =	sbr.rel @!p0 .LBB2_93-.Ltmp60, $1  }
0x524: {  	_ =	sdelay $0x3  }
0x525: {  	v6 =	vld [tilespmem:s30+$0xFFFFFFC0];
	_ =	sdelay $0x4  }
0x526: {  	vm0 =	vge.f32 v6, v4  }
0x527: {  	v7 =	vsel vm0, $0x1, v1  }
0x528: {  	(xrf0) =	vadd.scan.msk.s32 $0xffff, v7;
	_ =	sdelay $0x5  }
0x529: {  	v7, _, _ =	vpop (xrf0)  }
0x52a: {  	v7 =	vadd.s32 v7, v5  }
0x52b: {  	v7 =	vadd.s32 $0xFFFFFFFF, v7  }
0x52c: {  	vm1 =	vlt.s32 v7, $0x1010  }
0x52d: {  	vm1 =	vmand vm0, vm1;
	_ =	sdelay $0x4  }
0x52e: {  	s0 =	sadd.s32 $0xFFFFFF90, s28  }
0x52f: {  	[tilespmem:v7+s20+$0x0] =	vst.idx.msk vm1, v6;
	v6 =	vor.u32 s0, v2  }
0x530: {  	[tilespmem:v7+s21+$0x0] =	vst.idx.msk vm1, v6  }
0x531: {  	v6 =	vld [tilespmem:s30+$0xFFFFFFD0];
	_ =	sdelay $0x4  }
0x532: {  	vm14 =	vge.f32 v6, v4  }
0x533: {  	v7 =	vsel vm14, $0x1, v1  }
0x534: {  	(xrf0) =	vadd.scan.msk.s32 $0xffff, v7;
	_ =	sdelay $0x1  }
0x535: {  	v7 =	vmpcnt.ones.xlane vm0;
	_ =	sdelay $0x3  }
0x536: {  	v5 =	vadd.s32 v5, v7;
	v7, _, _ =	vpop (xrf0)  }
0x537: {  	v7 =	vadd.s32 v7, v5  }
0x538: {  	v7 =	vadd.s32 $0xFFFFFFFF, v7  }
0x539: {  	vm15 =	vlt.s32 v7, $0x1010  }
0x53a: {  	vm0 =	vmand vm14, vm15;
	_ =	sdelay $0x4  }
0x53b: {  	s4 =	sadd.s32 $0xFFFFFFA0, s28  }
0x53c: {  	[tilespmem:v7+s20+$0x0] =	vst.idx.msk vm0, v6;
	v6 =	vor.u32 s4, v2  }
0x53d: {  	[tilespmem:v7+s21+$0x0] =	vst.idx.msk vm0, v6  }
0x53e: {  	v6 =	vld [tilespmem:s30+$0xFFFFFFE0];
	_ =	sdelay $0x4  }
0x53f: {  	vm4 =	vge.f32 v6, v4  }
0x540: {  	v7 =	vsel vm4, $0x1, v1  }
0x541: {  	(xrf0) =	vadd.scan.msk.s32 $0xffff, v7;
	_ =	sdelay $0x1  }
0x542: {  	v7 =	vmpcnt.ones.xlane vm14;
	_ =	sdelay $0x3  }
0x543: {  	v5 =	vadd.s32 v5, v7;
	v7, _, _ =	vpop (xrf0)  }
0x544: {  	v7 =	vadd.s32 v7, v5  }
0x545: {  	v7 =	vadd.s32 $0xFFFFFFFF, v7  }
0x546: {  	vm5 =	vlt.s32 v7, $0x1010  }
0x547: {  	vm1 =	vmand vm4, vm5;
	_ =	sdelay $0x4  }
0x548: {  	s5 =	sadd.s32 $0xFFFFFFB0, s28  }
0x549: {  	[tilespmem:v7+s20+$0x0] =	vst.idx.msk vm1, v6;
	v6 =	vor.u32 s5, v2  }
0x54a: {  	[tilespmem:v7+s21+$0x0] =	vst.idx.msk vm1, v6  }
0x54b: {  	v6 =	vld [tilespmem:s30+$0xFFFFFFF0];
	_ =	sdelay $0x4  }
0x54c: {  	vm6 =	vge.f32 v6, v4  }
0x54d: {  	v7 =	vsel vm6, $0x1, v1  }
0x54e: {  	(xrf0) =	vadd.scan.msk.s32 $0xffff, v7;
	_ =	sdelay $0x1  }
0x54f: {  	v7 =	vmpcnt.ones.xlane vm4;
	_ =	sdelay $0x3  }
0x550: {  	v5 =	vadd.s32 v5, v7;
	v7, _, _ =	vpop (xrf0)  }
0x551: {  	v7 =	vadd.s32 v7, v5  }
0x552: {  	v7 =	vadd.s32 $0xFFFFFFFF, v7  }
0x553: {  	vm7 =	vlt.s32 v7, $0x1010  }
0x554: {  	vm0 =	vmand vm6, vm7;
	_ =	sdelay $0x4  }
0x555: {  	s6 =	sadd.s32 $0xFFFFFFC0, s28  }
0x556: {  	[tilespmem:v7+s20+$0x0] =	vst.idx.msk vm0, v6;
	v6 =	vor.u32 s6, v2  }
0x557: {  	[tilespmem:v7+s21+$0x0] =	vst.idx.msk vm0, v6  }
0x558: {  	v6 =	vld [tilespmem:s30+$0x0];
	_ =	sdelay $0x4  }
0x559: {  	vm8 =	vge.f32 v6, v4  }
0x55a: {  	v7 =	vsel vm8, $0x1, v1  }
0x55b: {  	(xrf0) =	vadd.scan.msk.s32 $0xffff, v7;
	_ =	sdelay $0x1  }
0x55c: {  	v7 =	vmpcnt.ones.xlane vm6;
	_ =	sdelay $0x3  }
0x55d: {  	v5 =	vadd.s32 v5, v7;
	v7, _, _ =	vpop (xrf0)  }
0x55e: {  	v7 =	vadd.s32 v7, v5  }
0x55f: {  	v7 =	vadd.s32 $0xFFFFFFFF, v7  }
0x560: {  	vm9 =	vlt.s32 v7, $0x1010  }
0x561: {  	vm1 =	vmand vm8, vm9;
	_ =	sdelay $0x4  }
0x562: {  	s7 =	sadd.s32 $0xFFFFFFD0, s28  }
0x563: {  	[tilespmem:v7+s20+$0x0] =	vst.idx.msk vm1, v6;
	v6 =	vor.u32 s7, v2  }
0x564: {  	[tilespmem:v7+s21+$0x0] =	vst.idx.msk vm1, v6  }
0x565: {  	v6 =	vld [tilespmem:s30+$0x10];
	_ =	sdelay $0x4  }
0x566: {  	vm10 =	vge.f32 v6, v4  }
0x567: {  	v7 =	vsel vm10, $0x1, v1  }
0x568: {  	(xrf0) =	vadd.scan.msk.s32 $0xffff, v7;
	_ =	sdelay $0x1  }
0x569: {  	v7 =	vmpcnt.ones.xlane vm8;
	_ =	sdelay $0x3  }
0x56a: {  	v5 =	vadd.s32 v5, v7;
	v7, _, _ =	vpop (xrf0)  }
0x56b: {  	v7 =	vadd.s32 v7, v5  }
0x56c: {  	v7 =	vadd.s32 $0xFFFFFFFF, v7  }
0x56d: {  	vm11 =	vlt.s32 v7, $0x1010  }
0x56e: {  	vm0 =	vmand vm10, vm11;
	_ =	sdelay $0x4  }
0x56f: {  	s8 =	sadd.s32 $0xFFFFFFE0, s28  }
0x570: {  	[tilespmem:v7+s20+$0x0] =	vst.idx.msk vm0, v6;
	v6 =	vor.u32 s8, v2  }
0x571: {  	[tilespmem:v7+s21+$0x0] =	vst.idx.msk vm0, v6  }
0x572: {  	v6 =	vld [tilespmem:s30+$0x20];
	_ =	sdelay $0x4  }
0x573: {  	vm12 =	vge.f32 v6, v4  }
0x574: {  	v7 =	vsel vm12, $0x1, v1  }
0x575: {  	(xrf0) =	vadd.scan.msk.s32 $0xffff, v7;
	_ =	sdelay $0x1  }
0x576: {  	v7 =	vmpcnt.ones.xlane vm10;
	_ =	sdelay $0x3  }
0x577: {  	v5 =	vadd.s32 v5, v7;
	v7, _, _ =	vpop (xrf0)  }
0x578: {  	v7 =	vadd.s32 v7, v5  }
0x579: {  	v7 =	vadd.s32 $0xFFFFFFFF, v7  }
0x57a: {  	vm13 =	vlt.s32 v7, $0x1010  }
0x57b: {  	vm1 =	vmand vm12, vm13;
	_ =	sdelay $0x4  }
0x57c: {  	s31 =	sadd.s32 $0xFFFFFFF0, s28  }
0x57d: {  	[tilespmem:v7+s20+$0x0] =	vst.idx.msk vm1, v6;
	v6 =	vor.u32 s31, v2  }
0x57e: {  	[tilespmem:v7+s21+$0x0] =	vst.idx.msk vm1, v6  }
0x57f: {  	v6 =	vld [tilespmem:s30+$0x30];
	_ =	sdelay $0x4  }
0x580: {  	vm14 =	vge.f32 v6, v4  }
0x581: {  	v7 =	vsel vm14, $0x1, v1  }
0x582: {  	(xrf0) =	vadd.scan.msk.s32 $0xffff, v7;
	_ =	sdelay $0x1  }
0x583: {  	v7 =	vmpcnt.ones.xlane vm12;
	_ =	sdelay $0x3  }
0x584: {  	v5 =	vadd.s32 v5, v7;
	v7, _, _ =	vpop (xrf0)  }
0x585: {  	v7 =	vadd.s32 v7, v5  }
0x586: {  	v7 =	vadd.s32 $0xFFFFFFFF, v7  }
0x587: {  	vm15 =	vlt.s32 v7, $0x1010  }
0x588: {  	vm0 =	vmand vm14, vm15;
	_ =	sdelay $0x2  }
.Ltmp61:
0x589: {  	_ = 	snop;
	(pc) =	sbr.rel .LBB2_93-.Ltmp61, $4  }
0x58a: {  	_ = 	snop  }
0x58b: {  	v8 =	vmpcnt.ones.xlane vm14  }
0x58c: {  	[tilespmem:v7+s20+$0x0] =	vst.idx.msk vm0, v6;
	v6 =	vor.u32 s28, v2  }
0x58d: {  	v5 =	vadd.s32 v5, v8;
	[tilespmem:v7+s21+$0x0] =	vst.idx.msk vm0, v6  }
.LBB2_70:
0x58e: {  	v4 =	vimm.s32 $0x80000000  }
.LBB2_78:
0x58f: {  	(xrf0) =	vmax.scan.msk.f32 $0xffff, v5;
	_ =	sdelay $0x5  }
0x590: {  	v6, _, _ =	vpop (xrf0)  }
0x591: {  	v6 =	vbroadcast v6, $0xF;
	_ =	sdelay $0x1  }
0x592: {  	vm0 =	veq.f32 v5, v6  }
0x593: {  	v4 =	vnsel vm0, $0xC0000000, v4  }
0x594: {  	(xrf0) =	vmin.scan.msk.u32 $0xffff, v4;
	_ =	sdelay $0x5  }
0x595: {  	v4, _, _ =	vpop (xrf0)  }
0x596: {  	(v2sf) =	vpush v4, $0xF;
	_ =	sdelay $0xe  }
0x597: {  	s0 =	spop (v2sf)  }
0x598: {  	v4 =	vmov s30;
	s0 =	sxor.u32 $0x80000000, s0  }
0x599: {  	v5 =	vmov s0;
	_ =	sdelay $0x3  }
0x59a: {  	[tilespmem:v4+s22+$0x0] =	vst.idx.msk $0x1, v6  }
0x59b: {  	s30 =	sadd.s32 $0x1, s30;
	v6 =	vld.idx.msk [tilespmem:v5+s21+$0x0], $0xffff  }
0x59c: {  	p1 =	seq.s32 s30, $0x40  }
.Ltmp62:
0x59d: {  	_ = 	snop;
	(pc) =	sbr.rel @p1 .LBB2_82-.Ltmp62, $3  }
0x59e: {  	_ =	sdelay $0x1  }
0x59f: {  	[tilespmem:v4+s23+$0x0] =	vst.idx.msk $0x1, v6  }
0x5a0: {  	[tilespmem:v5+s20+$0x0] =	vst.idx.msk $0x1, v3  }
.LBB2_69:
.Ltmp63:
0x5a1: {  	(pc) =	sbr.rel @p0 .LBB2_70-.Ltmp63, $2  }
0x5a2: {  	_ =	sdelay $0x2  }
0x5a3: {  	v5 =	vimm.f32 $-Inf  }
0x5a4: {  	s4 =	simm.s32 $0x10020  }
0x5a5: {  	p2 =	sne.s32 s28, $0x1;
	v6 =	vld [tilespmem:s4+$0xFFFFFFE0]  }
.Ltmp64:
0x5a6: {  	v7 =	vld [tilespmem:s4+$0x10];
	(pc) =	sbr.rel @!p2 .LBB2_72-.Ltmp64, $3  }
0x5a7: {  	_ =	sdelay $0x1  }
0x5a8: {  	s0 =	simm.s32 $0x20;
	s3 =	simm.s32 $0x30;
	s2 =	sadd.s32 $0xFFFFFFFF, s28;
	v13 =	vld [tilespmem:s4+$0xFFFFFFF0]  }
0x5a9: {  	v4 =	vimm.s32 $0x0;
	s31 =	simm.s32 $0x40;
	p1 =	por $0x0, $0x0;
	v12 =	vld [tilespmem:s4+$0x0];
	s4 =	simm.s32 $0x10060;
	vm0 =	vgt.f32 v6, v5;
	v5 =	vmax.f32 v5, v6  }
0x5aa: {  	_ = 	snop  }
0x5ab: {  	v11 =	vld [tilespmem:s4+$0xFFFFFFE0];
	p2 =	sne.s32 s2, $0x1  }
.Ltmp65:
0x5ac: {  	s5 =	simm.s32 $0x10;
	v14 =	vor.u32 s0, v2;
	v6 =	vor.u32 s3, v2;
	(pc) =	sbr.rel @!p2 .LBB2_74-.Ltmp65, $4  }
0x5ad: {  	v9 =	vor.u32 s29, v2;
	v16 =	vor.u32 s5, v2;
	v15 =	vmax.f32 v5, v13  }
0x5ae: {  	v8 =	vld [tilespmem:s4+$0xFFFFFFF0];
	v17 =	vsel vm0, v9, v4;
	vm0 =	vgt.f32 v13, v5;
	v10 =	vmax.f32 v15, v12  }
0x5af: {  	s0 =	simm.s32 $0x60;
	s3 =	simm.s32 $0x70;
	s2 =	sadd.s32 $0xFFFFFFFF, s2;
	v9 =	vld [tilespmem:s4+$0x0];
	v13 =	vsel vm0, v16, v17;
	vm1 =	vgt.f32 v12, v15;
	v5 =	vmax.f32 v10, v7  }
0x5b0: {  	p1 =	por $0x1, $0x1;
	s5 =	simm.s32 $0x100A0;
	v14 =	vsel vm1, v14, v13;
	vm0 =	vgt.f32 v11, v5;
	v5 =	vmax.f32 v5, v11;
	v11 =	vld [tilespmem:s4+$0x10];
	s4 =	simm.s32 $0x80  }
.LBB2_75:
0x5b1: {  	v12 =	vld [tilespmem:s5+$0xFFFFFFE0];
	s6 =	sadd.s32 $0x20, s4;
	s7 =	sadd.s32 $0x30, s4;
	p2 =	sne.s32 s2, $0x1;
	vm1 =	vgt.f32 v7, v10  }
.Ltmp66:
0x5b2: {  	s2 =	sadd.s32 $0xFFFFFFFF, s2;
	s8 =	sadd.s32 $0x10, s31;
	v13 =	vor.u32 s0, v2;
	v7 =	vsel vm1, v6, v14;
	v6 =	vor.u32 s3, v2;
	(pc) =	sbr.rel @p2 .LBB2_75-.Ltmp66, $4  }
0x5b3: {  	v10 =	vor.u32 s31, v2;
	s31 =	smov.u32 s4;
	v15 =	vor.u32 s8, v2;
	s0 =	smov.u32 s6;
	s3 =	smov.u32 s7;
	v14 =	vmax.f32 v5, v8  }
0x5b4: {  	v16 =	vsel vm0, v10, v7;
	vm0 =	vgt.f32 v8, v5;
	v8 =	vld [tilespmem:s5+$0xFFFFFFF0];
	v10 =	vmax.f32 v14, v9  }
0x5b5: {  	v15 =	vsel vm0, v15, v16;
	vm1 =	vgt.f32 v9, v14;
	v9 =	vld [tilespmem:s5+$0x0];
	v5 =	vmax.f32 v10, v11;
	v7 =	vmovc v11  }
0x5b6: {  	s4 =	sadd.s32 $0x40, s4;
	v14 =	vsel vm1, v13, v15;
	vm0 =	vgt.f32 v12, v5;
	v5 =	vmax.f32 v5, v12;
	v11 =	vld [tilespmem:s5+$0x10];
	s5 =	sadd.s32 $0x40, s5  }
0x5b7: {  	_ =	sdelay $0x3  }
0x5b8: {  	v15 =	vmovc v7;
	v13 =	vmov v8;
	v12 =	vmov v9;
	v7 =	vmov v11  }
.LBB2_77:
0x5b9: {  	vm1 =	vgt.f32 @p1 v15, v10  }
0x5ba: {  	v8 =	vor.u32 s0, v2;
	v6 =	vsel @p1 vm1, v6, v14  }
0x5bb: {  	s8 =	sadd.s32 $0x10, s31;
	v9 =	vor.u32 s31, v2;
	v63 =	vmax.f32 v5, v13;
	v4 =	vpsel p1, v6, v4  }
.Ltmp67:
0x5bc: {  	vm13 =	vgt.f32 v13, v5;
	v6 =	vor.u32 s8, v2;
	v4 =	vsel vm0, v9, v4;
	(pc) =	sbr.rel .LBB2_78-.Ltmp67, $4  }
0x5bd: {  	v5 =	vmax.f32 v63, v12;
	vm14 =	vgt.f32 v12, v63;
	v4 =	vsel vm13, v6, v4  }
0x5be: {  	vm15 =	vgt.f32 v7, v5;
	v6 =	vor.u32 s3, v2;
	v4 =	vsel vm14, v8, v4  }
0x5bf: {  	v4 =	vsel vm15, v6, v4  }
0x5c0: {  	v5 =	vmax.f32 v5, v7;
	v4 =	vxor.u32 $0x80000000, v4  }
.LBB2_72:
.Ltmp68:
0x5c1: {  	(pc) =	sbr.rel .LBB2_77-.Ltmp68, $2  }
0x5c2: {  	_ =	sdelay $0x2  }
0x5c3: {  	s31 =	simm.s32 $0x0  }
.LBB2_74:
.Ltmp69:
0x5c4: {  	_ = 	snop;
	(pc) =	sbr.rel .LBB2_77-.Ltmp69, $2  }
0x5c5: {  	_ =	sdelay $0x2  }
0x5c6: {  	v15 =	vmovc v7;
	s0 =	simm.s32 $0x60;
	s3 =	simm.s32 $0x70;
	v13 =	vmov v8;
	v12 =	vmov v9;
	v7 =	vmov v11  }
.LBB2_94:
0x5c7: {  	v4 =	vxor.u32 $0x80000000, v5  }
0x5c8: {  	(xrf0) =	vmax.scan.msk.u32 $0xffff, v4;
	_ =	sdelay $0x5  }
0x5c9: {  	v4, _, _ =	vpop (xrf0)  }
0x5ca: {  	(v2sf) =	vpush v4, $0xF;
	_ =	sdelay $0xe  }
0x5cb: {  	s0 =	spop (v2sf)  }
0x5cc: {  	s2 =	sxor.u32 $0x80000000, s0  }
0x5cd: {  	p0 =	slt.s32 s2, $0x1000;
	p1 =	sgt.s32 s2, $0x1000  }
.Ltmp70:
0x5ce: {  	s2 =	simm.s32 @!p0 $0x1000;
	(pc) =	sbr.rel @p1 .LBB2_106-.Ltmp70, $4  }
0x5cf: {  	[tilespmem:s2+$0x10000] =	vst v3  }
0x5d0: {  	[tilespmem:s2+$0x10010] =	vst v3  }
0x5d1: {  	[tilespmem:s2+$0x10020] =	vst v3  }
0x5d2: {  	s28 =	simm.s32 $0x0;
	s29 =	simm.s32 $0x0;
	[tilespmem:s2+$0x10030] =	vst v3  }
0x5d3: {  	s0 =	sadd.s32 $0x8000003F, s0  }
0x5d4: {  	s2 =	sand.u32 $0x3F, s0  }
0x5d5: {  	s3 =	sshra.s32 s0, $0x1F;
	p0 =	slt.s32 s0, $0x1;
	p1 =	sne.s32 s2, $0x0  }
.Ltmp71:
0x5d6: {  	s31 =	sshrl.u32 s3, $0x1A;
	p0 =	por !p0, !p1;
	(pc) =	sbr.rel .LBB2_96-.Ltmp71, $4  }
0x5d7: {  	s2 =	simm.s32 $0x1;
	s0 =	sadd.s32 s31, s0;
	p0 =	por !p0, !p0  }
0x5d8: {  	s0 =	sshra.s32 s0, $0x6;
	s2 =	simm.s32 @!p0 $0x0  }
0x5d9: {  	s28 =	ssub.s32 s0, s2  }
0x5da: {  	s29 =	simm.s32 $0x0;
	s30 =	simm.s32 $0x0;
	p0 =	slt.s32 s28, $0x1  }
.LBB2_106:
0x5db: {  	s0 =	simm.s32 $0x8020  }
0x5dc: {  	v4 =	vld [tilespmem:s0+$0xFFFFFFE0]  }
0x5dd: {  	v6 =	vld [tilespmem:s0+$0xFFFFFFF0]  }
0x5de: {  	v7 =	vld [tilespmem:s0+$0x0]  }
0x5df: {  	s2 =	simm.s32 $0x8060;
	v8 =	vld [tilespmem:s0+$0x10]  }
0x5e0: {  	v5 =	vimm.f32 $-Inf;
	v9 =	vimm.s32 $0x0;
	s8 =	simm.s32 $0x20;
	s4 =	simm.s32 $0x10;
	v13 =	vor.u32 s28, v2;
	v11 =	vld [tilespmem:s2+$0xFFFFFFE0]  }
0x5e1: {  	s3 =	simm.s32 $0x30;
	v12 =	vor.u32 s8, v2;
	v15 =	vor.u32 s4, v2;
	v10 =	vmax.f32 v5, v4  }
0x5e2: {  	vm0 =	vgt.f32 v4, v5;
	v5 =	vor.u32 s3, v2;
	v14 =	vmax.f32 v10, v6  }
0x5e3: {  	v4 =	vld [tilespmem:s2+$0xFFFFFFF0];
	v9 =	vsel vm0, v13, v9;
	vm0 =	vgt.f32 v6, v10;
	v10 =	vmax.f32 v14, v7  }
0x5e4: {  	s30 =	simm.s32 $0x40;
	s31 =	simm.s32 $0x70;
	v6 =	vld [tilespmem:s2+$0x0];
	v13 =	vsel vm0, v15, v9;
	vm1 =	vgt.f32 v7, v14;
	v7 =	vmax.f32 v10, v8  }
0x5e5: {  	s0 =	simm.s32 $0x60;
	s3 =	simm.s32 $0x80;
	vm0 =	vgt.f32 v11, v7;
	v9 =	vmax.f32 v7, v11;
	v7 =	vld [tilespmem:s2+$0x10];
	s2 =	simm.s32 $0x80A0;
	v11 =	vsel vm1, v12, v13  }
.LBB2_107:
0x5e6: {  	s4 =	sadd.s32 $0x20, s3;
	s5 =	sadd.s32 $0x30, s3  }
0x5e7: {  	v12 =	vld [tilespmem:s2+$0xFFFFFFE0];
	vm1 =	vgt.f32 v8, v10;
	s6 =	smov.u32 s3;
	s7 =	sadd.s32 $0x40, s3;
	p0 =	sne.s32 s3, $0x7FC0  }
.Ltmp72:
0x5e8: {  	s3 =	sadd.s32 $0x10, s30;
	v13 =	vor.u32 s0, v2;
	v8 =	vsel vm1, v5, v11;
	v5 =	vor.u32 s31, v2;
	(pc) =	sbr.rel @p0 .LBB2_107-.Ltmp72, $4  }
0x5e9: {  	v10 =	vor.u32 s30, v2;
	v14 =	vor.u32 s3, v2;
	s0 =	smov.u32 s4;
	s31 =	smov.u32 s5;
	s30 =	smov.u32 s6;
	v11 =	vmax.f32 v9, v4  }
0x5ea: {  	v15 =	vsel vm0, v10, v8;
	vm0 =	vgt.f32 v4, v9;
	v4 =	vld [tilespmem:s2+$0xFFFFFFF0];
	v10 =	vmax.f32 v11, v6  }
0x5eb: {  	v14 =	vsel vm0, v14, v15;
	vm1 =	vgt.f32 v6, v11;
	v6 =	vld [tilespmem:s2+$0x0];
	v9 =	vmax.f32 v10, v7;
	v8 =	vmovc v7  }
0x5ec: {  	s3 =	smov.u32 s7;
	v11 =	vsel vm1, v13, v14;
	vm0 =	vgt.f32 v12, v9;
	v9 =	vmax.f32 v9, v12;
	v7 =	vld [tilespmem:s2+$0x10];
	s2 =	sadd.s32 $0x40, s2  }
0x5ed: {  	_ =	sdelay $0x1  }
0x5ee: {  	v12 =	vmax.f32 v9, v4  }
0x5ef: {  	v13 =	vmax.f32 v12, v6  }
0x5f0: {  	v14 =	vmax.f32 v13, v7  }
0x5f1: {  	(xrf0) =	vmax.scan.msk.f32 $0xffff, v14;
	_ =	sdelay $0x2  }
0x5f2: {  	vm1 =	vgt.f32 v8, v10  }
0x5f3: {  	s2 =	sadd.s32 $0x10, s30;
	v60 =	vor.u32 s0, v2;
	v61 =	vor.u32 s30, v2;
	v5 =	vsel vm1, v5, v11  }
0x5f4: {  	v62 =	vor.u32 s2, v2;
	v5 =	vsel vm0, v61, v5;
	vm12 =	vgt.f32 v4, v9  }
0x5f5: {  	v4 =	vor.u32 s31, v2;
	v5 =	vsel vm12, v62, v5;
	vm13 =	vgt.f32 v6, v12;
	v63, _, _ =	vpop (xrf0)  }
0x5f6: {  	v5 =	vsel vm13, v60, v5;
	vm14 =	vgt.f32 v7, v13;
	v6 =	vbroadcast v63, $0xF  }
0x5f7: {  	v4 =	vsel vm14, v4, v5  }
0x5f8: {  	v4 =	vxor.u32 $0x80000000, v4;
	vm15 =	veq.f32 v14, v6  }
0x5f9: {  	v4 =	vnsel vm15, $0xC0000000, v4  }
0x5fa: {  	(xrf0) =	vmin.scan.msk.u32 $0xffff, v4;
	_ =	sdelay $0x5  }
0x5fb: {  	v4, _, _ =	vpop (xrf0)  }
0x5fc: {  	(v2sf) =	vpush v4, $0xF;
	_ =	sdelay $0xe  }
0x5fd: {  	v4 =	vmov s29;
	s31 =	spop (v2sf)  }
0x5fe: {  	s29 =	sadd.s32 $0x1, s29;
	s0 =	sxor.u32 $0x80000000, s31  }
0x5ff: {  	p0 =	sne.s32 s29, $0x40;
	v5 =	vmov s0  }
.Ltmp73:
0x600: {  	_ = 	snop;
	(pc) =	sbr.rel @p0 .LBB2_106-.Ltmp73, $4  }
.Ltmp74:
0x601: {  	_ = 	snop;
	(pc) =	sbr.rel @!p0 .LBB2_109-.Ltmp74, $4  }
0x602: {  	[tilespmem:v4+s22+$0x0] =	vst.idx.msk $0x1, v6  }
0x603: {  	[tilespmem:v4+s23+$0x0] =	vst.idx.msk $0x1, v5  }
0x604: {  	[tilespmem:v5+s18+$0x0] =	vst.idx.msk $0x1, v3  }
0x605: {  	_ = 	snop  }
.LBB2_97:
0x606: {  	v4 =	vimm.s32 $0x80000000  }
.LBB2_105:
0x607: {  	(xrf0) =	vmax.scan.msk.f32 $0xffff, v5;
	_ =	sdelay $0x5  }
0x608: {  	v6, _, _ =	vpop (xrf0)  }
0x609: {  	v6 =	vbroadcast v6, $0xF;
	_ =	sdelay $0x1  }
0x60a: {  	vm0 =	veq.f32 v5, v6  }
0x60b: {  	v4 =	vnsel vm0, $0xC0000000, v4  }
0x60c: {  	(xrf0) =	vmin.scan.msk.u32 $0xffff, v4;
	_ =	sdelay $0x5  }
0x60d: {  	v4, _, _ =	vpop (xrf0)  }
0x60e: {  	(v2sf) =	vpush v4, $0xF;
	_ =	sdelay $0xe  }
0x60f: {  	s0 =	spop (v2sf)  }
0x610: {  	v4 =	vmov s30;
	s0 =	sxor.u32 $0x80000000, s0  }
0x611: {  	v5 =	vmov s0;
	_ =	sdelay $0x3  }
0x612: {  	[tilespmem:v4+s22+$0x0] =	vst.idx.msk $0x1, v6  }
0x613: {  	s30 =	sadd.s32 $0x1, s30;
	v6 =	vld.idx.msk [tilespmem:v5+s21+$0x0], $0xffff  }
0x614: {  	p1 =	seq.s32 s30, $0x40  }
.Ltmp75:
0x615: {  	_ = 	snop;
	(pc) =	sbr.rel @p1 .LBB2_109-.Ltmp75, $3  }
0x616: {  	_ =	sdelay $0x1  }
0x617: {  	[tilespmem:v4+s23+$0x0] =	vst.idx.msk $0x1, v6  }
0x618: {  	[tilespmem:v5+s20+$0x0] =	vst.idx.msk $0x1, v3  }
.LBB2_96:
.Ltmp76:
0x619: {  	(pc) =	sbr.rel @p0 .LBB2_97-.Ltmp76, $2  }
0x61a: {  	_ =	sdelay $0x2  }
0x61b: {  	v5 =	vimm.f32 $-Inf  }
0x61c: {  	s4 =	simm.s32 $0x10020  }
0x61d: {  	p2 =	sne.s32 s28, $0x1;
	v6 =	vld [tilespmem:s4+$0xFFFFFFE0]  }
.Ltmp77:
0x61e: {  	v7 =	vld [tilespmem:s4+$0x10];
	(pc) =	sbr.rel @!p2 .LBB2_99-.Ltmp77, $3  }
0x61f: {  	_ =	sdelay $0x1  }
0x620: {  	s0 =	simm.s32 $0x20;
	s3 =	simm.s32 $0x30;
	s2 =	sadd.s32 $0xFFFFFFFF, s28;
	v13 =	vld [tilespmem:s4+$0xFFFFFFF0]  }
0x621: {  	v4 =	vimm.s32 $0x0;
	s31 =	simm.s32 $0x40;
	p1 =	por $0x0, $0x0;
	v12 =	vld [tilespmem:s4+$0x0];
	s4 =	simm.s32 $0x10060;
	vm0 =	vgt.f32 v6, v5;
	v5 =	vmax.f32 v5, v6  }
0x622: {  	_ = 	snop  }
0x623: {  	v11 =	vld [tilespmem:s4+$0xFFFFFFE0];
	p2 =	sne.s32 s2, $0x1  }
.Ltmp78:
0x624: {  	s5 =	simm.s32 $0x10;
	v14 =	vor.u32 s0, v2;
	v6 =	vor.u32 s3, v2;
	(pc) =	sbr.rel @!p2 .LBB2_101-.Ltmp78, $4  }
0x625: {  	v9 =	vor.u32 s29, v2;
	v16 =	vor.u32 s5, v2;
	v15 =	vmax.f32 v5, v13  }
0x626: {  	v8 =	vld [tilespmem:s4+$0xFFFFFFF0];
	v17 =	vsel vm0, v9, v4;
	vm0 =	vgt.f32 v13, v5;
	v10 =	vmax.f32 v15, v12  }
0x627: {  	s0 =	simm.s32 $0x60;
	s3 =	simm.s32 $0x70;
	s2 =	sadd.s32 $0xFFFFFFFF, s2;
	v9 =	vld [tilespmem:s4+$0x0];
	v13 =	vsel vm0, v16, v17;
	vm1 =	vgt.f32 v12, v15;
	v5 =	vmax.f32 v10, v7  }
0x628: {  	p1 =	por $0x1, $0x1;
	s5 =	simm.s32 $0x100A0;
	v14 =	vsel vm1, v14, v13;
	vm0 =	vgt.f32 v11, v5;
	v5 =	vmax.f32 v5, v11;
	v11 =	vld [tilespmem:s4+$0x10];
	s4 =	simm.s32 $0x80  }
.LBB2_102:
0x629: {  	v12 =	vld [tilespmem:s5+$0xFFFFFFE0];
	s6 =	sadd.s32 $0x20, s4;
	s7 =	sadd.s32 $0x30, s4;
	p2 =	sne.s32 s2, $0x1;
	vm1 =	vgt.f32 v7, v10  }
.Ltmp79:
0x62a: {  	s2 =	sadd.s32 $0xFFFFFFFF, s2;
	s8 =	sadd.s32 $0x10, s31;
	v13 =	vor.u32 s0, v2;
	v7 =	vsel vm1, v6, v14;
	v6 =	vor.u32 s3, v2;
	(pc) =	sbr.rel @p2 .LBB2_102-.Ltmp79, $4  }
0x62b: {  	v10 =	vor.u32 s31, v2;
	s31 =	smov.u32 s4;
	v15 =	vor.u32 s8, v2;
	s0 =	smov.u32 s6;
	s3 =	smov.u32 s7;
	v14 =	vmax.f32 v5, v8  }
0x62c: {  	v16 =	vsel vm0, v10, v7;
	vm0 =	vgt.f32 v8, v5;
	v8 =	vld [tilespmem:s5+$0xFFFFFFF0];
	v10 =	vmax.f32 v14, v9  }
0x62d: {  	v15 =	vsel vm0, v15, v16;
	vm1 =	vgt.f32 v9, v14;
	v9 =	vld [tilespmem:s5+$0x0];
	v5 =	vmax.f32 v10, v11;
	v7 =	vmovc v11  }
0x62e: {  	s4 =	sadd.s32 $0x40, s4;
	v14 =	vsel vm1, v13, v15;
	vm0 =	vgt.f32 v12, v5;
	v5 =	vmax.f32 v5, v12;
	v11 =	vld [tilespmem:s5+$0x10];
	s5 =	sadd.s32 $0x40, s5  }
0x62f: {  	_ =	sdelay $0x3  }
0x630: {  	v15 =	vmovc v7;
	v13 =	vmov v8;
	v12 =	vmov v9;
	v7 =	vmov v11  }
.LBB2_104:
0x631: {  	vm1 =	vgt.f32 @p1 v15, v10  }
0x632: {  	v8 =	vor.u32 s0, v2;
	v6 =	vsel @p1 vm1, v6, v14  }
0x633: {  	s8 =	sadd.s32 $0x10, s31;
	v9 =	vor.u32 s31, v2;
	v63 =	vmax.f32 v5, v13;
	v4 =	vpsel p1, v6, v4  }
.Ltmp80:
0x634: {  	vm13 =	vgt.f32 v13, v5;
	v6 =	vor.u32 s8, v2;
	v4 =	vsel vm0, v9, v4;
	(pc) =	sbr.rel .LBB2_105-.Ltmp80, $4  }
0x635: {  	v5 =	vmax.f32 v63, v12;
	vm14 =	vgt.f32 v12, v63;
	v4 =	vsel vm13, v6, v4  }
0x636: {  	vm15 =	vgt.f32 v7, v5;
	v6 =	vor.u32 s3, v2;
	v4 =	vsel vm14, v8, v4  }
0x637: {  	v4 =	vsel vm15, v6, v4  }
0x638: {  	v5 =	vmax.f32 v5, v7;
	v4 =	vxor.u32 $0x80000000, v4  }
.LBB2_99:
.Ltmp81:
0x639: {  	(pc) =	sbr.rel .LBB2_104-.Ltmp81, $2  }
0x63a: {  	_ =	sdelay $0x2  }
0x63b: {  	s31 =	simm.s32 $0x0  }
.LBB2_101:
.Ltmp82:
0x63c: {  	_ = 	snop;
	(pc) =	sbr.rel .LBB2_104-.Ltmp82, $2  }
0x63d: {  	_ =	sdelay $0x2  }
0x63e: {  	v15 =	vmovc v7;
	s0 =	simm.s32 $0x60;
	s3 =	simm.s32 $0x70;
	v13 =	vmov v8;
	v12 =	vmov v9;
	v7 =	vmov v11  }
.LBB2_110:
0x63f: {  	_ =	sfence.sel $0x180000  }
0x640: {  	[bflag:$0x0] =	sbarrier.arrive $0xFFFF  }
0x641: {  	_ =	strace $0x90000047  }
0x642: {  	s0 =	stileid.u32;
	[bflag:$0x2] =	sbarrier.arrive $0xFFFF  }
0x643: {  	p0 =	sne.s32 s0, $0x0;
	s0 =	rddreg [dreg:$0x3]  }
0x644: {  	s0 =	sadd.s32 @!p0 $0x100000, s0  }
0x645: {  	[sflag:s0] =	ssyncadd.tile.s32 @!p0 $0x1;
	_ =	shalt  }
.Lfunc_end2:
_tile_overlayer_lowered:
.L_overlay_start_2:
0x646: {  	(tag) =	ssettag $0x2  }
0x647: {  	s0 =	rddreg [dreg:$0x0];
	s2 =	stileid.u32  }
0x648: {  	s1 =	rddreg [dreg:$0x1];
	p0 =	sne.s32 s2, $0x0  }
0x649: {  	s3 =	rddreg [dreg:$0x2];
	[bflag:$0x3] =	sbarrier.arrive $0xFFFF;
	s2 =	simm.s32 @!p0 $0x1C03  }
0x64a: {  	[timem:s3], [sflag:s2] =	dma.local @!p0 [hbm:s0], s1  }
0x64b: {  	s0 =	simm.s32 @!p0 $0x3  }
0x64c: {  	_ =	swait.ge @!p0 [sflag:s0], s1  }
0x64d: {  	s1 =	ssub.s32 @!p0 $0x0, s1;
	[sflag:s0] =	ssyncset.done @!p0 $0x0  }
0x64e: {  	[sflag:s0] =	ssyncadd.s32 @!p0 s1  }
0x64f: {  	[bflag:$0x3] =	sbarrier.arrive $0xFFFF  }
0x650: {  	_ =	shalt  }

</sc_bundles>
